<compile_context>
chip_gen: v7x
topology: tpu7x:2x2x1
jax: 0.10.2.dev20260603
libtpu: 0.0.44.dev20260713+nightly
codegen_flags: <defaults>
</compile_context>

<pallas_src>
import functools

import jax
import jax.numpy as jnp
from jax import lax
from jax.experimental import pallas as pl
from jax.experimental.pallas import tpu as pltpu
from jax.experimental.pallas import tpu_sc as plsc

P = 64
OUT = 128
EPS = 1e-5
CH = 32


def _sc_resample(z_flat, w_flat, R):
    info = plsc.get_sparse_core_info()
    nw = info.num_cores * info.num_subcores
    rays_per_w = R // nw
    n_chunks = rays_per_w // CH
    n_half = n_chunks // 2

    mesh = plsc.VectorSubcoreMesh(core_axis_name="c", subcore_axis_name="s")

    scratch = dict(
        zbuf0=pltpu.VMEM((CH * P + 16,), jnp.float32),
        wbuf0=pltpu.VMEM((CH * P + 16,), jnp.float32),
        zbuf1=pltpu.VMEM((CH * P + 16,), jnp.float32),
        wbuf1=pltpu.VMEM((CH * P + 16,), jnp.float32),
        obuf0=pltpu.VMEM((CH * OUT,), jnp.float32),
        obuf1=pltpu.VMEM((CH * OUT,), jnp.float32),
        cdf_a=pltpu.VMEM((80,), jnp.float32),
        bins_a=pltpu.VMEM((80,), jnp.float32),
        hist_a=pltpu.VMEM((80,), jnp.float32),
        cdf_b=pltpu.VMEM((80,), jnp.float32),
        bins_b=pltpu.VMEM((80,), jnp.float32),
        hist_b=pltpu.VMEM((80,), jnp.float32),
        cdf_c=pltpu.VMEM((80,), jnp.float32),
        bins_c=pltpu.VMEM((80,), jnp.float32),
        hist_c=pltpu.VMEM((80,), jnp.float32),
        cdf_d=pltpu.VMEM((80,), jnp.float32),
        bins_d=pltpu.VMEM((80,), jnp.float32),
        hist_d=pltpu.VMEM((80,), jnp.float32),
        sz0=pltpu.SemaphoreType.DMA,
        sw0=pltpu.SemaphoreType.DMA,
        sz1=pltpu.SemaphoreType.DMA,
        sw1=pltpu.SemaphoreType.DMA,
        so0=pltpu.SemaphoreType.DMA,
        so1=pltpu.SemaphoreType.DMA,
    )

    @functools.partial(
        pl.kernel,
        out_type=jax.ShapeDtypeStruct((R * OUT,), jnp.float32),
        mesh=mesh,
        compiler_params=pltpu.CompilerParams(
            use_tc_tiling_on_sc=False, needs_layout_passes=False),
        scratch_types=list(scratch.values()),
    )
    def sc_kernel(z_hbm, w_hbm, out_hbm,
                  zbuf0, wbuf0, zbuf1, wbuf1, obuf0, obuf1,
                  cdf_a, bins_a, hist_a, cdf_b, bins_b, hist_b,
                  cdf_c, bins_c, hist_c, cdf_d, bins_d, hist_d,
                  sz0, sw0, sz1, sw1, so0, so1):
        cid = lax.axis_index("c")
        sid = lax.axis_index("s")
        wid = sid * info.num_cores + cid
        row_base = wid * rays_per_w
        lanes = lax.iota(jnp.int32, 16)
        lanes_f = lanes.astype(jnp.float32)
        zero16 = lanes_f * 0.0
        ones16 = zero16 + 1.0
        last16 = lanes * 0 + 15
        gmask = lanes < 14
        cdfs = [cdf_a, cdf_b, cdf_c, cdf_d]
        binss = [bins_a, bins_b, bins_c, bins_d]
        hists = [hist_a, hist_b, hist_c, hist_d]
        for k in range(4):
            cdfs[k][pl.ds(0, 16)] = zero16
            for c in range(4):
                hists[k][pl.ds(16 * c, 16)] = zero16
        zbuf0[pl.ds(CH * P, 16)] = zero16
        zbuf1[pl.ds(CH * P, 16)] = zero16
        wbuf0[pl.ds(CH * P, 16)] = zero16
        wbuf1[pl.ds(CH * P, 16)] = zero16
        u = [(lanes_f + (16.0 * c)) * (1.0 / 63.0) for c in range(4)]

        gdn = lax.GatherDimensionNumbers(
            offset_dims=(), collapsed_slice_dims=(0,), start_index_map=(0,))

        def vperm(v, idx):
            return lax.gather(v, idx[:, None], gdn, (1,),
                              mode=lax.GatherScatterMode.PROMISE_IN_BOUNDS)

        def bcast_last(v):
            return vperm(v, last16)

        def issue_in(ci, zb, wb, sz, sw):
            base = (row_base + ci * CH) * P
            pltpu.async_copy(z_hbm.at[pl.ds(base, CH * P)], zb.at[pl.ds(0, CH * P)], sz)
            pltpu.async_copy(w_hbm.at[pl.ds(base, CH * P)], wb.at[pl.ds(0, CH * P)], sw)

        def wait_in(zb, wb, sz, sw):
            pltpu.make_async_copy(z_hbm.at[pl.ds(0, CH * P)], zb.at[pl.ds(0, CH * P)], sz).wait()
            pltpu.make_async_copy(w_hbm.at[pl.ds(0, CH * P)], wb.at[pl.ds(0, CH * P)], sw).wait()

        def issue_out(ci, ob, so):
            base = (row_base + ci * CH) * OUT
            pltpu.async_copy(ob, out_hbm.at[pl.ds(base, CH * OUT)], so)

        def wait_out(ob, so):
            pltpu.make_async_copy(ob, out_hbm.at[pl.ds(0, CH * OUT)], so).wait()

        def ray(zbuf, wbuf, obuf, cdf_arr, bins_arr, hist, r):
            zb = r * P
            ob = r * OUT
            zc = []
            for c in range(4):
                zv = zbuf[pl.ds(zb + 16 * c, 16)]
                zs = plsc.load_gather(zbuf, [lanes + (zb + 16 * c + 1)])
                zc.append(zv)
                bins_arr[pl.ds(16 * c, 16)] = 0.5 * (zv + zs)
            carry = zero16
            cums = []
            for c in range(4):
                wv = plsc.load_gather(wbuf, [lanes + (zb + 1 + 16 * c)]) + EPS
                if c == 3:
                    wv = jnp.where(gmask, wv, 0.0)
                cs = plsc.cumsum(wv) + carry
                cums.append(cs)
                carry = bcast_last(cs)
            inv = ones16 / carry
            ms = []
            for c in range(4):
                cn = cums[c] * inv
                plsc.store_scatter(cdf_arr, [lanes + (1 + 16 * c)], cn)
                x = cn * 63.0
                xi = x.astype(jnp.int32)
                xi = xi + jnp.where(xi.astype(jnp.float32) < x, 1, 0)
                xi = jnp.minimum(xi, 63)
                ms.append(xi)
            for c in range(4):
                plsc.addupdate_scatter(hist, [ms[c]], ones16,
                                       mask=gmask if c == 3 else None)
            hcarry = ones16
            sample = []
            for c in range(4):
                hv = hist[pl.ds(16 * c, 16)]
                hist[pl.ds(16 * c, 16)] = zero16
                fin = plsc.cumsum(hv) + hcarry
                hcarry = bcast_last(fin)
                inds = fin.astype(jnp.int32)
                below = inds - 1
                above = inds
                cg0 = plsc.load_gather(cdf_arr, [below])
                cg1 = plsc.load_gather(cdf_arr, [above])
                bg0 = plsc.load_gather(bins_arr, [below])
                bg1 = plsc.load_gather(bins_arr, [above])
                denom = cg1 - cg0
                denom = jnp.where(denom < EPS, 1.0, denom)
                t = (u[c] - cg0) / denom
                sample.append(bg0 + t * (bg1 - bg0))
            bv = [lax.rev(sample[3 - c], (0,)) for c in range(4)]
            lo = [jnp.minimum(zc[i], bv[i]) for i in range(4)]
            hi = [jnp.maximum(zc[i], bv[i]) for i in range(4)]
            a0 = jnp.minimum(lo[0], lo[2]); a2 = jnp.maximum(lo[0], lo[2])
            a1 = jnp.minimum(lo[1], lo[3]); a3 = jnp.maximum(lo[1], lo[3])
            b0 = jnp.minimum(hi[0], hi[2]); b2 = jnp.maximum(hi[0], hi[2])
            b1 = jnp.minimum(hi[1], hi[3]); b3 = jnp.maximum(hi[1], hi[3])
            out8 = [
                jnp.minimum(a0, a1), jnp.maximum(a0, a1),
                jnp.minimum(a2, a3), jnp.maximum(a2, a3),
                jnp.minimum(b0, b1), jnp.maximum(b0, b1),
                jnp.minimum(b2, b3), jnp.maximum(b2, b3),
            ]
            for i in range(8):
                obuf[pl.ds(ob + 16 * i, 16)] = jnp.sort(out8[i])

        def process(zbuf, wbuf, obuf):
            def body(i, _):
                for k in range(4):
                    ray(zbuf, wbuf, obuf, cdfs[k], binss[k], hists[k], 4 * i + k)
                return 0
            lax.fori_loop(0, CH // 4, body, 0)

        issue_in(0, zbuf0, wbuf0, sz0, sw0)

        def chunk_body(i, _):
            issue_in(2 * i + 1, zbuf1, wbuf1, sz1, sw1)
            wait_in(zbuf0, wbuf0, sz0, sw0)

            @pl.when(i > 0)
            def _():
                wait_out(obuf0, so0)

            process(zbuf0, wbuf0, obuf0)
            issue_out(2 * i, obuf0, so0)

            @pl.when(i + 1 < n_half)
            def _():
                issue_in(2 * i + 2, zbuf0, wbuf0, sz0, sw0)

            wait_in(zbuf1, wbuf1, sz1, sw1)

            @pl.when(i > 0)
            def _():
                wait_out(obuf1, so1)

            process(zbuf1, wbuf1, obuf1)
            issue_out(2 * i + 1, obuf1, so1)
            return 0

        lax.fori_loop(0, n_half, chunk_body, 0)
        wait_out(obuf0, so0)
        wait_out(obuf1, so1)

    return sc_kernel(z_flat, w_flat)


def kernel(origins, directions, lengths, ray_weights, xys):
    B, R, _ = lengths.shape
    z_flat = lengths.reshape(B * R * P)
    w_flat = ray_weights.reshape(B * R * P)
    out = _sc_resample(z_flat, w_flat, B * R)
    z_vals = out.reshape(B, R, OUT)
    return (origins, directions, z_vals, xys)

# --- scband reference (transcript-rebuilt; emitter-appended) ---
"""Pipeline reference for scband-probabilistic-raysampler-25280177504808 (READ-ONLY COPY).

The authoritative reference and input builder live on the scoring server;
editing this copy changes nothing except your own understanding.
"""

import jax, jax.numpy as jnp
import numpy as np

N_PTS_PER_RAY = 64
EPS = 1e-5

def sample_pdf(bins, weights, n_samples):
    # bins: (R, P-1), weights: (R, P-2); deterministic (det=True) since
    # stratified=False and stratified_test=False.
    weights = weights + EPS
    pdf = weights / jnp.sum(weights, axis=-1, keepdims=True)
    cdf = jnp.cumsum(pdf, axis=-1)
    cdf = jnp.concatenate([jnp.zeros_like(cdf[..., :1]), cdf], axis=-1)  # (R, P-1)
    u = jnp.linspace(0.0, 1.0, n_samples, dtype=bins.dtype)
    u = jnp.broadcast_to(u, cdf.shape[:-1] + (n_samples,))
    inds = jax.vmap(lambda c, uu: jnp.searchsorted(c, uu, side='right'))(cdf, u)
    below = jnp.clip(inds - 1, 0, cdf.shape[-1] - 1)
    above = jnp.clip(inds, 0, cdf.shape[-1] - 1)
    cdf_g0 = jnp.take_along_axis(cdf, below, axis=-1)
    cdf_g1 = jnp.take_along_axis(cdf, above, axis=-1)
    bins_g0 = jnp.take_along_axis(bins, below, axis=-1)
    bins_g1 = jnp.take_along_axis(bins, above, axis=-1)
    denom = cdf_g1 - cdf_g0
    denom = jnp.where(denom < EPS, jnp.ones_like(denom), denom)
    t = (u - cdf_g0) / denom
    samples = bins_g0 + t * (bins_g1 - bins_g0)
    return samples

def setup_inputs(seed: int = 0):
    key = jax.random.key(seed)
    k1, k2, k3, k4, k5 = jax.random.split(key, 5)
    B, R, P = 1, 65536, 64
    origins = jax.random.normal(k1, (B, R, 3), dtype=jnp.float32)
    directions = jax.random.normal(k2, (B, R, 3), dtype=jnp.float32)
    # ray lengths must be sorted ascending along the sample dim (depth values)
    lengths = jnp.sort(jax.random.uniform(k3, (B, R, P), dtype=jnp.float32, minval=2.0, maxval=6.0), axis=-1)
    ray_weights = jax.random.uniform(k4, (B, R, P), dtype=jnp.float32)
    xys = jax.random.normal(k5, (B, R, 2), dtype=jnp.float32)
    return {"origins": origins, "directions": directions, "lengths": lengths, "ray_weights": ray_weights, "xys": xys}

def reference(origins, directions, lengths, ray_weights, xys):
    z_vals = lengths
    batch_size = z_vals.shape[0]
    z_vals_mid = 0.5 * (z_vals[..., 1:] + z_vals[..., :-1])
    # torch.no_grad() around sampling -> stop_gradient
    z_samples = jax.lax.stop_gradient(
        sample_pdf(
            z_vals_mid.reshape(-1, z_vals_mid.shape[-1]),
            ray_weights.reshape(-1, ray_weights.shape[-1])[..., 1:-1],
            N_PTS_PER_RAY,
        )
    ).reshape(batch_size, z_vals.shape[1], N_PTS_PER_RAY)
    # add_input_samples=True
    z_vals = jnp.concatenate([z_vals, z_samples], axis=-1)
    z_vals = jnp.sort(z_vals, axis=-1)
    # RayBundle(origins, directions, lengths, xys)
    return (origins, directions, z_vals, xys)

if __name__ == "__main__":
    import jax
    _d = setup_inputs()
    print(jax.jit(kernel)(*tuple(_d.values())))

</pallas_src>

<mosaic_0001>
#map = affine_map<(d0, d1) -> (0)>
module attributes {stable_mosaic.version = 14 : i64} {
  func.func @sc_kernel(%arg0: i32, %arg1: i32, %arg2: memref<4194304xf32, #tpu.memory_space<hbm>>, %arg3: memref<4194304xf32, #tpu.memory_space<hbm>>, %arg4: memref<8388608xf32, #tpu.memory_space<hbm>>, %arg5: memref<2064xf32, #tpu.memory_space<vmem>>, %arg6: memref<2064xf32, #tpu.memory_space<vmem>>, %arg7: memref<2064xf32, #tpu.memory_space<vmem>>, %arg8: memref<2064xf32, #tpu.memory_space<vmem>>, %arg9: memref<4096xf32, #tpu.memory_space<vmem>>, %arg10: memref<4096xf32, #tpu.memory_space<vmem>>, %arg11: memref<80xf32, #tpu.memory_space<vmem>>, %arg12: memref<80xf32, #tpu.memory_space<vmem>>, %arg13: memref<80xf32, #tpu.memory_space<vmem>>, %arg14: memref<80xf32, #tpu.memory_space<vmem>>, %arg15: memref<80xf32, #tpu.memory_space<vmem>>, %arg16: memref<80xf32, #tpu.memory_space<vmem>>, %arg17: memref<80xf32, #tpu.memory_space<vmem>>, %arg18: memref<80xf32, #tpu.memory_space<vmem>>, %arg19: memref<80xf32, #tpu.memory_space<vmem>>, %arg20: memref<80xf32, #tpu.memory_space<vmem>>, %arg21: memref<80xf32, #tpu.memory_space<vmem>>, %arg22: memref<80xf32, #tpu.memory_space<vmem>>, %arg23: memref<!tpu.dma_semaphore, #tpu.memory_space<semaphore_mem>>, %arg24: memref<!tpu.dma_semaphore, #tpu.memory_space<semaphore_mem>>, %arg25: memref<!tpu.dma_semaphore, #tpu.memory_space<semaphore_mem>>, %arg26: memref<!tpu.dma_semaphore, #tpu.memory_space<semaphore_mem>>, %arg27: memref<!tpu.dma_semaphore, #tpu.memory_space<semaphore_mem>>, %arg28: memref<!tpu.dma_semaphore, #tpu.memory_space<semaphore_mem>>) attributes {dimension_semantics = [#tpu.dimension_semantics<core_parallel>, #tpu.dimension_semantics<subcore_parallel>], iteration_bounds = array<i64: 2, 16>, scalar_prefetch = 0 : i64, scratch_operands = 24 : i64, tpu.core_type = #tpu.core_type<sc_vector_subcore>, window_params = [{transform_indices = #map}, {transform_indices = #map}, {transform_indices = #map}]} {
    %mul3A = arith.constant 2 : i32
    %mul3A_0 = arith.muli %arg1, %mul3A : i32
    %add3A = arith.addi %mul3A_0, %arg0 : i32
    %mul3A_1 = arith.constant 2048 : i32
    %mul3A_2 = arith.muli %add3A, %mul3A_1 : i32
    %iota3A = tpu.iota {dimensions = array<i32: 0>} : vector<16xi32>
    %convert_element_type3A = arith.sitofp %iota3A : vector<16xi32> to vector<16xf32>
    %mul3A_3 = arith.constant 0.000000e+00 : f32
    %mul3A_4 = vector.broadcast %mul3A_3 : f32 to vector<16xf32>
    %mul3A_5 = arith.mulf %convert_element_type3A, %mul3A_4 : vector<16xf32>
    %add3A_6 = arith.constant 1.000000e+00 : f32
    %add3A_7 = vector.broadcast %add3A_6 : f32 to vector<16xf32>
    %add3A_8 = arith.addf %mul3A_5, %add3A_7 : vector<16xf32>
    %mul3A_9 = arith.constant 0 : i32
    %mul3A_10 = vector.broadcast %mul3A_9 : i32 to vector<16xi32>
    %mul3A_11 = arith.muli %iota3A, %mul3A_10 : vector<16xi32>
    %add3A_12 = arith.constant 15 : i32
    %add3A_13 = vector.broadcast %add3A_12 : i32 to vector<16xi32>
    %add3A_14 = arith.addi %mul3A_11, %add3A_13 : vector<16xi32>
    %lt3A = arith.constant 14 : i32
    %lt3A_15 = vector.broadcast %lt3A : i32 to vector<16xi32>
    %lt3A_16 = arith.cmpi slt, %iota3A, %lt3A_15 : vector<16xi32>
    %swap3A = arith.constant 0 : index
    %swap3A_17 = tpu.vector_load %arg11[%swap3A] {strides = array<i32>} : memref<80xf32, #tpu.memory_space<vmem>>, vector<16xf32>,
    tpu.vector_store %arg11[%swap3A], %mul3A_5 {strides = array<i32>} : memref<80xf32, #tpu.memory_space<vmem>>, vector<16xf32>,
    %swap3A_18 = arith.constant 0 : index
    %swap3A_19 = tpu.vector_load %arg13[%swap3A_18] {strides = array<i32>} : memref<80xf32, #tpu.memory_space<vmem>>, vector<16xf32>,
    tpu.vector_store %arg13[%swap3A_18], %mul3A_5 {strides = array<i32>} : memref<80xf32, #tpu.memory_space<vmem>>, vector<16xf32>,
    %swap3A_20 = arith.constant 16 : index
    %swap3A_21 = tpu.vector_load %arg13[%swap3A_20] {strides = array<i32>} : memref<80xf32, #tpu.memory_space<vmem>>, vector<16xf32>,
    tpu.vector_store %arg13[%swap3A_20], %mul3A_5 {strides = array<i32>} : memref<80xf32, #tpu.memory_space<vmem>>, vector<16xf32>,
    %swap3A_22 = arith.constant 32 : index
    %swap3A_23 = tpu.vector_load %arg13[%swap3A_22] {strides = array<i32>} : memref<80xf32, #tpu.memory_space<vmem>>, vector<16xf32>,
    tpu.vector_store %arg13[%swap3A_22], %mul3A_5 {strides = array<i32>} : memref<80xf32, #tpu.memory_space<vmem>>, vector<16xf32>,
    %swap3A_24 = arith.constant 48 : index
    %swap3A_25 = tpu.vector_load %arg13[%swap3A_24] {strides = array<i32>} : memref<80xf32, #tpu.memory_space<vmem>>, vector<16xf32>,
    tpu.vector_store %arg13[%swap3A_24], %mul3A_5 {strides = array<i32>} : memref<80xf32, #tpu.memory_space<vmem>>, vector<16xf32>,
    %swap3A_26 = arith.constant 0 : index
    %swap3A_27 = tpu.vector_load %arg14[%swap3A_26] {strides = array<i32>} : memref<80xf32, #tpu.memory_space<vmem>>, vector<16xf32>,
    tpu.vector_store %arg14[%swap3A_26], %mul3A_5 {strides = array<i32>} : memref<80xf32, #tpu.memory_space<vmem>>, vector<16xf32>,
    %swap3A_28 = arith.constant 0 : index
    %swap3A_29 = tpu.vector_load %arg16[%swap3A_28] {strides = array<i32>} : memref<80xf32, #tpu.memory_space<vmem>>, vector<16xf32>,
    tpu.vector_store %arg16[%swap3A_28], %mul3A_5 {strides = array<i32>} : memref<80xf32, #tpu.memory_space<vmem>>, vector<16xf32>,
    %swap3A_30 = arith.constant 16 : index
    %swap3A_31 = tpu.vector_load %arg16[%swap3A_30] {strides = array<i32>} : memref<80xf32, #tpu.memory_space<vmem>>, vector<16xf32>,
    tpu.vector_store %arg16[%swap3A_30], %mul3A_5 {strides = array<i32>} : memref<80xf32, #tpu.memory_space<vmem>>, vector<16xf32>,
    %swap3A_32 = arith.constant 32 : index
    %swap3A_33 = tpu.vector_load %arg16[%swap3A_32] {strides = array<i32>} : memref<80xf32, #tpu.memory_space<vmem>>, vector<16xf32>,
    tpu.vector_store %arg16[%swap3A_32], %mul3A_5 {strides = array<i32>} : memref<80xf32, #tpu.memory_space<vmem>>, vector<16xf32>,
    %swap3A_34 = arith.constant 48 : index
    %swap3A_35 = tpu.vector_load %arg16[%swap3A_34] {strides = array<i32>} : memref<80xf32, #tpu.memory_space<vmem>>, vector<16xf32>,
    tpu.vector_store %arg16[%swap3A_34], %mul3A_5 {strides = array<i32>} : memref<80xf32, #tpu.memory_space<vmem>>, vector<16xf32>,
    %swap3A_36 = arith.constant 0 : index
    %swap3A_37 = tpu.vector_load %arg17[%swap3A_36] {strides = array<i32>} : memref<80xf32, #tpu.memory_space<vmem>>, vector<16xf32>,
    tpu.vector_store %arg17[%swap3A_36], %mul3A_5 {strides = array<i32>} : memref<80xf32, #tpu.memory_space<vmem>>, vector<16xf32>,
    %swap3A_38 = arith.constant 0 : index
    %swap3A_39 = tpu.vector_load %arg19[%swap3A_38] {strides = array<i32>} : memref<80xf32, #tpu.memory_space<vmem>>, vector<16xf32>,
    tpu.vector_store %arg19[%swap3A_38], %mul3A_5 {strides = array<i32>} : memref<80xf32, #tpu.memory_space<vmem>>, vector<16xf32>,
    %swap3A_40 = arith.constant 16 : index
    %swap3A_41 = tpu.vector_load %arg19[%swap3A_40] {strides = array<i32>} : memref<80xf32, #tpu.memory_space<vmem>>, vector<16xf32>,
    tpu.vector_store %arg19[%swap3A_40], %mul3A_5 {strides = array<i32>} : memref<80xf32, #tpu.memory_space<vmem>>, vector<16xf32>,
    %swap3A_42 = arith.constant 32 : index
    %swap3A_43 = tpu.vector_load %arg19[%swap3A_42] {strides = array<i32>} : memref<80xf32, #tpu.memory_space<vmem>>, vector<16xf32>,
    tpu.vector_store %arg19[%swap3A_42], %mul3A_5 {strides = array<i32>} : memref<80xf32, #tpu.memory_space<vmem>>, vector<16xf32>,
    %swap3A_44 = arith.constant 48 : index
    %swap3A_45 = tpu.vector_load %arg19[%swap3A_44] {strides = array<i32>} : memref<80xf32, #tpu.memory_space<vmem>>, vector<16xf32>,
    tpu.vector_store %arg19[%swap3A_44], %mul3A_5 {strides = array<i32>} : memref<80xf32, #tpu.memory_space<vmem>>, vector<16xf32>,
    %swap3A_46 = arith.constant 0 : index
    %swap3A_47 = tpu.vector_load %arg20[%swap3A_46] {strides = array<i32>} : memref<80xf32, #tpu.memory_space<vmem>>, vector<16xf32>,
    tpu.vector_store %arg20[%swap3A_46], %mul3A_5 {strides = array<i32>} : memref<80xf32, #tpu.memory_space<vmem>>, vector<16xf32>,
    %swap3A_48 = arith.constant 0 : index
    %swap3A_49 = tpu.vector_load %arg22[%swap3A_48] {strides = array<i32>} : memref<80xf32, #tpu.memory_space<vmem>>, vector<16xf32>,
    tpu.vector_store %arg22[%swap3A_48], %mul3A_5 {strides = array<i32>} : memref<80xf32, #tpu.memory_space<vmem>>, vector<16xf32>,
    %swap3A_50 = arith.constant 16 : index
    %swap3A_51 = tpu.vector_load %arg22[%swap3A_50] {strides = array<i32>} : memref<80xf32, #tpu.memory_space<vmem>>, vector<16xf32>,
    tpu.vector_store %arg22[%swap3A_50], %mul3A_5 {strides = array<i32>} : memref<80xf32, #tpu.memory_space<vmem>>, vector<16xf32>,
    %swap3A_52 = arith.constant 32 : index
    %swap3A_53 = tpu.vector_load %arg22[%swap3A_52] {strides = array<i32>} : memref<80xf32, #tpu.memory_space<vmem>>, vector<16xf32>,
    tpu.vector_store %arg22[%swap3A_52], %mul3A_5 {strides = array<i32>} : memref<80xf32, #tpu.memory_space<vmem>>, vector<16xf32>,
    %swap3A_54 = arith.constant 48 : index
    %swap3A_55 = tpu.vector_load %arg22[%swap3A_54] {strides = array<i32>} : memref<80xf32, #tpu.memory_space<vmem>>, vector<16xf32>,
    tpu.vector_store %arg22[%swap3A_54], %mul3A_5 {strides = array<i32>} : memref<80xf32, #tpu.memory_space<vmem>>, vector<16xf32>,
    %swap3A_56 = arith.constant 2048 : index
    %swap3A_57 = tpu.vector_load %arg5[%swap3A_56] {strides = array<i32>} : memref<2064xf32, #tpu.memory_space<vmem>>, vector<16xf32>,
    tpu.vector_store %arg5[%swap3A_56], %mul3A_5 {strides = array<i32>} : memref<2064xf32, #tpu.memory_space<vmem>>, vector<16xf32>,
    %swap3A_58 = arith.constant 2048 : index
    %swap3A_59 = tpu.vector_load %arg7[%swap3A_58] {strides = array<i32>} : memref<2064xf32, #tpu.memory_space<vmem>>, vector<16xf32>,
    tpu.vector_store %arg7[%swap3A_58], %mul3A_5 {strides = array<i32>} : memref<2064xf32, #tpu.memory_space<vmem>>, vector<16xf32>,
    %swap3A_60 = arith.constant 2048 : index
    %swap3A_61 = tpu.vector_load %arg6[%swap3A_60] {strides = array<i32>} : memref<2064xf32, #tpu.memory_space<vmem>>, vector<16xf32>,
    tpu.vector_store %arg6[%swap3A_60], %mul3A_5 {strides = array<i32>} : memref<2064xf32, #tpu.memory_space<vmem>>, vector<16xf32>,
    %swap3A_62 = arith.constant 2048 : index
    %swap3A_63 = tpu.vector_load %arg8[%swap3A_62] {strides = array<i32>} : memref<2064xf32, #tpu.memory_space<vmem>>, vector<16xf32>,
    tpu.vector_store %arg8[%swap3A_62], %mul3A_5 {strides = array<i32>} : memref<2064xf32, #tpu.memory_space<vmem>>, vector<16xf32>,
    %add3A_64 = arith.constant 0.000000e+00 : f32
    %add3A_65 = vector.broadcast %add3A_64 : f32 to vector<16xf32>
    %add3A_66 = arith.addf %convert_element_type3A, %add3A_65 : vector<16xf32>
    %mul3A_67 = arith.constant 0.0158730168 : f32
    %mul3A_68 = vector.broadcast %mul3A_67 : f32 to vector<16xf32>
    %mul3A_69 = arith.mulf %add3A_66, %mul3A_68 : vector<16xf32>
    %add3A_70 = arith.constant 1.600000e+01 : f32
    %add3A_71 = vector.broadcast %add3A_70 : f32 to vector<16xf32>
    %add3A_72 = arith.addf %convert_element_type3A, %add3A_71 : vector<16xf32>
    %mul3A_73 = arith.constant 0.0158730168 : f32
    %mul3A_74 = vector.broadcast %mul3A_73 : f32 to vector<16xf32>
    %mul3A_75 = arith.mulf %add3A_72, %mul3A_74 : vector<16xf32>
    %add3A_76 = arith.constant 3.200000e+01 : f32
    %add3A_77 = vector.broadcast %add3A_76 : f32 to vector<16xf32>
    %add3A_78 = arith.addf %convert_element_type3A, %add3A_77 : vector<16xf32>
    %mul3A_79 = arith.constant 0.0158730168 : f32
    %mul3A_80 = vector.broadcast %mul3A_79 : f32 to vector<16xf32>
    %mul3A_81 = arith.mulf %add3A_78, %mul3A_80 : vector<16xf32>
    %add3A_82 = arith.constant 4.800000e+01 : f32
    %add3A_83 = vector.broadcast %add3A_82 : f32 to vector<16xf32>
    %add3A_84 = arith.addf %convert_element_type3A, %add3A_83 : vector<16xf32>
    %mul3A_85 = arith.constant 0.0158730168 : f32
    %mul3A_86 = vector.broadcast %mul3A_85 : f32 to vector<16xf32>
    %mul3A_87 = arith.mulf %add3A_84, %mul3A_86 : vector<16xf32>
    %add3A_88 = arith.constant 0 : i32
    %add3A_89 = arith.addi %mul3A_2, %add3A_88 : i32
    %mul3A_90 = arith.constant 64 : i32
    %mul3A_91 = arith.muli %add3A_89, %mul3A_90 : i32
    %dma_start3A = arith.constant 0 : i32
    %dma_start3A_92 = tpu.memref_slice %arg5[%dma_start3A] : memref<2064xf32, #tpu.memory_space<vmem>> -> memref<2048xf32, #tpu.memory_space<vmem>>
    %dma_start3A_93 = tpu.memref_slice %arg2[%mul3A_91] : memref<4194304xf32, #tpu.memory_space<hbm>> -> memref<2048xf32, #tpu.memory_space<hbm>>
    %dma_start3A_94 = arith.constant 0 : i32
    %dma_start3A_95 = tpu.memref_slice %arg5[%dma_start3A_94] : memref<2064xf32, #tpu.memory_space<vmem>> -> memref<2048xf32, #tpu.memory_space<vmem>>
    %dma_start3A_96 = tpu.memref_slice %arg2[%mul3A_91] : memref<4194304xf32, #tpu.memory_space<hbm>> -> memref<2048xf32, #tpu.memory_space<hbm>>
    tpu.enqueue_dma source(%dma_start3A_96 : memref<2048xf32, #tpu.memory_space<hbm>>) target(%dma_start3A_95 : memref<2048xf32, #tpu.memory_space<vmem>>) target_semaphore(%arg23 : memref<!tpu.dma_semaphore, #tpu.memory_space<semaphore_mem>>)
    %dma_start3A_97 = arith.constant 0 : i32
    %dma_start3A_98 = tpu.memref_slice %arg6[%dma_start3A_97] : memref<2064xf32, #tpu.memory_space<vmem>> -> memref<2048xf32, #tpu.memory_space<vmem>>
    %dma_start3A_99 = tpu.memref_slice %arg3[%mul3A_91] : memref<4194304xf32, #tpu.memory_space<hbm>> -> memref<2048xf32, #tpu.memory_space<hbm>>
    %dma_start3A_100 = arith.constant 0 : i32
    %dma_start3A_101 = tpu.memref_slice %arg6[%dma_start3A_100] : memref<2064xf32, #tpu.memory_space<vmem>> -> memref<2048xf32, #tpu.memory_space<vmem>>
    %dma_start3A_102 = tpu.memref_slice %arg3[%mul3A_91] : memref<4194304xf32, #tpu.memory_space<hbm>> -> memref<2048xf32, #tpu.memory_space<hbm>>
    tpu.enqueue_dma source(%dma_start3A_102 : memref<2048xf32, #tpu.memory_space<hbm>>) target(%dma_start3A_101 : memref<2048xf32, #tpu.memory_space<vmem>>) target_semaphore(%arg24 : memref<!tpu.dma_semaphore, #tpu.memory_space<semaphore_mem>>)
    %scan3A = arith.constant 0 : i32
    %scan3A_103 = arith.constant 0 : i32
    %scan3A_104 = arith.constant 32 : i32
    %scan3A_105 = arith.addi %scan3A_103, %scan3A_104 : i32
    %scan3A_106 = arith.constant 1 : i32
    %scan3A_107 = scf.for %scan3A_116 = %scan3A_103 to %scan3A_105 step %scan3A_106 iter_args(%scan3A_117 = %scan3A) -> (i32)  : i32 {
      %mul3A_118 = arith.constant 2 : i32
      %mul3A_119 = arith.muli %mul3A_118, %scan3A_116 : i32
      %add3A_120 = arith.constant 1 : i32
      %add3A_121 = arith.addi %mul3A_119, %add3A_120 : i32
      %mul3A_122 = arith.constant 32 : i32
      %mul3A_123 = arith.muli %add3A_121, %mul3A_122 : i32
      %add3A_124 = arith.addi %mul3A_2, %mul3A_123 : i32
      %mul3A_125 = arith.constant 64 : i32
      %mul3A_126 = arith.muli %add3A_124, %mul3A_125 : i32
      %dma_start3A_127 = arith.constant 0 : i32
      %dma_start3A_128 = tpu.memref_slice %arg7[%dma_start3A_127] : memref<2064xf32, #tpu.memory_space<vmem>> -> memref<2048xf32, #tpu.memory_space<vmem>>
      %dma_start3A_129 = tpu.memref_slice %arg2[%mul3A_126] : memref<4194304xf32, #tpu.memory_space<hbm>> -> memref<2048xf32, #tpu.memory_space<hbm>>
      %dma_start3A_130 = arith.constant 0 : i32
      %dma_start3A_131 = tpu.memref_slice %arg7[%dma_start3A_130] : memref<2064xf32, #tpu.memory_space<vmem>> -> memref<2048xf32, #tpu.memory_space<vmem>>
      %dma_start3A_132 = tpu.memref_slice %arg2[%mul3A_126] : memref<4194304xf32, #tpu.memory_space<hbm>> -> memref<2048xf32, #tpu.memory_space<hbm>>
      tpu.enqueue_dma source(%dma_start3A_132 : memref<2048xf32, #tpu.memory_space<hbm>>) target(%dma_start3A_131 : memref<2048xf32, #tpu.memory_space<vmem>>) target_semaphore(%arg25 : memref<!tpu.dma_semaphore, #tpu.memory_space<semaphore_mem>>)
      %dma_start3A_133 = arith.constant 0 : i32
      %dma_start3A_134 = tpu.memref_slice %arg8[%dma_start3A_133] : memref<2064xf32, #tpu.memory_space<vmem>> -> memref<2048xf32, #tpu.memory_space<vmem>>
      %dma_start3A_135 = tpu.memref_slice %arg3[%mul3A_126] : memref<4194304xf32, #tpu.memory_space<hbm>> -> memref<2048xf32, #tpu.memory_space<hbm>>
      %dma_start3A_136 = arith.constant 0 : i32
      %dma_start3A_137 = tpu.memref_slice %arg8[%dma_start3A_136] : memref<2064xf32, #tpu.memory_space<vmem>> -> memref<2048xf32, #tpu.memory_space<vmem>>
      %dma_start3A_138 = tpu.memref_slice %arg3[%mul3A_126] : memref<4194304xf32, #tpu.memory_space<hbm>> -> memref<2048xf32, #tpu.memory_space<hbm>>
      tpu.enqueue_dma source(%dma_start3A_138 : memref<2048xf32, #tpu.memory_space<hbm>>) target(%dma_start3A_137 : memref<2048xf32, #tpu.memory_space<vmem>>) target_semaphore(%arg26 : memref<!tpu.dma_semaphore, #tpu.memory_space<semaphore_mem>>)
      %dma_wait3A_139 = arith.constant 0 : i32
      %dma_wait3A_140 = tpu.memref_slice %arg5[%dma_wait3A_139] : memref<2064xf32, #tpu.memory_space<vmem>> -> memref<2048xf32, #tpu.memory_space<vmem>>
      %dma_wait3A_141 = arith.constant 0 : i32
      %dma_wait3A_142 = tpu.memref_slice %arg2[%dma_wait3A_141] : memref<4194304xf32, #tpu.memory_space<hbm>> -> memref<2048xf32, #tpu.memory_space<hbm>>
      %dma_wait3A_143 = arith.constant 0 : i32
      %dma_wait3A_144 = tpu.memref_slice %arg5[%dma_wait3A_143] : memref<2064xf32, #tpu.memory_space<vmem>> -> memref<2048xf32, #tpu.memory_space<vmem>>
      %dma_wait3A_145 = arith.constant 0 : i32
      %dma_wait3A_146 = tpu.memref_slice %arg2[%dma_wait3A_145] : memref<4194304xf32, #tpu.memory_space<hbm>> -> memref<2048xf32, #tpu.memory_space<hbm>>
      tpu.wait_dma2 semaphore(%arg23 : memref<!tpu.dma_semaphore, #tpu.memory_space<semaphore_mem>>) src(%dma_wait3A_146 : memref<2048xf32, #tpu.memory_space<hbm>>) dst(%dma_wait3A_144 : memref<2048xf32, #tpu.memory_space<vmem>>)
      %dma_wait3A_147 = arith.constant 0 : i32
      %dma_wait3A_148 = tpu.memref_slice %arg6[%dma_wait3A_147] : memref<2064xf32, #tpu.memory_space<vmem>> -> memref<2048xf32, #tpu.memory_space<vmem>>
      %dma_wait3A_149 = arith.constant 0 : i32
      %dma_wait3A_150 = tpu.memref_slice %arg3[%dma_wait3A_149] : memref<4194304xf32, #tpu.memory_space<hbm>> -> memref<2048xf32, #tpu.memory_space<hbm>>
      %dma_wait3A_151 = arith.constant 0 : i32
      %dma_wait3A_152 = tpu.memref_slice %arg6[%dma_wait3A_151] : memref<2064xf32, #tpu.memory_space<vmem>> -> memref<2048xf32, #tpu.memory_space<vmem>>
      %dma_wait3A_153 = arith.constant 0 : i32
      %dma_wait3A_154 = tpu.memref_slice %arg3[%dma_wait3A_153] : memref<4194304xf32, #tpu.memory_space<hbm>> -> memref<2048xf32, #tpu.memory_space<hbm>>
      tpu.wait_dma2 semaphore(%arg24 : memref<!tpu.dma_semaphore, #tpu.memory_space<semaphore_mem>>) src(%dma_wait3A_154 : memref<2048xf32, #tpu.memory_space<hbm>>) dst(%dma_wait3A_152 : memref<2048xf32, #tpu.memory_space<vmem>>)
      %gt3A = arith.constant 0 : i32
      %gt3A_155 = arith.cmpi sgt, %scan3A_116, %gt3A : i32
      %convert_element_type3A_156 = arith.extui %gt3A_155 : i1 to i32
      %cond3A = arith.constant 0 : i32
      %cond3A_157 = arith.cmpi ne, %convert_element_type3A_156, %cond3A : i32
      scf.if %cond3A_157 {
        %dma_wait3A_221 = arith.constant 0 : i32
        %dma_wait3A_222 = tpu.memref_slice %arg4[%dma_wait3A_221] : memref<8388608xf32, #tpu.memory_space<hbm>> -> memref<4096xf32, #tpu.memory_space<hbm>>
        %dma_wait3A_223 = arith.constant 0 : i32
        %dma_wait3A_224 = tpu.memref_slice %arg4[%dma_wait3A_223] : memref<8388608xf32, #tpu.memory_space<hbm>> -> memref<4096xf32, #tpu.memory_space<hbm>>
        tpu.wait_dma2 semaphore(%arg27 : memref<!tpu.dma_semaphore, #tpu.memory_space<semaphore_mem>>) src(%arg9 : memref<4096xf32, #tpu.memory_space<vmem>>) dst(%dma_wait3A_224 : memref<4096xf32, #tpu.memory_space<hbm>>)
      } else {
      }
      %scan3A_158 = arith.constant 0 : i32
      %scan3A_159 = arith.constant 0 : i32
      %scan3A_160 = arith.constant 8 : i32
      %scan3A_161 = arith.addi %scan3A_159, %scan3A_160 : i32
      %scan3A_162 = arith.constant 1 : i32
      %scan3A_163 = scf.for %scan3A_221 = %scan3A_159 to %scan3A_161 step %scan3A_162 iter_args(%scan3A_222 = %scan3A_158) -> (i32)  : i32 {
        %mul3A_223 = arith.constant 4 : i32
        %mul3A_224 = arith.muli %mul3A_223, %scan3A_221 : i32
        %add3A_225 = arith.constant 0 : i32
        %add3A_226 = arith.addi %mul3A_224, %add3A_225 : i32
        %mul3A_227 = arith.constant 64 : i32
        %mul3A_228 = arith.muli %add3A_226, %mul3A_227 : i32
        %mul3A_229 = arith.constant 128 : i32
        %mul3A_230 = arith.muli %add3A_226, %mul3A_229 : i32
        %add3A_231 = arith.constant 0 : i32
        %add3A_232 = arith.addi %mul3A_228, %add3A_231 : i32
        %get3A = arith.index_cast %add3A_232 : i32 to index
        %get3A_233 = tpu.vector_load %arg5[%get3A] {strides = array<i32>} : memref<2064xf32, #tpu.memory_space<vmem>>, vector<16xf32>,
        %add3A_234 = arith.constant 0 : i32
        %add3A_235 = arith.addi %mul3A_228, %add3A_234 : i32
        %add3A_236 = arith.constant 1 : i32
        %add3A_237 = arith.addi %add3A_235, %add3A_236 : i32
        %add3A_238 = vector.broadcast %add3A_237 : i32 to vector<16xi32>
        %add3A_239 = arith.addi %iota3A, %add3A_238 : vector<16xi32>
        %gather3A = tpu.vector_load_idx %arg5[%add3A_239] : memref<2064xf32, #tpu.memory_space<vmem>>[vector<16xi32>], vector<16xf32>,
        %add3A_240 = arith.addf %get3A_233, %gather3A : vector<16xf32>
        %mul3A_241 = arith.constant 5.000000e-01 : f32
        %mul3A_242 = vector.broadcast %mul3A_241 : f32 to vector<16xf32>
        %mul3A_243 = arith.mulf %mul3A_242, %add3A_240 : vector<16xf32>
        %swap3A_244 = arith.constant 0 : index
        %swap3A_245 = tpu.vector_load %arg12[%swap3A_244] {strides = array<i32>} : memref<80xf32, #tpu.memory_space<vmem>>, vector<16xf32>,
        tpu.vector_store %arg12[%swap3A_244], %mul3A_243 {strides = array<i32>} : memref<80xf32, #tpu.memory_space<vmem>>, vector<16xf32>,
        %add3A_246 = arith.constant 16 : i32
        %add3A_247 = arith.addi %mul3A_228, %add3A_246 : i32
        %get3A_248 = arith.index_cast %add3A_247 : i32 to index
        %get3A_249 = tpu.vector_load %arg5[%get3A_248] {strides = array<i32>} : memref<2064xf32, #tpu.memory_space<vmem>>, vector<16xf32>,
        %add3A_250 = arith.constant 16 : i32
        %add3A_251 = arith.addi %mul3A_228, %add3A_250 : i32
        %add3A_252 = arith.constant 1 : i32
        %add3A_253 = arith.addi %add3A_251, %add3A_252 : i32
        %add3A_254 = vector.broadcast %add3A_253 : i32 to vector<16xi32>
        %add3A_255 = arith.addi %iota3A, %add3A_254 : vector<16xi32>
        %gather3A_256 = tpu.vector_load_idx %arg5[%add3A_255] : memref<2064xf32, #tpu.memory_space<vmem>>[vector<16xi32>], vector<16xf32>,
        %add3A_257 = arith.addf %get3A_249, %gather3A_256 : vector<16xf32>
        %mul3A_258 = arith.constant 5.000000e-01 : f32
        %mul3A_259 = vector.broadcast %mul3A_258 : f32 to vector<16xf32>
        %mul3A_260 = arith.mulf %mul3A_259, %add3A_257 : vector<16xf32>
        %swap3A_261 = arith.constant 16 : index
        %swap3A_262 = tpu.vector_load %arg12[%swap3A_261] {strides = array<i32>} : memref<80xf32, #tpu.memory_space<vmem>>, vector<16xf32>,
        tpu.vector_store %arg12[%swap3A_261], %mul3A_260 {strides = array<i32>} : memref<80xf32, #tpu.memory_space<vmem>>, vector<16xf32>,
        %add3A_263 = arith.constant 32 : i32
        %add3A_264 = arith.addi %mul3A_228, %add3A_263 : i32
        %get3A_265 = arith.index_cast %add3A_264 : i32 to index
        %get3A_266 = tpu.vector_load %arg5[%get3A_265] {strides = array<i32>} : memref<2064xf32, #tpu.memory_space<vmem>>, vector<16xf32>,
        %add3A_267 = arith.constant 32 : i32
        %add3A_268 = arith.addi %mul3A_228, %add3A_267 : i32
        %add3A_269 = arith.constant 1 : i32
        %add3A_270 = arith.addi %add3A_268, %add3A_269 : i32
        %add3A_271 = vector.broadcast %add3A_270 : i32 to vector<16xi32>
        %add3A_272 = arith.addi %iota3A, %add3A_271 : vector<16xi32>
        %gather3A_273 = tpu.vector_load_idx %arg5[%add3A_272] : memref<2064xf32, #tpu.memory_space<vmem>>[vector<16xi32>], vector<16xf32>,
        %add3A_274 = arith.addf %get3A_266, %gather3A_273 : vector<16xf32>
        %mul3A_275 = arith.constant 5.000000e-01 : f32
        %mul3A_276 = vector.broadcast %mul3A_275 : f32 to vector<16xf32>
        %mul3A_277 = arith.mulf %mul3A_276, %add3A_274 : vector<16xf32>
        %swap3A_278 = arith.constant 32 : index
        %swap3A_279 = tpu.vector_load %arg12[%swap3A_278] {strides = array<i32>} : memref<80xf32, #tpu.memory_space<vmem>>, vector<16xf32>,
        tpu.vector_store %arg12[%swap3A_278], %mul3A_277 {strides = array<i32>} : memref<80xf32, #tpu.memory_space<vmem>>, vector<16xf32>,
        %add3A_280 = arith.constant 48 : i32
        %add3A_281 = arith.addi %mul3A_228, %add3A_280 : i32
        %get3A_282 = arith.index_cast %add3A_281 : i32 to index
        %get3A_283 = tpu.vector_load %arg5[%get3A_282] {strides = array<i32>} : memref<2064xf32, #tpu.memory_space<vmem>>, vector<16xf32>,
        %add3A_284 = arith.constant 48 : i32
        %add3A_285 = arith.addi %mul3A_228, %add3A_284 : i32
        %add3A_286 = arith.constant 1 : i32
        %add3A_287 = arith.addi %add3A_285, %add3A_286 : i32
        %add3A_288 = vector.broadcast %add3A_287 : i32 to vector<16xi32>
        %add3A_289 = arith.addi %iota3A, %add3A_288 : vector<16xi32>
        %gather3A_290 = tpu.vector_load_idx %arg5[%add3A_289] : memref<2064xf32, #tpu.memory_space<vmem>>[vector<16xi32>], vector<16xf32>,
        %add3A_291 = arith.addf %get3A_283, %gather3A_290 : vector<16xf32>
        %mul3A_292 = arith.constant 5.000000e-01 : f32
        %mul3A_293 = vector.broadcast %mul3A_292 : f32 to vector<16xf32>
        %mul3A_294 = arith.mulf %mul3A_293, %add3A_291 : vector<16xf32>
        %swap3A_295 = arith.constant 48 : index
        %swap3A_296 = tpu.vector_load %arg12[%swap3A_295] {strides = array<i32>} : memref<80xf32, #tpu.memory_space<vmem>>, vector<16xf32>,
        tpu.vector_store %arg12[%swap3A_295], %mul3A_294 {strides = array<i32>} : memref<80xf32, #tpu.memory_space<vmem>>, vector<16xf32>,
        %add3A_297 = arith.constant 1 : i32
        %add3A_298 = arith.addi %mul3A_228, %add3A_297 : i32
        %add3A_299 = arith.constant 0 : i32
        %add3A_300 = arith.addi %add3A_298, %add3A_299 : i32
        %add3A_301 = vector.broadcast %add3A_300 : i32 to vector<16xi32>
        %add3A_302 = arith.addi %iota3A, %add3A_301 : vector<16xi32>
        %gather3A_303 = tpu.vector_load_idx %arg6[%add3A_302] : memref<2064xf32, #tpu.memory_space<vmem>>[vector<16xi32>], vector<16xf32>,
        %add3A_304 = arith.constant 9.99999974E-6 : f32
        %add3A_305 = vector.broadcast %add3A_304 : f32 to vector<16xf32>
        %add3A_306 = arith.addf %gather3A_303, %add3A_305 : vector<16xf32>
        %broadcast_in_dim3A = arith.constant true
        %broadcast_in_dim3A_307 = vector.broadcast %broadcast_in_dim3A : i1 to vector<16xi1>
        %masked_cumsum3A = tpu.scan <sum>, %add3A_306 masked %broadcast_in_dim3A_307 : vector<16xf32>, vector<16xi1> -> vector<16xf32>
        %add3A_308 = arith.addf %masked_cumsum3A, %mul3A_5 : vector<16xf32>
        %broadcast_in_dim3A_309 = vector.shape_cast %add3A_14 : vector<16xi32> to vector<16x1xi32>
        %gather3A_310 = vector.shape_cast %broadcast_in_dim3A_309 : vector<16x1xi32> to vector<16xi32>
        %gather3A_311 = tpu.dynamic_gather %add3A_308[%gather3A_310] in [0] : vector<16xf32>, vector<16xi32> -> vector<16xf32>
        %add3A_312 = arith.constant 1 : i32
        %add3A_313 = arith.addi %mul3A_228, %add3A_312 : i32
        %add3A_314 = arith.constant 16 : i32
        %add3A_315 = arith.addi %add3A_313, %add3A_314 : i32
        %add3A_316 = vector.broadcast %add3A_315 : i32 to vector<16xi32>
        %add3A_317 = arith.addi %iota3A, %add3A_316 : vector<16xi32>
        %gather3A_318 = tpu.vector_load_idx %arg6[%add3A_317] : memref<2064xf32, #tpu.memory_space<vmem>>[vector<16xi32>], vector<16xf32>,
        %add3A_319 = arith.constant 9.99999974E-6 : f32
        %add3A_320 = vector.broadcast %add3A_319 : f32 to vector<16xf32>
        %add3A_321 = arith.addf %gather3A_318, %add3A_320 : vector<16xf32>
        %broadcast_in_dim3A_322 = arith.constant true
        %broadcast_in_dim3A_323 = vector.broadcast %broadcast_in_dim3A_322 : i1 to vector<16xi1>
        %masked_cumsum3A_324 = tpu.scan <sum>, %add3A_321 masked %broadcast_in_dim3A_323 : vector<16xf32>, vector<16xi1> -> vector<16xf32>
        %add3A_325 = arith.addf %masked_cumsum3A_324, %gather3A_311 : vector<16xf32>
        %broadcast_in_dim3A_326 = vector.shape_cast %add3A_14 : vector<16xi32> to vector<16x1xi32>
        %gather3A_327 = vector.shape_cast %broadcast_in_dim3A_326 : vector<16x1xi32> to vector<16xi32>
        %gather3A_328 = tpu.dynamic_gather %add3A_325[%gather3A_327] in [0] : vector<16xf32>, vector<16xi32> -> vector<16xf32>
        %add3A_329 = arith.constant 1 : i32
        %add3A_330 = arith.addi %mul3A_228, %add3A_329 : i32
        %add3A_331 = arith.constant 32 : i32
        %add3A_332 = arith.addi %add3A_330, %add3A_331 : i32
        %add3A_333 = vector.broadcast %add3A_332 : i32 to vector<16xi32>
        %add3A_334 = arith.addi %iota3A, %add3A_333 : vector<16xi32>
        %gather3A_335 = tpu.vector_load_idx %arg6[%add3A_334] : memref<2064xf32, #tpu.memory_space<vmem>>[vector<16xi32>], vector<16xf32>,
        %add3A_336 = arith.constant 9.99999974E-6 : f32
        %add3A_337 = vector.broadcast %add3A_336 : f32 to vector<16xf32>
        %add3A_338 = arith.addf %gather3A_335, %add3A_337 : vector<16xf32>
        %broadcast_in_dim3A_339 = arith.constant true
        %broadcast_in_dim3A_340 = vector.broadcast %broadcast_in_dim3A_339 : i1 to vector<16xi1>
        %masked_cumsum3A_341 = tpu.scan <sum>, %add3A_338 masked %broadcast_in_dim3A_340 : vector<16xf32>, vector<16xi1> -> vector<16xf32>
        %add3A_342 = arith.addf %masked_cumsum3A_341, %gather3A_328 : vector<16xf32>
        %broadcast_in_dim3A_343 = vector.shape_cast %add3A_14 : vector<16xi32> to vector<16x1xi32>
        %gather3A_344 = vector.shape_cast %broadcast_in_dim3A_343 : vector<16x1xi32> to vector<16xi32>
        %gather3A_345 = tpu.dynamic_gather %add3A_342[%gather3A_344] in [0] : vector<16xf32>, vector<16xi32> -> vector<16xf32>
        %add3A_346 = arith.constant 1 : i32
        %add3A_347 = arith.addi %mul3A_228, %add3A_346 : i32
        %add3A_348 = arith.constant 48 : i32
        %add3A_349 = arith.addi %add3A_347, %add3A_348 : i32
        %add3A_350 = vector.broadcast %add3A_349 : i32 to vector<16xi32>
        %add3A_351 = arith.addi %iota3A, %add3A_350 : vector<16xi32>
        %gather3A_352 = tpu.vector_load_idx %arg6[%add3A_351] : memref<2064xf32, #tpu.memory_space<vmem>>[vector<16xi32>], vector<16xf32>,
        %add3A_353 = arith.constant 9.99999974E-6 : f32
        %add3A_354 = vector.broadcast %add3A_353 : f32 to vector<16xf32>
        %add3A_355 = arith.addf %gather3A_352, %add3A_354 : vector<16xf32>
        %jit3A = arith.constant 0.000000e+00 : f32
        %broadcast_in_dim3A_356 = vector.broadcast %jit3A : f32 to vector<16xf32>
        %select_n3A = arith.select %lt3A_16, %add3A_355, %broadcast_in_dim3A_356 : vector<16xi1>, vector<16xf32>
        %broadcast_in_dim3A_357 = arith.constant true
        %broadcast_in_dim3A_358 = vector.broadcast %broadcast_in_dim3A_357 : i1 to vector<16xi1>
        %masked_cumsum3A_359 = tpu.scan <sum>, %select_n3A masked %broadcast_in_dim3A_358 : vector<16xf32>, vector<16xi1> -> vector<16xf32>
        %add3A_360 = arith.addf %masked_cumsum3A_359, %gather3A_345 : vector<16xf32>
        %broadcast_in_dim3A_361 = vector.shape_cast %add3A_14 : vector<16xi32> to vector<16x1xi32>
        %gather3A_362 = vector.shape_cast %broadcast_in_dim3A_361 : vector<16x1xi32> to vector<16xi32>
        %gather3A_363 = tpu.dynamic_gather %add3A_360[%gather3A_362] in [0] : vector<16xf32>, vector<16xi32> -> vector<16xf32>
        %div3A = arith.divf %add3A_8, %gather3A_363 : vector<16xf32>
        %mul3A_364 = arith.mulf %add3A_308, %div3A : vector<16xf32>
        %add3A_365 = arith.constant 1 : i32
        %add3A_366 = vector.broadcast %add3A_365 : i32 to vector<16xi32>
        %add3A_367 = arith.addi %iota3A, %add3A_366 : vector<16xi32>
        tpu.vector_store_idx %arg11[%add3A_367], %mul3A_364 : memref<80xf32, #tpu.memory_space<vmem>>[vector<16xi32>], vector<16xf32>,
        %mul3A_368 = arith.constant 6.300000e+01 : f32
        %mul3A_369 = vector.broadcast %mul3A_368 : f32 to vector<16xf32>
        %mul3A_370 = arith.mulf %mul3A_364, %mul3A_369 : vector<16xf32>
        %convert_element_type3A_371 = arith.fptosi %mul3A_370 : vector<16xf32> to vector<16xi32>
        %convert_element_type3A_372 = arith.sitofp %convert_element_type3A_371 : vector<16xi32> to vector<16xf32>
        %lt3A_373 = arith.cmpf olt, %convert_element_type3A_372, %mul3A_370 : vector<16xf32>
        %jit3A_374 = arith.constant 1 : i32
        %jit3A_375 = arith.constant 0 : i32
        %broadcast_in_dim3A_376 = vector.broadcast %jit3A_374 : i32 to vector<16xi32>
        %broadcast_in_dim3A_377 = vector.broadcast %jit3A_375 : i32 to vector<16xi32>
        %select_n3A_378 = arith.select %lt3A_373, %broadcast_in_dim3A_376, %broadcast_in_dim3A_377 : vector<16xi1>, vector<16xi32>
        %add3A_379 = arith.addi %convert_element_type3A_371, %select_n3A_378 : vector<16xi32>
        %min3A = arith.constant 63 : i32
        %min3A_380 = vector.broadcast %min3A : i32 to vector<16xi32>
        %min3A_381 = arith.minsi %add3A_379, %min3A_380 : vector<16xi32>
        %mul3A_382 = arith.mulf %add3A_325, %div3A : vector<16xf32>
        %add3A_383 = arith.constant 17 : i32
        %add3A_384 = vector.broadcast %add3A_383 : i32 to vector<16xi32>
        %add3A_385 = arith.addi %iota3A, %add3A_384 : vector<16xi32>
        tpu.vector_store_idx %arg11[%add3A_385], %mul3A_382 : memref<80xf32, #tpu.memory_space<vmem>>[vector<16xi32>], vector<16xf32>,
        %mul3A_386 = arith.constant 6.300000e+01 : f32
        %mul3A_387 = vector.broadcast %mul3A_386 : f32 to vector<16xf32>
        %mul3A_388 = arith.mulf %mul3A_382, %mul3A_387 : vector<16xf32>
        %convert_element_type3A_389 = arith.fptosi %mul3A_388 : vector<16xf32> to vector<16xi32>
        %convert_element_type3A_390 = arith.sitofp %convert_element_type3A_389 : vector<16xi32> to vector<16xf32>
        %lt3A_391 = arith.cmpf olt, %convert_element_type3A_390, %mul3A_388 : vector<16xf32>
        %jit3A_392 = arith.constant 1 : i32
        %jit3A_393 = arith.constant 0 : i32
        %broadcast_in_dim3A_394 = vector.broadcast %jit3A_392 : i32 to vector<16xi32>
        %broadcast_in_dim3A_395 = vector.broadcast %jit3A_393 : i32 to vector<16xi32>
        %select_n3A_396 = arith.select %lt3A_391, %broadcast_in_dim3A_394, %broadcast_in_dim3A_395 : vector<16xi1>, vector<16xi32>
        %add3A_397 = arith.addi %convert_element_type3A_389, %select_n3A_396 : vector<16xi32>
        %min3A_398 = arith.constant 63 : i32
        %min3A_399 = vector.broadcast %min3A_398 : i32 to vector<16xi32>
        %min3A_400 = arith.minsi %add3A_397, %min3A_399 : vector<16xi32>
        %mul3A_401 = arith.mulf %add3A_342, %div3A : vector<16xf32>
        %add3A_402 = arith.constant 33 : i32
        %add3A_403 = vector.broadcast %add3A_402 : i32 to vector<16xi32>
        %add3A_404 = arith.addi %iota3A, %add3A_403 : vector<16xi32>
        tpu.vector_store_idx %arg11[%add3A_404], %mul3A_401 : memref<80xf32, #tpu.memory_space<vmem>>[vector<16xi32>], vector<16xf32>,
        %mul3A_405 = arith.constant 6.300000e+01 : f32
        %mul3A_406 = vector.broadcast %mul3A_405 : f32 to vector<16xf32>
        %mul3A_407 = arith.mulf %mul3A_401, %mul3A_406 : vector<16xf32>
        %convert_element_type3A_408 = arith.fptosi %mul3A_407 : vector<16xf32> to vector<16xi32>
        %convert_element_type3A_409 = arith.sitofp %convert_element_type3A_408 : vector<16xi32> to vector<16xf32>
        %lt3A_410 = arith.cmpf olt, %convert_element_type3A_409, %mul3A_407 : vector<16xf32>
        %jit3A_411 = arith.constant 1 : i32
        %jit3A_412 = arith.constant 0 : i32
        %broadcast_in_dim3A_413 = vector.broadcast %jit3A_411 : i32 to vector<16xi32>
        %broadcast_in_dim3A_414 = vector.broadcast %jit3A_412 : i32 to vector<16xi32>
        %select_n3A_415 = arith.select %lt3A_410, %broadcast_in_dim3A_413, %broadcast_in_dim3A_414 : vector<16xi1>, vector<16xi32>
        %add3A_416 = arith.addi %convert_element_type3A_408, %select_n3A_415 : vector<16xi32>
        %min3A_417 = arith.constant 63 : i32
        %min3A_418 = vector.broadcast %min3A_417 : i32 to vector<16xi32>
        %min3A_419 = arith.minsi %add3A_416, %min3A_418 : vector<16xi32>
        %mul3A_420 = arith.mulf %add3A_360, %div3A : vector<16xf32>
        %add3A_421 = arith.constant 49 : i32
        %add3A_422 = vector.broadcast %add3A_421 : i32 to vector<16xi32>
        %add3A_423 = arith.addi %iota3A, %add3A_422 : vector<16xi32>
        tpu.vector_store_idx %arg11[%add3A_423], %mul3A_420 : memref<80xf32, #tpu.memory_space<vmem>>[vector<16xi32>], vector<16xf32>,
        %mul3A_424 = arith.constant 6.300000e+01 : f32
        %mul3A_425 = vector.broadcast %mul3A_424 : f32 to vector<16xf32>
        %mul3A_426 = arith.mulf %mul3A_420, %mul3A_425 : vector<16xf32>
        %convert_element_type3A_427 = arith.fptosi %mul3A_426 : vector<16xf32> to vector<16xi32>
        %convert_element_type3A_428 = arith.sitofp %convert_element_type3A_427 : vector<16xi32> to vector<16xf32>
        %lt3A_429 = arith.cmpf olt, %convert_element_type3A_428, %mul3A_426 : vector<16xf32>
        %jit3A_430 = arith.constant 1 : i32
        %jit3A_431 = arith.constant 0 : i32
        %broadcast_in_dim3A_432 = vector.broadcast %jit3A_430 : i32 to vector<16xi32>
        %broadcast_in_dim3A_433 = vector.broadcast %jit3A_431 : i32 to vector<16xi32>
        %select_n3A_434 = arith.select %lt3A_429, %broadcast_in_dim3A_432, %broadcast_in_dim3A_433 : vector<16xi1>, vector<16xi32>
        %add3A_435 = arith.addi %convert_element_type3A_427, %select_n3A_434 : vector<16xi32>
        %min3A_436 = arith.constant 63 : i32
        %min3A_437 = vector.broadcast %min3A_436 : i32 to vector<16xi32>
        %min3A_438 = arith.minsi %add3A_435, %min3A_437 : vector<16xi32>
        tpu.vector_store_idx %arg13[%min3A_381], %add3A_8 {add = true} : memref<80xf32, #tpu.memory_space<vmem>>[vector<16xi32>], vector<16xf32>,
        tpu.vector_store_idx %arg13[%min3A_400], %add3A_8 {add = true} : memref<80xf32, #tpu.memory_space<vmem>>[vector<16xi32>], vector<16xf32>,
        tpu.vector_store_idx %arg13[%min3A_419], %add3A_8 {add = true} : memref<80xf32, #tpu.memory_space<vmem>>[vector<16xi32>], vector<16xf32>,
        tpu.vector_store_idx %arg13[%min3A_438], %add3A_8 masked %lt3A_16 {add = true} : memref<80xf32, #tpu.memory_space<vmem>>[vector<16xi32>], vector<16xf32>, vector<16xi1>
        %get3A_439 = arith.constant 0 : index
        %get3A_440 = tpu.vector_load %arg13[%get3A_439] {strides = array<i32>} : memref<80xf32, #tpu.memory_space<vmem>>, vector<16xf32>,
        %swap3A_441 = arith.constant 0 : index
        %swap3A_442 = tpu.vector_load %arg13[%swap3A_441] {strides = array<i32>} : memref<80xf32, #tpu.memory_space<vmem>>, vector<16xf32>,
        tpu.vector_store %arg13[%swap3A_441], %mul3A_5 {strides = array<i32>} : memref<80xf32, #tpu.memory_space<vmem>>, vector<16xf32>,
        %broadcast_in_dim3A_443 = arith.constant true
        %broadcast_in_dim3A_444 = vector.broadcast %broadcast_in_dim3A_443 : i1 to vector<16xi1>
        %masked_cumsum3A_445 = tpu.scan <sum>, %get3A_440 masked %broadcast_in_dim3A_444 : vector<16xf32>, vector<16xi1> -> vector<16xf32>
        %add3A_446 = arith.addf %masked_cumsum3A_445, %add3A_8 : vector<16xf32>
        %broadcast_in_dim3A_447 = vector.shape_cast %add3A_14 : vector<16xi32> to vector<16x1xi32>
        %gather3A_448 = vector.shape_cast %broadcast_in_dim3A_447 : vector<16x1xi32> to vector<16xi32>
        %gather3A_449 = tpu.dynamic_gather %add3A_446[%gather3A_448] in [0] : vector<16xf32>, vector<16xi32> -> vector<16xf32>
        %convert_element_type3A_450 = arith.fptosi %add3A_446 : vector<16xf32> to vector<16xi32>
        %sub3A = arith.constant 1 : i32
        %sub3A_451 = vector.broadcast %sub3A : i32 to vector<16xi32>
        %sub3A_452 = arith.subi %convert_element_type3A_450, %sub3A_451 : vector<16xi32>
        %gather3A_453 = tpu.vector_load_idx %arg11[%sub3A_452] : memref<80xf32, #tpu.memory_space<vmem>>[vector<16xi32>], vector<16xf32>,
        %gather3A_454 = tpu.vector_load_idx %arg11[%convert_element_type3A_450] : memref<80xf32, #tpu.memory_space<vmem>>[vector<16xi32>], vector<16xf32>,
        %gather3A_455 = tpu.vector_load_idx %arg12[%sub3A_452] : memref<80xf32, #tpu.memory_space<vmem>>[vector<16xi32>], vector<16xf32>,
        %gather3A_456 = tpu.vector_load_idx %arg12[%convert_element_type3A_450] : memref<80xf32, #tpu.memory_space<vmem>>[vector<16xi32>], vector<16xf32>,
        %sub3A_457 = arith.subf %gather3A_454, %gather3A_453 : vector<16xf32>
        %lt3A_458 = arith.constant 9.99999974E-6 : f32
        %lt3A_459 = vector.broadcast %lt3A_458 : f32 to vector<16xf32>
        %lt3A_460 = arith.cmpf olt, %sub3A_457, %lt3A_459 : vector<16xf32>
        %jit3A_461 = arith.constant 1.000000e+00 : f32
        %broadcast_in_dim3A_462 = vector.broadcast %jit3A_461 : f32 to vector<16xf32>
        %select_n3A_463 = arith.select %lt3A_460, %broadcast_in_dim3A_462, %sub3A_457 : vector<16xi1>, vector<16xf32>
        %sub3A_464 = arith.subf %mul3A_69, %gather3A_453 : vector<16xf32>
        %div3A_465 = arith.divf %sub3A_464, %select_n3A_463 : vector<16xf32>
        %sub3A_466 = arith.subf %gather3A_456, %gather3A_455 : vector<16xf32>
        %mul3A_467 = arith.mulf %div3A_465, %sub3A_466 : vector<16xf32>
        %add3A_468 = arith.addf %gather3A_455, %mul3A_467 : vector<16xf32>
        %get3A_469 = arith.constant 16 : index
        %get3A_470 = tpu.vector_load %arg13[%get3A_469] {strides = array<i32>} : memref<80xf32, #tpu.memory_space<vmem>>, vector<16xf32>,
        %swap3A_471 = arith.constant 16 : index
        %swap3A_472 = tpu.vector_load %arg13[%swap3A_471] {strides = array<i32>} : memref<80xf32, #tpu.memory_space<vmem>>, vector<16xf32>,
        tpu.vector_store %arg13[%swap3A_471], %mul3A_5 {strides = array<i32>} : memref<80xf32, #tpu.memory_space<vmem>>, vector<16xf32>,
        %broadcast_in_dim3A_473 = arith.constant true
        %broadcast_in_dim3A_474 = vector.broadcast %broadcast_in_dim3A_473 : i1 to vector<16xi1>
        %masked_cumsum3A_475 = tpu.scan <sum>, %get3A_470 masked %broadcast_in_dim3A_474 : vector<16xf32>, vector<16xi1> -> vector<16xf32>
        %add3A_476 = arith.addf %masked_cumsum3A_475, %gather3A_449 : vector<16xf32>
        %broadcast_in_dim3A_477 = vector.shape_cast %add3A_14 : vector<16xi32> to vector<16x1xi32>
        %gather3A_478 = vector.shape_cast %broadcast_in_dim3A_477 : vector<16x1xi32> to vector<16xi32>
        %gather3A_479 = tpu.dynamic_gather %add3A_476[%gather3A_478] in [0] : vector<16xf32>, vector<16xi32> -> vector<16xf32>
        %convert_element_type3A_480 = arith.fptosi %add3A_476 : vector<16xf32> to vector<16xi32>
        %sub3A_481 = arith.constant 1 : i32
        %sub3A_482 = vector.broadcast %sub3A_481 : i32 to vector<16xi32>
        %sub3A_483 = arith.subi %convert_element_type3A_480, %sub3A_482 : vector<16xi32>
        %gather3A_484 = tpu.vector_load_idx %arg11[%sub3A_483] : memref<80xf32, #tpu.memory_space<vmem>>[vector<16xi32>], vector<16xf32>,
        %gather3A_485 = tpu.vector_load_idx %arg11[%convert_element_type3A_480] : memref<80xf32, #tpu.memory_space<vmem>>[vector<16xi32>], vector<16xf32>,
        %gather3A_486 = tpu.vector_load_idx %arg12[%sub3A_483] : memref<80xf32, #tpu.memory_space<vmem>>[vector<16xi32>], vector<16xf32>,
        %gather3A_487 = tpu.vector_load_idx %arg12[%convert_element_type3A_480] : memref<80xf32, #tpu.memory_space<vmem>>[vector<16xi32>], vector<16xf32>,
        %sub3A_488 = arith.subf %gather3A_485, %gather3A_484 : vector<16xf32>
        %lt3A_489 = arith.constant 9.99999974E-6 : f32
        %lt3A_490 = vector.broadcast %lt3A_489 : f32 to vector<16xf32>
        %lt3A_491 = arith.cmpf olt, %sub3A_488, %lt3A_490 : vector<16xf32>
        %jit3A_492 = arith.constant 1.000000e+00 : f32
        %broadcast_in_dim3A_493 = vector.broadcast %jit3A_492 : f32 to vector<16xf32>
        %select_n3A_494 = arith.select %lt3A_491, %broadcast_in_dim3A_493, %sub3A_488 : vector<16xi1>, vector<16xf32>
        %sub3A_495 = arith.subf %mul3A_75, %gather3A_484 : vector<16xf32>
        %div3A_496 = arith.divf %sub3A_495, %select_n3A_494 : vector<16xf32>
        %sub3A_497 = arith.subf %gather3A_487, %gather3A_486 : vector<16xf32>
        %mul3A_498 = arith.mulf %div3A_496, %sub3A_497 : vector<16xf32>
        %add3A_499 = arith.addf %gather3A_486, %mul3A_498 : vector<16xf32>
        %get3A_500 = arith.constant 32 : index
        %get3A_501 = tpu.vector_load %arg13[%get3A_500] {strides = array<i32>} : memref<80xf32, #tpu.memory_space<vmem>>, vector<16xf32>,
        %swap3A_502 = arith.constant 32 : index
        %swap3A_503 = tpu.vector_load %arg13[%swap3A_502] {strides = array<i32>} : memref<80xf32, #tpu.memory_space<vmem>>, vector<16xf32>,
        tpu.vector_store %arg13[%swap3A_502], %mul3A_5 {strides = array<i32>} : memref<80xf32, #tpu.memory_space<vmem>>, vector<16xf32>,
        %broadcast_in_dim3A_504 = arith.constant true
        %broadcast_in_dim3A_505 = vector.broadcast %broadcast_in_dim3A_504 : i1 to vector<16xi1>
        %masked_cumsum3A_506 = tpu.scan <sum>, %get3A_501 masked %broadcast_in_dim3A_505 : vector<16xf32>, vector<16xi1> -> vector<16xf32>
        %add3A_507 = arith.addf %masked_cumsum3A_506, %gather3A_479 : vector<16xf32>
        %broadcast_in_dim3A_508 = vector.shape_cast %add3A_14 : vector<16xi32> to vector<16x1xi32>
        %gather3A_509 = vector.shape_cast %broadcast_in_dim3A_508 : vector<16x1xi32> to vector<16xi32>
        %gather3A_510 = tpu.dynamic_gather %add3A_507[%gather3A_509] in [0] : vector<16xf32>, vector<16xi32> -> vector<16xf32>
        %convert_element_type3A_511 = arith.fptosi %add3A_507 : vector<16xf32> to vector<16xi32>
        %sub3A_512 = arith.constant 1 : i32
        %sub3A_513 = vector.broadcast %sub3A_512 : i32 to vector<16xi32>
        %sub3A_514 = arith.subi %convert_element_type3A_511, %sub3A_513 : vector<16xi32>
        %gather3A_515 = tpu.vector_load_idx %arg11[%sub3A_514] : memref<80xf32, #tpu.memory_space<vmem>>[vector<16xi32>], vector<16xf32>,
        %gather3A_516 = tpu.vector_load_idx %arg11[%convert_element_type3A_511] : memref<80xf32, #tpu.memory_space<vmem>>[vector<16xi32>], vector<16xf32>,
        %gather3A_517 = tpu.vector_load_idx %arg12[%sub3A_514] : memref<80xf32, #tpu.memory_space<vmem>>[vector<16xi32>], vector<16xf32>,
        %gather3A_518 = tpu.vector_load_idx %arg12[%convert_element_type3A_511] : memref<80xf32, #tpu.memory_space<vmem>>[vector<16xi32>], vector<16xf32>,
        %sub3A_519 = arith.subf %gather3A_516, %gather3A_515 : vector<16xf32>
        %lt3A_520 = arith.constant 9.99999974E-6 : f32
        %lt3A_521 = vector.broadcast %lt3A_520 : f32 to vector<16xf32>
        %lt3A_522 = arith.cmpf olt, %sub3A_519, %lt3A_521 : vector<16xf32>
        %jit3A_523 = arith.constant 1.000000e+00 : f32
        %broadcast_in_dim3A_524 = vector.broadcast %jit3A_523 : f32 to vector<16xf32>
        %select_n3A_525 = arith.select %lt3A_522, %broadcast_in_dim3A_524, %sub3A_519 : vector<16xi1>, vector<16xf32>
        %sub3A_526 = arith.subf %mul3A_81, %gather3A_515 : vector<16xf32>
        %div3A_527 = arith.divf %sub3A_526, %select_n3A_525 : vector<16xf32>
        %sub3A_528 = arith.subf %gather3A_518, %gather3A_517 : vector<16xf32>
        %mul3A_529 = arith.mulf %div3A_527, %sub3A_528 : vector<16xf32>
        %add3A_530 = arith.addf %gather3A_517, %mul3A_529 : vector<16xf32>
        %get3A_531 = arith.constant 48 : index
        %get3A_532 = tpu.vector_load %arg13[%get3A_531] {strides = array<i32>} : memref<80xf32, #tpu.memory_space<vmem>>, vector<16xf32>,
        %swap3A_533 = arith.constant 48 : index
        %swap3A_534 = tpu.vector_load %arg13[%swap3A_533] {strides = array<i32>} : memref<80xf32, #tpu.memory_space<vmem>>, vector<16xf32>,
        tpu.vector_store %arg13[%swap3A_533], %mul3A_5 {strides = array<i32>} : memref<80xf32, #tpu.memory_space<vmem>>, vector<16xf32>,
        %broadcast_in_dim3A_535 = arith.constant true
        %broadcast_in_dim3A_536 = vector.broadcast %broadcast_in_dim3A_535 : i1 to vector<16xi1>
        %masked_cumsum3A_537 = tpu.scan <sum>, %get3A_532 masked %broadcast_in_dim3A_536 : vector<16xf32>, vector<16xi1> -> vector<16xf32>
        %add3A_538 = arith.addf %masked_cumsum3A_537, %gather3A_510 : vector<16xf32>
        %broadcast_in_dim3A_539 = vector.shape_cast %add3A_14 : vector<16xi32> to vector<16x1xi32>
        %gather3A_540 = vector.shape_cast %broadcast_in_dim3A_539 : vector<16x1xi32> to vector<16xi32>
        %gather3A_541 = tpu.dynamic_gather %add3A_538[%gather3A_540] in [0] : vector<16xf32>, vector<16xi32> -> vector<16xf32>
        %convert_element_type3A_542 = arith.fptosi %add3A_538 : vector<16xf32> to vector<16xi32>
        %sub3A_543 = arith.constant 1 : i32
        %sub3A_544 = vector.broadcast %sub3A_543 : i32 to vector<16xi32>
        %sub3A_545 = arith.subi %convert_element_type3A_542, %sub3A_544 : vector<16xi32>
        %gather3A_546 = tpu.vector_load_idx %arg11[%sub3A_545] : memref<80xf32, #tpu.memory_space<vmem>>[vector<16xi32>], vector<16xf32>,
        %gather3A_547 = tpu.vector_load_idx %arg11[%convert_element_type3A_542] : memref<80xf32, #tpu.memory_space<vmem>>[vector<16xi32>], vector<16xf32>,
        %gather3A_548 = tpu.vector_load_idx %arg12[%sub3A_545] : memref<80xf32, #tpu.memory_space<vmem>>[vector<16xi32>], vector<16xf32>,
        %gather3A_549 = tpu.vector_load_idx %arg12[%convert_element_type3A_542] : memref<80xf32, #tpu.memory_space<vmem>>[vector<16xi32>], vector<16xf32>,
        %sub3A_550 = arith.subf %gather3A_547, %gather3A_546 : vector<16xf32>
        %lt3A_551 = arith.constant 9.99999974E-6 : f32
        %lt3A_552 = vector.broadcast %lt3A_551 : f32 to vector<16xf32>
        %lt3A_553 = arith.cmpf olt, %sub3A_550, %lt3A_552 : vector<16xf32>
        %jit3A_554 = arith.constant 1.000000e+00 : f32
        %broadcast_in_dim3A_555 = vector.broadcast %jit3A_554 : f32 to vector<16xf32>
        %select_n3A_556 = arith.select %lt3A_553, %broadcast_in_dim3A_555, %sub3A_550 : vector<16xi1>, vector<16xf32>
        %sub3A_557 = arith.subf %mul3A_87, %gather3A_546 : vector<16xf32>
        %div3A_558 = arith.divf %sub3A_557, %select_n3A_556 : vector<16xf32>
        %sub3A_559 = arith.subf %gather3A_549, %gather3A_548 : vector<16xf32>
        %mul3A_560 = arith.mulf %div3A_558, %sub3A_559 : vector<16xf32>
        %add3A_561 = arith.addf %gather3A_548, %mul3A_560 : vector<16xf32>
        %rev3A = arith.constant 15 : i32
        %rev3A_562 = vector.broadcast %rev3A : i32 to vector<16xi32>
        %rev3A_563 = tpu.iota {dimensions = array<i32: 0>} : vector<16xi32>
        %rev3A_564 = arith.subi %rev3A_562, %rev3A_563 : vector<16xi32>
        %rev3A_565 = tpu.dynamic_gather %add3A_561[%rev3A_564] in [0] : vector<16xf32>, vector<16xi32> -> vector<16xf32>
        %rev3A_566 = arith.constant 15 : i32
        %rev3A_567 = vector.broadcast %rev3A_566 : i32 to vector<16xi32>
        %rev3A_568 = tpu.iota {dimensions = array<i32: 0>} : vector<16xi32>
        %rev3A_569 = arith.subi %rev3A_567, %rev3A_568 : vector<16xi32>
        %rev3A_570 = tpu.dynamic_gather %add3A_530[%rev3A_569] in [0] : vector<16xf32>, vector<16xi32> -> vector<16xf32>
        %rev3A_571 = arith.constant 15 : i32
        %rev3A_572 = vector.broadcast %rev3A_571 : i32 to vector<16xi32>
        %rev3A_573 = tpu.iota {dimensions = array<i32: 0>} : vector<16xi32>
        %rev3A_574 = arith.subi %rev3A_572, %rev3A_573 : vector<16xi32>
        %rev3A_575 = tpu.dynamic_gather %add3A_499[%rev3A_574] in [0] : vector<16xf32>, vector<16xi32> -> vector<16xf32>
        %rev3A_576 = arith.constant 15 : i32
        %rev3A_577 = vector.broadcast %rev3A_576 : i32 to vector<16xi32>
        %rev3A_578 = tpu.iota {dimensions = array<i32: 0>} : vector<16xi32>
        %rev3A_579 = arith.subi %rev3A_577, %rev3A_578 : vector<16xi32>
        %rev3A_580 = tpu.dynamic_gather %add3A_468[%rev3A_579] in [0] : vector<16xf32>, vector<16xi32> -> vector<16xf32>
        %min3A_581 = arith.minimumf %get3A_233, %rev3A_565 : vector<16xf32>
        %min3A_582 = arith.minimumf %get3A_249, %rev3A_570 : vector<16xf32>
        %min3A_583 = arith.minimumf %get3A_266, %rev3A_575 : vector<16xf32>
        %min3A_584 = arith.minimumf %get3A_283, %rev3A_580 : vector<16xf32>
        %max3A = arith.maximumf %get3A_233, %rev3A_565 : vector<16xf32>
        %max3A_585 = arith.maximumf %get3A_249, %rev3A_570 : vector<16xf32>
        %max3A_586 = arith.maximumf %get3A_266, %rev3A_575 : vector<16xf32>
        %max3A_587 = arith.maximumf %get3A_283, %rev3A_580 : vector<16xf32>
        %min3A_588 = arith.minimumf %min3A_581, %min3A_583 : vector<16xf32>
        %max3A_589 = arith.maximumf %min3A_581, %min3A_583 : vector<16xf32>
        %min3A_590 = arith.minimumf %min3A_582, %min3A_584 : vector<16xf32>
        %max3A_591 = arith.maximumf %min3A_582, %min3A_584 : vector<16xf32>
        %min3A_592 = arith.minimumf %max3A, %max3A_586 : vector<16xf32>
        %max3A_593 = arith.maximumf %max3A, %max3A_586 : vector<16xf32>
        %min3A_594 = arith.minimumf %max3A_585, %max3A_587 : vector<16xf32>
        %max3A_595 = arith.maximumf %max3A_585, %max3A_587 : vector<16xf32>
        %min3A_596 = arith.minimumf %min3A_588, %min3A_590 : vector<16xf32>
        %max3A_597 = arith.maximumf %min3A_588, %min3A_590 : vector<16xf32>
        %min3A_598 = arith.minimumf %max3A_589, %max3A_591 : vector<16xf32>
        %max3A_599 = arith.maximumf %max3A_589, %max3A_591 : vector<16xf32>
        %min3A_600 = arith.minimumf %min3A_592, %min3A_594 : vector<16xf32>
        %max3A_601 = arith.maximumf %min3A_592, %min3A_594 : vector<16xf32>
        %min3A_602 = arith.minimumf %max3A_593, %max3A_595 : vector<16xf32>
        %max3A_603 = arith.maximumf %max3A_593, %max3A_595 : vector<16xf32>
        %sort3A = arith.constant dense<true> : vector<16xi1>
        %sort3A_604, %sort3A_605, %sort3A_606 = tpu.sort %min3A_596, %min3A_596 masked %sort3A : (vector<16xf32>, vector<16xf32>, vector<16xi1>) -> (vector<16xi1>, vector<16xf32>, vector<16xf32>)
        %add3A_607 = arith.constant 0 : i32
        %add3A_608 = arith.addi %mul3A_230, %add3A_607 : i32
        %swap3A_609 = arith.index_cast %add3A_608 : i32 to index
        %swap3A_610 = tpu.vector_load %arg9[%swap3A_609] {strides = array<i32>} : memref<4096xf32, #tpu.memory_space<vmem>>, vector<16xf32>,
        tpu.vector_store %arg9[%swap3A_609], %sort3A_605 {strides = array<i32>} : memref<4096xf32, #tpu.memory_space<vmem>>, vector<16xf32>,
        %sort3A_611 = arith.constant dense<true> : vector<16xi1>
        %sort3A_612, %sort3A_613, %sort3A_614 = tpu.sort %max3A_597, %max3A_597 masked %sort3A_611 : (vector<16xf32>, vector<16xf32>, vector<16xi1>) -> (vector<16xi1>, vector<16xf32>, vector<16xf32>)
        %add3A_615 = arith.constant 16 : i32
        %add3A_616 = arith.addi %mul3A_230, %add3A_615 : i32
        %swap3A_617 = arith.index_cast %add3A_616 : i32 to index
        %swap3A_618 = tpu.vector_load %arg9[%swap3A_617] {strides = array<i32>} : memref<4096xf32, #tpu.memory_space<vmem>>, vector<16xf32>,
        tpu.vector_store %arg9[%swap3A_617], %sort3A_613 {strides = array<i32>} : memref<4096xf32, #tpu.memory_space<vmem>>, vector<16xf32>,
        %sort3A_619 = arith.constant dense<true> : vector<16xi1>
        %sort3A_620, %sort3A_621, %sort3A_622 = tpu.sort %min3A_598, %min3A_598 masked %sort3A_619 : (vector<16xf32>, vector<16xf32>, vector<16xi1>) -> (vector<16xi1>, vector<16xf32>, vector<16xf32>)
        %add3A_623 = arith.constant 32 : i32
        %add3A_624 = arith.addi %mul3A_230, %add3A_623 : i32
        %swap3A_625 = arith.index_cast %add3A_624 : i32 to index
        %swap3A_626 = tpu.vector_load %arg9[%swap3A_625] {strides = array<i32>} : memref<4096xf32, #tpu.memory_space<vmem>>, vector<16xf32>,
        tpu.vector_store %arg9[%swap3A_625], %sort3A_621 {strides = array<i32>} : memref<4096xf32, #tpu.memory_space<vmem>>, vector<16xf32>,
        %sort3A_627 = arith.constant dense<true> : vector<16xi1>
        %sort3A_628, %sort3A_629, %sort3A_630 = tpu.sort %max3A_599, %max3A_599 masked %sort3A_627 : (vector<16xf32>, vector<16xf32>, vector<16xi1>) -> (vector<16xi1>, vector<16xf32>, vector<16xf32>)
        %add3A_631 = arith.constant 48 : i32
        %add3A_632 = arith.addi %mul3A_230, %add3A_631 : i32
        %swap3A_633 = arith.index_cast %add3A_632 : i32 to index
        %swap3A_634 = tpu.vector_load %arg9[%swap3A_633] {strides = array<i32>} : memref<4096xf32, #tpu.memory_space<vmem>>, vector<16xf32>,
        tpu.vector_store %arg9[%swap3A_633], %sort3A_629 {strides = array<i32>} : memref<4096xf32, #tpu.memory_space<vmem>>, vector<16xf32>,
        %sort3A_635 = arith.constant dense<true> : vector<16xi1>
        %sort3A_636, %sort3A_637, %sort3A_638 = tpu.sort %min3A_600, %min3A_600 masked %sort3A_635 : (vector<16xf32>, vector<16xf32>, vector<16xi1>) -> (vector<16xi1>, vector<16xf32>, vector<16xf32>)
        %add3A_639 = arith.constant 64 : i32
        %add3A_640 = arith.addi %mul3A_230, %add3A_639 : i32
        %swap3A_641 = arith.index_cast %add3A_640 : i32 to index
        %swap3A_642 = tpu.vector_load %arg9[%swap3A_641] {strides = array<i32>} : memref<4096xf32, #tpu.memory_space<vmem>>, vector<16xf32>,
        tpu.vector_store %arg9[%swap3A_641], %sort3A_637 {strides = array<i32>} : memref<4096xf32, #tpu.memory_space<vmem>>, vector<16xf32>,
        %sort3A_643 = arith.constant dense<true> : vector<16xi1>
        %sort3A_644, %sort3A_645, %sort3A_646 = tpu.sort %max3A_601, %max3A_601 masked %sort3A_643 : (vector<16xf32>, vector<16xf32>, vector<16xi1>) -> (vector<16xi1>, vector<16xf32>, vector<16xf32>)
        %add3A_647 = arith.constant 80 : i32
        %add3A_648 = arith.addi %mul3A_230, %add3A_647 : i32
        %swap3A_649 = arith.index_cast %add3A_648 : i32 to index
        %swap3A_650 = tpu.vector_load %arg9[%swap3A_649] {strides = array<i32>} : memref<4096xf32, #tpu.memory_space<vmem>>, vector<16xf32>,
        tpu.vector_store %arg9[%swap3A_649], %sort3A_645 {strides = array<i32>} : memref<4096xf32, #tpu.memory_space<vmem>>, vector<16xf32>,
        %sort3A_651 = arith.constant dense<true> : vector<16xi1>
        %sort3A_652, %sort3A_653, %sort3A_654 = tpu.sort %min3A_602, %min3A_602 masked %sort3A_651 : (vector<16xf32>, vector<16xf32>, vector<16xi1>) -> (vector<16xi1>, vector<16xf32>, vector<16xf32>)
        %add3A_655 = arith.constant 96 : i32
        %add3A_656 = arith.addi %mul3A_230, %add3A_655 : i32
        %swap3A_657 = arith.index_cast %add3A_656 : i32 to index
        %swap3A_658 = tpu.vector_load %arg9[%swap3A_657] {strides = array<i32>} : memref<4096xf32, #tpu.memory_space<vmem>>, vector<16xf32>,
        tpu.vector_store %arg9[%swap3A_657], %sort3A_653 {strides = array<i32>} : memref<4096xf32, #tpu.memory_space<vmem>>, vector<16xf32>,
        %sort3A_659 = arith.constant dense<true> : vector<16xi1>
        %sort3A_660, %sort3A_661, %sort3A_662 = tpu.sort %max3A_603, %max3A_603 masked %sort3A_659 : (vector<16xf32>, vector<16xf32>, vector<16xi1>) -> (vector<16xi1>, vector<16xf32>, vector<16xf32>)
        %add3A_663 = arith.constant 112 : i32
        %add3A_664 = arith.addi %mul3A_230, %add3A_663 : i32
        %swap3A_665 = arith.index_cast %add3A_664 : i32 to index
        %swap3A_666 = tpu.vector_load %arg9[%swap3A_665] {strides = array<i32>} : memref<4096xf32, #tpu.memory_space<vmem>>, vector<16xf32>,
        tpu.vector_store %arg9[%swap3A_665], %sort3A_661 {strides = array<i32>} : memref<4096xf32, #tpu.memory_space<vmem>>, vector<16xf32>,
        %mul3A_667 = arith.constant 4 : i32
        %mul3A_668 = arith.muli %mul3A_667, %scan3A_221 : i32
        %add3A_669 = arith.constant 1 : i32
        %add3A_670 = arith.addi %mul3A_668, %add3A_669 : i32
        %mul3A_671 = arith.constant 64 : i32
        %mul3A_672 = arith.muli %add3A_670, %mul3A_671 : i32
        %mul3A_673 = arith.constant 128 : i32
        %mul3A_674 = arith.muli %add3A_670, %mul3A_673 : i32
        %add3A_675 = arith.constant 0 : i32
        %add3A_676 = arith.addi %mul3A_672, %add3A_675 : i32
        %get3A_677 = arith.index_cast %add3A_676 : i32 to index
        %get3A_678 = tpu.vector_load %arg5[%get3A_677] {strides = array<i32>} : memref<2064xf32, #tpu.memory_space<vmem>>, vector<16xf32>,
        %add3A_679 = arith.constant 0 : i32
        %add3A_680 = arith.addi %mul3A_672, %add3A_679 : i32
        %add3A_681 = arith.constant 1 : i32
        %add3A_682 = arith.addi %add3A_680, %add3A_681 : i32
        %add3A_683 = vector.broadcast %add3A_682 : i32 to vector<16xi32>
        %add3A_684 = arith.addi %iota3A, %add3A_683 : vector<16xi32>
        %gather3A_685 = tpu.vector_load_idx %arg5[%add3A_684] : memref<2064xf32, #tpu.memory_space<vmem>>[vector<16xi32>], vector<16xf32>,
        %add3A_686 = arith.addf %get3A_678, %gather3A_685 : vector<16xf32>
        %mul3A_687 = arith.constant 5.000000e-01 : f32
        %mul3A_688 = vector.broadcast %mul3A_687 : f32 to vector<16xf32>
        %mul3A_689 = arith.mulf %mul3A_688, %add3A_686 : vector<16xf32>
        %swap3A_690 = arith.constant 0 : index
        %swap3A_691 = tpu.vector_load %arg15[%swap3A_690] {strides = array<i32>} : memref<80xf32, #tpu.memory_space<vmem>>, vector<16xf32>,
        tpu.vector_store %arg15[%swap3A_690], %mul3A_689 {strides = array<i32>} : memref<80xf32, #tpu.memory_space<vmem>>, vector<16xf32>,
        %add3A_692 = arith.constant 16 : i32
        %add3A_693 = arith.addi %mul3A_672, %add3A_692 : i32
        %get3A_694 = arith.index_cast %add3A_693 : i32 to index
        %get3A_695 = tpu.vector_load %arg5[%get3A_694] {strides = array<i32>} : memref<2064xf32, #tpu.memory_space<vmem>>, vector<16xf32>,
        %add3A_696 = arith.constant 16 : i32
        %add3A_697 = arith.addi %mul3A_672, %add3A_696 : i32
        %add3A_698 = arith.constant 1 : i32
        %add3A_699 = arith.addi %add3A_697, %add3A_698 : i32
        %add3A_700 = vector.broadcast %add3A_699 : i32 to vector<16xi32>
        %add3A_701 = arith.addi %iota3A, %add3A_700 : vector<16xi32>
        %gather3A_702 = tpu.vector_load_idx %arg5[%add3A_701] : memref<2064xf32, #tpu.memory_space<vmem>>[vector<16xi32>], vector<16xf32>,
        %add3A_703 = arith.addf %get3A_695, %gather3A_702 : vector<16xf32>
        %mul3A_704 = arith.constant 5.000000e-01 : f32
        %mul3A_705 = vector.broadcast %mul3A_704 : f32 to vector<16xf32>
        %mul3A_706 = arith.mulf %mul3A_705, %add3A_703 : vector<16xf32>
        %swap3A_707 = arith.constant 16 : index
        %swap3A_708 = tpu.vector_load %arg15[%swap3A_707] {strides = array<i32>} : memref<80xf32, #tpu.memory_space<vmem>>, vector<16xf32>,
        tpu.vector_store %arg15[%swap3A_707], %mul3A_706 {strides = array<i32>} : memref<80xf32, #tpu.memory_space<vmem>>, vector<16xf32>,
        %add3A_709 = arith.constant 32 : i32
        %add3A_710 = arith.addi %mul3A_672, %add3A_709 : i32
        %get3A_711 = arith.index_cast %add3A_710 : i32 to index
        %get3A_712 = tpu.vector_load %arg5[%get3A_711] {strides = array<i32>} : memref<2064xf32, #tpu.memory_space<vmem>>, vector<16xf32>,
        %add3A_713 = arith.constant 32 : i32
        %add3A_714 = arith.addi %mul3A_672, %add3A_713 : i32
        %add3A_715 = arith.constant 1 : i32
        %add3A_716 = arith.addi %add3A_714, %add3A_715 : i32
        %add3A_717 = vector.broadcast %add3A_716 : i32 to vector<16xi32>
        %add3A_718 = arith.addi %iota3A, %add3A_717 : vector<16xi32>
        %gather3A_719 = tpu.vector_load_idx %arg5[%add3A_718] : memref<2064xf32, #tpu.memory_space<vmem>>[vector<16xi32>], vector<16xf32>,
        %add3A_720 = arith.addf %get3A_712, %gather3A_719 : vector<16xf32>
        %mul3A_721 = arith.constant 5.000000e-01 : f32
        %mul3A_722 = vector.broadcast %mul3A_721 : f32 to vector<16xf32>
        %mul3A_723 = arith.mulf %mul3A_722, %add3A_720 : vector<16xf32>
        %swap3A_724 = arith.constant 32 : index
        %swap3A_725 = tpu.vector_load %arg15[%swap3A_724] {strides = array<i32>} : memref<80xf32, #tpu.memory_space<vmem>>, vector<16xf32>,
        tpu.vector_store %arg15[%swap3A_724], %mul3A_723 {strides = array<i32>} : memref<80xf32, #tpu.memory_space<vmem>>, vector<16xf32>,
        %add3A_726 = arith.constant 48 : i32
        %add3A_727 = arith.addi %mul3A_672, %add3A_726 : i32
        %get3A_728 = arith.index_cast %add3A_727 : i32 to index
        %get3A_729 = tpu.vector_load %arg5[%get3A_728] {strides = array<i32>} : memref<2064xf32, #tpu.memory_space<vmem>>, vector<16xf32>,
        %add3A_730 = arith.constant 48 : i32
        %add3A_731 = arith.addi %mul3A_672, %add3A_730 : i32
        %add3A_732 = arith.constant 1 : i32
        %add3A_733 = arith.addi %add3A_731, %add3A_732 : i32
        %add3A_734 = vector.broadcast %add3A_733 : i32 to vector<16xi32>
        %add3A_735 = arith.addi %iota3A, %add3A_734 : vector<16xi32>
        %gather3A_736 = tpu.vector_load_idx %arg5[%add3A_735] : memref<2064xf32, #tpu.memory_space<vmem>>[vector<16xi32>], vector<16xf32>,
        %add3A_737 = arith.addf %get3A_729, %gather3A_736 : vector<16xf32>
        %mul3A_738 = arith.constant 5.000000e-01 : f32
        %mul3A_739 = vector.broadcast %mul3A_738 : f32 to vector<16xf32>
        %mul3A_740 = arith.mulf %mul3A_739, %add3A_737 : vector<16xf32>
        %swap3A_741 = arith.constant 48 : index
        %swap3A_742 = tpu.vector_load %arg15[%swap3A_741] {strides = array<i32>} : memref<80xf32, #tpu.memory_space<vmem>>, vector<16xf32>,
        tpu.vector_store %arg15[%swap3A_741], %mul3A_740 {strides = array<i32>} : memref<80xf32, #tpu.memory_space<vmem>>, vector<16xf32>,
        %add3A_743 = arith.constant 1 : i32
        %add3A_744 = arith.addi %mul3A_672, %add3A_743 : i32
        %add3A_745 = arith.constant 0 : i32
        %add3A_746 = arith.addi %add3A_744, %add3A_745 : i32
        %add3A_747 = vector.broadcast %add3A_746 : i32 to vector<16xi32>
        %add3A_748 = arith.addi %iota3A, %add3A_747 : vector<16xi32>
        %gather3A_749 = tpu.vector_load_idx %arg6[%add3A_748] : memref<2064xf32, #tpu.memory_space<vmem>>[vector<16xi32>], vector<16xf32>,
        %add3A_750 = arith.constant 9.99999974E-6 : f32
        %add3A_751 = vector.broadcast %add3A_750 : f32 to vector<16xf32>
        %add3A_752 = arith.addf %gather3A_749, %add3A_751 : vector<16xf32>
        %broadcast_in_dim3A_753 = arith.constant true
        %broadcast_in_dim3A_754 = vector.broadcast %broadcast_in_dim3A_753 : i1 to vector<16xi1>
        %masked_cumsum3A_755 = tpu.scan <sum>, %add3A_752 masked %broadcast_in_dim3A_754 : vector<16xf32>, vector<16xi1> -> vector<16xf32>
        %add3A_756 = arith.addf %masked_cumsum3A_755, %mul3A_5 : vector<16xf32>
        %broadcast_in_dim3A_757 = vector.shape_cast %add3A_14 : vector<16xi32> to vector<16x1xi32>
        %gather3A_758 = vector.shape_cast %broadcast_in_dim3A_757 : vector<16x1xi32> to vector<16xi32>
        %gather3A_759 = tpu.dynamic_gather %add3A_756[%gather3A_758] in [0] : vector<16xf32>, vector<16xi32> -> vector<16xf32>
        %add3A_760 = arith.constant 1 : i32
        %add3A_761 = arith.addi %mul3A_672, %add3A_760 : i32
        %add3A_762 = arith.constant 16 : i32
        %add3A_763 = arith.addi %add3A_761, %add3A_762 : i32
        %add3A_764 = vector.broadcast %add3A_763 : i32 to vector<16xi32>
        %add3A_765 = arith.addi %iota3A, %add3A_764 : vector<16xi32>
        %gather3A_766 = tpu.vector_load_idx %arg6[%add3A_765] : memref<2064xf32, #tpu.memory_space<vmem>>[vector<16xi32>], vector<16xf32>,
        %add3A_767 = arith.constant 9.99999974E-6 : f32
        %add3A_768 = vector.broadcast %add3A_767 : f32 to vector<16xf32>
        %add3A_769 = arith.addf %gather3A_766, %add3A_768 : vector<16xf32>
        %broadcast_in_dim3A_770 = arith.constant true
        %broadcast_in_dim3A_771 = vector.broadcast %broadcast_in_dim3A_770 : i1 to vector<16xi1>
        %masked_cumsum3A_772 = tpu.scan <sum>, %add3A_769 masked %broadcast_in_dim3A_771 : vector<16xf32>, vector<16xi1> -> vector<16xf32>
        %add3A_773 = arith.addf %masked_cumsum3A_772, %gather3A_759 : vector<16xf32>
        %broadcast_in_dim3A_774 = vector.shape_cast %add3A_14 : vector<16xi32> to vector<16x1xi32>
        %gather3A_775 = vector.shape_cast %broadcast_in_dim3A_774 : vector<16x1xi32> to vector<16xi32>
        %gather3A_776 = tpu.dynamic_gather %add3A_773[%gather3A_775] in [0] : vector<16xf32>, vector<16xi32> -> vector<16xf32>
        %add3A_777 = arith.constant 1 : i32
        %add3A_778 = arith.addi %mul3A_672, %add3A_777 : i32
        %add3A_779 = arith.constant 32 : i32
        %add3A_780 = arith.addi %add3A_778, %add3A_779 : i32
        %add3A_781 = vector.broadcast %add3A_780 : i32 to vector<16xi32>
        %add3A_782 = arith.addi %iota3A, %add3A_781 : vector<16xi32>
        %gather3A_783 = tpu.vector_load_idx %arg6[%add3A_782] : memref<2064xf32, #tpu.memory_space<vmem>>[vector<16xi32>], vector<16xf32>,
        %add3A_784 = arith.constant 9.99999974E-6 : f32
        %add3A_785 = vector.broadcast %add3A_784 : f32 to vector<16xf32>
        %add3A_786 = arith.addf %gather3A_783, %add3A_785 : vector<16xf32>
        %broadcast_in_dim3A_787 = arith.constant true
        %broadcast_in_dim3A_788 = vector.broadcast %broadcast_in_dim3A_787 : i1 to vector<16xi1>
        %masked_cumsum3A_789 = tpu.scan <sum>, %add3A_786 masked %broadcast_in_dim3A_788 : vector<16xf32>, vector<16xi1> -> vector<16xf32>
        %add3A_790 = arith.addf %masked_cumsum3A_789, %gather3A_776 : vector<16xf32>
        %broadcast_in_dim3A_791 = vector.shape_cast %add3A_14 : vector<16xi32> to vector<16x1xi32>
        %gather3A_792 = vector.shape_cast %broadcast_in_dim3A_791 : vector<16x1xi32> to vector<16xi32>
        %gather3A_793 = tpu.dynamic_gather %add3A_790[%gather3A_792] in [0] : vector<16xf32>, vector<16xi32> -> vector<16xf32>
        %add3A_794 = arith.constant 1 : i32
        %add3A_795 = arith.addi %mul3A_672, %add3A_794 : i32
        %add3A_796 = arith.constant 48 : i32
        %add3A_797 = arith.addi %add3A_795, %add3A_796 : i32
        %add3A_798 = vector.broadcast %add3A_797 : i32 to vector<16xi32>
        %add3A_799 = arith.addi %iota3A, %add3A_798 : vector<16xi32>
        %gather3A_800 = tpu.vector_load_idx %arg6[%add3A_799] : memref<2064xf32, #tpu.memory_space<vmem>>[vector<16xi32>], vector<16xf32>,
        %add3A_801 = arith.constant 9.99999974E-6 : f32
        %add3A_802 = vector.broadcast %add3A_801 : f32 to vector<16xf32>
        %add3A_803 = arith.addf %gather3A_800, %add3A_802 : vector<16xf32>
        %jit3A_804 = arith.constant 0.000000e+00 : f32
        %broadcast_in_dim3A_805 = vector.broadcast %jit3A_804 : f32 to vector<16xf32>
        %select_n3A_806 = arith.select %lt3A_16, %add3A_803, %broadcast_in_dim3A_805 : vector<16xi1>, vector<16xf32>
        %broadcast_in_dim3A_807 = arith.constant true
        %broadcast_in_dim3A_808 = vector.broadcast %broadcast_in_dim3A_807 : i1 to vector<16xi1>
        %masked_cumsum3A_809 = tpu.scan <sum>, %select_n3A_806 masked %broadcast_in_dim3A_808 : vector<16xf32>, vector<16xi1> -> vector<16xf32>
        %add3A_810 = arith.addf %masked_cumsum3A_809, %gather3A_793 : vector<16xf32>
        %broadcast_in_dim3A_811 = vector.shape_cast %add3A_14 : vector<16xi32> to vector<16x1xi32>
        %gather3A_812 = vector.shape_cast %broadcast_in_dim3A_811 : vector<16x1xi32> to vector<16xi32>
        %gather3A_813 = tpu.dynamic_gather %add3A_810[%gather3A_812] in [0] : vector<16xf32>, vector<16xi32> -> vector<16xf32>
        %div3A_814 = arith.divf %add3A_8, %gather3A_813 : vector<16xf32>
        %mul3A_815 = arith.mulf %add3A_756, %div3A_814 : vector<16xf32>
        %add3A_816 = arith.constant 1 : i32
        %add3A_817 = vector.broadcast %add3A_816 : i32 to vector<16xi32>
        %add3A_818 = arith.addi %iota3A, %add3A_817 : vector<16xi32>
        tpu.vector_store_idx %arg14[%add3A_818], %mul3A_815 : memref<80xf32, #tpu.memory_space<vmem>>[vector<16xi32>], vector<16xf32>,
        %mul3A_819 = arith.constant 6.300000e+01 : f32
        %mul3A_820 = vector.broadcast %mul3A_819 : f32 to vector<16xf32>
        %mul3A_821 = arith.mulf %mul3A_815, %mul3A_820 : vector<16xf32>
        %convert_element_type3A_822 = arith.fptosi %mul3A_821 : vector<16xf32> to vector<16xi32>
        %convert_element_type3A_823 = arith.sitofp %convert_element_type3A_822 : vector<16xi32> to vector<16xf32>
        %lt3A_824 = arith.cmpf olt, %convert_element_type3A_823, %mul3A_821 : vector<16xf32>
        %jit3A_825 = arith.constant 1 : i32
        %jit3A_826 = arith.constant 0 : i32
        %broadcast_in_dim3A_827 = vector.broadcast %jit3A_825 : i32 to vector<16xi32>
        %broadcast_in_dim3A_828 = vector.broadcast %jit3A_826 : i32 to vector<16xi32>
        %select_n3A_829 = arith.select %lt3A_824, %broadcast_in_dim3A_827, %broadcast_in_dim3A_828 : vector<16xi1>, vector<16xi32>
        %add3A_830 = arith.addi %convert_element_type3A_822, %select_n3A_829 : vector<16xi32>
        %min3A_831 = arith.constant 63 : i32
        %min3A_832 = vector.broadcast %min3A_831 : i32 to vector<16xi32>
        %min3A_833 = arith.minsi %add3A_830, %min3A_832 : vector<16xi32>
        %mul3A_834 = arith.mulf %add3A_773, %div3A_814 : vector<16xf32>
        %add3A_835 = arith.constant 17 : i32
        %add3A_836 = vector.broadcast %add3A_835 : i32 to vector<16xi32>
        %add3A_837 = arith.addi %iota3A, %add3A_836 : vector<16xi32>
        tpu.vector_store_idx %arg14[%add3A_837], %mul3A_834 : memref<80xf32, #tpu.memory_space<vmem>>[vector<16xi32>], vector<16xf32>,
        %mul3A_838 = arith.constant 6.300000e+01 : f32
        %mul3A_839 = vector.broadcast %mul3A_838 : f32 to vector<16xf32>
        %mul3A_840 = arith.mulf %mul3A_834, %mul3A_839 : vector<16xf32>
        %convert_element_type3A_841 = arith.fptosi %mul3A_840 : vector<16xf32> to vector<16xi32>
        %convert_element_type3A_842 = arith.sitofp %convert_element_type3A_841 : vector<16xi32> to vector<16xf32>
        %lt3A_843 = arith.cmpf olt, %convert_element_type3A_842, %mul3A_840 : vector<16xf32>
        %jit3A_844 = arith.constant 1 : i32
        %jit3A_845 = arith.constant 0 : i32
        %broadcast_in_dim3A_846 = vector.broadcast %jit3A_844 : i32 to vector<16xi32>
        %broadcast_in_dim3A_847 = vector.broadcast %jit3A_845 : i32 to vector<16xi32>
        %select_n3A_848 = arith.select %lt3A_843, %broadcast_in_dim3A_846, %broadcast_in_dim3A_847 : vector<16xi1>, vector<16xi32>
        %add3A_849 = arith.addi %convert_element_type3A_841, %select_n3A_848 : vector<16xi32>
        %min3A_850 = arith.constant 63 : i32
        %min3A_851 = vector.broadcast %min3A_850 : i32 to vector<16xi32>
        %min3A_852 = arith.minsi %add3A_849, %min3A_851 : vector<16xi32>
        %mul3A_853 = arith.mulf %add3A_790, %div3A_814 : vector<16xf32>
        %add3A_854 = arith.constant 33 : i32
        %add3A_855 = vector.broadcast %add3A_854 : i32 to vector<16xi32>
        %add3A_856 = arith.addi %iota3A, %add3A_855 : vector<16xi32>
        tpu.vector_store_idx %arg14[%add3A_856], %mul3A_853 : memref<80xf32, #tpu.memory_space<vmem>>[vector<16xi32>], vector<16xf32>,
        %mul3A_857 = arith.constant 6.300000e+01 : f32
        %mul3A_858 = vector.broadcast %mul3A_857 : f32 to vector<16xf32>
        %mul3A_859 = arith.mulf %mul3A_853, %mul3A_858 : vector<16xf32>
        %convert_element_type3A_860 = arith.fptosi %mul3A_859 : vector<16xf32> to vector<16xi32>
        %convert_element_type3A_861 = arith.sitofp %convert_element_type3A_860 : vector<16xi32> to vector<16xf32>
        %lt3A_862 = arith.cmpf olt, %convert_element_type3A_861, %mul3A_859 : vector<16xf32>
        %jit3A_863 = arith.constant 1 : i32
        %jit3A_864 = arith.constant 0 : i32
        %broadcast_in_dim3A_865 = vector.broadcast %jit3A_863 : i32 to vector<16xi32>
        %broadcast_in_dim3A_866 = vector.broadcast %jit3A_864 : i32 to vector<16xi32>
        %select_n3A_867 = arith.select %lt3A_862, %broadcast_in_dim3A_865, %broadcast_in_dim3A_866 : vector<16xi1>, vector<16xi32>
        %add3A_868 = arith.addi %convert_element_type3A_860, %select_n3A_867 : vector<16xi32>
        %min3A_869 = arith.constant 63 : i32
        %min3A_870 = vector.broadcast %min3A_869 : i32 to vector<16xi32>
        %min3A_871 = arith.minsi %add3A_868, %min3A_870 : vector<16xi32>
        %mul3A_872 = arith.mulf %add3A_810, %div3A_814 : vector<16xf32>
        %add3A_873 = arith.constant 49 : i32
        %add3A_874 = vector.broadcast %add3A_873 : i32 to vector<16xi32>
        %add3A_875 = arith.addi %iota3A, %add3A_874 : vector<16xi32>
        tpu.vector_store_idx %arg14[%add3A_875], %mul3A_872 : memref<80xf32, #tpu.memory_space<vmem>>[vector<16xi32>], vector<16xf32>,
        %mul3A_876 = arith.constant 6.300000e+01 : f32
        %mul3A_877 = vector.broadcast %mul3A_876 : f32 to vector<16xf32>
        %mul3A_878 = arith.mulf %mul3A_872, %mul3A_877 : vector<16xf32>
        %convert_element_type3A_879 = arith.fptosi %mul3A_878 : vector<16xf32> to vector<16xi32>
        %convert_element_type3A_880 = arith.sitofp %convert_element_type3A_879 : vector<16xi32> to vector<16xf32>
        %lt3A_881 = arith.cmpf olt, %convert_element_type3A_880, %mul3A_878 : vector<16xf32>
        %jit3A_882 = arith.constant 1 : i32
        %jit3A_883 = arith.constant 0 : i32
        %broadcast_in_dim3A_884 = vector.broadcast %jit3A_882 : i32 to vector<16xi32>
        %broadcast_in_dim3A_885 = vector.broadcast %jit3A_883 : i32 to vector<16xi32>
        %select_n3A_886 = arith.select %lt3A_881, %broadcast_in_dim3A_884, %broadcast_in_dim3A_885 : vector<16xi1>, vector<16xi32>
        %add3A_887 = arith.addi %convert_element_type3A_879, %select_n3A_886 : vector<16xi32>
        %min3A_888 = arith.constant 63 : i32
        %min3A_889 = vector.broadcast %min3A_888 : i32 to vector<16xi32>
        %min3A_890 = arith.minsi %add3A_887, %min3A_889 : vector<16xi32>
        tpu.vector_store_idx %arg16[%min3A_833], %add3A_8 {add = true} : memref<80xf32, #tpu.memory_space<vmem>>[vector<16xi32>], vector<16xf32>,
        tpu.vector_store_idx %arg16[%min3A_852], %add3A_8 {add = true} : memref<80xf32, #tpu.memory_space<vmem>>[vector<16xi32>], vector<16xf32>,
        tpu.vector_store_idx %arg16[%min3A_871], %add3A_8 {add = true} : memref<80xf32, #tpu.memory_space<vmem>>[vector<16xi32>], vector<16xf32>,
        tpu.vector_store_idx %arg16[%min3A_890], %add3A_8 masked %lt3A_16 {add = true} : memref<80xf32, #tpu.memory_space<vmem>>[vector<16xi32>], vector<16xf32>, vector<16xi1>
        %get3A_891 = arith.constant 0 : index
        %get3A_892 = tpu.vector_load %arg16[%get3A_891] {strides = array<i32>} : memref<80xf32, #tpu.memory_space<vmem>>, vector<16xf32>,
        %swap3A_893 = arith.constant 0 : index
        %swap3A_894 = tpu.vector_load %arg16[%swap3A_893] {strides = array<i32>} : memref<80xf32, #tpu.memory_space<vmem>>, vector<16xf32>,
        tpu.vector_store %arg16[%swap3A_893], %mul3A_5 {strides = array<i32>} : memref<80xf32, #tpu.memory_space<vmem>>, vector<16xf32>,
        %broadcast_in_dim3A_895 = arith.constant true
        %broadcast_in_dim3A_896 = vector.broadcast %broadcast_in_dim3A_895 : i1 to vector<16xi1>
        %masked_cumsum3A_897 = tpu.scan <sum>, %get3A_892 masked %broadcast_in_dim3A_896 : vector<16xf32>, vector<16xi1> -> vector<16xf32>
        %add3A_898 = arith.addf %masked_cumsum3A_897, %add3A_8 : vector<16xf32>
        %broadcast_in_dim3A_899 = vector.shape_cast %add3A_14 : vector<16xi32> to vector<16x1xi32>
        %gather3A_900 = vector.shape_cast %broadcast_in_dim3A_899 : vector<16x1xi32> to vector<16xi32>
        %gather3A_901 = tpu.dynamic_gather %add3A_898[%gather3A_900] in [0] : vector<16xf32>, vector<16xi32> -> vector<16xf32>
        %convert_element_type3A_902 = arith.fptosi %add3A_898 : vector<16xf32> to vector<16xi32>
        %sub3A_903 = arith.constant 1 : i32
        %sub3A_904 = vector.broadcast %sub3A_903 : i32 to vector<16xi32>
        %sub3A_905 = arith.subi %convert_element_type3A_902, %sub3A_904 : vector<16xi32>
        %gather3A_906 = tpu.vector_load_idx %arg14[%sub3A_905] : memref<80xf32, #tpu.memory_space<vmem>>[vector<16xi32>], vector<16xf32>,
        %gather3A_907 = tpu.vector_load_idx %arg14[%convert_element_type3A_902] : memref<80xf32, #tpu.memory_space<vmem>>[vector<16xi32>], vector<16xf32>,
        %gather3A_908 = tpu.vector_load_idx %arg15[%sub3A_905] : memref<80xf32, #tpu.memory_space<vmem>>[vector<16xi32>], vector<16xf32>,
        %gather3A_909 = tpu.vector_load_idx %arg15[%convert_element_type3A_902] : memref<80xf32, #tpu.memory_space<vmem>>[vector<16xi32>], vector<16xf32>,
        %sub3A_910 = arith.subf %gather3A_907, %gather3A_906 : vector<16xf32>
        %lt3A_911 = arith.constant 9.99999974E-6 : f32
        %lt3A_912 = vector.broadcast %lt3A_911 : f32 to vector<16xf32>
        %lt3A_913 = arith.cmpf olt, %sub3A_910, %lt3A_912 : vector<16xf32>
        %jit3A_914 = arith.constant 1.000000e+00 : f32
        %broadcast_in_dim3A_915 = vector.broadcast %jit3A_914 : f32 to vector<16xf32>
        %select_n3A_916 = arith.select %lt3A_913, %broadcast_in_dim3A_915, %sub3A_910 : vector<16xi1>, vector<16xf32>
        %sub3A_917 = arith.subf %mul3A_69, %gather3A_906 : vector<16xf32>
        %div3A_918 = arith.divf %sub3A_917, %select_n3A_916 : vector<16xf32>
        %sub3A_919 = arith.subf %gather3A_909, %gather3A_908 : vector<16xf32>
        %mul3A_920 = arith.mulf %div3A_918, %sub3A_919 : vector<16xf32>
        %add3A_921 = arith.addf %gather3A_908, %mul3A_920 : vector<16xf32>
        %get3A_922 = arith.constant 16 : index
        %get3A_923 = tpu.vector_load %arg16[%get3A_922] {strides = array<i32>} : memref<80xf32, #tpu.memory_space<vmem>>, vector<16xf32>,
        %swap3A_924 = arith.constant 16 : index
        %swap3A_925 = tpu.vector_load %arg16[%swap3A_924] {strides = array<i32>} : memref<80xf32, #tpu.memory_space<vmem>>, vector<16xf32>,
        tpu.vector_store %arg16[%swap3A_924], %mul3A_5 {strides = array<i32>} : memref<80xf32, #tpu.memory_space<vmem>>, vector<16xf32>,
        %broadcast_in_dim3A_926 = arith.constant true
        %broadcast_in_dim3A_927 = vector.broadcast %broadcast_in_dim3A_926 : i1 to vector<16xi1>
        %masked_cumsum3A_928 = tpu.scan <sum>, %get3A_923 masked %broadcast_in_dim3A_927 : vector<16xf32>, vector<16xi1> -> vector<16xf32>
        %add3A_929 = arith.addf %masked_cumsum3A_928, %gather3A_901 : vector<16xf32>
        %broadcast_in_dim3A_930 = vector.shape_cast %add3A_14 : vector<16xi32> to vector<16x1xi32>
        %gather3A_931 = vector.shape_cast %broadcast_in_dim3A_930 : vector<16x1xi32> to vector<16xi32>
        %gather3A_932 = tpu.dynamic_gather %add3A_929[%gather3A_931] in [0] : vector<16xf32>, vector<16xi32> -> vector<16xf32>
        %convert_element_type3A_933 = arith.fptosi %add3A_929 : vector<16xf32> to vector<16xi32>
        %sub3A_934 = arith.constant 1 : i32
        %sub3A_935 = vector.broadcast %sub3A_934 : i32 to vector<16xi32>
        %sub3A_936 = arith.subi %convert_element_type3A_933, %sub3A_935 : vector<16xi32>
        %gather3A_937 = tpu.vector_load_idx %arg14[%sub3A_936] : memref<80xf32, #tpu.memory_space<vmem>>[vector<16xi32>], vector<16xf32>,
        %gather3A_938 = tpu.vector_load_idx %arg14[%convert_element_type3A_933] : memref<80xf32, #tpu.memory_space<vmem>>[vector<16xi32>], vector<16xf32>,
        %gather3A_939 = tpu.vector_load_idx %arg15[%sub3A_936] : memref<80xf32, #tpu.memory_space<vmem>>[vector<16xi32>], vector<16xf32>,
        %gather3A_940 = tpu.vector_load_idx %arg15[%convert_element_type3A_933] : memref<80xf32, #tpu.memory_space<vmem>>[vector<16xi32>], vector<16xf32>,
        %sub3A_941 = arith.subf %gather3A_938, %gather3A_937 : vector<16xf32>
        %lt3A_942 = arith.constant 9.99999974E-6 : f32
        %lt3A_943 = vector.broadcast %lt3A_942 : f32 to vector<16xf32>
        %lt3A_944 = arith.cmpf olt, %sub3A_941, %lt3A_943 : vector<16xf32>
        %jit3A_945 = arith.constant 1.000000e+00 : f32
        %broadcast_in_dim3A_946 = vector.broadcast %jit3A_945 : f32 to vector<16xf32>
        %select_n3A_947 = arith.select %lt3A_944, %broadcast_in_dim3A_946, %sub3A_941 : vector<16xi1>, vector<16xf32>
        %sub3A_948 = arith.subf %mul3A_75, %gather3A_937 : vector<16xf32>
        %div3A_949 = arith.divf %sub3A_948, %select_n3A_947 : vector<16xf32>
        %sub3A_950 = arith.subf %gather3A_940, %gather3A_939 : vector<16xf32>
        %mul3A_951 = arith.mulf %div3A_949, %sub3A_950 : vector<16xf32>
        %add3A_952 = arith.addf %gather3A_939, %mul3A_951 : vector<16xf32>
        %get3A_953 = arith.constant 32 : index
        %get3A_954 = tpu.vector_load %arg16[%get3A_953] {strides = array<i32>} : memref<80xf32, #tpu.memory_space<vmem>>, vector<16xf32>,
        %swap3A_955 = arith.constant 32 : index
        %swap3A_956 = tpu.vector_load %arg16[%swap3A_955] {strides = array<i32>} : memref<80xf32, #tpu.memory_space<vmem>>, vector<16xf32>,
        tpu.vector_store %arg16[%swap3A_955], %mul3A_5 {strides = array<i32>} : memref<80xf32, #tpu.memory_space<vmem>>, vector<16xf32>,
        %broadcast_in_dim3A_957 = arith.constant true
        %broadcast_in_dim3A_958 = vector.broadcast %broadcast_in_dim3A_957 : i1 to vector<16xi1>
        %masked_cumsum3A_959 = tpu.scan <sum>, %get3A_954 masked %broadcast_in_dim3A_958 : vector<16xf32>, vector<16xi1> -> vector<16xf32>
        %add3A_960 = arith.addf %masked_cumsum3A_959, %gather3A_932 : vector<16xf32>
        %broadcast_in_dim3A_961 = vector.shape_cast %add3A_14 : vector<16xi32> to vector<16x1xi32>
        %gather3A_962 = vector.shape_cast %broadcast_in_dim3A_961 : vector<16x1xi32> to vector<16xi32>
        %gather3A_963 = tpu.dynamic_gather %add3A_960[%gather3A_962] in [0] : vector<16xf32>, vector<16xi32> -> vector<16xf32>
        %convert_element_type3A_964 = arith.fptosi %add3A_960 : vector<16xf32> to vector<16xi32>
        %sub3A_965 = arith.constant 1 : i32
        %sub3A_966 = vector.broadcast %sub3A_965 : i32 to vector<16xi32>
        %sub3A_967 = arith.subi %convert_element_type3A_964, %sub3A_966 : vector<16xi32>
        %gather3A_968 = tpu.vector_load_idx %arg14[%sub3A_967] : memref<80xf32, #tpu.memory_space<vmem>>[vector<16xi32>], vector<16xf32>,
        %gather3A_969 = tpu.vector_load_idx %arg14[%convert_element_type3A_964] : memref<80xf32, #tpu.memory_space<vmem>>[vector<16xi32>], vector<16xf32>,
        %gather3A_970 = tpu.vector_load_idx %arg15[%sub3A_967] : memref<80xf32, #tpu.memory_space<vmem>>[vector<16xi32>], vector<16xf32>,
        %gather3A_971 = tpu.vector_load_idx %arg15[%convert_element_type3A_964] : memref<80xf32, #tpu.memory_space<vmem>>[vector<16xi32>], vector<16xf32>,
        %sub3A_972 = arith.subf %gather3A_969, %gather3A_968 : vector<16xf32>
        %lt3A_973 = arith.constant 9.99999974E-6 : f32
        %lt3A_974 = vector.broadcast %lt3A_973 : f32 to vector<16xf32>
        %lt3A_975 = arith.cmpf olt, %sub3A_972, %lt3A_974 : vector<16xf32>
        %jit3A_976 = arith.constant 1.000000e+00 : f32
        %broadcast_in_dim3A_977 = vector.broadcast %jit3A_976 : f32 to vector<16xf32>
        %select_n3A_978 = arith.select %lt3A_975, %broadcast_in_dim3A_977, %sub3A_972 : vector<16xi1>, vector<16xf32>
        %sub3A_979 = arith.subf %mul3A_81, %gather3A_968 : vector<16xf32>
        %div3A_980 = arith.divf %sub3A_979, %select_n3A_978 : vector<16xf32>
        %sub3A_981 = arith.subf %gather3A_971, %gather3A_970 : vector<16xf32>
        %mul3A_982 = arith.mulf %div3A_980, %sub3A_981 : vector<16xf32>
        %add3A_983 = arith.addf %gather3A_970, %mul3A_982 : vector<16xf32>
        %get3A_984 = arith.constant 48 : index
        %get3A_985 = tpu.vector_load %arg16[%get3A_984] {strides = array<i32>} : memref<80xf32, #tpu.memory_space<vmem>>, vector<16xf32>,
        %swap3A_986 = arith.constant 48 : index
        %swap3A_987 = tpu.vector_load %arg16[%swap3A_986] {strides = array<i32>} : memref<80xf32, #tpu.memory_space<vmem>>, vector<16xf32>,
        tpu.vector_store %arg16[%swap3A_986], %mul3A_5 {strides = array<i32>} : memref<80xf32, #tpu.memory_space<vmem>>, vector<16xf32>,
        %broadcast_in_dim3A_988 = arith.constant true
        %broadcast_in_dim3A_989 = vector.broadcast %broadcast_in_dim3A_988 : i1 to vector<16xi1>
        %masked_cumsum3A_990 = tpu.scan <sum>, %get3A_985 masked %broadcast_in_dim3A_989 : vector<16xf32>, vector<16xi1> -> vector<16xf32>
        %add3A_991 = arith.addf %masked_cumsum3A_990, %gather3A_963 : vector<16xf32>
        %broadcast_in_dim3A_992 = vector.shape_cast %add3A_14 : vector<16xi32> to vector<16x1xi32>
        %gather3A_993 = vector.shape_cast %broadcast_in_dim3A_992 : vector<16x1xi32> to vector<16xi32>
        %gather3A_994 = tpu.dynamic_gather %add3A_991[%gather3A_993] in [0] : vector<16xf32>, vector<16xi32> -> vector<16xf32>
        %convert_element_type3A_995 = arith.fptosi %add3A_991 : vector<16xf32> to vector<16xi32>
        %sub3A_996 = arith.constant 1 : i32
        %sub3A_997 = vector.broadcast %sub3A_996 : i32 to vector<16xi32>
        %sub3A_998 = arith.subi %convert_element_type3A_995, %sub3A_997 : vector<16xi32>
        %gather3A_999 = tpu.vector_load_idx %arg14[%sub3A_998] : memref<80xf32, #tpu.memory_space<vmem>>[vector<16xi32>], vector<16xf32>,
        %gather3A_1000 = tpu.vector_load_idx %arg14[%convert_element_type3A_995] : memref<80xf32, #tpu.memory_space<vmem>>[vector<16xi32>], vector<16xf32>,
        %gather3A_1001 = tpu.vector_load_idx %arg15[%sub3A_998] : memref<80xf32, #tpu.memory_space<vmem>>[vector<16xi32>], vector<16xf32>,
        %gather3A_1002 = tpu.vector_load_idx %arg15[%convert_element_type3A_995] : memref<80xf32, #tpu.memory_space<vmem>>[vector<16xi32>], vector<16xf32>,
        %sub3A_1003 = arith.subf %gather3A_1000, %gather3A_999 : vector<16xf32>
        %lt3A_1004 = arith.constant 9.99999974E-6 : f32
        %lt3A_1005 = vector.broadcast %lt3A_1004 : f32 to vector<16xf32>
        %lt3A_1006 = arith.cmpf olt, %sub3A_1003, %lt3A_1005 : vector<16xf32>
        %jit3A_1007 = arith.constant 1.000000e+00 : f32
        %broadcast_in_dim3A_1008 = vector.broadcast %jit3A_1007 : f32 to vector<16xf32>
        %select_n3A_1009 = arith.select %lt3A_1006, %broadcast_in_dim3A_1008, %sub3A_1003 : vector<16xi1>, vector<16xf32>
        %sub3A_1010 = arith.subf %mul3A_87, %gather3A_999 : vector<16xf32>
        %div3A_1011 = arith.divf %sub3A_1010, %select_n3A_1009 : vector<16xf32>
        %sub3A_1012 = arith.subf %gather3A_1002, %gather3A_1001 : vector<16xf32>
        %mul3A_1013 = arith.mulf %div3A_1011, %sub3A_1012 : vector<16xf32>
        %add3A_1014 = arith.addf %gather3A_1001, %mul3A_1013 : vector<16xf32>
        %rev3A_1015 = arith.constant 15 : i32
        %rev3A_1016 = vector.broadcast %rev3A_1015 : i32 to vector<16xi32>
        %rev3A_1017 = tpu.iota {dimensions = array<i32: 0>} : vector<16xi32>
        %rev3A_1018 = arith.subi %rev3A_1016, %rev3A_1017 : vector<16xi32>
        %rev3A_1019 = tpu.dynamic_gather %add3A_1014[%rev3A_1018] in [0] : vector<16xf32>, vector<16xi32> -> vector<16xf32>
        %rev3A_1020 = arith.constant 15 : i32
        %rev3A_1021 = vector.broadcast %rev3A_1020 : i32 to vector<16xi32>
        %rev3A_1022 = tpu.iota {dimensions = array<i32: 0>} : vector<16xi32>
        %rev3A_1023 = arith.subi %rev3A_1021, %rev3A_1022 : vector<16xi32>
        %rev3A_1024 = tpu.dynamic_gather %add3A_983[%rev3A_1023] in [0] : vector<16xf32>, vector<16xi32> -> vector<16xf32>
        %rev3A_1025 = arith.constant 15 : i32
        %rev3A_1026 = vector.broadcast %rev3A_1025 : i32 to vector<16xi32>
        %rev3A_1027 = tpu.iota {dimensions = array<i32: 0>} : vector<16xi32>
        %rev3A_1028 = arith.subi %rev3A_1026, %rev3A_1027 : vector<16xi32>
        %rev3A_1029 = tpu.dynamic_gather %add3A_952[%rev3A_1028] in [0] : vector<16xf32>, vector<16xi32> -> vector<16xf32>
        %rev3A_1030 = arith.constant 15 : i32
        %rev3A_1031 = vector.broadcast %rev3A_1030 : i32 to vector<16xi32>
        %rev3A_1032 = tpu.iota {dimensions = array<i32: 0>} : vector<16xi32>
        %rev3A_1033 = arith.subi %rev3A_1031, %rev3A_1032 : vector<16xi32>
        %rev3A_1034 = tpu.dynamic_gather %add3A_921[%rev3A_1033] in [0] : vector<16xf32>, vector<16xi32> -> vector<16xf32>
        %min3A_1035 = arith.minimumf %get3A_678, %rev3A_1019 : vector<16xf32>
        %min3A_1036 = arith.minimumf %get3A_695, %rev3A_1024 : vector<16xf32>
        %min3A_1037 = arith.minimumf %get3A_712, %rev3A_1029 : vector<16xf32>
        %min3A_1038 = arith.minimumf %get3A_729, %rev3A_1034 : vector<16xf32>
        %max3A_1039 = arith.maximumf %get3A_678, %rev3A_1019 : vector<16xf32>
        %max3A_1040 = arith.maximumf %get3A_695, %rev3A_1024 : vector<16xf32>
        %max3A_1041 = arith.maximumf %get3A_712, %rev3A_1029 : vector<16xf32>
        %max3A_1042 = arith.maximumf %get3A_729, %rev3A_1034 : vector<16xf32>
        %min3A_1043 = arith.minimumf %min3A_1035, %min3A_1037 : vector<16xf32>
        %max3A_1044 = arith.maximumf %min3A_1035, %min3A_1037 : vector<16xf32>
        %min3A_1045 = arith.minimumf %min3A_1036, %min3A_1038 : vector<16xf32>
        %max3A_1046 = arith.maximumf %min3A_1036, %min3A_1038 : vector<16xf32>
        %min3A_1047 = arith.minimumf %max3A_1039, %max3A_1041 : vector<16xf32>
        %max3A_1048 = arith.maximumf %max3A_1039, %max3A_1041 : vector<16xf32>
        %min3A_1049 = arith.minimumf %max3A_1040, %max3A_1042 : vector<16xf32>
        %max3A_1050 = arith.maximumf %max3A_1040, %max3A_1042 : vector<16xf32>
        %min3A_1051 = arith.minimumf %min3A_1043, %min3A_1045 : vector<16xf32>
        %max3A_1052 = arith.maximumf %min3A_1043, %min3A_1045 : vector<16xf32>
        %min3A_1053 = arith.minimumf %max3A_1044, %max3A_1046 : vector<16xf32>
        %max3A_1054 = arith.maximumf %max3A_1044, %max3A_1046 : vector<16xf32>
        %min3A_1055 = arith.minimumf %min3A_1047, %min3A_1049 : vector<16xf32>
        %max3A_1056 = arith.maximumf %min3A_1047, %min3A_1049 : vector<16xf32>
        %min3A_1057 = arith.minimumf %max3A_1048, %max3A_1050 : vector<16xf32>
        %max3A_1058 = arith.maximumf %max3A_1048, %max3A_1050 : vector<16xf32>
        %sort3A_1059 = arith.constant dense<true> : vector<16xi1>
        %sort3A_1060, %sort3A_1061, %sort3A_1062 = tpu.sort %min3A_1051, %min3A_1051 masked %sort3A_1059 : (vector<16xf32>, vector<16xf32>, vector<16xi1>) -> (vector<16xi1>, vector<16xf32>, vector<16xf32>)
        %add3A_1063 = arith.constant 0 : i32
        %add3A_1064 = arith.addi %mul3A_674, %add3A_1063 : i32
        %swap3A_1065 = arith.index_cast %add3A_1064 : i32 to index
        %swap3A_1066 = tpu.vector_load %arg9[%swap3A_1065] {strides = array<i32>} : memref<4096xf32, #tpu.memory_space<vmem>>, vector<16xf32>,
        tpu.vector_store %arg9[%swap3A_1065], %sort3A_1061 {strides = array<i32>} : memref<4096xf32, #tpu.memory_space<vmem>>, vector<16xf32>,
        %sort3A_1067 = arith.constant dense<true> : vector<16xi1>
        %sort3A_1068, %sort3A_1069, %sort3A_1070 = tpu.sort %max3A_1052, %max3A_1052 masked %sort3A_1067 : (vector<16xf32>, vector<16xf32>, vector<16xi1>) -> (vector<16xi1>, vector<16xf32>, vector<16xf32>)
        %add3A_1071 = arith.constant 16 : i32
        %add3A_1072 = arith.addi %mul3A_674, %add3A_1071 : i32
        %swap3A_1073 = arith.index_cast %add3A_1072 : i32 to index
        %swap3A_1074 = tpu.vector_load %arg9[%swap3A_1073] {strides = array<i32>} : memref<4096xf32, #tpu.memory_space<vmem>>, vector<16xf32>,
        tpu.vector_store %arg9[%swap3A_1073], %sort3A_1069 {strides = array<i32>} : memref<4096xf32, #tpu.memory_space<vmem>>, vector<16xf32>,
        %sort3A_1075 = arith.constant dense<true> : vector<16xi1>
        %sort3A_1076, %sort3A_1077, %sort3A_1078 = tpu.sort %min3A_1053, %min3A_1053 masked %sort3A_1075 : (vector<16xf32>, vector<16xf32>, vector<16xi1>) -> (vector<16xi1>, vector<16xf32>, vector<16xf32>)
        %add3A_1079 = arith.constant 32 : i32
        %add3A_1080 = arith.addi %mul3A_674, %add3A_1079 : i32
        %swap3A_1081 = arith.index_cast %add3A_1080 : i32 to index
        %swap3A_1082 = tpu.vector_load %arg9[%swap3A_1081] {strides = array<i32>} : memref<4096xf32, #tpu.memory_space<vmem>>, vector<16xf32>,
        tpu.vector_store %arg9[%swap3A_1081], %sort3A_1077 {strides = array<i32>} : memref<4096xf32, #tpu.memory_space<vmem>>, vector<16xf32>,
        %sort3A_1083 = arith.constant dense<true> : vector<16xi1>
        %sort3A_1084, %sort3A_1085, %sort3A_1086 = tpu.sort %max3A_1054, %max3A_1054 masked %sort3A_1083 : (vector<16xf32>, vector<16xf32>, vector<16xi1>) -> (vector<16xi1>, vector<16xf32>, vector<16xf32>)
        %add3A_1087 = arith.constant 48 : i32
        %add3A_1088 = arith.addi %mul3A_674, %add3A_1087 : i32
        %swap3A_1089 = arith.index_cast %add3A_1088 : i32 to index
        %swap3A_1090 = tpu.vector_load %arg9[%swap3A_1089] {strides = array<i32>} : memref<4096xf32, #tpu.memory_space<vmem>>, vector<16xf32>,
        tpu.vector_store %arg9[%swap3A_1089], %sort3A_1085 {strides = array<i32>} : memref<4096xf32, #tpu.memory_space<vmem>>, vector<16xf32>,
        %sort3A_1091 = arith.constant dense<true> : vector<16xi1>
        %sort3A_1092, %sort3A_1093, %sort3A_1094 = tpu.sort %min3A_1055, %min3A_1055 masked %sort3A_1091 : (vector<16xf32>, vector<16xf32>, vector<16xi1>) -> (vector<16xi1>, vector<16xf32>, vector<16xf32>)
        %add3A_1095 = arith.constant 64 : i32
        %add3A_1096 = arith.addi %mul3A_674, %add3A_1095 : i32
        %swap3A_1097 = arith.index_cast %add3A_1096 : i32 to index
        %swap3A_1098 = tpu.vector_load %arg9[%swap3A_1097] {strides = array<i32>} : memref<4096xf32, #tpu.memory_space<vmem>>, vector<16xf32>,
        tpu.vector_store %arg9[%swap3A_1097], %sort3A_1093 {strides = array<i32>} : memref<4096xf32, #tpu.memory_space<vmem>>, vector<16xf32>,
        %sort3A_1099 = arith.constant dense<true> : vector<16xi1>
        %sort3A_1100, %sort3A_1101, %sort3A_1102 = tpu.sort %max3A_1056, %max3A_1056 masked %sort3A_1099 : (vector<16xf32>, vector<16xf32>, vector<16xi1>) -> (vector<16xi1>, vector<16xf32>, vector<16xf32>)
        %add3A_1103 = arith.constant 80 : i32
        %add3A_1104 = arith.addi %mul3A_674, %add3A_1103 : i32
        %swap3A_1105 = arith.index_cast %add3A_1104 : i32 to index
        %swap3A_1106 = tpu.vector_load %arg9[%swap3A_1105] {strides = array<i32>} : memref<4096xf32, #tpu.memory_space<vmem>>, vector<16xf32>,
        tpu.vector_store %arg9[%swap3A_1105], %sort3A_1101 {strides = array<i32>} : memref<4096xf32, #tpu.memory_space<vmem>>, vector<16xf32>,
        %sort3A_1107 = arith.constant dense<true> : vector<16xi1>
        %sort3A_1108, %sort3A_1109, %sort3A_1110 = tpu.sort %min3A_1057, %min3A_1057 masked %sort3A_1107 : (vector<16xf32>, vector<16xf32>, vector<16xi1>) -> (vector<16xi1>, vector<16xf32>, vector<16xf32>)
        %add3A_1111 = arith.constant 96 : i32
        %add3A_1112 = arith.addi %mul3A_674, %add3A_1111 : i32
        %swap3A_1113 = arith.index_cast %add3A_1112 : i32 to index
        %swap3A_1114 = tpu.vector_load %arg9[%swap3A_1113] {strides = array<i32>} : memref<4096xf32, #tpu.memory_space<vmem>>, vector<16xf32>,
        tpu.vector_store %arg9[%swap3A_1113], %sort3A_1109 {strides = array<i32>} : memref<4096xf32, #tpu.memory_space<vmem>>, vector<16xf32>,
        %sort3A_1115 = arith.constant dense<true> : vector<16xi1>
        %sort3A_1116, %sort3A_1117, %sort3A_1118 = tpu.sort %max3A_1058, %max3A_1058 masked %sort3A_1115 : (vector<16xf32>, vector<16xf32>, vector<16xi1>) -> (vector<16xi1>, vector<16xf32>, vector<16xf32>)
        %add3A_1119 = arith.constant 112 : i32
        %add3A_1120 = arith.addi %mul3A_674, %add3A_1119 : i32
        %swap3A_1121 = arith.index_cast %add3A_1120 : i32 to index
        %swap3A_1122 = tpu.vector_load %arg9[%swap3A_1121] {strides = array<i32>} : memref<4096xf32, #tpu.memory_space<vmem>>, vector<16xf32>,
        tpu.vector_store %arg9[%swap3A_1121], %sort3A_1117 {strides = array<i32>} : memref<4096xf32, #tpu.memory_space<vmem>>, vector<16xf32>,
        %mul3A_1123 = arith.constant 4 : i32
        %mul3A_1124 = arith.muli %mul3A_1123, %scan3A_221 : i32
        %add3A_1125 = arith.constant 2 : i32
        %add3A_1126 = arith.addi %mul3A_1124, %add3A_1125 : i32
        %mul3A_1127 = arith.constant 64 : i32
        %mul3A_1128 = arith.muli %add3A_1126, %mul3A_1127 : i32
        %mul3A_1129 = arith.constant 128 : i32
        %mul3A_1130 = arith.muli %add3A_1126, %mul3A_1129 : i32
        %add3A_1131 = arith.constant 0 : i32
        %add3A_1132 = arith.addi %mul3A_1128, %add3A_1131 : i32
        %get3A_1133 = arith.index_cast %add3A_1132 : i32 to index
        %get3A_1134 = tpu.vector_load %arg5[%get3A_1133] {strides = array<i32>} : memref<2064xf32, #tpu.memory_space<vmem>>, vector<16xf32>,
        %add3A_1135 = arith.constant 0 : i32
        %add3A_1136 = arith.addi %mul3A_1128, %add3A_1135 : i32
        %add3A_1137 = arith.constant 1 : i32
        %add3A_1138 = arith.addi %add3A_1136, %add3A_1137 : i32
        %add3A_1139 = vector.broadcast %add3A_1138 : i32 to vector<16xi32>
        %add3A_1140 = arith.addi %iota3A, %add3A_1139 : vector<16xi32>
        %gather3A_1141 = tpu.vector_load_idx %arg5[%add3A_1140] : memref<2064xf32, #tpu.memory_space<vmem>>[vector<16xi32>], vector<16xf32>,
        %add3A_1142 = arith.addf %get3A_1134, %gather3A_1141 : vector<16xf32>
        %mul3A_1143 = arith.constant 5.000000e-01 : f32
        %mul3A_1144 = vector.broadcast %mul3A_1143 : f32 to vector<16xf32>
        %mul3A_1145 = arith.mulf %mul3A_1144, %add3A_1142 : vector<16xf32>
        %swap3A_1146 = arith.constant 0 : index
        %swap3A_1147 = tpu.vector_load %arg18[%swap3A_1146] {strides = array<i32>} : memref<80xf32, #tpu.memory_space<vmem>>, vector<16xf32>,
        tpu.vector_store %arg18[%swap3A_1146], %mul3A_1145 {strides = array<i32>} : memref<80xf32, #tpu.memory_space<vmem>>, vector<16xf32>,
        %add3A_1148 = arith.constant 16 : i32
        %add3A_1149 = arith.addi %mul3A_1128, %add3A_1148 : i32
        %get3A_1150 = arith.index_cast %add3A_1149 : i32 to index
        %get3A_1151 = tpu.vector_load %arg5[%get3A_1150] {strides = array<i32>} : memref<2064xf32, #tpu.memory_space<vmem>>, vector<16xf32>,
        %add3A_1152 = arith.constant 16 : i32
        %add3A_1153 = arith.addi %mul3A_1128, %add3A_1152 : i32
        %add3A_1154 = arith.constant 1 : i32
        %add3A_1155 = arith.addi %add3A_1153, %add3A_1154 : i32
        %add3A_1156 = vector.broadcast %add3A_1155 : i32 to vector<16xi32>
        %add3A_1157 = arith.addi %iota3A, %add3A_1156 : vector<16xi32>
        %gather3A_1158 = tpu.vector_load_idx %arg5[%add3A_1157] : memref<2064xf32, #tpu.memory_space<vmem>>[vector<16xi32>], vector<16xf32>,
        %add3A_1159 = arith.addf %get3A_1151, %gather3A_1158 : vector<16xf32>
        %mul3A_1160 = arith.constant 5.000000e-01 : f32
        %mul3A_1161 = vector.broadcast %mul3A_1160 : f32 to vector<16xf32>
        %mul3A_1162 = arith.mulf %mul3A_1161, %add3A_1159 : vector<16xf32>
        %swap3A_1163 = arith.constant 16 : index
        %swap3A_1164 = tpu.vector_load %arg18[%swap3A_1163] {strides = array<i32>} : memref<80xf32, #tpu.memory_space<vmem>>, vector<16xf32>,
        tpu.vector_store %arg18[%swap3A_1163], %mul3A_1162 {strides = array<i32>} : memref<80xf32, #tpu.memory_space<vmem>>, vector<16xf32>,
        %add3A_1165 = arith.constant 32 : i32
        %add3A_1166 = arith.addi %mul3A_1128, %add3A_1165 : i32
        %get3A_1167 = arith.index_cast %add3A_1166 : i32 to index
        %get3A_1168 = tpu.vector_load %arg5[%get3A_1167] {strides = array<i32>} : memref<2064xf32, #tpu.memory_space<vmem>>, vector<16xf32>,
        %add3A_1169 = arith.constant 32 : i32
        %add3A_1170 = arith.addi %mul3A_1128, %add3A_1169 : i32
        %add3A_1171 = arith.constant 1 : i32
        %add3A_1172 = arith.addi %add3A_1170, %add3A_1171 : i32
        %add3A_1173 = vector.broadcast %add3A_1172 : i32 to vector<16xi32>
        %add3A_1174 = arith.addi %iota3A, %add3A_1173 : vector<16xi32>
        %gather3A_1175 = tpu.vector_load_idx %arg5[%add3A_1174] : memref<2064xf32, #tpu.memory_space<vmem>>[vector<16xi32>], vector<16xf32>,
        %add3A_1176 = arith.addf %get3A_1168, %gather3A_1175 : vector<16xf32>
        %mul3A_1177 = arith.constant 5.000000e-01 : f32
        %mul3A_1178 = vector.broadcast %mul3A_1177 : f32 to vector<16xf32>
        %mul3A_1179 = arith.mulf %mul3A_1178, %add3A_1176 : vector<16xf32>
        %swap3A_1180 = arith.constant 32 : index
        %swap3A_1181 = tpu.vector_load %arg18[%swap3A_1180] {strides = array<i32>} : memref<80xf32, #tpu.memory_space<vmem>>, vector<16xf32>,
        tpu.vector_store %arg18[%swap3A_1180], %mul3A_1179 {strides = array<i32>} : memref<80xf32, #tpu.memory_space<vmem>>, vector<16xf32>,
        %add3A_1182 = arith.constant 48 : i32
        %add3A_1183 = arith.addi %mul3A_1128, %add3A_1182 : i32
        %get3A_1184 = arith.index_cast %add3A_1183 : i32 to index
        %get3A_1185 = tpu.vector_load %arg5[%get3A_1184] {strides = array<i32>} : memref<2064xf32, #tpu.memory_space<vmem>>, vector<16xf32>,
        %add3A_1186 = arith.constant 48 : i32
        %add3A_1187 = arith.addi %mul3A_1128, %add3A_1186 : i32
        %add3A_1188 = arith.constant 1 : i32
        %add3A_1189 = arith.addi %add3A_1187, %add3A_1188 : i32
        %add3A_1190 = vector.broadcast %add3A_1189 : i32 to vector<16xi32>
        %add3A_1191 = arith.addi %iota3A, %add3A_1190 : vector<16xi32>
        %gather3A_1192 = tpu.vector_load_idx %arg5[%add3A_1191] : memref<2064xf32, #tpu.memory_space<vmem>>[vector<16xi32>], vector<16xf32>,
        %add3A_1193 = arith.addf %get3A_1185, %gather3A_1192 : vector<16xf32>
        %mul3A_1194 = arith.constant 5.000000e-01 : f32
        %mul3A_1195 = vector.broadcast %mul3A_1194 : f32 to vector<16xf32>
        %mul3A_1196 = arith.mulf %mul3A_1195, %add3A_1193 : vector<16xf32>
        %swap3A_1197 = arith.constant 48 : index
        %swap3A_1198 = tpu.vector_load %arg18[%swap3A_1197] {strides = array<i32>} : memref<80xf32, #tpu.memory_space<vmem>>, vector<16xf32>,
        tpu.vector_store %arg18[%swap3A_1197], %mul3A_1196 {strides = array<i32>} : memref<80xf32, #tpu.memory_space<vmem>>, vector<16xf32>,
        %add3A_1199 = arith.constant 1 : i32
        %add3A_1200 = arith.addi %mul3A_1128, %add3A_1199 : i32
        %add3A_1201 = arith.constant 0 : i32
        %add3A_1202 = arith.addi %add3A_1200, %add3A_1201 : i32
        %add3A_1203 = vector.broadcast %add3A_1202 : i32 to vector<16xi32>
        %add3A_1204 = arith.addi %iota3A, %add3A_1203 : vector<16xi32>
        %gather3A_1205 = tpu.vector_load_idx %arg6[%add3A_1204] : memref<2064xf32, #tpu.memory_space<vmem>>[vector<16xi32>], vector<16xf32>,
        %add3A_1206 = arith.constant 9.99999974E-6 : f32
        %add3A_1207 = vector.broadcast %add3A_1206 : f32 to vector<16xf32>
        %add3A_1208 = arith.addf %gather3A_1205, %add3A_1207 : vector<16xf32>
        %broadcast_in_dim3A_1209 = arith.constant true
        %broadcast_in_dim3A_1210 = vector.broadcast %broadcast_in_dim3A_1209 : i1 to vector<16xi1>
        %masked_cumsum3A_1211 = tpu.scan <sum>, %add3A_1208 masked %broadcast_in_dim3A_1210 : vector<16xf32>, vector<16xi1> -> vector<16xf32>
        %add3A_1212 = arith.addf %masked_cumsum3A_1211, %mul3A_5 : vector<16xf32>
        %broadcast_in_dim3A_1213 = vector.shape_cast %add3A_14 : vector<16xi32> to vector<16x1xi32>
        %gather3A_1214 = vector.shape_cast %broadcast_in_dim3A_1213 : vector<16x1xi32> to vector<16xi32>
        %gather3A_1215 = tpu.dynamic_gather %add3A_1212[%gather3A_1214] in [0] : vector<16xf32>, vector<16xi32> -> vector<16xf32>
        %add3A_1216 = arith.constant 1 : i32
        %add3A_1217 = arith.addi %mul3A_1128, %add3A_1216 : i32
        %add3A_1218 = arith.constant 16 : i32
        %add3A_1219 = arith.addi %add3A_1217, %add3A_1218 : i32
        %add3A_1220 = vector.broadcast %add3A_1219 : i32 to vector<16xi32>
        %add3A_1221 = arith.addi %iota3A, %add3A_1220 : vector<16xi32>
        %gather3A_1222 = tpu.vector_load_idx %arg6[%add3A_1221] : memref<2064xf32, #tpu.memory_space<vmem>>[vector<16xi32>], vector<16xf32>,
        %add3A_1223 = arith.constant 9.99999974E-6 : f32
        %add3A_1224 = vector.broadcast %add3A_1223 : f32 to vector<16xf32>
        %add3A_1225 = arith.addf %gather3A_1222, %add3A_1224 : vector<16xf32>
        %broadcast_in_dim3A_1226 = arith.constant true
        %broadcast_in_dim3A_1227 = vector.broadcast %broadcast_in_dim3A_1226 : i1 to vector<16xi1>
        %masked_cumsum3A_1228 = tpu.scan <sum>, %add3A_1225 masked %broadcast_in_dim3A_1227 : vector<16xf32>, vector<16xi1> -> vector<16xf32>
        %add3A_1229 = arith.addf %masked_cumsum3A_1228, %gather3A_1215 : vector<16xf32>
        %broadcast_in_dim3A_1230 = vector.shape_cast %add3A_14 : vector<16xi32> to vector<16x1xi32>
        %gather3A_1231 = vector.shape_cast %broadcast_in_dim3A_1230 : vector<16x1xi32> to vector<16xi32>
        %gather3A_1232 = tpu.dynamic_gather %add3A_1229[%gather3A_1231] in [0] : vector<16xf32>, vector<16xi32> -> vector<16xf32>
        %add3A_1233 = arith.constant 1 : i32
        %add3A_1234 = arith.addi %mul3A_1128, %add3A_1233 : i32
        %add3A_1235 = arith.constant 32 : i32
        %add3A_1236 = arith.addi %add3A_1234, %add3A_1235 : i32
        %add3A_1237 = vector.broadcast %add3A_1236 : i32 to vector<16xi32>
        %add3A_1238 = arith.addi %iota3A, %add3A_1237 : vector<16xi32>
        %gather3A_1239 = tpu.vector_load_idx %arg6[%add3A_1238] : memref<2064xf32, #tpu.memory_space<vmem>>[vector<16xi32>], vector<16xf32>,
        %add3A_1240 = arith.constant 9.99999974E-6 : f32
        %add3A_1241 = vector.broadcast %add3A_1240 : f32 to vector<16xf32>
        %add3A_1242 = arith.addf %gather3A_1239, %add3A_1241 : vector<16xf32>
        %broadcast_in_dim3A_1243 = arith.constant true
        %broadcast_in_dim3A_1244 = vector.broadcast %broadcast_in_dim3A_1243 : i1 to vector<16xi1>
        %masked_cumsum3A_1245 = tpu.scan <sum>, %add3A_1242 masked %broadcast_in_dim3A_1244 : vector<16xf32>, vector<16xi1> -> vector<16xf32>
        %add3A_1246 = arith.addf %masked_cumsum3A_1245, %gather3A_1232 : vector<16xf32>
        %broadcast_in_dim3A_1247 = vector.shape_cast %add3A_14 : vector<16xi32> to vector<16x1xi32>
        %gather3A_1248 = vector.shape_cast %broadcast_in_dim3A_1247 : vector<16x1xi32> to vector<16xi32>
        %gather3A_1249 = tpu.dynamic_gather %add3A_1246[%gather3A_1248] in [0] : vector<16xf32>, vector<16xi32> -> vector<16xf32>
        %add3A_1250 = arith.constant 1 : i32
        %add3A_1251 = arith.addi %mul3A_1128, %add3A_1250 : i32
        %add3A_1252 = arith.constant 48 : i32
        %add3A_1253 = arith.addi %add3A_1251, %add3A_1252 : i32
        %add3A_1254 = vector.broadcast %add3A_1253 : i32 to vector<16xi32>
        %add3A_1255 = arith.addi %iota3A, %add3A_1254 : vector<16xi32>
        %gather3A_1256 = tpu.vector_load_idx %arg6[%add3A_1255] : memref<2064xf32, #tpu.memory_space<vmem>>[vector<16xi32>], vector<16xf32>,
        %add3A_1257 = arith.constant 9.99999974E-6 : f32
        %add3A_1258 = vector.broadcast %add3A_1257 : f32 to vector<16xf32>
        %add3A_1259 = arith.addf %gather3A_1256, %add3A_1258 : vector<16xf32>
        %jit3A_1260 = arith.constant 0.000000e+00 : f32
        %broadcast_in_dim3A_1261 = vector.broadcast %jit3A_1260 : f32 to vector<16xf32>
        %select_n3A_1262 = arith.select %lt3A_16, %add3A_1259, %broadcast_in_dim3A_1261 : vector<16xi1>, vector<16xf32>
        %broadcast_in_dim3A_1263 = arith.constant true
        %broadcast_in_dim3A_1264 = vector.broadcast %broadcast_in_dim3A_1263 : i1 to vector<16xi1>
        %masked_cumsum3A_1265 = tpu.scan <sum>, %select_n3A_1262 masked %broadcast_in_dim3A_1264 : vector<16xf32>, vector<16xi1> -> vector<16xf32>
        %add3A_1266 = arith.addf %masked_cumsum3A_1265, %gather3A_1249 : vector<16xf32>
        %broadcast_in_dim3A_1267 = vector.shape_cast %add3A_14 : vector<16xi32> to vector<16x1xi32>
        %gather3A_1268 = vector.shape_cast %broadcast_in_dim3A_1267 : vector<16x1xi32> to vector<16xi32>
        %gather3A_1269 = tpu.dynamic_gather %add3A_1266[%gather3A_1268] in [0] : vector<16xf32>, vector<16xi32> -> vector<16xf32>
        %div3A_1270 = arith.divf %add3A_8, %gather3A_1269 : vector<16xf32>
        %mul3A_1271 = arith.mulf %add3A_1212, %div3A_1270 : vector<16xf32>
        %add3A_1272 = arith.constant 1 : i32
        %add3A_1273 = vector.broadcast %add3A_1272 : i32 to vector<16xi32>
        %add3A_1274 = arith.addi %iota3A, %add3A_1273 : vector<16xi32>
        tpu.vector_store_idx %arg17[%add3A_1274], %mul3A_1271 : memref<80xf32, #tpu.memory_space<vmem>>[vector<16xi32>], vector<16xf32>,
        %mul3A_1275 = arith.constant 6.300000e+01 : f32
        %mul3A_1276 = vector.broadcast %mul3A_1275 : f32 to vector<16xf32>
        %mul3A_1277 = arith.mulf %mul3A_1271, %mul3A_1276 : vector<16xf32>
        %convert_element_type3A_1278 = arith.fptosi %mul3A_1277 : vector<16xf32> to vector<16xi32>
        %convert_element_type3A_1279 = arith.sitofp %convert_element_type3A_1278 : vector<16xi32> to vector<16xf32>
        %lt3A_1280 = arith.cmpf olt, %convert_element_type3A_1279, %mul3A_1277 : vector<16xf32>
        %jit3A_1281 = arith.constant 1 : i32
        %jit3A_1282 = arith.constant 0 : i32
        %broadcast_in_dim3A_1283 = vector.broadcast %jit3A_1281 : i32 to vector<16xi32>
        %broadcast_in_dim3A_1284 = vector.broadcast %jit3A_1282 : i32 to vector<16xi32>
        %select_n3A_1285 = arith.select %lt3A_1280, %broadcast_in_dim3A_1283, %broadcast_in_dim3A_1284 : vector<16xi1>, vector<16xi32>
        %add3A_1286 = arith.addi %convert_element_type3A_1278, %select_n3A_1285 : vector<16xi32>
        %min3A_1287 = arith.constant 63 : i32
        %min3A_1288 = vector.broadcast %min3A_1287 : i32 to vector<16xi32>
        %min3A_1289 = arith.minsi %add3A_1286, %min3A_1288 : vector<16xi32>
        %mul3A_1290 = arith.mulf %add3A_1229, %div3A_1270 : vector<16xf32>
        %add3A_1291 = arith.constant 17 : i32
        %add3A_1292 = vector.broadcast %add3A_1291 : i32 to vector<16xi32>
        %add3A_1293 = arith.addi %iota3A, %add3A_1292 : vector<16xi32>
        tpu.vector_store_idx %arg17[%add3A_1293], %mul3A_1290 : memref<80xf32, #tpu.memory_space<vmem>>[vector<16xi32>], vector<16xf32>,
        %mul3A_1294 = arith.constant 6.300000e+01 : f32
        %mul3A_1295 = vector.broadcast %mul3A_1294 : f32 to vector<16xf32>
        %mul3A_1296 = arith.mulf %mul3A_1290, %mul3A_1295 : vector<16xf32>
        %convert_element_type3A_1297 = arith.fptosi %mul3A_1296 : vector<16xf32> to vector<16xi32>
        %convert_element_type3A_1298 = arith.sitofp %convert_element_type3A_1297 : vector<16xi32> to vector<16xf32>
        %lt3A_1299 = arith.cmpf olt, %convert_element_type3A_1298, %mul3A_1296 : vector<16xf32>
        %jit3A_1300 = arith.constant 1 : i32
        %jit3A_1301 = arith.constant 0 : i32
        %broadcast_in_dim3A_1302 = vector.broadcast %jit3A_1300 : i32 to vector<16xi32>
        %broadcast_in_dim3A_1303 = vector.broadcast %jit3A_1301 : i32 to vector<16xi32>
        %select_n3A_1304 = arith.select %lt3A_1299, %broadcast_in_dim3A_1302, %broadcast_in_dim3A_1303 : vector<16xi1>, vector<16xi32>
        %add3A_1305 = arith.addi %convert_element_type3A_1297, %select_n3A_1304 : vector<16xi32>
        %min3A_1306 = arith.constant 63 : i32
        %min3A_1307 = vector.broadcast %min3A_1306 : i32 to vector<16xi32>
        %min3A_1308 = arith.minsi %add3A_1305, %min3A_1307 : vector<16xi32>
        %mul3A_1309 = arith.mulf %add3A_1246, %div3A_1270 : vector<16xf32>
        %add3A_1310 = arith.constant 33 : i32
        %add3A_1311 = vector.broadcast %add3A_1310 : i32 to vector<16xi32>
        %add3A_1312 = arith.addi %iota3A, %add3A_1311 : vector<16xi32>
        tpu.vector_store_idx %arg17[%add3A_1312], %mul3A_1309 : memref<80xf32, #tpu.memory_space<vmem>>[vector<16xi32>], vector<16xf32>,
        %mul3A_1313 = arith.constant 6.300000e+01 : f32
        %mul3A_1314 = vector.broadcast %mul3A_1313 : f32 to vector<16xf32>
        %mul3A_1315 = arith.mulf %mul3A_1309, %mul3A_1314 : vector<16xf32>
        %convert_element_type3A_1316 = arith.fptosi %mul3A_1315 : vector<16xf32> to vector<16xi32>
        %convert_element_type3A_1317 = arith.sitofp %convert_element_type3A_1316 : vector<16xi32> to vector<16xf32>
        %lt3A_1318 = arith.cmpf olt, %convert_element_type3A_1317, %mul3A_1315 : vector<16xf32>
        %jit3A_1319 = arith.constant 1 : i32
        %jit3A_1320 = arith.constant 0 : i32
        %broadcast_in_dim3A_1321 = vector.broadcast %jit3A_1319 : i32 to vector<16xi32>
        %broadcast_in_dim3A_1322 = vector.broadcast %jit3A_1320 : i32 to vector<16xi32>
        %select_n3A_1323 = arith.select %lt3A_1318, %broadcast_in_dim3A_1321, %broadcast_in_dim3A_1322 : vector<16xi1>, vector<16xi32>
        %add3A_1324 = arith.addi %convert_element_type3A_1316, %select_n3A_1323 : vector<16xi32>
        %min3A_1325 = arith.constant 63 : i32
        %min3A_1326 = vector.broadcast %min3A_1325 : i32 to vector<16xi32>
        %min3A_1327 = arith.minsi %add3A_1324, %min3A_1326 : vector<16xi32>
        %mul3A_1328 = arith.mulf %add3A_1266, %div3A_1270 : vector<16xf32>
        %add3A_1329 = arith.constant 49 : i32
        %add3A_1330 = vector.broadcast %add3A_1329 : i32 to vector<16xi32>
        %add3A_1331 = arith.addi %iota3A, %add3A_1330 : vector<16xi32>
        tpu.vector_store_idx %arg17[%add3A_1331], %mul3A_1328 : memref<80xf32, #tpu.memory_space<vmem>>[vector<16xi32>], vector<16xf32>,
        %mul3A_1332 = arith.constant 6.300000e+01 : f32
        %mul3A_1333 = vector.broadcast %mul3A_1332 : f32 to vector<16xf32>
        %mul3A_1334 = arith.mulf %mul3A_1328, %mul3A_1333 : vector<16xf32>
        %convert_element_type3A_1335 = arith.fptosi %mul3A_1334 : vector<16xf32> to vector<16xi32>
        %convert_element_type3A_1336 = arith.sitofp %convert_element_type3A_1335 : vector<16xi32> to vector<16xf32>
        %lt3A_1337 = arith.cmpf olt, %convert_element_type3A_1336, %mul3A_1334 : vector<16xf32>
        %jit3A_1338 = arith.constant 1 : i32
        %jit3A_1339 = arith.constant 0 : i32
        %broadcast_in_dim3A_1340 = vector.broadcast %jit3A_1338 : i32 to vector<16xi32>
        %broadcast_in_dim3A_1341 = vector.broadcast %jit3A_1339 : i32 to vector<16xi32>
        %select_n3A_1342 = arith.select %lt3A_1337, %broadcast_in_dim3A_1340, %broadcast_in_dim3A_1341 : vector<16xi1>, vector<16xi32>
        %add3A_1343 = arith.addi %convert_element_type3A_1335, %select_n3A_1342 : vector<16xi32>
        %min3A_1344 = arith.constant 63 : i32
        %min3A_1345 = vector.broadcast %min3A_1344 : i32 to vector<16xi32>
        %min3A_1346 = arith.minsi %add3A_1343, %min3A_1345 : vector<16xi32>
        tpu.vector_store_idx %arg19[%min3A_1289], %add3A_8 {add = true} : memref<80xf32, #tpu.memory_space<vmem>>[vector<16xi32>], vector<16xf32>,
        tpu.vector_store_idx %arg19[%min3A_1308], %add3A_8 {add = true} : memref<80xf32, #tpu.memory_space<vmem>>[vector<16xi32>], vector<16xf32>,
        tpu.vector_store_idx %arg19[%min3A_1327], %add3A_8 {add = true} : memref<80xf32, #tpu.memory_space<vmem>>[vector<16xi32>], vector<16xf32>,
        tpu.vector_store_idx %arg19[%min3A_1346], %add3A_8 masked %lt3A_16 {add = true} : memref<80xf32, #tpu.memory_space<vmem>>[vector<16xi32>], vector<16xf32>, vector<16xi1>
        %get3A_1347 = arith.constant 0 : index
        %get3A_1348 = tpu.vector_load %arg19[%get3A_1347] {strides = array<i32>} : memref<80xf32, #tpu.memory_space<vmem>>, vector<16xf32>,
        %swap3A_1349 = arith.constant 0 : index
        %swap3A_1350 = tpu.vector_load %arg19[%swap3A_1349] {strides = array<i32>} : memref<80xf32, #tpu.memory_space<vmem>>, vector<16xf32>,
        tpu.vector_store %arg19[%swap3A_1349], %mul3A_5 {strides = array<i32>} : memref<80xf32, #tpu.memory_space<vmem>>, vector<16xf32>,
        %broadcast_in_dim3A_1351 = arith.constant true
        %broadcast_in_dim3A_1352 = vector.broadcast %broadcast_in_dim3A_1351 : i1 to vector<16xi1>
        %masked_cumsum3A_1353 = tpu.scan <sum>, %get3A_1348 masked %broadcast_in_dim3A_1352 : vector<16xf32>, vector<16xi1> -> vector<16xf32>
        %add3A_1354 = arith.addf %masked_cumsum3A_1353, %add3A_8 : vector<16xf32>
        %broadcast_in_dim3A_1355 = vector.shape_cast %add3A_14 : vector<16xi32> to vector<16x1xi32>
        %gather3A_1356 = vector.shape_cast %broadcast_in_dim3A_1355 : vector<16x1xi32> to vector<16xi32>
        %gather3A_1357 = tpu.dynamic_gather %add3A_1354[%gather3A_1356] in [0] : vector<16xf32>, vector<16xi32> -> vector<16xf32>
        %convert_element_type3A_1358 = arith.fptosi %add3A_1354 : vector<16xf32> to vector<16xi32>
        %sub3A_1359 = arith.constant 1 : i32
        %sub3A_1360 = vector.broadcast %sub3A_1359 : i32 to vector<16xi32>
        %sub3A_1361 = arith.subi %convert_element_type3A_1358, %sub3A_1360 : vector<16xi32>
        %gather3A_1362 = tpu.vector_load_idx %arg17[%sub3A_1361] : memref<80xf32, #tpu.memory_space<vmem>>[vector<16xi32>], vector<16xf32>,
        %gather3A_1363 = tpu.vector_load_idx %arg17[%convert_element_type3A_1358] : memref<80xf32, #tpu.memory_space<vmem>>[vector<16xi32>], vector<16xf32>,
        %gather3A_1364 = tpu.vector_load_idx %arg18[%sub3A_1361] : memref<80xf32, #tpu.memory_space<vmem>>[vector<16xi32>], vector<16xf32>,
        %gather3A_1365 = tpu.vector_load_idx %arg18[%convert_element_type3A_1358] : memref<80xf32, #tpu.memory_space<vmem>>[vector<16xi32>], vector<16xf32>,
        %sub3A_1366 = arith.subf %gather3A_1363, %gather3A_1362 : vector<16xf32>
        %lt3A_1367 = arith.constant 9.99999974E-6 : f32
        %lt3A_1368 = vector.broadcast %lt3A_1367 : f32 to vector<16xf32>
        %lt3A_1369 = arith.cmpf olt, %sub3A_1366, %lt3A_1368 : vector<16xf32>
        %jit3A_1370 = arith.constant 1.000000e+00 : f32
        %broadcast_in_dim3A_1371 = vector.broadcast %jit3A_1370 : f32 to vector<16xf32>
        %select_n3A_1372 = arith.select %lt3A_1369, %broadcast_in_dim3A_1371, %sub3A_1366 : vector<16xi1>, vector<16xf32>
        %sub3A_1373 = arith.subf %mul3A_69, %gather3A_1362 : vector<16xf32>
        %div3A_1374 = arith.divf %sub3A_1373, %select_n3A_1372 : vector<16xf32>
        %sub3A_1375 = arith.subf %gather3A_1365, %gather3A_1364 : vector<16xf32>
        %mul3A_1376 = arith.mulf %div3A_1374, %sub3A_1375 : vector<16xf32>
        %add3A_1377 = arith.addf %gather3A_1364, %mul3A_1376 : vector<16xf32>
        %get3A_1378 = arith.constant 16 : index
        %get3A_1379 = tpu.vector_load %arg19[%get3A_1378] {strides = array<i32>} : memref<80xf32, #tpu.memory_space<vmem>>, vector<16xf32>,
        %swap3A_1380 = arith.constant 16 : index
        %swap3A_1381 = tpu.vector_load %arg19[%swap3A_1380] {strides = array<i32>} : memref<80xf32, #tpu.memory_space<vmem>>, vector<16xf32>,
        tpu.vector_store %arg19[%swap3A_1380], %mul3A_5 {strides = array<i32>} : memref<80xf32, #tpu.memory_space<vmem>>, vector<16xf32>,
        %broadcast_in_dim3A_1382 = arith.constant true
        %broadcast_in_dim3A_1383 = vector.broadcast %broadcast_in_dim3A_1382 : i1 to vector<16xi1>
        %masked_cumsum3A_1384 = tpu.scan <sum>, %get3A_1379 masked %broadcast_in_dim3A_1383 : vector<16xf32>, vector<16xi1> -> vector<16xf32>
        %add3A_1385 = arith.addf %masked_cumsum3A_1384, %gather3A_1357 : vector<16xf32>
        %broadcast_in_dim3A_1386 = vector.shape_cast %add3A_14 : vector<16xi32> to vector<16x1xi32>
        %gather3A_1387 = vector.shape_cast %broadcast_in_dim3A_1386 : vector<16x1xi32> to vector<16xi32>
        %gather3A_1388 = tpu.dynamic_gather %add3A_1385[%gather3A_1387] in [0] : vector<16xf32>, vector<16xi32> -> vector<16xf32>
        %convert_element_type3A_1389 = arith.fptosi %add3A_1385 : vector<16xf32> to vector<16xi32>
        %sub3A_1390 = arith.constant 1 : i32
        %sub3A_1391 = vector.broadcast %sub3A_1390 : i32 to vector<16xi32>
        %sub3A_1392 = arith.subi %convert_element_type3A_1389, %sub3A_1391 : vector<16xi32>
        %gather3A_1393 = tpu.vector_load_idx %arg17[%sub3A_1392] : memref<80xf32, #tpu.memory_space<vmem>>[vector<16xi32>], vector<16xf32>,
        %gather3A_1394 = tpu.vector_load_idx %arg17[%convert_element_type3A_1389] : memref<80xf32, #tpu.memory_space<vmem>>[vector<16xi32>], vector<16xf32>,
        %gather3A_1395 = tpu.vector_load_idx %arg18[%sub3A_1392] : memref<80xf32, #tpu.memory_space<vmem>>[vector<16xi32>], vector<16xf32>,
        %gather3A_1396 = tpu.vector_load_idx %arg18[%convert_element_type3A_1389] : memref<80xf32, #tpu.memory_space<vmem>>[vector<16xi32>], vector<16xf32>,
        %sub3A_1397 = arith.subf %gather3A_1394, %gather3A_1393 : vector<16xf32>
        %lt3A_1398 = arith.constant 9.99999974E-6 : f32
        %lt3A_1399 = vector.broadcast %lt3A_1398 : f32 to vector<16xf32>
        %lt3A_1400 = arith.cmpf olt, %sub3A_1397, %lt3A_1399 : vector<16xf32>
        %jit3A_1401 = arith.constant 1.000000e+00 : f32
        %broadcast_in_dim3A_1402 = vector.broadcast %jit3A_1401 : f32 to vector<16xf32>
        %select_n3A_1403 = arith.select %lt3A_1400, %broadcast_in_dim3A_1402, %sub3A_1397 : vector<16xi1>, vector<16xf32>
        %sub3A_1404 = arith.subf %mul3A_75, %gather3A_1393 : vector<16xf32>
        %div3A_1405 = arith.divf %sub3A_1404, %select_n3A_1403 : vector<16xf32>
        %sub3A_1406 = arith.subf %gather3A_1396, %gather3A_1395 : vector<16xf32>
        %mul3A_1407 = arith.mulf %div3A_1405, %sub3A_1406 : vector<16xf32>
        %add3A_1408 = arith.addf %gather3A_1395, %mul3A_1407 : vector<16xf32>
        %get3A_1409 = arith.constant 32 : index
        %get3A_1410 = tpu.vector_load %arg19[%get3A_1409] {strides = array<i32>} : memref<80xf32, #tpu.memory_space<vmem>>, vector<16xf32>,
        %swap3A_1411 = arith.constant 32 : index
        %swap3A_1412 = tpu.vector_load %arg19[%swap3A_1411] {strides = array<i32>} : memref<80xf32, #tpu.memory_space<vmem>>, vector<16xf32>,
        tpu.vector_store %arg19[%swap3A_1411], %mul3A_5 {strides = array<i32>} : memref<80xf32, #tpu.memory_space<vmem>>, vector<16xf32>,
        %broadcast_in_dim3A_1413 = arith.constant true
        %broadcast_in_dim3A_1414 = vector.broadcast %broadcast_in_dim3A_1413 : i1 to vector<16xi1>
        %masked_cumsum3A_1415 = tpu.scan <sum>, %get3A_1410 masked %broadcast_in_dim3A_1414 : vector<16xf32>, vector<16xi1> -> vector<16xf32>
        %add3A_1416 = arith.addf %masked_cumsum3A_1415, %gather3A_1388 : vector<16xf32>
        %broadcast_in_dim3A_1417 = vector.shape_cast %add3A_14 : vector<16xi32> to vector<16x1xi32>
        %gather3A_1418 = vector.shape_cast %broadcast_in_dim3A_1417 : vector<16x1xi32> to vector<16xi32>
        %gather3A_1419 = tpu.dynamic_gather %add3A_1416[%gather3A_1418] in [0] : vector<16xf32>, vector<16xi32> -> vector<16xf32>
        %convert_element_type3A_1420 = arith.fptosi %add3A_1416 : vector<16xf32> to vector<16xi32>
        %sub3A_1421 = arith.constant 1 : i32
        %sub3A_1422 = vector.broadcast %sub3A_1421 : i32 to vector<16xi32>
        %sub3A_1423 = arith.subi %convert_element_type3A_1420, %sub3A_1422 : vector<16xi32>
        %gather3A_1424 = tpu.vector_load_idx %arg17[%sub3A_1423] : memref<80xf32, #tpu.memory_space<vmem>>[vector<16xi32>], vector<16xf32>,
        %gather3A_1425 = tpu.vector_load_idx %arg17[%convert_element_type3A_1420] : memref<80xf32, #tpu.memory_space<vmem>>[vector<16xi32>], vector<16xf32>,
        %gather3A_1426 = tpu.vector_load_idx %arg18[%sub3A_1423] : memref<80xf32, #tpu.memory_space<vmem>>[vector<16xi32>], vector<16xf32>,
        %gather3A_1427 = tpu.vector_load_idx %arg18[%convert_element_type3A_1420] : memref<80xf32, #tpu.memory_space<vmem>>[vector<16xi32>], vector<16xf32>,
        %sub3A_1428 = arith.subf %gather3A_1425, %gather3A_1424 : vector<16xf32>
        %lt3A_1429 = arith.constant 9.99999974E-6 : f32
        %lt3A_1430 = vector.broadcast %lt3A_1429 : f32 to vector<16xf32>
        %lt3A_1431 = arith.cmpf olt, %sub3A_1428, %lt3A_1430 : vector<16xf32>
        %jit3A_1432 = arith.constant 1.000000e+00 : f32
        %broadcast_in_dim3A_1433 = vector.broadcast %jit3A_1432 : f32 to vector<16xf32>
        %select_n3A_1434 = arith.select %lt3A_1431, %broadcast_in_dim3A_1433, %sub3A_1428 : vector<16xi1>, vector<16xf32>
        %sub3A_1435 = arith.subf %mul3A_81, %gather3A_1424 : vector<16xf32>
        %div3A_1436 = arith.divf %sub3A_1435, %select_n3A_1434 : vector<16xf32>
        %sub3A_1437 = arith.subf %gather3A_1427, %gather3A_1426 : vector<16xf32>
        %mul3A_1438 = arith.mulf %div3A_1436, %sub3A_1437 : vector<16xf32>
        %add3A_1439 = arith.addf %gather3A_1426, %mul3A_1438 : vector<16xf32>
        %get3A_1440 = arith.constant 48 : index
        %get3A_1441 = tpu.vector_load %arg19[%get3A_1440] {strides = array<i32>} : memref<80xf32, #tpu.memory_space<vmem>>, vector<16xf32>,
        %swap3A_1442 = arith.constant 48 : index
        %swap3A_1443 = tpu.vector_load %arg19[%swap3A_1442] {strides = array<i32>} : memref<80xf32, #tpu.memory_space<vmem>>, vector<16xf32>,
        tpu.vector_store %arg19[%swap3A_1442], %mul3A_5 {strides = array<i32>} : memref<80xf32, #tpu.memory_space<vmem>>, vector<16xf32>,
        %broadcast_in_dim3A_1444 = arith.constant true
        %broadcast_in_dim3A_1445 = vector.broadcast %broadcast_in_dim3A_1444 : i1 to vector<16xi1>
        %masked_cumsum3A_1446 = tpu.scan <sum>, %get3A_1441 masked %broadcast_in_dim3A_1445 : vector<16xf32>, vector<16xi1> -> vector<16xf32>
        %add3A_1447 = arith.addf %masked_cumsum3A_1446, %gather3A_1419 : vector<16xf32>
        %broadcast_in_dim3A_1448 = vector.shape_cast %add3A_14 : vector<16xi32> to vector<16x1xi32>
        %gather3A_1449 = vector.shape_cast %broadcast_in_dim3A_1448 : vector<16x1xi32> to vector<16xi32>
        %gather3A_1450 = tpu.dynamic_gather %add3A_1447[%gather3A_1449] in [0] : vector<16xf32>, vector<16xi32> -> vector<16xf32>
        %convert_element_type3A_1451 = arith.fptosi %add3A_1447 : vector<16xf32> to vector<16xi32>
        %sub3A_1452 = arith.constant 1 : i32
        %sub3A_1453 = vector.broadcast %sub3A_1452 : i32 to vector<16xi32>
        %sub3A_1454 = arith.subi %convert_element_type3A_1451, %sub3A_1453 : vector<16xi32>
        %gather3A_1455 = tpu.vector_load_idx %arg17[%sub3A_1454] : memref<80xf32, #tpu.memory_space<vmem>>[vector<16xi32>], vector<16xf32>,
        %gather3A_1456 = tpu.vector_load_idx %arg17[%convert_element_type3A_1451] : memref<80xf32, #tpu.memory_space<vmem>>[vector<16xi32>], vector<16xf32>,
        %gather3A_1457 = tpu.vector_load_idx %arg18[%sub3A_1454] : memref<80xf32, #tpu.memory_space<vmem>>[vector<16xi32>], vector<16xf32>,
        %gather3A_1458 = tpu.vector_load_idx %arg18[%convert_element_type3A_1451] : memref<80xf32, #tpu.memory_space<vmem>>[vector<16xi32>], vector<16xf32>,
        %sub3A_1459 = arith.subf %gather3A_1456, %gather3A_1455 : vector<16xf32>
        %lt3A_1460 = arith.constant 9.99999974E-6 : f32
        %lt3A_1461 = vector.broadcast %lt3A_1460 : f32 to vector<16xf32>
        %lt3A_1462 = arith.cmpf olt, %sub3A_1459, %lt3A_1461 : vector<16xf32>
        %jit3A_1463 = arith.constant 1.000000e+00 : f32
        %broadcast_in_dim3A_1464 = vector.broadcast %jit3A_1463 : f32 to vector<16xf32>
        %select_n3A_1465 = arith.select %lt3A_1462, %broadcast_in_dim3A_1464, %sub3A_1459 : vector<16xi1>, vector<16xf32>
        %sub3A_1466 = arith.subf %mul3A_87, %gather3A_1455 : vector<16xf32>
        %div3A_1467 = arith.divf %sub3A_1466, %select_n3A_1465 : vector<16xf32>
        %sub3A_1468 = arith.subf %gather3A_1458, %gather3A_1457 : vector<16xf32>
        %mul3A_1469 = arith.mulf %div3A_1467, %sub3A_1468 : vector<16xf32>
        %add3A_1470 = arith.addf %gather3A_1457, %mul3A_1469 : vector<16xf32>
        %rev3A_1471 = arith.constant 15 : i32
        %rev3A_1472 = vector.broadcast %rev3A_1471 : i32 to vector<16xi32>
        %rev3A_1473 = tpu.iota {dimensions = array<i32: 0>} : vector<16xi32>
        %rev3A_1474 = arith.subi %rev3A_1472, %rev3A_1473 : vector<16xi32>
        %rev3A_1475 = tpu.dynamic_gather %add3A_1470[%rev3A_1474] in [0] : vector<16xf32>, vector<16xi32> -> vector<16xf32>
        %rev3A_1476 = arith.constant 15 : i32
        %rev3A_1477 = vector.broadcast %rev3A_1476 : i32 to vector<16xi32>
        %rev3A_1478 = tpu.iota {dimensions = array<i32: 0>} : vector<16xi32>
        %rev3A_1479 = arith.subi %rev3A_1477, %rev3A_1478 : vector<16xi32>
        %rev3A_1480 = tpu.dynamic_gather %add3A_1439[%rev3A_1479] in [0] : vector<16xf32>, vector<16xi32> -> vector<16xf32>
        %rev3A_1481 = arith.constant 15 : i32
        %rev3A_1482 = vector.broadcast %rev3A_1481 : i32 to vector<16xi32>
        %rev3A_1483 = tpu.iota {dimensions = array<i32: 0>} : vector<16xi32>
        %rev3A_1484 = arith.subi %rev3A_1482, %rev3A_1483 : vector<16xi32>
        %rev3A_1485 = tpu.dynamic_gather %add3A_1408[%rev3A_1484] in [0] : vector<16xf32>, vector<16xi32> -> vector<16xf32>
        %rev3A_1486 = arith.constant 15 : i32
        %rev3A_1487 = vector.broadcast %rev3A_1486 : i32 to vector<16xi32>
        %rev3A_1488 = tpu.iota {dimensions = array<i32: 0>} : vector<16xi32>
        %rev3A_1489 = arith.subi %rev3A_1487, %rev3A_1488 : vector<16xi32>
        %rev3A_1490 = tpu.dynamic_gather %add3A_1377[%rev3A_1489] in [0] : vector<16xf32>, vector<16xi32> -> vector<16xf32>
        %min3A_1491 = arith.minimumf %get3A_1134, %rev3A_1475 : vector<16xf32>
        %min3A_1492 = arith.minimumf %get3A_1151, %rev3A_1480 : vector<16xf32>
        %min3A_1493 = arith.minimumf %get3A_1168, %rev3A_1485 : vector<16xf32>
        %min3A_1494 = arith.minimumf %get3A_1185, %rev3A_1490 : vector<16xf32>
        %max3A_1495 = arith.maximumf %get3A_1134, %rev3A_1475 : vector<16xf32>
        %max3A_1496 = arith.maximumf %get3A_1151, %rev3A_1480 : vector<16xf32>
        %max3A_1497 = arith.maximumf %get3A_1168, %rev3A_1485 : vector<16xf32>
        %max3A_1498 = arith.maximumf %get3A_1185, %rev3A_1490 : vector<16xf32>
        %min3A_1499 = arith.minimumf %min3A_1491, %min3A_1493 : vector<16xf32>
        %max3A_1500 = arith.maximumf %min3A_1491, %min3A_1493 : vector<16xf32>
        %min3A_1501 = arith.minimumf %min3A_1492, %min3A_1494 : vector<16xf32>
        %max3A_1502 = arith.maximumf %min3A_1492, %min3A_1494 : vector<16xf32>
        %min3A_1503 = arith.minimumf %max3A_1495, %max3A_1497 : vector<16xf32>
        %max3A_1504 = arith.maximumf %max3A_1495, %max3A_1497 : vector<16xf32>
        %min3A_1505 = arith.minimumf %max3A_1496, %max3A_1498 : vector<16xf32>
        %max3A_1506 = arith.maximumf %max3A_1496, %max3A_1498 : vector<16xf32>
        %min3A_1507 = arith.minimumf %min3A_1499, %min3A_1501 : vector<16xf32>
        %max3A_1508 = arith.maximumf %min3A_1499, %min3A_1501 : vector<16xf32>
        %min3A_1509 = arith.minimumf %max3A_1500, %max3A_1502 : vector<16xf32>
        %max3A_1510 = arith.maximumf %max3A_1500, %max3A_1502 : vector<16xf32>
        %min3A_1511 = arith.minimumf %min3A_1503, %min3A_1505 : vector<16xf32>
        %max3A_1512 = arith.maximumf %min3A_1503, %min3A_1505 : vector<16xf32>
        %min3A_1513 = arith.minimumf %max3A_1504, %max3A_1506 : vector<16xf32>
        %max3A_1514 = arith.maximumf %max3A_1504, %max3A_1506 : vector<16xf32>
        %sort3A_1515 = arith.constant dense<true> : vector<16xi1>
        %sort3A_1516, %sort3A_1517, %sort3A_1518 = tpu.sort %min3A_1507, %min3A_1507 masked %sort3A_1515 : (vector<16xf32>, vector<16xf32>, vector<16xi1>) -> (vector<16xi1>, vector<16xf32>, vector<16xf32>)
        %add3A_1519 = arith.constant 0 : i32
        %add3A_1520 = arith.addi %mul3A_1130, %add3A_1519 : i32
        %swap3A_1521 = arith.index_cast %add3A_1520 : i32 to index
        %swap3A_1522 = tpu.vector_load %arg9[%swap3A_1521] {strides = array<i32>} : memref<4096xf32, #tpu.memory_space<vmem>>, vector<16xf32>,
        tpu.vector_store %arg9[%swap3A_1521], %sort3A_1517 {strides = array<i32>} : memref<4096xf32, #tpu.memory_space<vmem>>, vector<16xf32>,
        %sort3A_1523 = arith.constant dense<true> : vector<16xi1>
        %sort3A_1524, %sort3A_1525, %sort3A_1526 = tpu.sort %max3A_1508, %max3A_1508 masked %sort3A_1523 : (vector<16xf32>, vector<16xf32>, vector<16xi1>) -> (vector<16xi1>, vector<16xf32>, vector<16xf32>)
        %add3A_1527 = arith.constant 16 : i32
        %add3A_1528 = arith.addi %mul3A_1130, %add3A_1527 : i32
        %swap3A_1529 = arith.index_cast %add3A_1528 : i32 to index
        %swap3A_1530 = tpu.vector_load %arg9[%swap3A_1529] {strides = array<i32>} : memref<4096xf32, #tpu.memory_space<vmem>>, vector<16xf32>,
        tpu.vector_store %arg9[%swap3A_1529], %sort3A_1525 {strides = array<i32>} : memref<4096xf32, #tpu.memory_space<vmem>>, vector<16xf32>,
        %sort3A_1531 = arith.constant dense<true> : vector<16xi1>
        %sort3A_1532, %sort3A_1533, %sort3A_1534 = tpu.sort %min3A_1509, %min3A_1509 masked %sort3A_1531 : (vector<16xf32>, vector<16xf32>, vector<16xi1>) -> (vector<16xi1>, vector<16xf32>, vector<16xf32>)
        %add3A_1535 = arith.constant 32 : i32
        %add3A_1536 = arith.addi %mul3A_1130, %add3A_1535 : i32
        %swap3A_1537 = arith.index_cast %add3A_1536 : i32 to index
        %swap3A_1538 = tpu.vector_load %arg9[%swap3A_1537] {strides = array<i32>} : memref<4096xf32, #tpu.memory_space<vmem>>, vector<16xf32>,
        tpu.vector_store %arg9[%swap3A_1537], %sort3A_1533 {strides = array<i32>} : memref<4096xf32, #tpu.memory_space<vmem>>, vector<16xf32>,
        %sort3A_1539 = arith.constant dense<true> : vector<16xi1>
        %sort3A_1540, %sort3A_1541, %sort3A_1542 = tpu.sort %max3A_1510, %max3A_1510 masked %sort3A_1539 : (vector<16xf32>, vector<16xf32>, vector<16xi1>) -> (vector<16xi1>, vector<16xf32>, vector<16xf32>)
        %add3A_1543 = arith.constant 48 : i32
        %add3A_1544 = arith.addi %mul3A_1130, %add3A_1543 : i32
        %swap3A_1545 = arith.index_cast %add3A_1544 : i32 to index
        %swap3A_1546 = tpu.vector_load %arg9[%swap3A_1545] {strides = array<i32>} : memref<4096xf32, #tpu.memory_space<vmem>>, vector<16xf32>,
        tpu.vector_store %arg9[%swap3A_1545], %sort3A_1541 {strides = array<i32>} : memref<4096xf32, #tpu.memory_space<vmem>>, vector<16xf32>,
        %sort3A_1547 = arith.constant dense<true> : vector<16xi1>
        %sort3A_1548, %sort3A_1549, %sort3A_1550 = tpu.sort %min3A_1511, %min3A_1511 masked %sort3A_1547 : (vector<16xf32>, vector<16xf32>, vector<16xi1>) -> (vector<16xi1>, vector<16xf32>, vector<16xf32>)
        %add3A_1551 = arith.constant 64 : i32
        %add3A_1552 = arith.addi %mul3A_1130, %add3A_1551 : i32
        %swap3A_1553 = arith.index_cast %add3A_1552 : i32 to index
        %swap3A_1554 = tpu.vector_load %arg9[%swap3A_1553] {strides = array<i32>} : memref<4096xf32, #tpu.memory_space<vmem>>, vector<16xf32>,
        tpu.vector_store %arg9[%swap3A_1553], %sort3A_1549 {strides = array<i32>} : memref<4096xf32, #tpu.memory_space<vmem>>, vector<16xf32>,
        %sort3A_1555 = arith.constant dense<true> : vector<16xi1>
        %sort3A_1556, %sort3A_1557, %sort3A_1558 = tpu.sort %max3A_1512, %max3A_1512 masked %sort3A_1555 : (vector<16xf32>, vector<16xf32>, vector<16xi1>) -> (vector<16xi1>, vector<16xf32>, vector<16xf32>)
        %add3A_1559 = arith.constant 80 : i32
        %add3A_1560 = arith.addi %mul3A_1130, %add3A_1559 : i32
        %swap3A_1561 = arith.index_cast %add3A_1560 : i32 to index
        %swap3A_1562 = tpu.vector_load %arg9[%swap3A_1561] {strides = array<i32>} : memref<4096xf32, #tpu.memory_space<vmem>>, vector<16xf32>,
        tpu.vector_store %arg9[%swap3A_1561], %sort3A_1557 {strides = array<i32>} : memref<4096xf32, #tpu.memory_space<vmem>>, vector<16xf32>,
        %sort3A_1563 = arith.constant dense<true> : vector<16xi1>
        %sort3A_1564, %sort3A_1565, %sort3A_1566 = tpu.sort %min3A_1513, %min3A_1513 masked %sort3A_1563 : (vector<16xf32>, vector<16xf32>, vector<16xi1>) -> (vector<16xi1>, vector<16xf32>, vector<16xf32>)
        %add3A_1567 = arith.constant 96 : i32
        %add3A_1568 = arith.addi %mul3A_1130, %add3A_1567 : i32
        %swap3A_1569 = arith.index_cast %add3A_1568 : i32 to index
        %swap3A_1570 = tpu.vector_load %arg9[%swap3A_1569] {strides = array<i32>} : memref<4096xf32, #tpu.memory_space<vmem>>, vector<16xf32>,
        tpu.vector_store %arg9[%swap3A_1569], %sort3A_1565 {strides = array<i32>} : memref<4096xf32, #tpu.memory_space<vmem>>, vector<16xf32>,
        %sort3A_1571 = arith.constant dense<true> : vector<16xi1>
        %sort3A_1572, %sort3A_1573, %sort3A_1574 = tpu.sort %max3A_1514, %max3A_1514 masked %sort3A_1571 : (vector<16xf32>, vector<16xf32>, vector<16xi1>) -> (vector<16xi1>, vector<16xf32>, vector<16xf32>)
        %add3A_1575 = arith.constant 112 : i32
        %add3A_1576 = arith.addi %mul3A_1130, %add3A_1575 : i32
        %swap3A_1577 = arith.index_cast %add3A_1576 : i32 to index
        %swap3A_1578 = tpu.vector_load %arg9[%swap3A_1577] {strides = array<i32>} : memref<4096xf32, #tpu.memory_space<vmem>>, vector<16xf32>,
        tpu.vector_store %arg9[%swap3A_1577], %sort3A_1573 {strides = array<i32>} : memref<4096xf32, #tpu.memory_space<vmem>>, vector<16xf32>,
        %mul3A_1579 = arith.constant 4 : i32
        %mul3A_1580 = arith.muli %mul3A_1579, %scan3A_221 : i32
        %add3A_1581 = arith.constant 3 : i32
        %add3A_1582 = arith.addi %mul3A_1580, %add3A_1581 : i32
        %mul3A_1583 = arith.constant 64 : i32
        %mul3A_1584 = arith.muli %add3A_1582, %mul3A_1583 : i32
        %mul3A_1585 = arith.constant 128 : i32
        %mul3A_1586 = arith.muli %add3A_1582, %mul3A_1585 : i32
        %add3A_1587 = arith.constant 0 : i32
        %add3A_1588 = arith.addi %mul3A_1584, %add3A_1587 : i32
        %get3A_1589 = arith.index_cast %add3A_1588 : i32 to index
        %get3A_1590 = tpu.vector_load %arg5[%get3A_1589] {strides = array<i32>} : memref<2064xf32, #tpu.memory_space<vmem>>, vector<16xf32>,
        %add3A_1591 = arith.constant 0 : i32
        %add3A_1592 = arith.addi %mul3A_1584, %add3A_1591 : i32
        %add3A_1593 = arith.constant 1 : i32
        %add3A_1594 = arith.addi %add3A_1592, %add3A_1593 : i32
        %add3A_1595 = vector.broadcast %add3A_1594 : i32 to vector<16xi32>
        %add3A_1596 = arith.addi %iota3A, %add3A_1595 : vector<16xi32>
        %gather3A_1597 = tpu.vector_load_idx %arg5[%add3A_1596] : memref<2064xf32, #tpu.memory_space<vmem>>[vector<16xi32>], vector<16xf32>,
        %add3A_1598 = arith.addf %get3A_1590, %gather3A_1597 : vector<16xf32>
        %mul3A_1599 = arith.constant 5.000000e-01 : f32
        %mul3A_1600 = vector.broadcast %mul3A_1599 : f32 to vector<16xf32>
        %mul3A_1601 = arith.mulf %mul3A_1600, %add3A_1598 : vector<16xf32>
        %swap3A_1602 = arith.constant 0 : index
        %swap3A_1603 = tpu.vector_load %arg21[%swap3A_1602] {strides = array<i32>} : memref<80xf32, #tpu.memory_space<vmem>>, vector<16xf32>,
        tpu.vector_store %arg21[%swap3A_1602], %mul3A_1601 {strides = array<i32>} : memref<80xf32, #tpu.memory_space<vmem>>, vector<16xf32>,
        %add3A_1604 = arith.constant 16 : i32
        %add3A_1605 = arith.addi %mul3A_1584, %add3A_1604 : i32
        %get3A_1606 = arith.index_cast %add3A_1605 : i32 to index
        %get3A_1607 = tpu.vector_load %arg5[%get3A_1606] {strides = array<i32>} : memref<2064xf32, #tpu.memory_space<vmem>>, vector<16xf32>,
        %add3A_1608 = arith.constant 16 : i32
        %add3A_1609 = arith.addi %mul3A_1584, %add3A_1608 : i32
        %add3A_1610 = arith.constant 1 : i32
        %add3A_1611 = arith.addi %add3A_1609, %add3A_1610 : i32
        %add3A_1612 = vector.broadcast %add3A_1611 : i32 to vector<16xi32>
        %add3A_1613 = arith.addi %iota3A, %add3A_1612 : vector<16xi32>
        %gather3A_1614 = tpu.vector_load_idx %arg5[%add3A_1613] : memref<2064xf32, #tpu.memory_space<vmem>>[vector<16xi32>], vector<16xf32>,
        %add3A_1615 = arith.addf %get3A_1607, %gather3A_1614 : vector<16xf32>
        %mul3A_1616 = arith.constant 5.000000e-01 : f32
        %mul3A_1617 = vector.broadcast %mul3A_1616 : f32 to vector<16xf32>
        %mul3A_1618 = arith.mulf %mul3A_1617, %add3A_1615 : vector<16xf32>
        %swap3A_1619 = arith.constant 16 : index
        %swap3A_1620 = tpu.vector_load %arg21[%swap3A_1619] {strides = array<i32>} : memref<80xf32, #tpu.memory_space<vmem>>, vector<16xf32>,
        tpu.vector_store %arg21[%swap3A_1619], %mul3A_1618 {strides = array<i32>} : memref<80xf32, #tpu.memory_space<vmem>>, vector<16xf32>,
        %add3A_1621 = arith.constant 32 : i32
        %add3A_1622 = arith.addi %mul3A_1584, %add3A_1621 : i32
        %get3A_1623 = arith.index_cast %add3A_1622 : i32 to index
        %get3A_1624 = tpu.vector_load %arg5[%get3A_1623] {strides = array<i32>} : memref<2064xf32, #tpu.memory_space<vmem>>, vector<16xf32>,
        %add3A_1625 = arith.constant 32 : i32
        %add3A_1626 = arith.addi %mul3A_1584, %add3A_1625 : i32
        %add3A_1627 = arith.constant 1 : i32
        %add3A_1628 = arith.addi %add3A_1626, %add3A_1627 : i32
        %add3A_1629 = vector.broadcast %add3A_1628 : i32 to vector<16xi32>
        %add3A_1630 = arith.addi %iota3A, %add3A_1629 : vector<16xi32>
        %gather3A_1631 = tpu.vector_load_idx %arg5[%add3A_1630] : memref<2064xf32, #tpu.memory_space<vmem>>[vector<16xi32>], vector<16xf32>,
        %add3A_1632 = arith.addf %get3A_1624, %gather3A_1631 : vector<16xf32>
        %mul3A_1633 = arith.constant 5.000000e-01 : f32
        %mul3A_1634 = vector.broadcast %mul3A_1633 : f32 to vector<16xf32>
        %mul3A_1635 = arith.mulf %mul3A_1634, %add3A_1632 : vector<16xf32>
        %swap3A_1636 = arith.constant 32 : index
        %swap3A_1637 = tpu.vector_load %arg21[%swap3A_1636] {strides = array<i32>} : memref<80xf32, #tpu.memory_space<vmem>>, vector<16xf32>,
        tpu.vector_store %arg21[%swap3A_1636], %mul3A_1635 {strides = array<i32>} : memref<80xf32, #tpu.memory_space<vmem>>, vector<16xf32>,
        %add3A_1638 = arith.constant 48 : i32
        %add3A_1639 = arith.addi %mul3A_1584, %add3A_1638 : i32
        %get3A_1640 = arith.index_cast %add3A_1639 : i32 to index
        %get3A_1641 = tpu.vector_load %arg5[%get3A_1640] {strides = array<i32>} : memref<2064xf32, #tpu.memory_space<vmem>>, vector<16xf32>,
        %add3A_1642 = arith.constant 48 : i32
        %add3A_1643 = arith.addi %mul3A_1584, %add3A_1642 : i32
        %add3A_1644 = arith.constant 1 : i32
        %add3A_1645 = arith.addi %add3A_1643, %add3A_1644 : i32
        %add3A_1646 = vector.broadcast %add3A_1645 : i32 to vector<16xi32>
        %add3A_1647 = arith.addi %iota3A, %add3A_1646 : vector<16xi32>
        %gather3A_1648 = tpu.vector_load_idx %arg5[%add3A_1647] : memref<2064xf32, #tpu.memory_space<vmem>>[vector<16xi32>], vector<16xf32>,
        %add3A_1649 = arith.addf %get3A_1641, %gather3A_1648 : vector<16xf32>
        %mul3A_1650 = arith.constant 5.000000e-01 : f32
        %mul3A_1651 = vector.broadcast %mul3A_1650 : f32 to vector<16xf32>
        %mul3A_1652 = arith.mulf %mul3A_1651, %add3A_1649 : vector<16xf32>
        %swap3A_1653 = arith.constant 48 : index
        %swap3A_1654 = tpu.vector_load %arg21[%swap3A_1653] {strides = array<i32>} : memref<80xf32, #tpu.memory_space<vmem>>, vector<16xf32>,
        tpu.vector_store %arg21[%swap3A_1653], %mul3A_1652 {strides = array<i32>} : memref<80xf32, #tpu.memory_space<vmem>>, vector<16xf32>,
        %add3A_1655 = arith.constant 1 : i32
        %add3A_1656 = arith.addi %mul3A_1584, %add3A_1655 : i32
        %add3A_1657 = arith.constant 0 : i32
        %add3A_1658 = arith.addi %add3A_1656, %add3A_1657 : i32
        %add3A_1659 = vector.broadcast %add3A_1658 : i32 to vector<16xi32>
        %add3A_1660 = arith.addi %iota3A, %add3A_1659 : vector<16xi32>
        %gather3A_1661 = tpu.vector_load_idx %arg6[%add3A_1660] : memref<2064xf32, #tpu.memory_space<vmem>>[vector<16xi32>], vector<16xf32>,
        %add3A_1662 = arith.constant 9.99999974E-6 : f32
        %add3A_1663 = vector.broadcast %add3A_1662 : f32 to vector<16xf32>
        %add3A_1664 = arith.addf %gather3A_1661, %add3A_1663 : vector<16xf32>
        %broadcast_in_dim3A_1665 = arith.constant true
        %broadcast_in_dim3A_1666 = vector.broadcast %broadcast_in_dim3A_1665 : i1 to vector<16xi1>
        %masked_cumsum3A_1667 = tpu.scan <sum>, %add3A_1664 masked %broadcast_in_dim3A_1666 : vector<16xf32>, vector<16xi1> -> vector<16xf32>
        %add3A_1668 = arith.addf %masked_cumsum3A_1667, %mul3A_5 : vector<16xf32>
        %broadcast_in_dim3A_1669 = vector.shape_cast %add3A_14 : vector<16xi32> to vector<16x1xi32>
        %gather3A_1670 = vector.shape_cast %broadcast_in_dim3A_1669 : vector<16x1xi32> to vector<16xi32>
        %gather3A_1671 = tpu.dynamic_gather %add3A_1668[%gather3A_1670] in [0] : vector<16xf32>, vector<16xi32> -> vector<16xf32>
        %add3A_1672 = arith.constant 1 : i32
        %add3A_1673 = arith.addi %mul3A_1584, %add3A_1672 : i32
        %add3A_1674 = arith.constant 16 : i32
        %add3A_1675 = arith.addi %add3A_1673, %add3A_1674 : i32
        %add3A_1676 = vector.broadcast %add3A_1675 : i32 to vector<16xi32>
        %add3A_1677 = arith.addi %iota3A, %add3A_1676 : vector<16xi32>
        %gather3A_1678 = tpu.vector_load_idx %arg6[%add3A_1677] : memref<2064xf32, #tpu.memory_space<vmem>>[vector<16xi32>], vector<16xf32>,
        %add3A_1679 = arith.constant 9.99999974E-6 : f32
        %add3A_1680 = vector.broadcast %add3A_1679 : f32 to vector<16xf32>
        %add3A_1681 = arith.addf %gather3A_1678, %add3A_1680 : vector<16xf32>
        %broadcast_in_dim3A_1682 = arith.constant true
        %broadcast_in_dim3A_1683 = vector.broadcast %broadcast_in_dim3A_1682 : i1 to vector<16xi1>
        %masked_cumsum3A_1684 = tpu.scan <sum>, %add3A_1681 masked %broadcast_in_dim3A_1683 : vector<16xf32>, vector<16xi1> -> vector<16xf32>
        %add3A_1685 = arith.addf %masked_cumsum3A_1684, %gather3A_1671 : vector<16xf32>
        %broadcast_in_dim3A_1686 = vector.shape_cast %add3A_14 : vector<16xi32> to vector<16x1xi32>
        %gather3A_1687 = vector.shape_cast %broadcast_in_dim3A_1686 : vector<16x1xi32> to vector<16xi32>
        %gather3A_1688 = tpu.dynamic_gather %add3A_1685[%gather3A_1687] in [0] : vector<16xf32>, vector<16xi32> -> vector<16xf32>
        %add3A_1689 = arith.constant 1 : i32
        %add3A_1690 = arith.addi %mul3A_1584, %add3A_1689 : i32
        %add3A_1691 = arith.constant 32 : i32
        %add3A_1692 = arith.addi %add3A_1690, %add3A_1691 : i32
        %add3A_1693 = vector.broadcast %add3A_1692 : i32 to vector<16xi32>
        %add3A_1694 = arith.addi %iota3A, %add3A_1693 : vector<16xi32>
        %gather3A_1695 = tpu.vector_load_idx %arg6[%add3A_1694] : memref<2064xf32, #tpu.memory_space<vmem>>[vector<16xi32>], vector<16xf32>,
        %add3A_1696 = arith.constant 9.99999974E-6 : f32
        %add3A_1697 = vector.broadcast %add3A_1696 : f32 to vector<16xf32>
        %add3A_1698 = arith.addf %gather3A_1695, %add3A_1697 : vector<16xf32>
        %broadcast_in_dim3A_1699 = arith.constant true
        %broadcast_in_dim3A_1700 = vector.broadcast %broadcast_in_dim3A_1699 : i1 to vector<16xi1>
        %masked_cumsum3A_1701 = tpu.scan <sum>, %add3A_1698 masked %broadcast_in_dim3A_1700 : vector<16xf32>, vector<16xi1> -> vector<16xf32>
        %add3A_1702 = arith.addf %masked_cumsum3A_1701, %gather3A_1688 : vector<16xf32>
        %broadcast_in_dim3A_1703 = vector.shape_cast %add3A_14 : vector<16xi32> to vector<16x1xi32>
        %gather3A_1704 = vector.shape_cast %broadcast_in_dim3A_1703 : vector<16x1xi32> to vector<16xi32>
        %gather3A_1705 = tpu.dynamic_gather %add3A_1702[%gather3A_1704] in [0] : vector<16xf32>, vector<16xi32> -> vector<16xf32>
        %add3A_1706 = arith.constant 1 : i32
        %add3A_1707 = arith.addi %mul3A_1584, %add3A_1706 : i32
        %add3A_1708 = arith.constant 48 : i32
        %add3A_1709 = arith.addi %add3A_1707, %add3A_1708 : i32
        %add3A_1710 = vector.broadcast %add3A_1709 : i32 to vector<16xi32>
        %add3A_1711 = arith.addi %iota3A, %add3A_1710 : vector<16xi32>
        %gather3A_1712 = tpu.vector_load_idx %arg6[%add3A_1711] : memref<2064xf32, #tpu.memory_space<vmem>>[vector<16xi32>], vector<16xf32>,
        %add3A_1713 = arith.constant 9.99999974E-6 : f32
        %add3A_1714 = vector.broadcast %add3A_1713 : f32 to vector<16xf32>
        %add3A_1715 = arith.addf %gather3A_1712, %add3A_1714 : vector<16xf32>
        %jit3A_1716 = arith.constant 0.000000e+00 : f32
        %broadcast_in_dim3A_1717 = vector.broadcast %jit3A_1716 : f32 to vector<16xf32>
        %select_n3A_1718 = arith.select %lt3A_16, %add3A_1715, %broadcast_in_dim3A_1717 : vector<16xi1>, vector<16xf32>
        %broadcast_in_dim3A_1719 = arith.constant true
        %broadcast_in_dim3A_1720 = vector.broadcast %broadcast_in_dim3A_1719 : i1 to vector<16xi1>
        %masked_cumsum3A_1721 = tpu.scan <sum>, %select_n3A_1718 masked %broadcast_in_dim3A_1720 : vector<16xf32>, vector<16xi1> -> vector<16xf32>
        %add3A_1722 = arith.addf %masked_cumsum3A_1721, %gather3A_1705 : vector<16xf32>
        %broadcast_in_dim3A_1723 = vector.shape_cast %add3A_14 : vector<16xi32> to vector<16x1xi32>
        %gather3A_1724 = vector.shape_cast %broadcast_in_dim3A_1723 : vector<16x1xi32> to vector<16xi32>
        %gather3A_1725 = tpu.dynamic_gather %add3A_1722[%gather3A_1724] in [0] : vector<16xf32>, vector<16xi32> -> vector<16xf32>
        %div3A_1726 = arith.divf %add3A_8, %gather3A_1725 : vector<16xf32>
        %mul3A_1727 = arith.mulf %add3A_1668, %div3A_1726 : vector<16xf32>
        %add3A_1728 = arith.constant 1 : i32
        %add3A_1729 = vector.broadcast %add3A_1728 : i32 to vector<16xi32>
        %add3A_1730 = arith.addi %iota3A, %add3A_1729 : vector<16xi32>
        tpu.vector_store_idx %arg20[%add3A_1730], %mul3A_1727 : memref<80xf32, #tpu.memory_space<vmem>>[vector<16xi32>], vector<16xf32>,
        %mul3A_1731 = arith.constant 6.300000e+01 : f32
        %mul3A_1732 = vector.broadcast %mul3A_1731 : f32 to vector<16xf32>
        %mul3A_1733 = arith.mulf %mul3A_1727, %mul3A_1732 : vector<16xf32>
        %convert_element_type3A_1734 = arith.fptosi %mul3A_1733 : vector<16xf32> to vector<16xi32>
        %convert_element_type3A_1735 = arith.sitofp %convert_element_type3A_1734 : vector<16xi32> to vector<16xf32>
        %lt3A_1736 = arith.cmpf olt, %convert_element_type3A_1735, %mul3A_1733 : vector<16xf32>
        %jit3A_1737 = arith.constant 1 : i32
        %jit3A_1738 = arith.constant 0 : i32
        %broadcast_in_dim3A_1739 = vector.broadcast %jit3A_1737 : i32 to vector<16xi32>
        %broadcast_in_dim3A_1740 = vector.broadcast %jit3A_1738 : i32 to vector<16xi32>
        %select_n3A_1741 = arith.select %lt3A_1736, %broadcast_in_dim3A_1739, %broadcast_in_dim3A_1740 : vector<16xi1>, vector<16xi32>
        %add3A_1742 = arith.addi %convert_element_type3A_1734, %select_n3A_1741 : vector<16xi32>
        %min3A_1743 = arith.constant 63 : i32
        %min3A_1744 = vector.broadcast %min3A_1743 : i32 to vector<16xi32>
        %min3A_1745 = arith.minsi %add3A_1742, %min3A_1744 : vector<16xi32>
        %mul3A_1746 = arith.mulf %add3A_1685, %div3A_1726 : vector<16xf32>
        %add3A_1747 = arith.constant 17 : i32
        %add3A_1748 = vector.broadcast %add3A_1747 : i32 to vector<16xi32>
        %add3A_1749 = arith.addi %iota3A, %add3A_1748 : vector<16xi32>
        tpu.vector_store_idx %arg20[%add3A_1749], %mul3A_1746 : memref<80xf32, #tpu.memory_space<vmem>>[vector<16xi32>], vector<16xf32>,
        %mul3A_1750 = arith.constant 6.300000e+01 : f32
        %mul3A_1751 = vector.broadcast %mul3A_1750 : f32 to vector<16xf32>
        %mul3A_1752 = arith.mulf %mul3A_1746, %mul3A_1751 : vector<16xf32>
        %convert_element_type3A_1753 = arith.fptosi %mul3A_1752 : vector<16xf32> to vector<16xi32>
        %convert_element_type3A_1754 = arith.sitofp %convert_element_type3A_1753 : vector<16xi32> to vector<16xf32>
        %lt3A_1755 = arith.cmpf olt, %convert_element_type3A_1754, %mul3A_1752 : vector<16xf32>
        %jit3A_1756 = arith.constant 1 : i32
        %jit3A_1757 = arith.constant 0 : i32
        %broadcast_in_dim3A_1758 = vector.broadcast %jit3A_1756 : i32 to vector<16xi32>
        %broadcast_in_dim3A_1759 = vector.broadcast %jit3A_1757 : i32 to vector<16xi32>
        %select_n3A_1760 = arith.select %lt3A_1755, %broadcast_in_dim3A_1758, %broadcast_in_dim3A_1759 : vector<16xi1>, vector<16xi32>
        %add3A_1761 = arith.addi %convert_element_type3A_1753, %select_n3A_1760 : vector<16xi32>
        %min3A_1762 = arith.constant 63 : i32
        %min3A_1763 = vector.broadcast %min3A_1762 : i32 to vector<16xi32>
        %min3A_1764 = arith.minsi %add3A_1761, %min3A_1763 : vector<16xi32>
        %mul3A_1765 = arith.mulf %add3A_1702, %div3A_1726 : vector<16xf32>
        %add3A_1766 = arith.constant 33 : i32
        %add3A_1767 = vector.broadcast %add3A_1766 : i32 to vector<16xi32>
        %add3A_1768 = arith.addi %iota3A, %add3A_1767 : vector<16xi32>
        tpu.vector_store_idx %arg20[%add3A_1768], %mul3A_1765 : memref<80xf32, #tpu.memory_space<vmem>>[vector<16xi32>], vector<16xf32>,
        %mul3A_1769 = arith.constant 6.300000e+01 : f32
        %mul3A_1770 = vector.broadcast %mul3A_1769 : f32 to vector<16xf32>
        %mul3A_1771 = arith.mulf %mul3A_1765, %mul3A_1770 : vector<16xf32>
        %convert_element_type3A_1772 = arith.fptosi %mul3A_1771 : vector<16xf32> to vector<16xi32>
        %convert_element_type3A_1773 = arith.sitofp %convert_element_type3A_1772 : vector<16xi32> to vector<16xf32>
        %lt3A_1774 = arith.cmpf olt, %convert_element_type3A_1773, %mul3A_1771 : vector<16xf32>
        %jit3A_1775 = arith.constant 1 : i32
        %jit3A_1776 = arith.constant 0 : i32
        %broadcast_in_dim3A_1777 = vector.broadcast %jit3A_1775 : i32 to vector<16xi32>
        %broadcast_in_dim3A_1778 = vector.broadcast %jit3A_1776 : i32 to vector<16xi32>
        %select_n3A_1779 = arith.select %lt3A_1774, %broadcast_in_dim3A_1777, %broadcast_in_dim3A_1778 : vector<16xi1>, vector<16xi32>
        %add3A_1780 = arith.addi %convert_element_type3A_1772, %select_n3A_1779 : vector<16xi32>
        %min3A_1781 = arith.constant 63 : i32
        %min3A_1782 = vector.broadcast %min3A_1781 : i32 to vector<16xi32>
        %min3A_1783 = arith.minsi %add3A_1780, %min3A_1782 : vector<16xi32>
        %mul3A_1784 = arith.mulf %add3A_1722, %div3A_1726 : vector<16xf32>
        %add3A_1785 = arith.constant 49 : i32
        %add3A_1786 = vector.broadcast %add3A_1785 : i32 to vector<16xi32>
        %add3A_1787 = arith.addi %iota3A, %add3A_1786 : vector<16xi32>
        tpu.vector_store_idx %arg20[%add3A_1787], %mul3A_1784 : memref<80xf32, #tpu.memory_space<vmem>>[vector<16xi32>], vector<16xf32>,
        %mul3A_1788 = arith.constant 6.300000e+01 : f32
        %mul3A_1789 = vector.broadcast %mul3A_1788 : f32 to vector<16xf32>
        %mul3A_1790 = arith.mulf %mul3A_1784, %mul3A_1789 : vector<16xf32>
        %convert_element_type3A_1791 = arith.fptosi %mul3A_1790 : vector<16xf32> to vector<16xi32>
        %convert_element_type3A_1792 = arith.sitofp %convert_element_type3A_1791 : vector<16xi32> to vector<16xf32>
        %lt3A_1793 = arith.cmpf olt, %convert_element_type3A_1792, %mul3A_1790 : vector<16xf32>
        %jit3A_1794 = arith.constant 1 : i32
        %jit3A_1795 = arith.constant 0 : i32
        %broadcast_in_dim3A_1796 = vector.broadcast %jit3A_1794 : i32 to vector<16xi32>
        %broadcast_in_dim3A_1797 = vector.broadcast %jit3A_1795 : i32 to vector<16xi32>
        %select_n3A_1798 = arith.select %lt3A_1793, %broadcast_in_dim3A_1796, %broadcast_in_dim3A_1797 : vector<16xi1>, vector<16xi32>
        %add3A_1799 = arith.addi %convert_element_type3A_1791, %select_n3A_1798 : vector<16xi32>
        %min3A_1800 = arith.constant 63 : i32
        %min3A_1801 = vector.broadcast %min3A_1800 : i32 to vector<16xi32>
        %min3A_1802 = arith.minsi %add3A_1799, %min3A_1801 : vector<16xi32>
        tpu.vector_store_idx %arg22[%min3A_1745], %add3A_8 {add = true} : memref<80xf32, #tpu.memory_space<vmem>>[vector<16xi32>], vector<16xf32>,
        tpu.vector_store_idx %arg22[%min3A_1764], %add3A_8 {add = true} : memref<80xf32, #tpu.memory_space<vmem>>[vector<16xi32>], vector<16xf32>,
        tpu.vector_store_idx %arg22[%min3A_1783], %add3A_8 {add = true} : memref<80xf32, #tpu.memory_space<vmem>>[vector<16xi32>], vector<16xf32>,
        tpu.vector_store_idx %arg22[%min3A_1802], %add3A_8 masked %lt3A_16 {add = true} : memref<80xf32, #tpu.memory_space<vmem>>[vector<16xi32>], vector<16xf32>, vector<16xi1>
        %get3A_1803 = arith.constant 0 : index
        %get3A_1804 = tpu.vector_load %arg22[%get3A_1803] {strides = array<i32>} : memref<80xf32, #tpu.memory_space<vmem>>, vector<16xf32>,
        %swap3A_1805 = arith.constant 0 : index
        %swap3A_1806 = tpu.vector_load %arg22[%swap3A_1805] {strides = array<i32>} : memref<80xf32, #tpu.memory_space<vmem>>, vector<16xf32>,
        tpu.vector_store %arg22[%swap3A_1805], %mul3A_5 {strides = array<i32>} : memref<80xf32, #tpu.memory_space<vmem>>, vector<16xf32>,
        %broadcast_in_dim3A_1807 = arith.constant true
        %broadcast_in_dim3A_1808 = vector.broadcast %broadcast_in_dim3A_1807 : i1 to vector<16xi1>
        %masked_cumsum3A_1809 = tpu.scan <sum>, %get3A_1804 masked %broadcast_in_dim3A_1808 : vector<16xf32>, vector<16xi1> -> vector<16xf32>
        %add3A_1810 = arith.addf %masked_cumsum3A_1809, %add3A_8 : vector<16xf32>
        %broadcast_in_dim3A_1811 = vector.shape_cast %add3A_14 : vector<16xi32> to vector<16x1xi32>
        %gather3A_1812 = vector.shape_cast %broadcast_in_dim3A_1811 : vector<16x1xi32> to vector<16xi32>
        %gather3A_1813 = tpu.dynamic_gather %add3A_1810[%gather3A_1812] in [0] : vector<16xf32>, vector<16xi32> -> vector<16xf32>
        %convert_element_type3A_1814 = arith.fptosi %add3A_1810 : vector<16xf32> to vector<16xi32>
        %sub3A_1815 = arith.constant 1 : i32
        %sub3A_1816 = vector.broadcast %sub3A_1815 : i32 to vector<16xi32>
        %sub3A_1817 = arith.subi %convert_element_type3A_1814, %sub3A_1816 : vector<16xi32>
        %gather3A_1818 = tpu.vector_load_idx %arg20[%sub3A_1817] : memref<80xf32, #tpu.memory_space<vmem>>[vector<16xi32>], vector<16xf32>,
        %gather3A_1819 = tpu.vector_load_idx %arg20[%convert_element_type3A_1814] : memref<80xf32, #tpu.memory_space<vmem>>[vector<16xi32>], vector<16xf32>,
        %gather3A_1820 = tpu.vector_load_idx %arg21[%sub3A_1817] : memref<80xf32, #tpu.memory_space<vmem>>[vector<16xi32>], vector<16xf32>,
        %gather3A_1821 = tpu.vector_load_idx %arg21[%convert_element_type3A_1814] : memref<80xf32, #tpu.memory_space<vmem>>[vector<16xi32>], vector<16xf32>,
        %sub3A_1822 = arith.subf %gather3A_1819, %gather3A_1818 : vector<16xf32>
        %lt3A_1823 = arith.constant 9.99999974E-6 : f32
        %lt3A_1824 = vector.broadcast %lt3A_1823 : f32 to vector<16xf32>
        %lt3A_1825 = arith.cmpf olt, %sub3A_1822, %lt3A_1824 : vector<16xf32>
        %jit3A_1826 = arith.constant 1.000000e+00 : f32
        %broadcast_in_dim3A_1827 = vector.broadcast %jit3A_1826 : f32 to vector<16xf32>
        %select_n3A_1828 = arith.select %lt3A_1825, %broadcast_in_dim3A_1827, %sub3A_1822 : vector<16xi1>, vector<16xf32>
        %sub3A_1829 = arith.subf %mul3A_69, %gather3A_1818 : vector<16xf32>
        %div3A_1830 = arith.divf %sub3A_1829, %select_n3A_1828 : vector<16xf32>
        %sub3A_1831 = arith.subf %gather3A_1821, %gather3A_1820 : vector<16xf32>
        %mul3A_1832 = arith.mulf %div3A_1830, %sub3A_1831 : vector<16xf32>
        %add3A_1833 = arith.addf %gather3A_1820, %mul3A_1832 : vector<16xf32>
        %get3A_1834 = arith.constant 16 : index
        %get3A_1835 = tpu.vector_load %arg22[%get3A_1834] {strides = array<i32>} : memref<80xf32, #tpu.memory_space<vmem>>, vector<16xf32>,
        %swap3A_1836 = arith.constant 16 : index
        %swap3A_1837 = tpu.vector_load %arg22[%swap3A_1836] {strides = array<i32>} : memref<80xf32, #tpu.memory_space<vmem>>, vector<16xf32>,
        tpu.vector_store %arg22[%swap3A_1836], %mul3A_5 {strides = array<i32>} : memref<80xf32, #tpu.memory_space<vmem>>, vector<16xf32>,
        %broadcast_in_dim3A_1838 = arith.constant true
        %broadcast_in_dim3A_1839 = vector.broadcast %broadcast_in_dim3A_1838 : i1 to vector<16xi1>
        %masked_cumsum3A_1840 = tpu.scan <sum>, %get3A_1835 masked %broadcast_in_dim3A_1839 : vector<16xf32>, vector<16xi1> -> vector<16xf32>
        %add3A_1841 = arith.addf %masked_cumsum3A_1840, %gather3A_1813 : vector<16xf32>
        %broadcast_in_dim3A_1842 = vector.shape_cast %add3A_14 : vector<16xi32> to vector<16x1xi32>
        %gather3A_1843 = vector.shape_cast %broadcast_in_dim3A_1842 : vector<16x1xi32> to vector<16xi32>
        %gather3A_1844 = tpu.dynamic_gather %add3A_1841[%gather3A_1843] in [0] : vector<16xf32>, vector<16xi32> -> vector<16xf32>
        %convert_element_type3A_1845 = arith.fptosi %add3A_1841 : vector<16xf32> to vector<16xi32>
        %sub3A_1846 = arith.constant 1 : i32
        %sub3A_1847 = vector.broadcast %sub3A_1846 : i32 to vector<16xi32>
        %sub3A_1848 = arith.subi %convert_element_type3A_1845, %sub3A_1847 : vector<16xi32>
        %gather3A_1849 = tpu.vector_load_idx %arg20[%sub3A_1848] : memref<80xf32, #tpu.memory_space<vmem>>[vector<16xi32>], vector<16xf32>,
        %gather3A_1850 = tpu.vector_load_idx %arg20[%convert_element_type3A_1845] : memref<80xf32, #tpu.memory_space<vmem>>[vector<16xi32>], vector<16xf32>,
        %gather3A_1851 = tpu.vector_load_idx %arg21[%sub3A_1848] : memref<80xf32, #tpu.memory_space<vmem>>[vector<16xi32>], vector<16xf32>,
        %gather3A_1852 = tpu.vector_load_idx %arg21[%convert_element_type3A_1845] : memref<80xf32, #tpu.memory_space<vmem>>[vector<16xi32>], vector<16xf32>,
        %sub3A_1853 = arith.subf %gather3A_1850, %gather3A_1849 : vector<16xf32>
        %lt3A_1854 = arith.constant 9.99999974E-6 : f32
        %lt3A_1855 = vector.broadcast %lt3A_1854 : f32 to vector<16xf32>
        %lt3A_1856 = arith.cmpf olt, %sub3A_1853, %lt3A_1855 : vector<16xf32>
        %jit3A_1857 = arith.constant 1.000000e+00 : f32
        %broadcast_in_dim3A_1858 = vector.broadcast %jit3A_1857 : f32 to vector<16xf32>
        %select_n3A_1859 = arith.select %lt3A_1856, %broadcast_in_dim3A_1858, %sub3A_1853 : vector<16xi1>, vector<16xf32>
        %sub3A_1860 = arith.subf %mul3A_75, %gather3A_1849 : vector<16xf32>
        %div3A_1861 = arith.divf %sub3A_1860, %select_n3A_1859 : vector<16xf32>
        %sub3A_1862 = arith.subf %gather3A_1852, %gather3A_1851 : vector<16xf32>
        %mul3A_1863 = arith.mulf %div3A_1861, %sub3A_1862 : vector<16xf32>
        %add3A_1864 = arith.addf %gather3A_1851, %mul3A_1863 : vector<16xf32>
        %get3A_1865 = arith.constant 32 : index
        %get3A_1866 = tpu.vector_load %arg22[%get3A_1865] {strides = array<i32>} : memref<80xf32, #tpu.memory_space<vmem>>, vector<16xf32>,
        %swap3A_1867 = arith.constant 32 : index
        %swap3A_1868 = tpu.vector_load %arg22[%swap3A_1867] {strides = array<i32>} : memref<80xf32, #tpu.memory_space<vmem>>, vector<16xf32>,
        tpu.vector_store %arg22[%swap3A_1867], %mul3A_5 {strides = array<i32>} : memref<80xf32, #tpu.memory_space<vmem>>, vector<16xf32>,
        %broadcast_in_dim3A_1869 = arith.constant true
        %broadcast_in_dim3A_1870 = vector.broadcast %broadcast_in_dim3A_1869 : i1 to vector<16xi1>
        %masked_cumsum3A_1871 = tpu.scan <sum>, %get3A_1866 masked %broadcast_in_dim3A_1870 : vector<16xf32>, vector<16xi1> -> vector<16xf32>
        %add3A_1872 = arith.addf %masked_cumsum3A_1871, %gather3A_1844 : vector<16xf32>
        %broadcast_in_dim3A_1873 = vector.shape_cast %add3A_14 : vector<16xi32> to vector<16x1xi32>
        %gather3A_1874 = vector.shape_cast %broadcast_in_dim3A_1873 : vector<16x1xi32> to vector<16xi32>
        %gather3A_1875 = tpu.dynamic_gather %add3A_1872[%gather3A_1874] in [0] : vector<16xf32>, vector<16xi32> -> vector<16xf32>
        %convert_element_type3A_1876 = arith.fptosi %add3A_1872 : vector<16xf32> to vector<16xi32>
        %sub3A_1877 = arith.constant 1 : i32
        %sub3A_1878 = vector.broadcast %sub3A_1877 : i32 to vector<16xi32>
        %sub3A_1879 = arith.subi %convert_element_type3A_1876, %sub3A_1878 : vector<16xi32>
        %gather3A_1880 = tpu.vector_load_idx %arg20[%sub3A_1879] : memref<80xf32, #tpu.memory_space<vmem>>[vector<16xi32>], vector<16xf32>,
        %gather3A_1881 = tpu.vector_load_idx %arg20[%convert_element_type3A_1876] : memref<80xf32, #tpu.memory_space<vmem>>[vector<16xi32>], vector<16xf32>,
        %gather3A_1882 = tpu.vector_load_idx %arg21[%sub3A_1879] : memref<80xf32, #tpu.memory_space<vmem>>[vector<16xi32>], vector<16xf32>,
        %gather3A_1883 = tpu.vector_load_idx %arg21[%convert_element_type3A_1876] : memref<80xf32, #tpu.memory_space<vmem>>[vector<16xi32>], vector<16xf32>,
        %sub3A_1884 = arith.subf %gather3A_1881, %gather3A_1880 : vector<16xf32>
        %lt3A_1885 = arith.constant 9.99999974E-6 : f32
        %lt3A_1886 = vector.broadcast %lt3A_1885 : f32 to vector<16xf32>
        %lt3A_1887 = arith.cmpf olt, %sub3A_1884, %lt3A_1886 : vector<16xf32>
        %jit3A_1888 = arith.constant 1.000000e+00 : f32
        %broadcast_in_dim3A_1889 = vector.broadcast %jit3A_1888 : f32 to vector<16xf32>
        %select_n3A_1890 = arith.select %lt3A_1887, %broadcast_in_dim3A_1889, %sub3A_1884 : vector<16xi1>, vector<16xf32>
        %sub3A_1891 = arith.subf %mul3A_81, %gather3A_1880 : vector<16xf32>
        %div3A_1892 = arith.divf %sub3A_1891, %select_n3A_1890 : vector<16xf32>
        %sub3A_1893 = arith.subf %gather3A_1883, %gather3A_1882 : vector<16xf32>
        %mul3A_1894 = arith.mulf %div3A_1892, %sub3A_1893 : vector<16xf32>
        %add3A_1895 = arith.addf %gather3A_1882, %mul3A_1894 : vector<16xf32>
        %get3A_1896 = arith.constant 48 : index
        %get3A_1897 = tpu.vector_load %arg22[%get3A_1896] {strides = array<i32>} : memref<80xf32, #tpu.memory_space<vmem>>, vector<16xf32>,
        %swap3A_1898 = arith.constant 48 : index
        %swap3A_1899 = tpu.vector_load %arg22[%swap3A_1898] {strides = array<i32>} : memref<80xf32, #tpu.memory_space<vmem>>, vector<16xf32>,
        tpu.vector_store %arg22[%swap3A_1898], %mul3A_5 {strides = array<i32>} : memref<80xf32, #tpu.memory_space<vmem>>, vector<16xf32>,
        %broadcast_in_dim3A_1900 = arith.constant true
        %broadcast_in_dim3A_1901 = vector.broadcast %broadcast_in_dim3A_1900 : i1 to vector<16xi1>
        %masked_cumsum3A_1902 = tpu.scan <sum>, %get3A_1897 masked %broadcast_in_dim3A_1901 : vector<16xf32>, vector<16xi1> -> vector<16xf32>
        %add3A_1903 = arith.addf %masked_cumsum3A_1902, %gather3A_1875 : vector<16xf32>
        %broadcast_in_dim3A_1904 = vector.shape_cast %add3A_14 : vector<16xi32> to vector<16x1xi32>
        %gather3A_1905 = vector.shape_cast %broadcast_in_dim3A_1904 : vector<16x1xi32> to vector<16xi32>
        %gather3A_1906 = tpu.dynamic_gather %add3A_1903[%gather3A_1905] in [0] : vector<16xf32>, vector<16xi32> -> vector<16xf32>
        %convert_element_type3A_1907 = arith.fptosi %add3A_1903 : vector<16xf32> to vector<16xi32>
        %sub3A_1908 = arith.constant 1 : i32
        %sub3A_1909 = vector.broadcast %sub3A_1908 : i32 to vector<16xi32>
        %sub3A_1910 = arith.subi %convert_element_type3A_1907, %sub3A_1909 : vector<16xi32>
        %gather3A_1911 = tpu.vector_load_idx %arg20[%sub3A_1910] : memref<80xf32, #tpu.memory_space<vmem>>[vector<16xi32>], vector<16xf32>,
        %gather3A_1912 = tpu.vector_load_idx %arg20[%convert_element_type3A_1907] : memref<80xf32, #tpu.memory_space<vmem>>[vector<16xi32>], vector<16xf32>,
        %gather3A_1913 = tpu.vector_load_idx %arg21[%sub3A_1910] : memref<80xf32, #tpu.memory_space<vmem>>[vector<16xi32>], vector<16xf32>,
        %gather3A_1914 = tpu.vector_load_idx %arg21[%convert_element_type3A_1907] : memref<80xf32, #tpu.memory_space<vmem>>[vector<16xi32>], vector<16xf32>,
        %sub3A_1915 = arith.subf %gather3A_1912, %gather3A_1911 : vector<16xf32>
        %lt3A_1916 = arith.constant 9.99999974E-6 : f32
        %lt3A_1917 = vector.broadcast %lt3A_1916 : f32 to vector<16xf32>
        %lt3A_1918 = arith.cmpf olt, %sub3A_1915, %lt3A_1917 : vector<16xf32>
        %jit3A_1919 = arith.constant 1.000000e+00 : f32
        %broadcast_in_dim3A_1920 = vector.broadcast %jit3A_1919 : f32 to vector<16xf32>
        %select_n3A_1921 = arith.select %lt3A_1918, %broadcast_in_dim3A_1920, %sub3A_1915 : vector<16xi1>, vector<16xf32>
        %sub3A_1922 = arith.subf %mul3A_87, %gather3A_1911 : vector<16xf32>
        %div3A_1923 = arith.divf %sub3A_1922, %select_n3A_1921 : vector<16xf32>
        %sub3A_1924 = arith.subf %gather3A_1914, %gather3A_1913 : vector<16xf32>
        %mul3A_1925 = arith.mulf %div3A_1923, %sub3A_1924 : vector<16xf32>
        %add3A_1926 = arith.addf %gather3A_1913, %mul3A_1925 : vector<16xf32>
        %rev3A_1927 = arith.constant 15 : i32
        %rev3A_1928 = vector.broadcast %rev3A_1927 : i32 to vector<16xi32>
        %rev3A_1929 = tpu.iota {dimensions = array<i32: 0>} : vector<16xi32>
        %rev3A_1930 = arith.subi %rev3A_1928, %rev3A_1929 : vector<16xi32>
        %rev3A_1931 = tpu.dynamic_gather %add3A_1926[%rev3A_1930] in [0] : vector<16xf32>, vector<16xi32> -> vector<16xf32>
        %rev3A_1932 = arith.constant 15 : i32
        %rev3A_1933 = vector.broadcast %rev3A_1932 : i32 to vector<16xi32>
        %rev3A_1934 = tpu.iota {dimensions = array<i32: 0>} : vector<16xi32>
        %rev3A_1935 = arith.subi %rev3A_1933, %rev3A_1934 : vector<16xi32>
        %rev3A_1936 = tpu.dynamic_gather %add3A_1895[%rev3A_1935] in [0] : vector<16xf32>, vector<16xi32> -> vector<16xf32>
        %rev3A_1937 = arith.constant 15 : i32
        %rev3A_1938 = vector.broadcast %rev3A_1937 : i32 to vector<16xi32>
        %rev3A_1939 = tpu.iota {dimensions = array<i32: 0>} : vector<16xi32>
        %rev3A_1940 = arith.subi %rev3A_1938, %rev3A_1939 : vector<16xi32>
        %rev3A_1941 = tpu.dynamic_gather %add3A_1864[%rev3A_1940] in [0] : vector<16xf32>, vector<16xi32> -> vector<16xf32>
        %rev3A_1942 = arith.constant 15 : i32
        %rev3A_1943 = vector.broadcast %rev3A_1942 : i32 to vector<16xi32>
        %rev3A_1944 = tpu.iota {dimensions = array<i32: 0>} : vector<16xi32>
        %rev3A_1945 = arith.subi %rev3A_1943, %rev3A_1944 : vector<16xi32>
        %rev3A_1946 = tpu.dynamic_gather %add3A_1833[%rev3A_1945] in [0] : vector<16xf32>, vector<16xi32> -> vector<16xf32>
        %min3A_1947 = arith.minimumf %get3A_1590, %rev3A_1931 : vector<16xf32>
        %min3A_1948 = arith.minimumf %get3A_1607, %rev3A_1936 : vector<16xf32>
        %min3A_1949 = arith.minimumf %get3A_1624, %rev3A_1941 : vector<16xf32>
        %min3A_1950 = arith.minimumf %get3A_1641, %rev3A_1946 : vector<16xf32>
        %max3A_1951 = arith.maximumf %get3A_1590, %rev3A_1931 : vector<16xf32>
        %max3A_1952 = arith.maximumf %get3A_1607, %rev3A_1936 : vector<16xf32>
        %max3A_1953 = arith.maximumf %get3A_1624, %rev3A_1941 : vector<16xf32>
        %max3A_1954 = arith.maximumf %get3A_1641, %rev3A_1946 : vector<16xf32>
        %min3A_1955 = arith.minimumf %min3A_1947, %min3A_1949 : vector<16xf32>
        %max3A_1956 = arith.maximumf %min3A_1947, %min3A_1949 : vector<16xf32>
        %min3A_1957 = arith.minimumf %min3A_1948, %min3A_1950 : vector<16xf32>
        %max3A_1958 = arith.maximumf %min3A_1948, %min3A_1950 : vector<16xf32>
        %min3A_1959 = arith.minimumf %max3A_1951, %max3A_1953 : vector<16xf32>
        %max3A_1960 = arith.maximumf %max3A_1951, %max3A_1953 : vector<16xf32>
        %min3A_1961 = arith.minimumf %max3A_1952, %max3A_1954 : vector<16xf32>
        %max3A_1962 = arith.maximumf %max3A_1952, %max3A_1954 : vector<16xf32>
        %min3A_1963 = arith.minimumf %min3A_1955, %min3A_1957 : vector<16xf32>
        %max3A_1964 = arith.maximumf %min3A_1955, %min3A_1957 : vector<16xf32>
        %min3A_1965 = arith.minimumf %max3A_1956, %max3A_1958 : vector<16xf32>
        %max3A_1966 = arith.maximumf %max3A_1956, %max3A_1958 : vector<16xf32>
        %min3A_1967 = arith.minimumf %min3A_1959, %min3A_1961 : vector<16xf32>
        %max3A_1968 = arith.maximumf %min3A_1959, %min3A_1961 : vector<16xf32>
        %min3A_1969 = arith.minimumf %max3A_1960, %max3A_1962 : vector<16xf32>
        %max3A_1970 = arith.maximumf %max3A_1960, %max3A_1962 : vector<16xf32>
        %sort3A_1971 = arith.constant dense<true> : vector<16xi1>
        %sort3A_1972, %sort3A_1973, %sort3A_1974 = tpu.sort %min3A_1963, %min3A_1963 masked %sort3A_1971 : (vector<16xf32>, vector<16xf32>, vector<16xi1>) -> (vector<16xi1>, vector<16xf32>, vector<16xf32>)
        %add3A_1975 = arith.constant 0 : i32
        %add3A_1976 = arith.addi %mul3A_1586, %add3A_1975 : i32
        %swap3A_1977 = arith.index_cast %add3A_1976 : i32 to index
        %swap3A_1978 = tpu.vector_load %arg9[%swap3A_1977] {strides = array<i32>} : memref<4096xf32, #tpu.memory_space<vmem>>, vector<16xf32>,
        tpu.vector_store %arg9[%swap3A_1977], %sort3A_1973 {strides = array<i32>} : memref<4096xf32, #tpu.memory_space<vmem>>, vector<16xf32>,
        %sort3A_1979 = arith.constant dense<true> : vector<16xi1>
        %sort3A_1980, %sort3A_1981, %sort3A_1982 = tpu.sort %max3A_1964, %max3A_1964 masked %sort3A_1979 : (vector<16xf32>, vector<16xf32>, vector<16xi1>) -> (vector<16xi1>, vector<16xf32>, vector<16xf32>)
        %add3A_1983 = arith.constant 16 : i32
        %add3A_1984 = arith.addi %mul3A_1586, %add3A_1983 : i32
        %swap3A_1985 = arith.index_cast %add3A_1984 : i32 to index
        %swap3A_1986 = tpu.vector_load %arg9[%swap3A_1985] {strides = array<i32>} : memref<4096xf32, #tpu.memory_space<vmem>>, vector<16xf32>,
        tpu.vector_store %arg9[%swap3A_1985], %sort3A_1981 {strides = array<i32>} : memref<4096xf32, #tpu.memory_space<vmem>>, vector<16xf32>,
        %sort3A_1987 = arith.constant dense<true> : vector<16xi1>
        %sort3A_1988, %sort3A_1989, %sort3A_1990 = tpu.sort %min3A_1965, %min3A_1965 masked %sort3A_1987 : (vector<16xf32>, vector<16xf32>, vector<16xi1>) -> (vector<16xi1>, vector<16xf32>, vector<16xf32>)
        %add3A_1991 = arith.constant 32 : i32
        %add3A_1992 = arith.addi %mul3A_1586, %add3A_1991 : i32
        %swap3A_1993 = arith.index_cast %add3A_1992 : i32 to index
        %swap3A_1994 = tpu.vector_load %arg9[%swap3A_1993] {strides = array<i32>} : memref<4096xf32, #tpu.memory_space<vmem>>, vector<16xf32>,
        tpu.vector_store %arg9[%swap3A_1993], %sort3A_1989 {strides = array<i32>} : memref<4096xf32, #tpu.memory_space<vmem>>, vector<16xf32>,
        %sort3A_1995 = arith.constant dense<true> : vector<16xi1>
        %sort3A_1996, %sort3A_1997, %sort3A_1998 = tpu.sort %max3A_1966, %max3A_1966 masked %sort3A_1995 : (vector<16xf32>, vector<16xf32>, vector<16xi1>) -> (vector<16xi1>, vector<16xf32>, vector<16xf32>)
        %add3A_1999 = arith.constant 48 : i32
        %add3A_2000 = arith.addi %mul3A_1586, %add3A_1999 : i32
        %swap3A_2001 = arith.index_cast %add3A_2000 : i32 to index
        %swap3A_2002 = tpu.vector_load %arg9[%swap3A_2001] {strides = array<i32>} : memref<4096xf32, #tpu.memory_space<vmem>>, vector<16xf32>,
        tpu.vector_store %arg9[%swap3A_2001], %sort3A_1997 {strides = array<i32>} : memref<4096xf32, #tpu.memory_space<vmem>>, vector<16xf32>,
        %sort3A_2003 = arith.constant dense<true> : vector<16xi1>
        %sort3A_2004, %sort3A_2005, %sort3A_2006 = tpu.sort %min3A_1967, %min3A_1967 masked %sort3A_2003 : (vector<16xf32>, vector<16xf32>, vector<16xi1>) -> (vector<16xi1>, vector<16xf32>, vector<16xf32>)
        %add3A_2007 = arith.constant 64 : i32
        %add3A_2008 = arith.addi %mul3A_1586, %add3A_2007 : i32
        %swap3A_2009 = arith.index_cast %add3A_2008 : i32 to index
        %swap3A_2010 = tpu.vector_load %arg9[%swap3A_2009] {strides = array<i32>} : memref<4096xf32, #tpu.memory_space<vmem>>, vector<16xf32>,
        tpu.vector_store %arg9[%swap3A_2009], %sort3A_2005 {strides = array<i32>} : memref<4096xf32, #tpu.memory_space<vmem>>, vector<16xf32>,
        %sort3A_2011 = arith.constant dense<true> : vector<16xi1>
        %sort3A_2012, %sort3A_2013, %sort3A_2014 = tpu.sort %max3A_1968, %max3A_1968 masked %sort3A_2011 : (vector<16xf32>, vector<16xf32>, vector<16xi1>) -> (vector<16xi1>, vector<16xf32>, vector<16xf32>)
        %add3A_2015 = arith.constant 80 : i32
        %add3A_2016 = arith.addi %mul3A_1586, %add3A_2015 : i32
        %swap3A_2017 = arith.index_cast %add3A_2016 : i32 to index
        %swap3A_2018 = tpu.vector_load %arg9[%swap3A_2017] {strides = array<i32>} : memref<4096xf32, #tpu.memory_space<vmem>>, vector<16xf32>,
        tpu.vector_store %arg9[%swap3A_2017], %sort3A_2013 {strides = array<i32>} : memref<4096xf32, #tpu.memory_space<vmem>>, vector<16xf32>,
        %sort3A_2019 = arith.constant dense<true> : vector<16xi1>
        %sort3A_2020, %sort3A_2021, %sort3A_2022 = tpu.sort %min3A_1969, %min3A_1969 masked %sort3A_2019 : (vector<16xf32>, vector<16xf32>, vector<16xi1>) -> (vector<16xi1>, vector<16xf32>, vector<16xf32>)
        %add3A_2023 = arith.constant 96 : i32
        %add3A_2024 = arith.addi %mul3A_1586, %add3A_2023 : i32
        %swap3A_2025 = arith.index_cast %add3A_2024 : i32 to index
        %swap3A_2026 = tpu.vector_load %arg9[%swap3A_2025] {strides = array<i32>} : memref<4096xf32, #tpu.memory_space<vmem>>, vector<16xf32>,
        tpu.vector_store %arg9[%swap3A_2025], %sort3A_2021 {strides = array<i32>} : memref<4096xf32, #tpu.memory_space<vmem>>, vector<16xf32>,
        %sort3A_2027 = arith.constant dense<true> : vector<16xi1>
        %sort3A_2028, %sort3A_2029, %sort3A_2030 = tpu.sort %max3A_1970, %max3A_1970 masked %sort3A_2027 : (vector<16xf32>, vector<16xf32>, vector<16xi1>) -> (vector<16xi1>, vector<16xf32>, vector<16xf32>)
        %add3A_2031 = arith.constant 112 : i32
        %add3A_2032 = arith.addi %mul3A_1586, %add3A_2031 : i32
        %swap3A_2033 = arith.index_cast %add3A_2032 : i32 to index
        %swap3A_2034 = tpu.vector_load %arg9[%swap3A_2033] {strides = array<i32>} : memref<4096xf32, #tpu.memory_space<vmem>>, vector<16xf32>,
        tpu.vector_store %arg9[%swap3A_2033], %sort3A_2029 {strides = array<i32>} : memref<4096xf32, #tpu.memory_space<vmem>>, vector<16xf32>,
        %scan3A_2035 = arith.constant 0 : i32
        scf.yield %scan3A_2035 : i32
      }
      %scan3A_164 = arith.constant 8 : i32
      %mul3A_165 = arith.constant 2 : i32
      %mul3A_166 = arith.muli %mul3A_165, %scan3A_116 : i32
      %mul3A_167 = arith.constant 32 : i32
      %mul3A_168 = arith.muli %mul3A_166, %mul3A_167 : i32
      %add3A_169 = arith.addi %mul3A_2, %mul3A_168 : i32
      %mul3A_170 = arith.constant 128 : i32
      %mul3A_171 = arith.muli %add3A_169, %mul3A_170 : i32
      %dma_start3A_172 = tpu.memref_slice %arg4[%mul3A_171] : memref<8388608xf32, #tpu.memory_space<hbm>> -> memref<4096xf32, #tpu.memory_space<hbm>>
      %dma_start3A_173 = tpu.memref_slice %arg4[%mul3A_171] : memref<8388608xf32, #tpu.memory_space<hbm>> -> memref<4096xf32, #tpu.memory_space<hbm>>
      tpu.enqueue_dma source(%arg9 : memref<4096xf32, #tpu.memory_space<vmem>>) target(%dma_start3A_173 : memref<4096xf32, #tpu.memory_space<hbm>>) target_semaphore(%arg27 : memref<!tpu.dma_semaphore, #tpu.memory_space<semaphore_mem>>)
      %add3A_174 = arith.constant 1 : i32
      %add3A_175 = arith.addi %scan3A_116, %add3A_174 : i32
      %lt3A_176 = arith.constant 32 : i32
      %lt3A_177 = arith.cmpi slt, %add3A_175, %lt3A_176 : i32
      %convert_element_type3A_178 = arith.extui %lt3A_177 : i1 to i32
      %cond3A_179 = arith.constant 0 : i32
      %cond3A_180 = arith.cmpi ne, %convert_element_type3A_178, %cond3A_179 : i32
      scf.if %cond3A_180 {
        %mul3A_221 = arith.constant 2 : i32
        %mul3A_222 = arith.muli %mul3A_221, %scan3A_116 : i32
        %add3A_223 = arith.constant 2 : i32
        %add3A_224 = arith.addi %mul3A_222, %add3A_223 : i32
        %mul3A_225 = arith.constant 32 : i32
        %mul3A_226 = arith.muli %add3A_224, %mul3A_225 : i32
        %add3A_227 = arith.addi %mul3A_2, %mul3A_226 : i32
        %mul3A_228 = arith.constant 64 : i32
        %mul3A_229 = arith.muli %add3A_227, %mul3A_228 : i32
        %dma_start3A_230 = arith.constant 0 : i32
        %dma_start3A_231 = tpu.memref_slice %arg5[%dma_start3A_230] : memref<2064xf32, #tpu.memory_space<vmem>> -> memref<2048xf32, #tpu.memory_space<vmem>>
        %dma_start3A_232 = tpu.memref_slice %arg2[%mul3A_229] : memref<4194304xf32, #tpu.memory_space<hbm>> -> memref<2048xf32, #tpu.memory_space<hbm>>
        %dma_start3A_233 = arith.constant 0 : i32
        %dma_start3A_234 = tpu.memref_slice %arg5[%dma_start3A_233] : memref<2064xf32, #tpu.memory_space<vmem>> -> memref<2048xf32, #tpu.memory_space<vmem>>
        %dma_start3A_235 = tpu.memref_slice %arg2[%mul3A_229] : memref<4194304xf32, #tpu.memory_space<hbm>> -> memref<2048xf32, #tpu.memory_space<hbm>>
        tpu.enqueue_dma source(%dma_start3A_235 : memref<2048xf32, #tpu.memory_space<hbm>>) target(%dma_start3A_234 : memref<2048xf32, #tpu.memory_space<vmem>>) target_semaphore(%arg23 : memref<!tpu.dma_semaphore, #tpu.memory_space<semaphore_mem>>)
        %dma_start3A_236 = arith.constant 0 : i32
        %dma_start3A_237 = tpu.memref_slice %arg6[%dma_start3A_236] : memref<2064xf32, #tpu.memory_space<vmem>> -> memref<2048xf32, #tpu.memory_space<vmem>>
        %dma_start3A_238 = tpu.memref_slice %arg3[%mul3A_229] : memref<4194304xf32, #tpu.memory_space<hbm>> -> memref<2048xf32, #tpu.memory_space<hbm>>
        %dma_start3A_239 = arith.constant 0 : i32
        %dma_start3A_240 = tpu.memref_slice %arg6[%dma_start3A_239] : memref<2064xf32, #tpu.memory_space<vmem>> -> memref<2048xf32, #tpu.memory_space<vmem>>
        %dma_start3A_241 = tpu.memref_slice %arg3[%mul3A_229] : memref<4194304xf32, #tpu.memory_space<hbm>> -> memref<2048xf32, #tpu.memory_space<hbm>>
        tpu.enqueue_dma source(%dma_start3A_241 : memref<2048xf32, #tpu.memory_space<hbm>>) target(%dma_start3A_240 : memref<2048xf32, #tpu.memory_space<vmem>>) target_semaphore(%arg24 : memref<!tpu.dma_semaphore, #tpu.memory_space<semaphore_mem>>)
      } else {
      }
      %dma_wait3A_181 = arith.constant 0 : i32
      %dma_wait3A_182 = tpu.memref_slice %arg7[%dma_wait3A_181] : memref<2064xf32, #tpu.memory_space<vmem>> -> memref<2048xf32, #tpu.memory_space<vmem>>
      %dma_wait3A_183 = arith.constant 0 : i32
      %dma_wait3A_184 = tpu.memref_slice %arg2[%dma_wait3A_183] : memref<4194304xf32, #tpu.memory_space<hbm>> -> memref<2048xf32, #tpu.memory_space<hbm>>
      %dma_wait3A_185 = arith.constant 0 : i32
      %dma_wait3A_186 = tpu.memref_slice %arg7[%dma_wait3A_185] : memref<2064xf32, #tpu.memory_space<vmem>> -> memref<2048xf32, #tpu.memory_space<vmem>>
      %dma_wait3A_187 = arith.constant 0 : i32
      %dma_wait3A_188 = tpu.memref_slice %arg2[%dma_wait3A_187] : memref<4194304xf32, #tpu.memory_space<hbm>> -> memref<2048xf32, #tpu.memory_space<hbm>>
      tpu.wait_dma2 semaphore(%arg25 : memref<!tpu.dma_semaphore, #tpu.memory_space<semaphore_mem>>) src(%dma_wait3A_188 : memref<2048xf32, #tpu.memory_space<hbm>>) dst(%dma_wait3A_186 : memref<2048xf32, #tpu.memory_space<vmem>>)
      %dma_wait3A_189 = arith.constant 0 : i32
      %dma_wait3A_190 = tpu.memref_slice %arg8[%dma_wait3A_189] : memref<2064xf32, #tpu.memory_space<vmem>> -> memref<2048xf32, #tpu.memory_space<vmem>>
      %dma_wait3A_191 = arith.constant 0 : i32
      %dma_wait3A_192 = tpu.memref_slice %arg3[%dma_wait3A_191] : memref<4194304xf32, #tpu.memory_space<hbm>> -> memref<2048xf32, #tpu.memory_space<hbm>>
      %dma_wait3A_193 = arith.constant 0 : i32
      %dma_wait3A_194 = tpu.memref_slice %arg8[%dma_wait3A_193] : memref<2064xf32, #tpu.memory_space<vmem>> -> memref<2048xf32, #tpu.memory_space<vmem>>
      %dma_wait3A_195 = arith.constant 0 : i32
      %dma_wait3A_196 = tpu.memref_slice %arg3[%dma_wait3A_195] : memref<4194304xf32, #tpu.memory_space<hbm>> -> memref<2048xf32, #tpu.memory_space<hbm>>
      tpu.wait_dma2 semaphore(%arg26 : memref<!tpu.dma_semaphore, #tpu.memory_space<semaphore_mem>>) src(%dma_wait3A_196 : memref<2048xf32, #tpu.memory_space<hbm>>) dst(%dma_wait3A_194 : memref<2048xf32, #tpu.memory_space<vmem>>)
      %gt3A_197 = arith.constant 0 : i32
      %gt3A_198 = arith.cmpi sgt, %scan3A_116, %gt3A_197 : i32
      %convert_element_type3A_199 = arith.extui %gt3A_198 : i1 to i32
      %cond3A_200 = arith.constant 0 : i32
      %cond3A_201 = arith.cmpi ne, %convert_element_type3A_199, %cond3A_200 : i32
      scf.if %cond3A_201 {
        %dma_wait3A_221 = arith.constant 0 : i32
        %dma_wait3A_222 = tpu.memref_slice %arg4[%dma_wait3A_221] : memref<8388608xf32, #tpu.memory_space<hbm>> -> memref<4096xf32, #tpu.memory_space<hbm>>
        %dma_wait3A_223 = arith.constant 0 : i32
        %dma_wait3A_224 = tpu.memref_slice %arg4[%dma_wait3A_223] : memref<8388608xf32, #tpu.memory_space<hbm>> -> memref<4096xf32, #tpu.memory_space<hbm>>
        tpu.wait_dma2 semaphore(%arg28 : memref<!tpu.dma_semaphore, #tpu.memory_space<semaphore_mem>>) src(%arg10 : memref<4096xf32, #tpu.memory_space<vmem>>) dst(%dma_wait3A_224 : memref<4096xf32, #tpu.memory_space<hbm>>)
      } else {
      }
      %scan3A_202 = arith.constant 0 : i32
      %scan3A_203 = arith.constant 0 : i32
      %scan3A_204 = arith.constant 8 : i32
      %scan3A_205 = arith.addi %scan3A_203, %scan3A_204 : i32
      %scan3A_206 = arith.constant 1 : i32
      %scan3A_207 = scf.for %scan3A_221 = %scan3A_203 to %scan3A_205 step %scan3A_206 iter_args(%scan3A_222 = %scan3A_202) -> (i32)  : i32 {
        %mul3A_223 = arith.constant 4 : i32
        %mul3A_224 = arith.muli %mul3A_223, %scan3A_221 : i32
        %add3A_225 = arith.constant 0 : i32
        %add3A_226 = arith.addi %mul3A_224, %add3A_225 : i32
        %mul3A_227 = arith.constant 64 : i32
        %mul3A_228 = arith.muli %add3A_226, %mul3A_227 : i32
        %mul3A_229 = arith.constant 128 : i32
        %mul3A_230 = arith.muli %add3A_226, %mul3A_229 : i32
        %add3A_231 = arith.constant 0 : i32
        %add3A_232 = arith.addi %mul3A_228, %add3A_231 : i32
        %get3A = arith.index_cast %add3A_232 : i32 to index
        %get3A_233 = tpu.vector_load %arg7[%get3A] {strides = array<i32>} : memref<2064xf32, #tpu.memory_space<vmem>>, vector<16xf32>,
        %add3A_234 = arith.constant 0 : i32
        %add3A_235 = arith.addi %mul3A_228, %add3A_234 : i32
        %add3A_236 = arith.constant 1 : i32
        %add3A_237 = arith.addi %add3A_235, %add3A_236 : i32
        %add3A_238 = vector.broadcast %add3A_237 : i32 to vector<16xi32>
        %add3A_239 = arith.addi %iota3A, %add3A_238 : vector<16xi32>
        %gather3A = tpu.vector_load_idx %arg7[%add3A_239] : memref<2064xf32, #tpu.memory_space<vmem>>[vector<16xi32>], vector<16xf32>,
        %add3A_240 = arith.addf %get3A_233, %gather3A : vector<16xf32>
        %mul3A_241 = arith.constant 5.000000e-01 : f32
        %mul3A_242 = vector.broadcast %mul3A_241 : f32 to vector<16xf32>
        %mul3A_243 = arith.mulf %mul3A_242, %add3A_240 : vector<16xf32>
        %swap3A_244 = arith.constant 0 : index
        %swap3A_245 = tpu.vector_load %arg12[%swap3A_244] {strides = array<i32>} : memref<80xf32, #tpu.memory_space<vmem>>, vector<16xf32>,
        tpu.vector_store %arg12[%swap3A_244], %mul3A_243 {strides = array<i32>} : memref<80xf32, #tpu.memory_space<vmem>>, vector<16xf32>,
        %add3A_246 = arith.constant 16 : i32
        %add3A_247 = arith.addi %mul3A_228, %add3A_246 : i32
        %get3A_248 = arith.index_cast %add3A_247 : i32 to index
        %get3A_249 = tpu.vector_load %arg7[%get3A_248] {strides = array<i32>} : memref<2064xf32, #tpu.memory_space<vmem>>, vector<16xf32>,
        %add3A_250 = arith.constant 16 : i32
        %add3A_251 = arith.addi %mul3A_228, %add3A_250 : i32
        %add3A_252 = arith.constant 1 : i32
        %add3A_253 = arith.addi %add3A_251, %add3A_252 : i32
        %add3A_254 = vector.broadcast %add3A_253 : i32 to vector<16xi32>
        %add3A_255 = arith.addi %iota3A, %add3A_254 : vector<16xi32>
        %gather3A_256 = tpu.vector_load_idx %arg7[%add3A_255] : memref<2064xf32, #tpu.memory_space<vmem>>[vector<16xi32>], vector<16xf32>,
        %add3A_257 = arith.addf %get3A_249, %gather3A_256 : vector<16xf32>
        %mul3A_258 = arith.constant 5.000000e-01 : f32
        %mul3A_259 = vector.broadcast %mul3A_258 : f32 to vector<16xf32>
        %mul3A_260 = arith.mulf %mul3A_259, %add3A_257 : vector<16xf32>
        %swap3A_261 = arith.constant 16 : index
        %swap3A_262 = tpu.vector_load %arg12[%swap3A_261] {strides = array<i32>} : memref<80xf32, #tpu.memory_space<vmem>>, vector<16xf32>,
        tpu.vector_store %arg12[%swap3A_261], %mul3A_260 {strides = array<i32>} : memref<80xf32, #tpu.memory_space<vmem>>, vector<16xf32>,
        %add3A_263 = arith.constant 32 : i32
        %add3A_264 = arith.addi %mul3A_228, %add3A_263 : i32
        %get3A_265 = arith.index_cast %add3A_264 : i32 to index
        %get3A_266 = tpu.vector_load %arg7[%get3A_265] {strides = array<i32>} : memref<2064xf32, #tpu.memory_space<vmem>>, vector<16xf32>,
        %add3A_267 = arith.constant 32 : i32
        %add3A_268 = arith.addi %mul3A_228, %add3A_267 : i32
        %add3A_269 = arith.constant 1 : i32
        %add3A_270 = arith.addi %add3A_268, %add3A_269 : i32
        %add3A_271 = vector.broadcast %add3A_270 : i32 to vector<16xi32>
        %add3A_272 = arith.addi %iota3A, %add3A_271 : vector<16xi32>
        %gather3A_273 = tpu.vector_load_idx %arg7[%add3A_272] : memref<2064xf32, #tpu.memory_space<vmem>>[vector<16xi32>], vector<16xf32>,
        %add3A_274 = arith.addf %get3A_266, %gather3A_273 : vector<16xf32>
        %mul3A_275 = arith.constant 5.000000e-01 : f32
        %mul3A_276 = vector.broadcast %mul3A_275 : f32 to vector<16xf32>
        %mul3A_277 = arith.mulf %mul3A_276, %add3A_274 : vector<16xf32>
        %swap3A_278 = arith.constant 32 : index
        %swap3A_279 = tpu.vector_load %arg12[%swap3A_278] {strides = array<i32>} : memref<80xf32, #tpu.memory_space<vmem>>, vector<16xf32>,
        tpu.vector_store %arg12[%swap3A_278], %mul3A_277 {strides = array<i32>} : memref<80xf32, #tpu.memory_space<vmem>>, vector<16xf32>,
        %add3A_280 = arith.constant 48 : i32
        %add3A_281 = arith.addi %mul3A_228, %add3A_280 : i32
        %get3A_282 = arith.index_cast %add3A_281 : i32 to index
        %get3A_283 = tpu.vector_load %arg7[%get3A_282] {strides = array<i32>} : memref<2064xf32, #tpu.memory_space<vmem>>, vector<16xf32>,
        %add3A_284 = arith.constant 48 : i32
        %add3A_285 = arith.addi %mul3A_228, %add3A_284 : i32
        %add3A_286 = arith.constant 1 : i32
        %add3A_287 = arith.addi %add3A_285, %add3A_286 : i32
        %add3A_288 = vector.broadcast %add3A_287 : i32 to vector<16xi32>
        %add3A_289 = arith.addi %iota3A, %add3A_288 : vector<16xi32>
        %gather3A_290 = tpu.vector_load_idx %arg7[%add3A_289] : memref<2064xf32, #tpu.memory_space<vmem>>[vector<16xi32>], vector<16xf32>,
        %add3A_291 = arith.addf %get3A_283, %gather3A_290 : vector<16xf32>
        %mul3A_292 = arith.constant 5.000000e-01 : f32
        %mul3A_293 = vector.broadcast %mul3A_292 : f32 to vector<16xf32>
        %mul3A_294 = arith.mulf %mul3A_293, %add3A_291 : vector<16xf32>
        %swap3A_295 = arith.constant 48 : index
        %swap3A_296 = tpu.vector_load %arg12[%swap3A_295] {strides = array<i32>} : memref<80xf32, #tpu.memory_space<vmem>>, vector<16xf32>,
        tpu.vector_store %arg12[%swap3A_295], %mul3A_294 {strides = array<i32>} : memref<80xf32, #tpu.memory_space<vmem>>, vector<16xf32>,
        %add3A_297 = arith.constant 1 : i32
        %add3A_298 = arith.addi %mul3A_228, %add3A_297 : i32
        %add3A_299 = arith.constant 0 : i32
        %add3A_300 = arith.addi %add3A_298, %add3A_299 : i32
        %add3A_301 = vector.broadcast %add3A_300 : i32 to vector<16xi32>
        %add3A_302 = arith.addi %iota3A, %add3A_301 : vector<16xi32>
        %gather3A_303 = tpu.vector_load_idx %arg8[%add3A_302] : memref<2064xf32, #tpu.memory_space<vmem>>[vector<16xi32>], vector<16xf32>,
        %add3A_304 = arith.constant 9.99999974E-6 : f32
        %add3A_305 = vector.broadcast %add3A_304 : f32 to vector<16xf32>
        %add3A_306 = arith.addf %gather3A_303, %add3A_305 : vector<16xf32>
        %broadcast_in_dim3A = arith.constant true
        %broadcast_in_dim3A_307 = vector.broadcast %broadcast_in_dim3A : i1 to vector<16xi1>
        %masked_cumsum3A = tpu.scan <sum>, %add3A_306 masked %broadcast_in_dim3A_307 : vector<16xf32>, vector<16xi1> -> vector<16xf32>
        %add3A_308 = arith.addf %masked_cumsum3A, %mul3A_5 : vector<16xf32>
        %broadcast_in_dim3A_309 = vector.shape_cast %add3A_14 : vector<16xi32> to vector<16x1xi32>
        %gather3A_310 = vector.shape_cast %broadcast_in_dim3A_309 : vector<16x1xi32> to vector<16xi32>
        %gather3A_311 = tpu.dynamic_gather %add3A_308[%gather3A_310] in [0] : vector<16xf32>, vector<16xi32> -> vector<16xf32>
        %add3A_312 = arith.constant 1 : i32
        %add3A_313 = arith.addi %mul3A_228, %add3A_312 : i32
        %add3A_314 = arith.constant 16 : i32
        %add3A_315 = arith.addi %add3A_313, %add3A_314 : i32
        %add3A_316 = vector.broadcast %add3A_315 : i32 to vector<16xi32>
        %add3A_317 = arith.addi %iota3A, %add3A_316 : vector<16xi32>
        %gather3A_318 = tpu.vector_load_idx %arg8[%add3A_317] : memref<2064xf32, #tpu.memory_space<vmem>>[vector<16xi32>], vector<16xf32>,
        %add3A_319 = arith.constant 9.99999974E-6 : f32
        %add3A_320 = vector.broadcast %add3A_319 : f32 to vector<16xf32>
        %add3A_321 = arith.addf %gather3A_318, %add3A_320 : vector<16xf32>
        %broadcast_in_dim3A_322 = arith.constant true
        %broadcast_in_dim3A_323 = vector.broadcast %broadcast_in_dim3A_322 : i1 to vector<16xi1>
        %masked_cumsum3A_324 = tpu.scan <sum>, %add3A_321 masked %broadcast_in_dim3A_323 : vector<16xf32>, vector<16xi1> -> vector<16xf32>
        %add3A_325 = arith.addf %masked_cumsum3A_324, %gather3A_311 : vector<16xf32>
        %broadcast_in_dim3A_326 = vector.shape_cast %add3A_14 : vector<16xi32> to vector<16x1xi32>
        %gather3A_327 = vector.shape_cast %broadcast_in_dim3A_326 : vector<16x1xi32> to vector<16xi32>
        %gather3A_328 = tpu.dynamic_gather %add3A_325[%gather3A_327] in [0] : vector<16xf32>, vector<16xi32> -> vector<16xf32>
        %add3A_329 = arith.constant 1 : i32
        %add3A_330 = arith.addi %mul3A_228, %add3A_329 : i32
        %add3A_331 = arith.constant 32 : i32
        %add3A_332 = arith.addi %add3A_330, %add3A_331 : i32
        %add3A_333 = vector.broadcast %add3A_332 : i32 to vector<16xi32>
        %add3A_334 = arith.addi %iota3A, %add3A_333 : vector<16xi32>
        %gather3A_335 = tpu.vector_load_idx %arg8[%add3A_334] : memref<2064xf32, #tpu.memory_space<vmem>>[vector<16xi32>], vector<16xf32>,
        %add3A_336 = arith.constant 9.99999974E-6 : f32
        %add3A_337 = vector.broadcast %add3A_336 : f32 to vector<16xf32>
        %add3A_338 = arith.addf %gather3A_335, %add3A_337 : vector<16xf32>
        %broadcast_in_dim3A_339 = arith.constant true
        %broadcast_in_dim3A_340 = vector.broadcast %broadcast_in_dim3A_339 : i1 to vector<16xi1>
        %masked_cumsum3A_341 = tpu.scan <sum>, %add3A_338 masked %broadcast_in_dim3A_340 : vector<16xf32>, vector<16xi1> -> vector<16xf32>
        %add3A_342 = arith.addf %masked_cumsum3A_341, %gather3A_328 : vector<16xf32>
        %broadcast_in_dim3A_343 = vector.shape_cast %add3A_14 : vector<16xi32> to vector<16x1xi32>
        %gather3A_344 = vector.shape_cast %broadcast_in_dim3A_343 : vector<16x1xi32> to vector<16xi32>
        %gather3A_345 = tpu.dynamic_gather %add3A_342[%gather3A_344] in [0] : vector<16xf32>, vector<16xi32> -> vector<16xf32>
        %add3A_346 = arith.constant 1 : i32
        %add3A_347 = arith.addi %mul3A_228, %add3A_346 : i32
        %add3A_348 = arith.constant 48 : i32
        %add3A_349 = arith.addi %add3A_347, %add3A_348 : i32
        %add3A_350 = vector.broadcast %add3A_349 : i32 to vector<16xi32>
        %add3A_351 = arith.addi %iota3A, %add3A_350 : vector<16xi32>
        %gather3A_352 = tpu.vector_load_idx %arg8[%add3A_351] : memref<2064xf32, #tpu.memory_space<vmem>>[vector<16xi32>], vector<16xf32>,
        %add3A_353 = arith.constant 9.99999974E-6 : f32
        %add3A_354 = vector.broadcast %add3A_353 : f32 to vector<16xf32>
        %add3A_355 = arith.addf %gather3A_352, %add3A_354 : vector<16xf32>
        %jit3A = arith.constant 0.000000e+00 : f32
        %broadcast_in_dim3A_356 = vector.broadcast %jit3A : f32 to vector<16xf32>
        %select_n3A = arith.select %lt3A_16, %add3A_355, %broadcast_in_dim3A_356 : vector<16xi1>, vector<16xf32>
        %broadcast_in_dim3A_357 = arith.constant true
        %broadcast_in_dim3A_358 = vector.broadcast %broadcast_in_dim3A_357 : i1 to vector<16xi1>
        %masked_cumsum3A_359 = tpu.scan <sum>, %select_n3A masked %broadcast_in_dim3A_358 : vector<16xf32>, vector<16xi1> -> vector<16xf32>
        %add3A_360 = arith.addf %masked_cumsum3A_359, %gather3A_345 : vector<16xf32>
        %broadcast_in_dim3A_361 = vector.shape_cast %add3A_14 : vector<16xi32> to vector<16x1xi32>
        %gather3A_362 = vector.shape_cast %broadcast_in_dim3A_361 : vector<16x1xi32> to vector<16xi32>
        %gather3A_363 = tpu.dynamic_gather %add3A_360[%gather3A_362] in [0] : vector<16xf32>, vector<16xi32> -> vector<16xf32>
        %div3A = arith.divf %add3A_8, %gather3A_363 : vector<16xf32>
        %mul3A_364 = arith.mulf %add3A_308, %div3A : vector<16xf32>
        %add3A_365 = arith.constant 1 : i32
        %add3A_366 = vector.broadcast %add3A_365 : i32 to vector<16xi32>
        %add3A_367 = arith.addi %iota3A, %add3A_366 : vector<16xi32>
        tpu.vector_store_idx %arg11[%add3A_367], %mul3A_364 : memref<80xf32, #tpu.memory_space<vmem>>[vector<16xi32>], vector<16xf32>,
        %mul3A_368 = arith.constant 6.300000e+01 : f32
        %mul3A_369 = vector.broadcast %mul3A_368 : f32 to vector<16xf32>
        %mul3A_370 = arith.mulf %mul3A_364, %mul3A_369 : vector<16xf32>
        %convert_element_type3A_371 = arith.fptosi %mul3A_370 : vector<16xf32> to vector<16xi32>
        %convert_element_type3A_372 = arith.sitofp %convert_element_type3A_371 : vector<16xi32> to vector<16xf32>
        %lt3A_373 = arith.cmpf olt, %convert_element_type3A_372, %mul3A_370 : vector<16xf32>
        %jit3A_374 = arith.constant 1 : i32
        %jit3A_375 = arith.constant 0 : i32
        %broadcast_in_dim3A_376 = vector.broadcast %jit3A_374 : i32 to vector<16xi32>
        %broadcast_in_dim3A_377 = vector.broadcast %jit3A_375 : i32 to vector<16xi32>
        %select_n3A_378 = arith.select %lt3A_373, %broadcast_in_dim3A_376, %broadcast_in_dim3A_377 : vector<16xi1>, vector<16xi32>
        %add3A_379 = arith.addi %convert_element_type3A_371, %select_n3A_378 : vector<16xi32>
        %min3A = arith.constant 63 : i32
        %min3A_380 = vector.broadcast %min3A : i32 to vector<16xi32>
        %min3A_381 = arith.minsi %add3A_379, %min3A_380 : vector<16xi32>
        %mul3A_382 = arith.mulf %add3A_325, %div3A : vector<16xf32>
        %add3A_383 = arith.constant 17 : i32
        %add3A_384 = vector.broadcast %add3A_383 : i32 to vector<16xi32>
        %add3A_385 = arith.addi %iota3A, %add3A_384 : vector<16xi32>
        tpu.vector_store_idx %arg11[%add3A_385], %mul3A_382 : memref<80xf32, #tpu.memory_space<vmem>>[vector<16xi32>], vector<16xf32>,
        %mul3A_386 = arith.constant 6.300000e+01 : f32
        %mul3A_387 = vector.broadcast %mul3A_386 : f32 to vector<16xf32>
        %mul3A_388 = arith.mulf %mul3A_382, %mul3A_387 : vector<16xf32>
        %convert_element_type3A_389 = arith.fptosi %mul3A_388 : vector<16xf32> to vector<16xi32>
        %convert_element_type3A_390 = arith.sitofp %convert_element_type3A_389 : vector<16xi32> to vector<16xf32>
        %lt3A_391 = arith.cmpf olt, %convert_element_type3A_390, %mul3A_388 : vector<16xf32>
        %jit3A_392 = arith.constant 1 : i32
        %jit3A_393 = arith.constant 0 : i32
        %broadcast_in_dim3A_394 = vector.broadcast %jit3A_392 : i32 to vector<16xi32>
        %broadcast_in_dim3A_395 = vector.broadcast %jit3A_393 : i32 to vector<16xi32>
        %select_n3A_396 = arith.select %lt3A_391, %broadcast_in_dim3A_394, %broadcast_in_dim3A_395 : vector<16xi1>, vector<16xi32>
        %add3A_397 = arith.addi %convert_element_type3A_389, %select_n3A_396 : vector<16xi32>
        %min3A_398 = arith.constant 63 : i32
        %min3A_399 = vector.broadcast %min3A_398 : i32 to vector<16xi32>
        %min3A_400 = arith.minsi %add3A_397, %min3A_399 : vector<16xi32>
        %mul3A_401 = arith.mulf %add3A_342, %div3A : vector<16xf32>
        %add3A_402 = arith.constant 33 : i32
        %add3A_403 = vector.broadcast %add3A_402 : i32 to vector<16xi32>
        %add3A_404 = arith.addi %iota3A, %add3A_403 : vector<16xi32>
        tpu.vector_store_idx %arg11[%add3A_404], %mul3A_401 : memref<80xf32, #tpu.memory_space<vmem>>[vector<16xi32>], vector<16xf32>,
        %mul3A_405 = arith.constant 6.300000e+01 : f32
        %mul3A_406 = vector.broadcast %mul3A_405 : f32 to vector<16xf32>
        %mul3A_407 = arith.mulf %mul3A_401, %mul3A_406 : vector<16xf32>
        %convert_element_type3A_408 = arith.fptosi %mul3A_407 : vector<16xf32> to vector<16xi32>
        %convert_element_type3A_409 = arith.sitofp %convert_element_type3A_408 : vector<16xi32> to vector<16xf32>
        %lt3A_410 = arith.cmpf olt, %convert_element_type3A_409, %mul3A_407 : vector<16xf32>
        %jit3A_411 = arith.constant 1 : i32
        %jit3A_412 = arith.constant 0 : i32
        %broadcast_in_dim3A_413 = vector.broadcast %jit3A_411 : i32 to vector<16xi32>
        %broadcast_in_dim3A_414 = vector.broadcast %jit3A_412 : i32 to vector<16xi32>
        %select_n3A_415 = arith.select %lt3A_410, %broadcast_in_dim3A_413, %broadcast_in_dim3A_414 : vector<16xi1>, vector<16xi32>
        %add3A_416 = arith.addi %convert_element_type3A_408, %select_n3A_415 : vector<16xi32>
        %min3A_417 = arith.constant 63 : i32
        %min3A_418 = vector.broadcast %min3A_417 : i32 to vector<16xi32>
        %min3A_419 = arith.minsi %add3A_416, %min3A_418 : vector<16xi32>
        %mul3A_420 = arith.mulf %add3A_360, %div3A : vector<16xf32>
        %add3A_421 = arith.constant 49 : i32
        %add3A_422 = vector.broadcast %add3A_421 : i32 to vector<16xi32>
        %add3A_423 = arith.addi %iota3A, %add3A_422 : vector<16xi32>
        tpu.vector_store_idx %arg11[%add3A_423], %mul3A_420 : memref<80xf32, #tpu.memory_space<vmem>>[vector<16xi32>], vector<16xf32>,
        %mul3A_424 = arith.constant 6.300000e+01 : f32
        %mul3A_425 = vector.broadcast %mul3A_424 : f32 to vector<16xf32>
        %mul3A_426 = arith.mulf %mul3A_420, %mul3A_425 : vector<16xf32>
        %convert_element_type3A_427 = arith.fptosi %mul3A_426 : vector<16xf32> to vector<16xi32>
        %convert_element_type3A_428 = arith.sitofp %convert_element_type3A_427 : vector<16xi32> to vector<16xf32>
        %lt3A_429 = arith.cmpf olt, %convert_element_type3A_428, %mul3A_426 : vector<16xf32>
        %jit3A_430 = arith.constant 1 : i32
        %jit3A_431 = arith.constant 0 : i32
        %broadcast_in_dim3A_432 = vector.broadcast %jit3A_430 : i32 to vector<16xi32>
        %broadcast_in_dim3A_433 = vector.broadcast %jit3A_431 : i32 to vector<16xi32>
        %select_n3A_434 = arith.select %lt3A_429, %broadcast_in_dim3A_432, %broadcast_in_dim3A_433 : vector<16xi1>, vector<16xi32>
        %add3A_435 = arith.addi %convert_element_type3A_427, %select_n3A_434 : vector<16xi32>
        %min3A_436 = arith.constant 63 : i32
        %min3A_437 = vector.broadcast %min3A_436 : i32 to vector<16xi32>
        %min3A_438 = arith.minsi %add3A_435, %min3A_437 : vector<16xi32>
        tpu.vector_store_idx %arg13[%min3A_381], %add3A_8 {add = true} : memref<80xf32, #tpu.memory_space<vmem>>[vector<16xi32>], vector<16xf32>,
        tpu.vector_store_idx %arg13[%min3A_400], %add3A_8 {add = true} : memref<80xf32, #tpu.memory_space<vmem>>[vector<16xi32>], vector<16xf32>,
        tpu.vector_store_idx %arg13[%min3A_419], %add3A_8 {add = true} : memref<80xf32, #tpu.memory_space<vmem>>[vector<16xi32>], vector<16xf32>,
        tpu.vector_store_idx %arg13[%min3A_438], %add3A_8 masked %lt3A_16 {add = true} : memref<80xf32, #tpu.memory_space<vmem>>[vector<16xi32>], vector<16xf32>, vector<16xi1>
        %get3A_439 = arith.constant 0 : index
        %get3A_440 = tpu.vector_load %arg13[%get3A_439] {strides = array<i32>} : memref<80xf32, #tpu.memory_space<vmem>>, vector<16xf32>,
        %swap3A_441 = arith.constant 0 : index
        %swap3A_442 = tpu.vector_load %arg13[%swap3A_441] {strides = array<i32>} : memref<80xf32, #tpu.memory_space<vmem>>, vector<16xf32>,
        tpu.vector_store %arg13[%swap3A_441], %mul3A_5 {strides = array<i32>} : memref<80xf32, #tpu.memory_space<vmem>>, vector<16xf32>,
        %broadcast_in_dim3A_443 = arith.constant true
        %broadcast_in_dim3A_444 = vector.broadcast %broadcast_in_dim3A_443 : i1 to vector<16xi1>
        %masked_cumsum3A_445 = tpu.scan <sum>, %get3A_440 masked %broadcast_in_dim3A_444 : vector<16xf32>, vector<16xi1> -> vector<16xf32>
        %add3A_446 = arith.addf %masked_cumsum3A_445, %add3A_8 : vector<16xf32>
        %broadcast_in_dim3A_447 = vector.shape_cast %add3A_14 : vector<16xi32> to vector<16x1xi32>
        %gather3A_448 = vector.shape_cast %broadcast_in_dim3A_447 : vector<16x1xi32> to vector<16xi32>
        %gather3A_449 = tpu.dynamic_gather %add3A_446[%gather3A_448] in [0] : vector<16xf32>, vector<16xi32> -> vector<16xf32>
        %convert_element_type3A_450 = arith.fptosi %add3A_446 : vector<16xf32> to vector<16xi32>
        %sub3A = arith.constant 1 : i32
        %sub3A_451 = vector.broadcast %sub3A : i32 to vector<16xi32>
        %sub3A_452 = arith.subi %convert_element_type3A_450, %sub3A_451 : vector<16xi32>
        %gather3A_453 = tpu.vector_load_idx %arg11[%sub3A_452] : memref<80xf32, #tpu.memory_space<vmem>>[vector<16xi32>], vector<16xf32>,
        %gather3A_454 = tpu.vector_load_idx %arg11[%convert_element_type3A_450] : memref<80xf32, #tpu.memory_space<vmem>>[vector<16xi32>], vector<16xf32>,
        %gather3A_455 = tpu.vector_load_idx %arg12[%sub3A_452] : memref<80xf32, #tpu.memory_space<vmem>>[vector<16xi32>], vector<16xf32>,
        %gather3A_456 = tpu.vector_load_idx %arg12[%convert_element_type3A_450] : memref<80xf32, #tpu.memory_space<vmem>>[vector<16xi32>], vector<16xf32>,
        %sub3A_457 = arith.subf %gather3A_454, %gather3A_453 : vector<16xf32>
        %lt3A_458 = arith.constant 9.99999974E-6 : f32
        %lt3A_459 = vector.broadcast %lt3A_458 : f32 to vector<16xf32>
        %lt3A_460 = arith.cmpf olt, %sub3A_457, %lt3A_459 : vector<16xf32>
        %jit3A_461 = arith.constant 1.000000e+00 : f32
        %broadcast_in_dim3A_462 = vector.broadcast %jit3A_461 : f32 to vector<16xf32>
        %select_n3A_463 = arith.select %lt3A_460, %broadcast_in_dim3A_462, %sub3A_457 : vector<16xi1>, vector<16xf32>
        %sub3A_464 = arith.subf %mul3A_69, %gather3A_453 : vector<16xf32>
        %div3A_465 = arith.divf %sub3A_464, %select_n3A_463 : vector<16xf32>
        %sub3A_466 = arith.subf %gather3A_456, %gather3A_455 : vector<16xf32>
        %mul3A_467 = arith.mulf %div3A_465, %sub3A_466 : vector<16xf32>
        %add3A_468 = arith.addf %gather3A_455, %mul3A_467 : vector<16xf32>
        %get3A_469 = arith.constant 16 : index
        %get3A_470 = tpu.vector_load %arg13[%get3A_469] {strides = array<i32>} : memref<80xf32, #tpu.memory_space<vmem>>, vector<16xf32>,
        %swap3A_471 = arith.constant 16 : index
        %swap3A_472 = tpu.vector_load %arg13[%swap3A_471] {strides = array<i32>} : memref<80xf32, #tpu.memory_space<vmem>>, vector<16xf32>,
        tpu.vector_store %arg13[%swap3A_471], %mul3A_5 {strides = array<i32>} : memref<80xf32, #tpu.memory_space<vmem>>, vector<16xf32>,
        %broadcast_in_dim3A_473 = arith.constant true
        %broadcast_in_dim3A_474 = vector.broadcast %broadcast_in_dim3A_473 : i1 to vector<16xi1>
        %masked_cumsum3A_475 = tpu.scan <sum>, %get3A_470 masked %broadcast_in_dim3A_474 : vector<16xf32>, vector<16xi1> -> vector<16xf32>
        %add3A_476 = arith.addf %masked_cumsum3A_475, %gather3A_449 : vector<16xf32>
        %broadcast_in_dim3A_477 = vector.shape_cast %add3A_14 : vector<16xi32> to vector<16x1xi32>
        %gather3A_478 = vector.shape_cast %broadcast_in_dim3A_477 : vector<16x1xi32> to vector<16xi32>
        %gather3A_479 = tpu.dynamic_gather %add3A_476[%gather3A_478] in [0] : vector<16xf32>, vector<16xi32> -> vector<16xf32>
        %convert_element_type3A_480 = arith.fptosi %add3A_476 : vector<16xf32> to vector<16xi32>
        %sub3A_481 = arith.constant 1 : i32
        %sub3A_482 = vector.broadcast %sub3A_481 : i32 to vector<16xi32>
        %sub3A_483 = arith.subi %convert_element_type3A_480, %sub3A_482 : vector<16xi32>
        %gather3A_484 = tpu.vector_load_idx %arg11[%sub3A_483] : memref<80xf32, #tpu.memory_space<vmem>>[vector<16xi32>], vector<16xf32>,
        %gather3A_485 = tpu.vector_load_idx %arg11[%convert_element_type3A_480] : memref<80xf32, #tpu.memory_space<vmem>>[vector<16xi32>], vector<16xf32>,
        %gather3A_486 = tpu.vector_load_idx %arg12[%sub3A_483] : memref<80xf32, #tpu.memory_space<vmem>>[vector<16xi32>], vector<16xf32>,
        %gather3A_487 = tpu.vector_load_idx %arg12[%convert_element_type3A_480] : memref<80xf32, #tpu.memory_space<vmem>>[vector<16xi32>], vector<16xf32>,
        %sub3A_488 = arith.subf %gather3A_485, %gather3A_484 : vector<16xf32>
        %lt3A_489 = arith.constant 9.99999974E-6 : f32
        %lt3A_490 = vector.broadcast %lt3A_489 : f32 to vector<16xf32>
        %lt3A_491 = arith.cmpf olt, %sub3A_488, %lt3A_490 : vector<16xf32>
        %jit3A_492 = arith.constant 1.000000e+00 : f32
        %broadcast_in_dim3A_493 = vector.broadcast %jit3A_492 : f32 to vector<16xf32>
        %select_n3A_494 = arith.select %lt3A_491, %broadcast_in_dim3A_493, %sub3A_488 : vector<16xi1>, vector<16xf32>
        %sub3A_495 = arith.subf %mul3A_75, %gather3A_484 : vector<16xf32>
        %div3A_496 = arith.divf %sub3A_495, %select_n3A_494 : vector<16xf32>
        %sub3A_497 = arith.subf %gather3A_487, %gather3A_486 : vector<16xf32>
        %mul3A_498 = arith.mulf %div3A_496, %sub3A_497 : vector<16xf32>
        %add3A_499 = arith.addf %gather3A_486, %mul3A_498 : vector<16xf32>
        %get3A_500 = arith.constant 32 : index
        %get3A_501 = tpu.vector_load %arg13[%get3A_500] {strides = array<i32>} : memref<80xf32, #tpu.memory_space<vmem>>, vector<16xf32>,
        %swap3A_502 = arith.constant 32 : index
        %swap3A_503 = tpu.vector_load %arg13[%swap3A_502] {strides = array<i32>} : memref<80xf32, #tpu.memory_space<vmem>>, vector<16xf32>,
        tpu.vector_store %arg13[%swap3A_502], %mul3A_5 {strides = array<i32>} : memref<80xf32, #tpu.memory_space<vmem>>, vector<16xf32>,
        %broadcast_in_dim3A_504 = arith.constant true
        %broadcast_in_dim3A_505 = vector.broadcast %broadcast_in_dim3A_504 : i1 to vector<16xi1>
        %masked_cumsum3A_506 = tpu.scan <sum>, %get3A_501 masked %broadcast_in_dim3A_505 : vector<16xf32>, vector<16xi1> -> vector<16xf32>
        %add3A_507 = arith.addf %masked_cumsum3A_506, %gather3A_479 : vector<16xf32>
        %broadcast_in_dim3A_508 = vector.shape_cast %add3A_14 : vector<16xi32> to vector<16x1xi32>
        %gather3A_509 = vector.shape_cast %broadcast_in_dim3A_508 : vector<16x1xi32> to vector<16xi32>
        %gather3A_510 = tpu.dynamic_gather %add3A_507[%gather3A_509] in [0] : vector<16xf32>, vector<16xi32> -> vector<16xf32>
        %convert_element_type3A_511 = arith.fptosi %add3A_507 : vector<16xf32> to vector<16xi32>
        %sub3A_512 = arith.constant 1 : i32
        %sub3A_513 = vector.broadcast %sub3A_512 : i32 to vector<16xi32>
        %sub3A_514 = arith.subi %convert_element_type3A_511, %sub3A_513 : vector<16xi32>
        %gather3A_515 = tpu.vector_load_idx %arg11[%sub3A_514] : memref<80xf32, #tpu.memory_space<vmem>>[vector<16xi32>], vector<16xf32>,
        %gather3A_516 = tpu.vector_load_idx %arg11[%convert_element_type3A_511] : memref<80xf32, #tpu.memory_space<vmem>>[vector<16xi32>], vector<16xf32>,
        %gather3A_517 = tpu.vector_load_idx %arg12[%sub3A_514] : memref<80xf32, #tpu.memory_space<vmem>>[vector<16xi32>], vector<16xf32>,
        %gather3A_518 = tpu.vector_load_idx %arg12[%convert_element_type3A_511] : memref<80xf32, #tpu.memory_space<vmem>>[vector<16xi32>], vector<16xf32>,
        %sub3A_519 = arith.subf %gather3A_516, %gather3A_515 : vector<16xf32>
        %lt3A_520 = arith.constant 9.99999974E-6 : f32
        %lt3A_521 = vector.broadcast %lt3A_520 : f32 to vector<16xf32>
        %lt3A_522 = arith.cmpf olt, %sub3A_519, %lt3A_521 : vector<16xf32>
        %jit3A_523 = arith.constant 1.000000e+00 : f32
        %broadcast_in_dim3A_524 = vector.broadcast %jit3A_523 : f32 to vector<16xf32>
        %select_n3A_525 = arith.select %lt3A_522, %broadcast_in_dim3A_524, %sub3A_519 : vector<16xi1>, vector<16xf32>
        %sub3A_526 = arith.subf %mul3A_81, %gather3A_515 : vector<16xf32>
        %div3A_527 = arith.divf %sub3A_526, %select_n3A_525 : vector<16xf32>
        %sub3A_528 = arith.subf %gather3A_518, %gather3A_517 : vector<16xf32>
        %mul3A_529 = arith.mulf %div3A_527, %sub3A_528 : vector<16xf32>
        %add3A_530 = arith.addf %gather3A_517, %mul3A_529 : vector<16xf32>
        %get3A_531 = arith.constant 48 : index
        %get3A_532 = tpu.vector_load %arg13[%get3A_531] {strides = array<i32>} : memref<80xf32, #tpu.memory_space<vmem>>, vector<16xf32>,
        %swap3A_533 = arith.constant 48 : index
        %swap3A_534 = tpu.vector_load %arg13[%swap3A_533] {strides = array<i32>} : memref<80xf32, #tpu.memory_space<vmem>>, vector<16xf32>,
        tpu.vector_store %arg13[%swap3A_533], %mul3A_5 {strides = array<i32>} : memref<80xf32, #tpu.memory_space<vmem>>, vector<16xf32>,
        %broadcast_in_dim3A_535 = arith.constant true
        %broadcast_in_dim3A_536 = vector.broadcast %broadcast_in_dim3A_535 : i1 to vector<16xi1>
        %masked_cumsum3A_537 = tpu.scan <sum>, %get3A_532 masked %broadcast_in_dim3A_536 : vector<16xf32>, vector<16xi1> -> vector<16xf32>
        %add3A_538 = arith.addf %masked_cumsum3A_537, %gather3A_510 : vector<16xf32>
        %broadcast_in_dim3A_539 = vector.shape_cast %add3A_14 : vector<16xi32> to vector<16x1xi32>
        %gather3A_540 = vector.shape_cast %broadcast_in_dim3A_539 : vector<16x1xi32> to vector<16xi32>
        %gather3A_541 = tpu.dynamic_gather %add3A_538[%gather3A_540] in [0] : vector<16xf32>, vector<16xi32> -> vector<16xf32>
        %convert_element_type3A_542 = arith.fptosi %add3A_538 : vector<16xf32> to vector<16xi32>
        %sub3A_543 = arith.constant 1 : i32
        %sub3A_544 = vector.broadcast %sub3A_543 : i32 to vector<16xi32>
        %sub3A_545 = arith.subi %convert_element_type3A_542, %sub3A_544 : vector<16xi32>
        %gather3A_546 = tpu.vector_load_idx %arg11[%sub3A_545] : memref<80xf32, #tpu.memory_space<vmem>>[vector<16xi32>], vector<16xf32>,
        %gather3A_547 = tpu.vector_load_idx %arg11[%convert_element_type3A_542] : memref<80xf32, #tpu.memory_space<vmem>>[vector<16xi32>], vector<16xf32>,
        %gather3A_548 = tpu.vector_load_idx %arg12[%sub3A_545] : memref<80xf32, #tpu.memory_space<vmem>>[vector<16xi32>], vector<16xf32>,
        %gather3A_549 = tpu.vector_load_idx %arg12[%convert_element_type3A_542] : memref<80xf32, #tpu.memory_space<vmem>>[vector<16xi32>], vector<16xf32>,
        %sub3A_550 = arith.subf %gather3A_547, %gather3A_546 : vector<16xf32>
        %lt3A_551 = arith.constant 9.99999974E-6 : f32
        %lt3A_552 = vector.broadcast %lt3A_551 : f32 to vector<16xf32>
        %lt3A_553 = arith.cmpf olt, %sub3A_550, %lt3A_552 : vector<16xf32>
        %jit3A_554 = arith.constant 1.000000e+00 : f32
        %broadcast_in_dim3A_555 = vector.broadcast %jit3A_554 : f32 to vector<16xf32>
        %select_n3A_556 = arith.select %lt3A_553, %broadcast_in_dim3A_555, %sub3A_550 : vector<16xi1>, vector<16xf32>
        %sub3A_557 = arith.subf %mul3A_87, %gather3A_546 : vector<16xf32>
        %div3A_558 = arith.divf %sub3A_557, %select_n3A_556 : vector<16xf32>
        %sub3A_559 = arith.subf %gather3A_549, %gather3A_548 : vector<16xf32>
        %mul3A_560 = arith.mulf %div3A_558, %sub3A_559 : vector<16xf32>
        %add3A_561 = arith.addf %gather3A_548, %mul3A_560 : vector<16xf32>
        %rev3A = arith.constant 15 : i32
        %rev3A_562 = vector.broadcast %rev3A : i32 to vector<16xi32>
        %rev3A_563 = tpu.iota {dimensions = array<i32: 0>} : vector<16xi32>
        %rev3A_564 = arith.subi %rev3A_562, %rev3A_563 : vector<16xi32>
        %rev3A_565 = tpu.dynamic_gather %add3A_561[%rev3A_564] in [0] : vector<16xf32>, vector<16xi32> -> vector<16xf32>
        %rev3A_566 = arith.constant 15 : i32
        %rev3A_567 = vector.broadcast %rev3A_566 : i32 to vector<16xi32>
        %rev3A_568 = tpu.iota {dimensions = array<i32: 0>} : vector<16xi32>
        %rev3A_569 = arith.subi %rev3A_567, %rev3A_568 : vector<16xi32>
        %rev3A_570 = tpu.dynamic_gather %add3A_530[%rev3A_569] in [0] : vector<16xf32>, vector<16xi32> -> vector<16xf32>
        %rev3A_571 = arith.constant 15 : i32
        %rev3A_572 = vector.broadcast %rev3A_571 : i32 to vector<16xi32>
        %rev3A_573 = tpu.iota {dimensions = array<i32: 0>} : vector<16xi32>
        %rev3A_574 = arith.subi %rev3A_572, %rev3A_573 : vector<16xi32>
        %rev3A_575 = tpu.dynamic_gather %add3A_499[%rev3A_574] in [0] : vector<16xf32>, vector<16xi32> -> vector<16xf32>
        %rev3A_576 = arith.constant 15 : i32
        %rev3A_577 = vector.broadcast %rev3A_576 : i32 to vector<16xi32>
        %rev3A_578 = tpu.iota {dimensions = array<i32: 0>} : vector<16xi32>
        %rev3A_579 = arith.subi %rev3A_577, %rev3A_578 : vector<16xi32>
        %rev3A_580 = tpu.dynamic_gather %add3A_468[%rev3A_579] in [0] : vector<16xf32>, vector<16xi32> -> vector<16xf32>
        %min3A_581 = arith.minimumf %get3A_233, %rev3A_565 : vector<16xf32>
        %min3A_582 = arith.minimumf %get3A_249, %rev3A_570 : vector<16xf32>
        %min3A_583 = arith.minimumf %get3A_266, %rev3A_575 : vector<16xf32>
        %min3A_584 = arith.minimumf %get3A_283, %rev3A_580 : vector<16xf32>
        %max3A = arith.maximumf %get3A_233, %rev3A_565 : vector<16xf32>
        %max3A_585 = arith.maximumf %get3A_249, %rev3A_570 : vector<16xf32>
        %max3A_586 = arith.maximumf %get3A_266, %rev3A_575 : vector<16xf32>
        %max3A_587 = arith.maximumf %get3A_283, %rev3A_580 : vector<16xf32>
        %min3A_588 = arith.minimumf %min3A_581, %min3A_583 : vector<16xf32>
        %max3A_589 = arith.maximumf %min3A_581, %min3A_583 : vector<16xf32>
        %min3A_590 = arith.minimumf %min3A_582, %min3A_584 : vector<16xf32>
        %max3A_591 = arith.maximumf %min3A_582, %min3A_584 : vector<16xf32>
        %min3A_592 = arith.minimumf %max3A, %max3A_586 : vector<16xf32>
        %max3A_593 = arith.maximumf %max3A, %max3A_586 : vector<16xf32>
        %min3A_594 = arith.minimumf %max3A_585, %max3A_587 : vector<16xf32>
        %max3A_595 = arith.maximumf %max3A_585, %max3A_587 : vector<16xf32>
        %min3A_596 = arith.minimumf %min3A_588, %min3A_590 : vector<16xf32>
        %max3A_597 = arith.maximumf %min3A_588, %min3A_590 : vector<16xf32>
        %min3A_598 = arith.minimumf %max3A_589, %max3A_591 : vector<16xf32>
        %max3A_599 = arith.maximumf %max3A_589, %max3A_591 : vector<16xf32>
        %min3A_600 = arith.minimumf %min3A_592, %min3A_594 : vector<16xf32>
        %max3A_601 = arith.maximumf %min3A_592, %min3A_594 : vector<16xf32>
        %min3A_602 = arith.minimumf %max3A_593, %max3A_595 : vector<16xf32>
        %max3A_603 = arith.maximumf %max3A_593, %max3A_595 : vector<16xf32>
        %sort3A = arith.constant dense<true> : vector<16xi1>
        %sort3A_604, %sort3A_605, %sort3A_606 = tpu.sort %min3A_596, %min3A_596 masked %sort3A : (vector<16xf32>, vector<16xf32>, vector<16xi1>) -> (vector<16xi1>, vector<16xf32>, vector<16xf32>)
        %add3A_607 = arith.constant 0 : i32
        %add3A_608 = arith.addi %mul3A_230, %add3A_607 : i32
        %swap3A_609 = arith.index_cast %add3A_608 : i32 to index
        %swap3A_610 = tpu.vector_load %arg10[%swap3A_609] {strides = array<i32>} : memref<4096xf32, #tpu.memory_space<vmem>>, vector<16xf32>,
        tpu.vector_store %arg10[%swap3A_609], %sort3A_605 {strides = array<i32>} : memref<4096xf32, #tpu.memory_space<vmem>>, vector<16xf32>,
        %sort3A_611 = arith.constant dense<true> : vector<16xi1>
        %sort3A_612, %sort3A_613, %sort3A_614 = tpu.sort %max3A_597, %max3A_597 masked %sort3A_611 : (vector<16xf32>, vector<16xf32>, vector<16xi1>) -> (vector<16xi1>, vector<16xf32>, vector<16xf32>)
        %add3A_615 = arith.constant 16 : i32
        %add3A_616 = arith.addi %mul3A_230, %add3A_615 : i32
        %swap3A_617 = arith.index_cast %add3A_616 : i32 to index
        %swap3A_618 = tpu.vector_load %arg10[%swap3A_617] {strides = array<i32>} : memref<4096xf32, #tpu.memory_space<vmem>>, vector<16xf32>,
        tpu.vector_store %arg10[%swap3A_617], %sort3A_613 {strides = array<i32>} : memref<4096xf32, #tpu.memory_space<vmem>>, vector<16xf32>,
        %sort3A_619 = arith.constant dense<true> : vector<16xi1>
        %sort3A_620, %sort3A_621, %sort3A_622 = tpu.sort %min3A_598, %min3A_598 masked %sort3A_619 : (vector<16xf32>, vector<16xf32>, vector<16xi1>) -> (vector<16xi1>, vector<16xf32>, vector<16xf32>)
        %add3A_623 = arith.constant 32 : i32
        %add3A_624 = arith.addi %mul3A_230, %add3A_623 : i32
        %swap3A_625 = arith.index_cast %add3A_624 : i32 to index
        %swap3A_626 = tpu.vector_load %arg10[%swap3A_625] {strides = array<i32>} : memref<4096xf32, #tpu.memory_space<vmem>>, vector<16xf32>,
        tpu.vector_store %arg10[%swap3A_625], %sort3A_621 {strides = array<i32>} : memref<4096xf32, #tpu.memory_space<vmem>>, vector<16xf32>,
        %sort3A_627 = arith.constant dense<true> : vector<16xi1>
        %sort3A_628, %sort3A_629, %sort3A_630 = tpu.sort %max3A_599, %max3A_599 masked %sort3A_627 : (vector<16xf32>, vector<16xf32>, vector<16xi1>) -> (vector<16xi1>, vector<16xf32>, vector<16xf32>)
        %add3A_631 = arith.constant 48 : i32
        %add3A_632 = arith.addi %mul3A_230, %add3A_631 : i32
        %swap3A_633 = arith.index_cast %add3A_632 : i32 to index
        %swap3A_634 = tpu.vector_load %arg10[%swap3A_633] {strides = array<i32>} : memref<4096xf32, #tpu.memory_space<vmem>>, vector<16xf32>,
        tpu.vector_store %arg10[%swap3A_633], %sort3A_629 {strides = array<i32>} : memref<4096xf32, #tpu.memory_space<vmem>>, vector<16xf32>,
        %sort3A_635 = arith.constant dense<true> : vector<16xi1>
        %sort3A_636, %sort3A_637, %sort3A_638 = tpu.sort %min3A_600, %min3A_600 masked %sort3A_635 : (vector<16xf32>, vector<16xf32>, vector<16xi1>) -> (vector<16xi1>, vector<16xf32>, vector<16xf32>)
        %add3A_639 = arith.constant 64 : i32
        %add3A_640 = arith.addi %mul3A_230, %add3A_639 : i32
        %swap3A_641 = arith.index_cast %add3A_640 : i32 to index
        %swap3A_642 = tpu.vector_load %arg10[%swap3A_641] {strides = array<i32>} : memref<4096xf32, #tpu.memory_space<vmem>>, vector<16xf32>,
        tpu.vector_store %arg10[%swap3A_641], %sort3A_637 {strides = array<i32>} : memref<4096xf32, #tpu.memory_space<vmem>>, vector<16xf32>,
        %sort3A_643 = arith.constant dense<true> : vector<16xi1>
        %sort3A_644, %sort3A_645, %sort3A_646 = tpu.sort %max3A_601, %max3A_601 masked %sort3A_643 : (vector<16xf32>, vector<16xf32>, vector<16xi1>) -> (vector<16xi1>, vector<16xf32>, vector<16xf32>)
        %add3A_647 = arith.constant 80 : i32
        %add3A_648 = arith.addi %mul3A_230, %add3A_647 : i32
        %swap3A_649 = arith.index_cast %add3A_648 : i32 to index
        %swap3A_650 = tpu.vector_load %arg10[%swap3A_649] {strides = array<i32>} : memref<4096xf32, #tpu.memory_space<vmem>>, vector<16xf32>,
        tpu.vector_store %arg10[%swap3A_649], %sort3A_645 {strides = array<i32>} : memref<4096xf32, #tpu.memory_space<vmem>>, vector<16xf32>,
        %sort3A_651 = arith.constant dense<true> : vector<16xi1>
        %sort3A_652, %sort3A_653, %sort3A_654 = tpu.sort %min3A_602, %min3A_602 masked %sort3A_651 : (vector<16xf32>, vector<16xf32>, vector<16xi1>) -> (vector<16xi1>, vector<16xf32>, vector<16xf32>)
        %add3A_655 = arith.constant 96 : i32
        %add3A_656 = arith.addi %mul3A_230, %add3A_655 : i32
        %swap3A_657 = arith.index_cast %add3A_656 : i32 to index
        %swap3A_658 = tpu.vector_load %arg10[%swap3A_657] {strides = array<i32>} : memref<4096xf32, #tpu.memory_space<vmem>>, vector<16xf32>,
        tpu.vector_store %arg10[%swap3A_657], %sort3A_653 {strides = array<i32>} : memref<4096xf32, #tpu.memory_space<vmem>>, vector<16xf32>,
        %sort3A_659 = arith.constant dense<true> : vector<16xi1>
        %sort3A_660, %sort3A_661, %sort3A_662 = tpu.sort %max3A_603, %max3A_603 masked %sort3A_659 : (vector<16xf32>, vector<16xf32>, vector<16xi1>) -> (vector<16xi1>, vector<16xf32>, vector<16xf32>)
        %add3A_663 = arith.constant 112 : i32
        %add3A_664 = arith.addi %mul3A_230, %add3A_663 : i32
        %swap3A_665 = arith.index_cast %add3A_664 : i32 to index
        %swap3A_666 = tpu.vector_load %arg10[%swap3A_665] {strides = array<i32>} : memref<4096xf32, #tpu.memory_space<vmem>>, vector<16xf32>,
        tpu.vector_store %arg10[%swap3A_665], %sort3A_661 {strides = array<i32>} : memref<4096xf32, #tpu.memory_space<vmem>>, vector<16xf32>,
        %mul3A_667 = arith.constant 4 : i32
        %mul3A_668 = arith.muli %mul3A_667, %scan3A_221 : i32
        %add3A_669 = arith.constant 1 : i32
        %add3A_670 = arith.addi %mul3A_668, %add3A_669 : i32
        %mul3A_671 = arith.constant 64 : i32
        %mul3A_672 = arith.muli %add3A_670, %mul3A_671 : i32
        %mul3A_673 = arith.constant 128 : i32
        %mul3A_674 = arith.muli %add3A_670, %mul3A_673 : i32
        %add3A_675 = arith.constant 0 : i32
        %add3A_676 = arith.addi %mul3A_672, %add3A_675 : i32
        %get3A_677 = arith.index_cast %add3A_676 : i32 to index
        %get3A_678 = tpu.vector_load %arg7[%get3A_677] {strides = array<i32>} : memref<2064xf32, #tpu.memory_space<vmem>>, vector<16xf32>,
        %add3A_679 = arith.constant 0 : i32
        %add3A_680 = arith.addi %mul3A_672, %add3A_679 : i32
        %add3A_681 = arith.constant 1 : i32
        %add3A_682 = arith.addi %add3A_680, %add3A_681 : i32
        %add3A_683 = vector.broadcast %add3A_682 : i32 to vector<16xi32>
        %add3A_684 = arith.addi %iota3A, %add3A_683 : vector<16xi32>
        %gather3A_685 = tpu.vector_load_idx %arg7[%add3A_684] : memref<2064xf32, #tpu.memory_space<vmem>>[vector<16xi32>], vector<16xf32>,
        %add3A_686 = arith.addf %get3A_678, %gather3A_685 : vector<16xf32>
        %mul3A_687 = arith.constant 5.000000e-01 : f32
        %mul3A_688 = vector.broadcast %mul3A_687 : f32 to vector<16xf32>
        %mul3A_689 = arith.mulf %mul3A_688, %add3A_686 : vector<16xf32>
        %swap3A_690 = arith.constant 0 : index
        %swap3A_691 = tpu.vector_load %arg15[%swap3A_690] {strides = array<i32>} : memref<80xf32, #tpu.memory_space<vmem>>, vector<16xf32>,
        tpu.vector_store %arg15[%swap3A_690], %mul3A_689 {strides = array<i32>} : memref<80xf32, #tpu.memory_space<vmem>>, vector<16xf32>,
        %add3A_692 = arith.constant 16 : i32
        %add3A_693 = arith.addi %mul3A_672, %add3A_692 : i32
        %get3A_694 = arith.index_cast %add3A_693 : i32 to index
        %get3A_695 = tpu.vector_load %arg7[%get3A_694] {strides = array<i32>} : memref<2064xf32, #tpu.memory_space<vmem>>, vector<16xf32>,
        %add3A_696 = arith.constant 16 : i32
        %add3A_697 = arith.addi %mul3A_672, %add3A_696 : i32
        %add3A_698 = arith.constant 1 : i32
        %add3A_699 = arith.addi %add3A_697, %add3A_698 : i32
        %add3A_700 = vector.broadcast %add3A_699 : i32 to vector<16xi32>
        %add3A_701 = arith.addi %iota3A, %add3A_700 : vector<16xi32>
        %gather3A_702 = tpu.vector_load_idx %arg7[%add3A_701] : memref<2064xf32, #tpu.memory_space<vmem>>[vector<16xi32>], vector<16xf32>,
        %add3A_703 = arith.addf %get3A_695, %gather3A_702 : vector<16xf32>
        %mul3A_704 = arith.constant 5.000000e-01 : f32
        %mul3A_705 = vector.broadcast %mul3A_704 : f32 to vector<16xf32>
        %mul3A_706 = arith.mulf %mul3A_705, %add3A_703 : vector<16xf32>
        %swap3A_707 = arith.constant 16 : index
        %swap3A_708 = tpu.vector_load %arg15[%swap3A_707] {strides = array<i32>} : memref<80xf32, #tpu.memory_space<vmem>>, vector<16xf32>,
        tpu.vector_store %arg15[%swap3A_707], %mul3A_706 {strides = array<i32>} : memref<80xf32, #tpu.memory_space<vmem>>, vector<16xf32>,
        %add3A_709 = arith.constant 32 : i32
        %add3A_710 = arith.addi %mul3A_672, %add3A_709 : i32
        %get3A_711 = arith.index_cast %add3A_710 : i32 to index
        %get3A_712 = tpu.vector_load %arg7[%get3A_711] {strides = array<i32>} : memref<2064xf32, #tpu.memory_space<vmem>>, vector<16xf32>,
        %add3A_713 = arith.constant 32 : i32
        %add3A_714 = arith.addi %mul3A_672, %add3A_713 : i32
        %add3A_715 = arith.constant 1 : i32
        %add3A_716 = arith.addi %add3A_714, %add3A_715 : i32
        %add3A_717 = vector.broadcast %add3A_716 : i32 to vector<16xi32>
        %add3A_718 = arith.addi %iota3A, %add3A_717 : vector<16xi32>
        %gather3A_719 = tpu.vector_load_idx %arg7[%add3A_718] : memref<2064xf32, #tpu.memory_space<vmem>>[vector<16xi32>], vector<16xf32>,
        %add3A_720 = arith.addf %get3A_712, %gather3A_719 : vector<16xf32>
        %mul3A_721 = arith.constant 5.000000e-01 : f32
        %mul3A_722 = vector.broadcast %mul3A_721 : f32 to vector<16xf32>
        %mul3A_723 = arith.mulf %mul3A_722, %add3A_720 : vector<16xf32>
        %swap3A_724 = arith.constant 32 : index
        %swap3A_725 = tpu.vector_load %arg15[%swap3A_724] {strides = array<i32>} : memref<80xf32, #tpu.memory_space<vmem>>, vector<16xf32>,
        tpu.vector_store %arg15[%swap3A_724], %mul3A_723 {strides = array<i32>} : memref<80xf32, #tpu.memory_space<vmem>>, vector<16xf32>,
        %add3A_726 = arith.constant 48 : i32
        %add3A_727 = arith.addi %mul3A_672, %add3A_726 : i32
        %get3A_728 = arith.index_cast %add3A_727 : i32 to index
        %get3A_729 = tpu.vector_load %arg7[%get3A_728] {strides = array<i32>} : memref<2064xf32, #tpu.memory_space<vmem>>, vector<16xf32>,
        %add3A_730 = arith.constant 48 : i32
        %add3A_731 = arith.addi %mul3A_672, %add3A_730 : i32
        %add3A_732 = arith.constant 1 : i32
        %add3A_733 = arith.addi %add3A_731, %add3A_732 : i32
        %add3A_734 = vector.broadcast %add3A_733 : i32 to vector<16xi32>
        %add3A_735 = arith.addi %iota3A, %add3A_734 : vector<16xi32>
        %gather3A_736 = tpu.vector_load_idx %arg7[%add3A_735] : memref<2064xf32, #tpu.memory_space<vmem>>[vector<16xi32>], vector<16xf32>,
        %add3A_737 = arith.addf %get3A_729, %gather3A_736 : vector<16xf32>
        %mul3A_738 = arith.constant 5.000000e-01 : f32
        %mul3A_739 = vector.broadcast %mul3A_738 : f32 to vector<16xf32>
        %mul3A_740 = arith.mulf %mul3A_739, %add3A_737 : vector<16xf32>
        %swap3A_741 = arith.constant 48 : index
        %swap3A_742 = tpu.vector_load %arg15[%swap3A_741] {strides = array<i32>} : memref<80xf32, #tpu.memory_space<vmem>>, vector<16xf32>,
        tpu.vector_store %arg15[%swap3A_741], %mul3A_740 {strides = array<i32>} : memref<80xf32, #tpu.memory_space<vmem>>, vector<16xf32>,
        %add3A_743 = arith.constant 1 : i32
        %add3A_744 = arith.addi %mul3A_672, %add3A_743 : i32
        %add3A_745 = arith.constant 0 : i32
        %add3A_746 = arith.addi %add3A_744, %add3A_745 : i32
        %add3A_747 = vector.broadcast %add3A_746 : i32 to vector<16xi32>
        %add3A_748 = arith.addi %iota3A, %add3A_747 : vector<16xi32>
        %gather3A_749 = tpu.vector_load_idx %arg8[%add3A_748] : memref<2064xf32, #tpu.memory_space<vmem>>[vector<16xi32>], vector<16xf32>,
        %add3A_750 = arith.constant 9.99999974E-6 : f32
        %add3A_751 = vector.broadcast %add3A_750 : f32 to vector<16xf32>
        %add3A_752 = arith.addf %gather3A_749, %add3A_751 : vector<16xf32>
        %broadcast_in_dim3A_753 = arith.constant true
        %broadcast_in_dim3A_754 = vector.broadcast %broadcast_in_dim3A_753 : i1 to vector<16xi1>
        %masked_cumsum3A_755 = tpu.scan <sum>, %add3A_752 masked %broadcast_in_dim3A_754 : vector<16xf32>, vector<16xi1> -> vector<16xf32>
        %add3A_756 = arith.addf %masked_cumsum3A_755, %mul3A_5 : vector<16xf32>
        %broadcast_in_dim3A_757 = vector.shape_cast %add3A_14 : vector<16xi32> to vector<16x1xi32>
        %gather3A_758 = vector.shape_cast %broadcast_in_dim3A_757 : vector<16x1xi32> to vector<16xi32>
        %gather3A_759 = tpu.dynamic_gather %add3A_756[%gather3A_758] in [0] : vector<16xf32>, vector<16xi32> -> vector<16xf32>
        %add3A_760 = arith.constant 1 : i32
        %add3A_761 = arith.addi %mul3A_672, %add3A_760 : i32
        %add3A_762 = arith.constant 16 : i32
        %add3A_763 = arith.addi %add3A_761, %add3A_762 : i32
        %add3A_764 = vector.broadcast %add3A_763 : i32 to vector<16xi32>
        %add3A_765 = arith.addi %iota3A, %add3A_764 : vector<16xi32>
        %gather3A_766 = tpu.vector_load_idx %arg8[%add3A_765] : memref<2064xf32, #tpu.memory_space<vmem>>[vector<16xi32>], vector<16xf32>,
        %add3A_767 = arith.constant 9.99999974E-6 : f32
        %add3A_768 = vector.broadcast %add3A_767 : f32 to vector<16xf32>
        %add3A_769 = arith.addf %gather3A_766, %add3A_768 : vector<16xf32>
        %broadcast_in_dim3A_770 = arith.constant true
        %broadcast_in_dim3A_771 = vector.broadcast %broadcast_in_dim3A_770 : i1 to vector<16xi1>
        %masked_cumsum3A_772 = tpu.scan <sum>, %add3A_769 masked %broadcast_in_dim3A_771 : vector<16xf32>, vector<16xi1> -> vector<16xf32>
        %add3A_773 = arith.addf %masked_cumsum3A_772, %gather3A_759 : vector<16xf32>
        %broadcast_in_dim3A_774 = vector.shape_cast %add3A_14 : vector<16xi32> to vector<16x1xi32>
        %gather3A_775 = vector.shape_cast %broadcast_in_dim3A_774 : vector<16x1xi32> to vector<16xi32>
        %gather3A_776 = tpu.dynamic_gather %add3A_773[%gather3A_775] in [0] : vector<16xf32>, vector<16xi32> -> vector<16xf32>
        %add3A_777 = arith.constant 1 : i32
        %add3A_778 = arith.addi %mul3A_672, %add3A_777 : i32
        %add3A_779 = arith.constant 32 : i32
        %add3A_780 = arith.addi %add3A_778, %add3A_779 : i32
        %add3A_781 = vector.broadcast %add3A_780 : i32 to vector<16xi32>
        %add3A_782 = arith.addi %iota3A, %add3A_781 : vector<16xi32>
        %gather3A_783 = tpu.vector_load_idx %arg8[%add3A_782] : memref<2064xf32, #tpu.memory_space<vmem>>[vector<16xi32>], vector<16xf32>,
        %add3A_784 = arith.constant 9.99999974E-6 : f32
        %add3A_785 = vector.broadcast %add3A_784 : f32 to vector<16xf32>
        %add3A_786 = arith.addf %gather3A_783, %add3A_785 : vector<16xf32>
        %broadcast_in_dim3A_787 = arith.constant true
        %broadcast_in_dim3A_788 = vector.broadcast %broadcast_in_dim3A_787 : i1 to vector<16xi1>
        %masked_cumsum3A_789 = tpu.scan <sum>, %add3A_786 masked %broadcast_in_dim3A_788 : vector<16xf32>, vector<16xi1> -> vector<16xf32>
        %add3A_790 = arith.addf %masked_cumsum3A_789, %gather3A_776 : vector<16xf32>
        %broadcast_in_dim3A_791 = vector.shape_cast %add3A_14 : vector<16xi32> to vector<16x1xi32>
        %gather3A_792 = vector.shape_cast %broadcast_in_dim3A_791 : vector<16x1xi32> to vector<16xi32>
        %gather3A_793 = tpu.dynamic_gather %add3A_790[%gather3A_792] in [0] : vector<16xf32>, vector<16xi32> -> vector<16xf32>
        %add3A_794 = arith.constant 1 : i32
        %add3A_795 = arith.addi %mul3A_672, %add3A_794 : i32
        %add3A_796 = arith.constant 48 : i32
        %add3A_797 = arith.addi %add3A_795, %add3A_796 : i32
        %add3A_798 = vector.broadcast %add3A_797 : i32 to vector<16xi32>
        %add3A_799 = arith.addi %iota3A, %add3A_798 : vector<16xi32>
        %gather3A_800 = tpu.vector_load_idx %arg8[%add3A_799] : memref<2064xf32, #tpu.memory_space<vmem>>[vector<16xi32>], vector<16xf32>,
        %add3A_801 = arith.constant 9.99999974E-6 : f32
        %add3A_802 = vector.broadcast %add3A_801 : f32 to vector<16xf32>
        %add3A_803 = arith.addf %gather3A_800, %add3A_802 : vector<16xf32>
        %jit3A_804 = arith.constant 0.000000e+00 : f32
        %broadcast_in_dim3A_805 = vector.broadcast %jit3A_804 : f32 to vector<16xf32>
        %select_n3A_806 = arith.select %lt3A_16, %add3A_803, %broadcast_in_dim3A_805 : vector<16xi1>, vector<16xf32>
        %broadcast_in_dim3A_807 = arith.constant true
        %broadcast_in_dim3A_808 = vector.broadcast %broadcast_in_dim3A_807 : i1 to vector<16xi1>
        %masked_cumsum3A_809 = tpu.scan <sum>, %select_n3A_806 masked %broadcast_in_dim3A_808 : vector<16xf32>, vector<16xi1> -> vector<16xf32>
        %add3A_810 = arith.addf %masked_cumsum3A_809, %gather3A_793 : vector<16xf32>
        %broadcast_in_dim3A_811 = vector.shape_cast %add3A_14 : vector<16xi32> to vector<16x1xi32>
        %gather3A_812 = vector.shape_cast %broadcast_in_dim3A_811 : vector<16x1xi32> to vector<16xi32>
        %gather3A_813 = tpu.dynamic_gather %add3A_810[%gather3A_812] in [0] : vector<16xf32>, vector<16xi32> -> vector<16xf32>
        %div3A_814 = arith.divf %add3A_8, %gather3A_813 : vector<16xf32>
        %mul3A_815 = arith.mulf %add3A_756, %div3A_814 : vector<16xf32>
        %add3A_816 = arith.constant 1 : i32
        %add3A_817 = vector.broadcast %add3A_816 : i32 to vector<16xi32>
        %add3A_818 = arith.addi %iota3A, %add3A_817 : vector<16xi32>
        tpu.vector_store_idx %arg14[%add3A_818], %mul3A_815 : memref<80xf32, #tpu.memory_space<vmem>>[vector<16xi32>], vector<16xf32>,
        %mul3A_819 = arith.constant 6.300000e+01 : f32
        %mul3A_820 = vector.broadcast %mul3A_819 : f32 to vector<16xf32>
        %mul3A_821 = arith.mulf %mul3A_815, %mul3A_820 : vector<16xf32>
        %convert_element_type3A_822 = arith.fptosi %mul3A_821 : vector<16xf32> to vector<16xi32>
        %convert_element_type3A_823 = arith.sitofp %convert_element_type3A_822 : vector<16xi32> to vector<16xf32>
        %lt3A_824 = arith.cmpf olt, %convert_element_type3A_823, %mul3A_821 : vector<16xf32>
        %jit3A_825 = arith.constant 1 : i32
        %jit3A_826 = arith.constant 0 : i32
        %broadcast_in_dim3A_827 = vector.broadcast %jit3A_825 : i32 to vector<16xi32>
        %broadcast_in_dim3A_828 = vector.broadcast %jit3A_826 : i32 to vector<16xi32>
        %select_n3A_829 = arith.select %lt3A_824, %broadcast_in_dim3A_827, %broadcast_in_dim3A_828 : vector<16xi1>, vector<16xi32>
        %add3A_830 = arith.addi %convert_element_type3A_822, %select_n3A_829 : vector<16xi32>
        %min3A_831 = arith.constant 63 : i32
        %min3A_832 = vector.broadcast %min3A_831 : i32 to vector<16xi32>
        %min3A_833 = arith.minsi %add3A_830, %min3A_832 : vector<16xi32>
        %mul3A_834 = arith.mulf %add3A_773, %div3A_814 : vector<16xf32>
        %add3A_835 = arith.constant 17 : i32
        %add3A_836 = vector.broadcast %add3A_835 : i32 to vector<16xi32>
        %add3A_837 = arith.addi %iota3A, %add3A_836 : vector<16xi32>
        tpu.vector_store_idx %arg14[%add3A_837], %mul3A_834 : memref<80xf32, #tpu.memory_space<vmem>>[vector<16xi32>], vector<16xf32>,
        %mul3A_838 = arith.constant 6.300000e+01 : f32
        %mul3A_839 = vector.broadcast %mul3A_838 : f32 to vector<16xf32>
        %mul3A_840 = arith.mulf %mul3A_834, %mul3A_839 : vector<16xf32>
        %convert_element_type3A_841 = arith.fptosi %mul3A_840 : vector<16xf32> to vector<16xi32>
        %convert_element_type3A_842 = arith.sitofp %convert_element_type3A_841 : vector<16xi32> to vector<16xf32>
        %lt3A_843 = arith.cmpf olt, %convert_element_type3A_842, %mul3A_840 : vector<16xf32>
        %jit3A_844 = arith.constant 1 : i32
        %jit3A_845 = arith.constant 0 : i32
        %broadcast_in_dim3A_846 = vector.broadcast %jit3A_844 : i32 to vector<16xi32>
        %broadcast_in_dim3A_847 = vector.broadcast %jit3A_845 : i32 to vector<16xi32>
        %select_n3A_848 = arith.select %lt3A_843, %broadcast_in_dim3A_846, %broadcast_in_dim3A_847 : vector<16xi1>, vector<16xi32>
        %add3A_849 = arith.addi %convert_element_type3A_841, %select_n3A_848 : vector<16xi32>
        %min3A_850 = arith.constant 63 : i32
        %min3A_851 = vector.broadcast %min3A_850 : i32 to vector<16xi32>
        %min3A_852 = arith.minsi %add3A_849, %min3A_851 : vector<16xi32>
        %mul3A_853 = arith.mulf %add3A_790, %div3A_814 : vector<16xf32>
        %add3A_854 = arith.constant 33 : i32
        %add3A_855 = vector.broadcast %add3A_854 : i32 to vector<16xi32>
        %add3A_856 = arith.addi %iota3A, %add3A_855 : vector<16xi32>
        tpu.vector_store_idx %arg14[%add3A_856], %mul3A_853 : memref<80xf32, #tpu.memory_space<vmem>>[vector<16xi32>], vector<16xf32>,
        %mul3A_857 = arith.constant 6.300000e+01 : f32
        %mul3A_858 = vector.broadcast %mul3A_857 : f32 to vector<16xf32>
        %mul3A_859 = arith.mulf %mul3A_853, %mul3A_858 : vector<16xf32>
        %convert_element_type3A_860 = arith.fptosi %mul3A_859 : vector<16xf32> to vector<16xi32>
        %convert_element_type3A_861 = arith.sitofp %convert_element_type3A_860 : vector<16xi32> to vector<16xf32>
        %lt3A_862 = arith.cmpf olt, %convert_element_type3A_861, %mul3A_859 : vector<16xf32>
        %jit3A_863 = arith.constant 1 : i32
        %jit3A_864 = arith.constant 0 : i32
        %broadcast_in_dim3A_865 = vector.broadcast %jit3A_863 : i32 to vector<16xi32>
        %broadcast_in_dim3A_866 = vector.broadcast %jit3A_864 : i32 to vector<16xi32>
        %select_n3A_867 = arith.select %lt3A_862, %broadcast_in_dim3A_865, %broadcast_in_dim3A_866 : vector<16xi1>, vector<16xi32>
        %add3A_868 = arith.addi %convert_element_type3A_860, %select_n3A_867 : vector<16xi32>
        %min3A_869 = arith.constant 63 : i32
        %min3A_870 = vector.broadcast %min3A_869 : i32 to vector<16xi32>
        %min3A_871 = arith.minsi %add3A_868, %min3A_870 : vector<16xi32>
        %mul3A_872 = arith.mulf %add3A_810, %div3A_814 : vector<16xf32>
        %add3A_873 = arith.constant 49 : i32
        %add3A_874 = vector.broadcast %add3A_873 : i32 to vector<16xi32>
        %add3A_875 = arith.addi %iota3A, %add3A_874 : vector<16xi32>
        tpu.vector_store_idx %arg14[%add3A_875], %mul3A_872 : memref<80xf32, #tpu.memory_space<vmem>>[vector<16xi32>], vector<16xf32>,
        %mul3A_876 = arith.constant 6.300000e+01 : f32
        %mul3A_877 = vector.broadcast %mul3A_876 : f32 to vector<16xf32>
        %mul3A_878 = arith.mulf %mul3A_872, %mul3A_877 : vector<16xf32>
        %convert_element_type3A_879 = arith.fptosi %mul3A_878 : vector<16xf32> to vector<16xi32>
        %convert_element_type3A_880 = arith.sitofp %convert_element_type3A_879 : vector<16xi32> to vector<16xf32>
        %lt3A_881 = arith.cmpf olt, %convert_element_type3A_880, %mul3A_878 : vector<16xf32>
        %jit3A_882 = arith.constant 1 : i32
        %jit3A_883 = arith.constant 0 : i32
        %broadcast_in_dim3A_884 = vector.broadcast %jit3A_882 : i32 to vector<16xi32>
        %broadcast_in_dim3A_885 = vector.broadcast %jit3A_883 : i32 to vector<16xi32>
        %select_n3A_886 = arith.select %lt3A_881, %broadcast_in_dim3A_884, %broadcast_in_dim3A_885 : vector<16xi1>, vector<16xi32>
        %add3A_887 = arith.addi %convert_element_type3A_879, %select_n3A_886 : vector<16xi32>
        %min3A_888 = arith.constant 63 : i32
        %min3A_889 = vector.broadcast %min3A_888 : i32 to vector<16xi32>
        %min3A_890 = arith.minsi %add3A_887, %min3A_889 : vector<16xi32>
        tpu.vector_store_idx %arg16[%min3A_833], %add3A_8 {add = true} : memref<80xf32, #tpu.memory_space<vmem>>[vector<16xi32>], vector<16xf32>,
        tpu.vector_store_idx %arg16[%min3A_852], %add3A_8 {add = true} : memref<80xf32, #tpu.memory_space<vmem>>[vector<16xi32>], vector<16xf32>,
        tpu.vector_store_idx %arg16[%min3A_871], %add3A_8 {add = true} : memref<80xf32, #tpu.memory_space<vmem>>[vector<16xi32>], vector<16xf32>,
        tpu.vector_store_idx %arg16[%min3A_890], %add3A_8 masked %lt3A_16 {add = true} : memref<80xf32, #tpu.memory_space<vmem>>[vector<16xi32>], vector<16xf32>, vector<16xi1>
        %get3A_891 = arith.constant 0 : index
        %get3A_892 = tpu.vector_load %arg16[%get3A_891] {strides = array<i32>} : memref<80xf32, #tpu.memory_space<vmem>>, vector<16xf32>,
        %swap3A_893 = arith.constant 0 : index
        %swap3A_894 = tpu.vector_load %arg16[%swap3A_893] {strides = array<i32>} : memref<80xf32, #tpu.memory_space<vmem>>, vector<16xf32>,
        tpu.vector_store %arg16[%swap3A_893], %mul3A_5 {strides = array<i32>} : memref<80xf32, #tpu.memory_space<vmem>>, vector<16xf32>,
        %broadcast_in_dim3A_895 = arith.constant true
        %broadcast_in_dim3A_896 = vector.broadcast %broadcast_in_dim3A_895 : i1 to vector<16xi1>
        %masked_cumsum3A_897 = tpu.scan <sum>, %get3A_892 masked %broadcast_in_dim3A_896 : vector<16xf32>, vector<16xi1> -> vector<16xf32>
        %add3A_898 = arith.addf %masked_cumsum3A_897, %add3A_8 : vector<16xf32>
        %broadcast_in_dim3A_899 = vector.shape_cast %add3A_14 : vector<16xi32> to vector<16x1xi32>
        %gather3A_900 = vector.shape_cast %broadcast_in_dim3A_899 : vector<16x1xi32> to vector<16xi32>
        %gather3A_901 = tpu.dynamic_gather %add3A_898[%gather3A_900] in [0] : vector<16xf32>, vector<16xi32> -> vector<16xf32>
        %convert_element_type3A_902 = arith.fptosi %add3A_898 : vector<16xf32> to vector<16xi32>
        %sub3A_903 = arith.constant 1 : i32
        %sub3A_904 = vector.broadcast %sub3A_903 : i32 to vector<16xi32>
        %sub3A_905 = arith.subi %convert_element_type3A_902, %sub3A_904 : vector<16xi32>
        %gather3A_906 = tpu.vector_load_idx %arg14[%sub3A_905] : memref<80xf32, #tpu.memory_space<vmem>>[vector<16xi32>], vector<16xf32>,
        %gather3A_907 = tpu.vector_load_idx %arg14[%convert_element_type3A_902] : memref<80xf32, #tpu.memory_space<vmem>>[vector<16xi32>], vector<16xf32>,
        %gather3A_908 = tpu.vector_load_idx %arg15[%sub3A_905] : memref<80xf32, #tpu.memory_space<vmem>>[vector<16xi32>], vector<16xf32>,
        %gather3A_909 = tpu.vector_load_idx %arg15[%convert_element_type3A_902] : memref<80xf32, #tpu.memory_space<vmem>>[vector<16xi32>], vector<16xf32>,
        %sub3A_910 = arith.subf %gather3A_907, %gather3A_906 : vector<16xf32>
        %lt3A_911 = arith.constant 9.99999974E-6 : f32
        %lt3A_912 = vector.broadcast %lt3A_911 : f32 to vector<16xf32>
        %lt3A_913 = arith.cmpf olt, %sub3A_910, %lt3A_912 : vector<16xf32>
        %jit3A_914 = arith.constant 1.000000e+00 : f32
        %broadcast_in_dim3A_915 = vector.broadcast %jit3A_914 : f32 to vector<16xf32>
        %select_n3A_916 = arith.select %lt3A_913, %broadcast_in_dim3A_915, %sub3A_910 : vector<16xi1>, vector<16xf32>
        %sub3A_917 = arith.subf %mul3A_69, %gather3A_906 : vector<16xf32>
        %div3A_918 = arith.divf %sub3A_917, %select_n3A_916 : vector<16xf32>
        %sub3A_919 = arith.subf %gather3A_909, %gather3A_908 : vector<16xf32>
        %mul3A_920 = arith.mulf %div3A_918, %sub3A_919 : vector<16xf32>
        %add3A_921 = arith.addf %gather3A_908, %mul3A_920 : vector<16xf32>
        %get3A_922 = arith.constant 16 : index
        %get3A_923 = tpu.vector_load %arg16[%get3A_922] {strides = array<i32>} : memref<80xf32, #tpu.memory_space<vmem>>, vector<16xf32>,
        %swap3A_924 = arith.constant 16 : index
        %swap3A_925 = tpu.vector_load %arg16[%swap3A_924] {strides = array<i32>} : memref<80xf32, #tpu.memory_space<vmem>>, vector<16xf32>,
        tpu.vector_store %arg16[%swap3A_924], %mul3A_5 {strides = array<i32>} : memref<80xf32, #tpu.memory_space<vmem>>, vector<16xf32>,
        %broadcast_in_dim3A_926 = arith.constant true
        %broadcast_in_dim3A_927 = vector.broadcast %broadcast_in_dim3A_926 : i1 to vector<16xi1>
        %masked_cumsum3A_928 = tpu.scan <sum>, %get3A_923 masked %broadcast_in_dim3A_927 : vector<16xf32>, vector<16xi1> -> vector<16xf32>
        %add3A_929 = arith.addf %masked_cumsum3A_928, %gather3A_901 : vector<16xf32>
        %broadcast_in_dim3A_930 = vector.shape_cast %add3A_14 : vector<16xi32> to vector<16x1xi32>
        %gather3A_931 = vector.shape_cast %broadcast_in_dim3A_930 : vector<16x1xi32> to vector<16xi32>
        %gather3A_932 = tpu.dynamic_gather %add3A_929[%gather3A_931] in [0] : vector<16xf32>, vector<16xi32> -> vector<16xf32>
        %convert_element_type3A_933 = arith.fptosi %add3A_929 : vector<16xf32> to vector<16xi32>
        %sub3A_934 = arith.constant 1 : i32
        %sub3A_935 = vector.broadcast %sub3A_934 : i32 to vector<16xi32>
        %sub3A_936 = arith.subi %convert_element_type3A_933, %sub3A_935 : vector<16xi32>
        %gather3A_937 = tpu.vector_load_idx %arg14[%sub3A_936] : memref<80xf32, #tpu.memory_space<vmem>>[vector<16xi32>], vector<16xf32>,
        %gather3A_938 = tpu.vector_load_idx %arg14[%convert_element_type3A_933] : memref<80xf32, #tpu.memory_space<vmem>>[vector<16xi32>], vector<16xf32>,
        %gather3A_939 = tpu.vector_load_idx %arg15[%sub3A_936] : memref<80xf32, #tpu.memory_space<vmem>>[vector<16xi32>], vector<16xf32>,
        %gather3A_940 = tpu.vector_load_idx %arg15[%convert_element_type3A_933] : memref<80xf32, #tpu.memory_space<vmem>>[vector<16xi32>], vector<16xf32>,
        %sub3A_941 = arith.subf %gather3A_938, %gather3A_937 : vector<16xf32>
        %lt3A_942 = arith.constant 9.99999974E-6 : f32
        %lt3A_943 = vector.broadcast %lt3A_942 : f32 to vector<16xf32>
        %lt3A_944 = arith.cmpf olt, %sub3A_941, %lt3A_943 : vector<16xf32>
        %jit3A_945 = arith.constant 1.000000e+00 : f32
        %broadcast_in_dim3A_946 = vector.broadcast %jit3A_945 : f32 to vector<16xf32>
        %select_n3A_947 = arith.select %lt3A_944, %broadcast_in_dim3A_946, %sub3A_941 : vector<16xi1>, vector<16xf32>
        %sub3A_948 = arith.subf %mul3A_75, %gather3A_937 : vector<16xf32>
        %div3A_949 = arith.divf %sub3A_948, %select_n3A_947 : vector<16xf32>
        %sub3A_950 = arith.subf %gather3A_940, %gather3A_939 : vector<16xf32>
        %mul3A_951 = arith.mulf %div3A_949, %sub3A_950 : vector<16xf32>
        %add3A_952 = arith.addf %gather3A_939, %mul3A_951 : vector<16xf32>
        %get3A_953 = arith.constant 32 : index
        %get3A_954 = tpu.vector_load %arg16[%get3A_953] {strides = array<i32>} : memref<80xf32, #tpu.memory_space<vmem>>, vector<16xf32>,
        %swap3A_955 = arith.constant 32 : index
        %swap3A_956 = tpu.vector_load %arg16[%swap3A_955] {strides = array<i32>} : memref<80xf32, #tpu.memory_space<vmem>>, vector<16xf32>,
        tpu.vector_store %arg16[%swap3A_955], %mul3A_5 {strides = array<i32>} : memref<80xf32, #tpu.memory_space<vmem>>, vector<16xf32>,
        %broadcast_in_dim3A_957 = arith.constant true
        %broadcast_in_dim3A_958 = vector.broadcast %broadcast_in_dim3A_957 : i1 to vector<16xi1>
        %masked_cumsum3A_959 = tpu.scan <sum>, %get3A_954 masked %broadcast_in_dim3A_958 : vector<16xf32>, vector<16xi1> -> vector<16xf32>
        %add3A_960 = arith.addf %masked_cumsum3A_959, %gather3A_932 : vector<16xf32>
        %broadcast_in_dim3A_961 = vector.shape_cast %add3A_14 : vector<16xi32> to vector<16x1xi32>
        %gather3A_962 = vector.shape_cast %broadcast_in_dim3A_961 : vector<16x1xi32> to vector<16xi32>
        %gather3A_963 = tpu.dynamic_gather %add3A_960[%gather3A_962] in [0] : vector<16xf32>, vector<16xi32> -> vector<16xf32>
        %convert_element_type3A_964 = arith.fptosi %add3A_960 : vector<16xf32> to vector<16xi32>
        %sub3A_965 = arith.constant 1 : i32
        %sub3A_966 = vector.broadcast %sub3A_965 : i32 to vector<16xi32>
        %sub3A_967 = arith.subi %convert_element_type3A_964, %sub3A_966 : vector<16xi32>
        %gather3A_968 = tpu.vector_load_idx %arg14[%sub3A_967] : memref<80xf32, #tpu.memory_space<vmem>>[vector<16xi32>], vector<16xf32>,
        %gather3A_969 = tpu.vector_load_idx %arg14[%convert_element_type3A_964] : memref<80xf32, #tpu.memory_space<vmem>>[vector<16xi32>], vector<16xf32>,
        %gather3A_970 = tpu.vector_load_idx %arg15[%sub3A_967] : memref<80xf32, #tpu.memory_space<vmem>>[vector<16xi32>], vector<16xf32>,
        %gather3A_971 = tpu.vector_load_idx %arg15[%convert_element_type3A_964] : memref<80xf32, #tpu.memory_space<vmem>>[vector<16xi32>], vector<16xf32>,
        %sub3A_972 = arith.subf %gather3A_969, %gather3A_968 : vector<16xf32>
        %lt3A_973 = arith.constant 9.99999974E-6 : f32
        %lt3A_974 = vector.broadcast %lt3A_973 : f32 to vector<16xf32>
        %lt3A_975 = arith.cmpf olt, %sub3A_972, %lt3A_974 : vector<16xf32>
        %jit3A_976 = arith.constant 1.000000e+00 : f32
        %broadcast_in_dim3A_977 = vector.broadcast %jit3A_976 : f32 to vector<16xf32>
        %select_n3A_978 = arith.select %lt3A_975, %broadcast_in_dim3A_977, %sub3A_972 : vector<16xi1>, vector<16xf32>
        %sub3A_979 = arith.subf %mul3A_81, %gather3A_968 : vector<16xf32>
        %div3A_980 = arith.divf %sub3A_979, %select_n3A_978 : vector<16xf32>
        %sub3A_981 = arith.subf %gather3A_971, %gather3A_970 : vector<16xf32>
        %mul3A_982 = arith.mulf %div3A_980, %sub3A_981 : vector<16xf32>
        %add3A_983 = arith.addf %gather3A_970, %mul3A_982 : vector<16xf32>
        %get3A_984 = arith.constant 48 : index
        %get3A_985 = tpu.vector_load %arg16[%get3A_984] {strides = array<i32>} : memref<80xf32, #tpu.memory_space<vmem>>, vector<16xf32>,
        %swap3A_986 = arith.constant 48 : index
        %swap3A_987 = tpu.vector_load %arg16[%swap3A_986] {strides = array<i32>} : memref<80xf32, #tpu.memory_space<vmem>>, vector<16xf32>,
        tpu.vector_store %arg16[%swap3A_986], %mul3A_5 {strides = array<i32>} : memref<80xf32, #tpu.memory_space<vmem>>, vector<16xf32>,
        %broadcast_in_dim3A_988 = arith.constant true
        %broadcast_in_dim3A_989 = vector.broadcast %broadcast_in_dim3A_988 : i1 to vector<16xi1>
        %masked_cumsum3A_990 = tpu.scan <sum>, %get3A_985 masked %broadcast_in_dim3A_989 : vector<16xf32>, vector<16xi1> -> vector<16xf32>
        %add3A_991 = arith.addf %masked_cumsum3A_990, %gather3A_963 : vector<16xf32>
        %broadcast_in_dim3A_992 = vector.shape_cast %add3A_14 : vector<16xi32> to vector<16x1xi32>
        %gather3A_993 = vector.shape_cast %broadcast_in_dim3A_992 : vector<16x1xi32> to vector<16xi32>
        %gather3A_994 = tpu.dynamic_gather %add3A_991[%gather3A_993] in [0] : vector<16xf32>, vector<16xi32> -> vector<16xf32>
        %convert_element_type3A_995 = arith.fptosi %add3A_991 : vector<16xf32> to vector<16xi32>
        %sub3A_996 = arith.constant 1 : i32
        %sub3A_997 = vector.broadcast %sub3A_996 : i32 to vector<16xi32>
        %sub3A_998 = arith.subi %convert_element_type3A_995, %sub3A_997 : vector<16xi32>
        %gather3A_999 = tpu.vector_load_idx %arg14[%sub3A_998] : memref<80xf32, #tpu.memory_space<vmem>>[vector<16xi32>], vector<16xf32>,
        %gather3A_1000 = tpu.vector_load_idx %arg14[%convert_element_type3A_995] : memref<80xf32, #tpu.memory_space<vmem>>[vector<16xi32>], vector<16xf32>,
        %gather3A_1001 = tpu.vector_load_idx %arg15[%sub3A_998] : memref<80xf32, #tpu.memory_space<vmem>>[vector<16xi32>], vector<16xf32>,
        %gather3A_1002 = tpu.vector_load_idx %arg15[%convert_element_type3A_995] : memref<80xf32, #tpu.memory_space<vmem>>[vector<16xi32>], vector<16xf32>,
        %sub3A_1003 = arith.subf %gather3A_1000, %gather3A_999 : vector<16xf32>
        %lt3A_1004 = arith.constant 9.99999974E-6 : f32
        %lt3A_1005 = vector.broadcast %lt3A_1004 : f32 to vector<16xf32>
        %lt3A_1006 = arith.cmpf olt, %sub3A_1003, %lt3A_1005 : vector<16xf32>
        %jit3A_1007 = arith.constant 1.000000e+00 : f32
        %broadcast_in_dim3A_1008 = vector.broadcast %jit3A_1007 : f32 to vector<16xf32>
        %select_n3A_1009 = arith.select %lt3A_1006, %broadcast_in_dim3A_1008, %sub3A_1003 : vector<16xi1>, vector<16xf32>
        %sub3A_1010 = arith.subf %mul3A_87, %gather3A_999 : vector<16xf32>
        %div3A_1011 = arith.divf %sub3A_1010, %select_n3A_1009 : vector<16xf32>
        %sub3A_1012 = arith.subf %gather3A_1002, %gather3A_1001 : vector<16xf32>
        %mul3A_1013 = arith.mulf %div3A_1011, %sub3A_1012 : vector<16xf32>
        %add3A_1014 = arith.addf %gather3A_1001, %mul3A_1013 : vector<16xf32>
        %rev3A_1015 = arith.constant 15 : i32
        %rev3A_1016 = vector.broadcast %rev3A_1015 : i32 to vector<16xi32>
        %rev3A_1017 = tpu.iota {dimensions = array<i32: 0>} : vector<16xi32>
        %rev3A_1018 = arith.subi %rev3A_1016, %rev3A_1017 : vector<16xi32>
        %rev3A_1019 = tpu.dynamic_gather %add3A_1014[%rev3A_1018] in [0] : vector<16xf32>, vector<16xi32> -> vector<16xf32>
        %rev3A_1020 = arith.constant 15 : i32
        %rev3A_1021 = vector.broadcast %rev3A_1020 : i32 to vector<16xi32>
        %rev3A_1022 = tpu.iota {dimensions = array<i32: 0>} : vector<16xi32>
        %rev3A_1023 = arith.subi %rev3A_1021, %rev3A_1022 : vector<16xi32>
        %rev3A_1024 = tpu.dynamic_gather %add3A_983[%rev3A_1023] in [0] : vector<16xf32>, vector<16xi32> -> vector<16xf32>
        %rev3A_1025 = arith.constant 15 : i32
        %rev3A_1026 = vector.broadcast %rev3A_1025 : i32 to vector<16xi32>
        %rev3A_1027 = tpu.iota {dimensions = array<i32: 0>} : vector<16xi32>
        %rev3A_1028 = arith.subi %rev3A_1026, %rev3A_1027 : vector<16xi32>
        %rev3A_1029 = tpu.dynamic_gather %add3A_952[%rev3A_1028] in [0] : vector<16xf32>, vector<16xi32> -> vector<16xf32>
        %rev3A_1030 = arith.constant 15 : i32
        %rev3A_1031 = vector.broadcast %rev3A_1030 : i32 to vector<16xi32>
        %rev3A_1032 = tpu.iota {dimensions = array<i32: 0>} : vector<16xi32>
        %rev3A_1033 = arith.subi %rev3A_1031, %rev3A_1032 : vector<16xi32>
        %rev3A_1034 = tpu.dynamic_gather %add3A_921[%rev3A_1033] in [0] : vector<16xf32>, vector<16xi32> -> vector<16xf32>
        %min3A_1035 = arith.minimumf %get3A_678, %rev3A_1019 : vector<16xf32>
        %min3A_1036 = arith.minimumf %get3A_695, %rev3A_1024 : vector<16xf32>
        %min3A_1037 = arith.minimumf %get3A_712, %rev3A_1029 : vector<16xf32>
        %min3A_1038 = arith.minimumf %get3A_729, %rev3A_1034 : vector<16xf32>
        %max3A_1039 = arith.maximumf %get3A_678, %rev3A_1019 : vector<16xf32>
        %max3A_1040 = arith.maximumf %get3A_695, %rev3A_1024 : vector<16xf32>
        %max3A_1041 = arith.maximumf %get3A_712, %rev3A_1029 : vector<16xf32>
        %max3A_1042 = arith.maximumf %get3A_729, %rev3A_1034 : vector<16xf32>
        %min3A_1043 = arith.minimumf %min3A_1035, %min3A_1037 : vector<16xf32>
        %max3A_1044 = arith.maximumf %min3A_1035, %min3A_1037 : vector<16xf32>
        %min3A_1045 = arith.minimumf %min3A_1036, %min3A_1038 : vector<16xf32>
        %max3A_1046 = arith.maximumf %min3A_1036, %min3A_1038 : vector<16xf32>
        %min3A_1047 = arith.minimumf %max3A_1039, %max3A_1041 : vector<16xf32>
        %max3A_1048 = arith.maximumf %max3A_1039, %max3A_1041 : vector<16xf32>
        %min3A_1049 = arith.minimumf %max3A_1040, %max3A_1042 : vector<16xf32>
        %max3A_1050 = arith.maximumf %max3A_1040, %max3A_1042 : vector<16xf32>
        %min3A_1051 = arith.minimumf %min3A_1043, %min3A_1045 : vector<16xf32>
        %max3A_1052 = arith.maximumf %min3A_1043, %min3A_1045 : vector<16xf32>
        %min3A_1053 = arith.minimumf %max3A_1044, %max3A_1046 : vector<16xf32>
        %max3A_1054 = arith.maximumf %max3A_1044, %max3A_1046 : vector<16xf32>
        %min3A_1055 = arith.minimumf %min3A_1047, %min3A_1049 : vector<16xf32>
        %max3A_1056 = arith.maximumf %min3A_1047, %min3A_1049 : vector<16xf32>
        %min3A_1057 = arith.minimumf %max3A_1048, %max3A_1050 : vector<16xf32>
        %max3A_1058 = arith.maximumf %max3A_1048, %max3A_1050 : vector<16xf32>
        %sort3A_1059 = arith.constant dense<true> : vector<16xi1>
        %sort3A_1060, %sort3A_1061, %sort3A_1062 = tpu.sort %min3A_1051, %min3A_1051 masked %sort3A_1059 : (vector<16xf32>, vector<16xf32>, vector<16xi1>) -> (vector<16xi1>, vector<16xf32>, vector<16xf32>)
        %add3A_1063 = arith.constant 0 : i32
        %add3A_1064 = arith.addi %mul3A_674, %add3A_1063 : i32
        %swap3A_1065 = arith.index_cast %add3A_1064 : i32 to index
        %swap3A_1066 = tpu.vector_load %arg10[%swap3A_1065] {strides = array<i32>} : memref<4096xf32, #tpu.memory_space<vmem>>, vector<16xf32>,
        tpu.vector_store %arg10[%swap3A_1065], %sort3A_1061 {strides = array<i32>} : memref<4096xf32, #tpu.memory_space<vmem>>, vector<16xf32>,
        %sort3A_1067 = arith.constant dense<true> : vector<16xi1>
        %sort3A_1068, %sort3A_1069, %sort3A_1070 = tpu.sort %max3A_1052, %max3A_1052 masked %sort3A_1067 : (vector<16xf32>, vector<16xf32>, vector<16xi1>) -> (vector<16xi1>, vector<16xf32>, vector<16xf32>)
        %add3A_1071 = arith.constant 16 : i32
        %add3A_1072 = arith.addi %mul3A_674, %add3A_1071 : i32
        %swap3A_1073 = arith.index_cast %add3A_1072 : i32 to index
        %swap3A_1074 = tpu.vector_load %arg10[%swap3A_1073] {strides = array<i32>} : memref<4096xf32, #tpu.memory_space<vmem>>, vector<16xf32>,
        tpu.vector_store %arg10[%swap3A_1073], %sort3A_1069 {strides = array<i32>} : memref<4096xf32, #tpu.memory_space<vmem>>, vector<16xf32>,
        %sort3A_1075 = arith.constant dense<true> : vector<16xi1>
        %sort3A_1076, %sort3A_1077, %sort3A_1078 = tpu.sort %min3A_1053, %min3A_1053 masked %sort3A_1075 : (vector<16xf32>, vector<16xf32>, vector<16xi1>) -> (vector<16xi1>, vector<16xf32>, vector<16xf32>)
        %add3A_1079 = arith.constant 32 : i32
        %add3A_1080 = arith.addi %mul3A_674, %add3A_1079 : i32
        %swap3A_1081 = arith.index_cast %add3A_1080 : i32 to index
        %swap3A_1082 = tpu.vector_load %arg10[%swap3A_1081] {strides = array<i32>} : memref<4096xf32, #tpu.memory_space<vmem>>, vector<16xf32>,
        tpu.vector_store %arg10[%swap3A_1081], %sort3A_1077 {strides = array<i32>} : memref<4096xf32, #tpu.memory_space<vmem>>, vector<16xf32>,
        %sort3A_1083 = arith.constant dense<true> : vector<16xi1>
        %sort3A_1084, %sort3A_1085, %sort3A_1086 = tpu.sort %max3A_1054, %max3A_1054 masked %sort3A_1083 : (vector<16xf32>, vector<16xf32>, vector<16xi1>) -> (vector<16xi1>, vector<16xf32>, vector<16xf32>)
        %add3A_1087 = arith.constant 48 : i32
        %add3A_1088 = arith.addi %mul3A_674, %add3A_1087 : i32
        %swap3A_1089 = arith.index_cast %add3A_1088 : i32 to index
        %swap3A_1090 = tpu.vector_load %arg10[%swap3A_1089] {strides = array<i32>} : memref<4096xf32, #tpu.memory_space<vmem>>, vector<16xf32>,
        tpu.vector_store %arg10[%swap3A_1089], %sort3A_1085 {strides = array<i32>} : memref<4096xf32, #tpu.memory_space<vmem>>, vector<16xf32>,
        %sort3A_1091 = arith.constant dense<true> : vector<16xi1>
        %sort3A_1092, %sort3A_1093, %sort3A_1094 = tpu.sort %min3A_1055, %min3A_1055 masked %sort3A_1091 : (vector<16xf32>, vector<16xf32>, vector<16xi1>) -> (vector<16xi1>, vector<16xf32>, vector<16xf32>)
        %add3A_1095 = arith.constant 64 : i32
        %add3A_1096 = arith.addi %mul3A_674, %add3A_1095 : i32
        %swap3A_1097 = arith.index_cast %add3A_1096 : i32 to index
        %swap3A_1098 = tpu.vector_load %arg10[%swap3A_1097] {strides = array<i32>} : memref<4096xf32, #tpu.memory_space<vmem>>, vector<16xf32>,
        tpu.vector_store %arg10[%swap3A_1097], %sort3A_1093 {strides = array<i32>} : memref<4096xf32, #tpu.memory_space<vmem>>, vector<16xf32>,
        %sort3A_1099 = arith.constant dense<true> : vector<16xi1>
        %sort3A_1100, %sort3A_1101, %sort3A_1102 = tpu.sort %max3A_1056, %max3A_1056 masked %sort3A_1099 : (vector<16xf32>, vector<16xf32>, vector<16xi1>) -> (vector<16xi1>, vector<16xf32>, vector<16xf32>)
        %add3A_1103 = arith.constant 80 : i32
        %add3A_1104 = arith.addi %mul3A_674, %add3A_1103 : i32
        %swap3A_1105 = arith.index_cast %add3A_1104 : i32 to index
        %swap3A_1106 = tpu.vector_load %arg10[%swap3A_1105] {strides = array<i32>} : memref<4096xf32, #tpu.memory_space<vmem>>, vector<16xf32>,
        tpu.vector_store %arg10[%swap3A_1105], %sort3A_1101 {strides = array<i32>} : memref<4096xf32, #tpu.memory_space<vmem>>, vector<16xf32>,
        %sort3A_1107 = arith.constant dense<true> : vector<16xi1>
        %sort3A_1108, %sort3A_1109, %sort3A_1110 = tpu.sort %min3A_1057, %min3A_1057 masked %sort3A_1107 : (vector<16xf32>, vector<16xf32>, vector<16xi1>) -> (vector<16xi1>, vector<16xf32>, vector<16xf32>)
        %add3A_1111 = arith.constant 96 : i32
        %add3A_1112 = arith.addi %mul3A_674, %add3A_1111 : i32
        %swap3A_1113 = arith.index_cast %add3A_1112 : i32 to index
        %swap3A_1114 = tpu.vector_load %arg10[%swap3A_1113] {strides = array<i32>} : memref<4096xf32, #tpu.memory_space<vmem>>, vector<16xf32>,
        tpu.vector_store %arg10[%swap3A_1113], %sort3A_1109 {strides = array<i32>} : memref<4096xf32, #tpu.memory_space<vmem>>, vector<16xf32>,
        %sort3A_1115 = arith.constant dense<true> : vector<16xi1>
        %sort3A_1116, %sort3A_1117, %sort3A_1118 = tpu.sort %max3A_1058, %max3A_1058 masked %sort3A_1115 : (vector<16xf32>, vector<16xf32>, vector<16xi1>) -> (vector<16xi1>, vector<16xf32>, vector<16xf32>)
        %add3A_1119 = arith.constant 112 : i32
        %add3A_1120 = arith.addi %mul3A_674, %add3A_1119 : i32
        %swap3A_1121 = arith.index_cast %add3A_1120 : i32 to index
        %swap3A_1122 = tpu.vector_load %arg10[%swap3A_1121] {strides = array<i32>} : memref<4096xf32, #tpu.memory_space<vmem>>, vector<16xf32>,
        tpu.vector_store %arg10[%swap3A_1121], %sort3A_1117 {strides = array<i32>} : memref<4096xf32, #tpu.memory_space<vmem>>, vector<16xf32>,
        %mul3A_1123 = arith.constant 4 : i32
        %mul3A_1124 = arith.muli %mul3A_1123, %scan3A_221 : i32
        %add3A_1125 = arith.constant 2 : i32
        %add3A_1126 = arith.addi %mul3A_1124, %add3A_1125 : i32
        %mul3A_1127 = arith.constant 64 : i32
        %mul3A_1128 = arith.muli %add3A_1126, %mul3A_1127 : i32
        %mul3A_1129 = arith.constant 128 : i32
        %mul3A_1130 = arith.muli %add3A_1126, %mul3A_1129 : i32
        %add3A_1131 = arith.constant 0 : i32
        %add3A_1132 = arith.addi %mul3A_1128, %add3A_1131 : i32
        %get3A_1133 = arith.index_cast %add3A_1132 : i32 to index
        %get3A_1134 = tpu.vector_load %arg7[%get3A_1133] {strides = array<i32>} : memref<2064xf32, #tpu.memory_space<vmem>>, vector<16xf32>,
        %add3A_1135 = arith.constant 0 : i32
        %add3A_1136 = arith.addi %mul3A_1128, %add3A_1135 : i32
        %add3A_1137 = arith.constant 1 : i32
        %add3A_1138 = arith.addi %add3A_1136, %add3A_1137 : i32
        %add3A_1139 = vector.broadcast %add3A_1138 : i32 to vector<16xi32>
        %add3A_1140 = arith.addi %iota3A, %add3A_1139 : vector<16xi32>
        %gather3A_1141 = tpu.vector_load_idx %arg7[%add3A_1140] : memref<2064xf32, #tpu.memory_space<vmem>>[vector<16xi32>], vector<16xf32>,
        %add3A_1142 = arith.addf %get3A_1134, %gather3A_1141 : vector<16xf32>
        %mul3A_1143 = arith.constant 5.000000e-01 : f32
        %mul3A_1144 = vector.broadcast %mul3A_1143 : f32 to vector<16xf32>
        %mul3A_1145 = arith.mulf %mul3A_1144, %add3A_1142 : vector<16xf32>
        %swap3A_1146 = arith.constant 0 : index
        %swap3A_1147 = tpu.vector_load %arg18[%swap3A_1146] {strides = array<i32>} : memref<80xf32, #tpu.memory_space<vmem>>, vector<16xf32>,
        tpu.vector_store %arg18[%swap3A_1146], %mul3A_1145 {strides = array<i32>} : memref<80xf32, #tpu.memory_space<vmem>>, vector<16xf32>,
        %add3A_1148 = arith.constant 16 : i32
        %add3A_1149 = arith.addi %mul3A_1128, %add3A_1148 : i32
        %get3A_1150 = arith.index_cast %add3A_1149 : i32 to index
        %get3A_1151 = tpu.vector_load %arg7[%get3A_1150] {strides = array<i32>} : memref<2064xf32, #tpu.memory_space<vmem>>, vector<16xf32>,
        %add3A_1152 = arith.constant 16 : i32
        %add3A_1153 = arith.addi %mul3A_1128, %add3A_1152 : i32
        %add3A_1154 = arith.constant 1 : i32
        %add3A_1155 = arith.addi %add3A_1153, %add3A_1154 : i32
        %add3A_1156 = vector.broadcast %add3A_1155 : i32 to vector<16xi32>
        %add3A_1157 = arith.addi %iota3A, %add3A_1156 : vector<16xi32>
        %gather3A_1158 = tpu.vector_load_idx %arg7[%add3A_1157] : memref<2064xf32, #tpu.memory_space<vmem>>[vector<16xi32>], vector<16xf32>,
        %add3A_1159 = arith.addf %get3A_1151, %gather3A_1158 : vector<16xf32>
        %mul3A_1160 = arith.constant 5.000000e-01 : f32
        %mul3A_1161 = vector.broadcast %mul3A_1160 : f32 to vector<16xf32>
        %mul3A_1162 = arith.mulf %mul3A_1161, %add3A_1159 : vector<16xf32>
        %swap3A_1163 = arith.constant 16 : index
        %swap3A_1164 = tpu.vector_load %arg18[%swap3A_1163] {strides = array<i32>} : memref<80xf32, #tpu.memory_space<vmem>>, vector<16xf32>,
        tpu.vector_store %arg18[%swap3A_1163], %mul3A_1162 {strides = array<i32>} : memref<80xf32, #tpu.memory_space<vmem>>, vector<16xf32>,
        %add3A_1165 = arith.constant 32 : i32
        %add3A_1166 = arith.addi %mul3A_1128, %add3A_1165 : i32
        %get3A_1167 = arith.index_cast %add3A_1166 : i32 to index
        %get3A_1168 = tpu.vector_load %arg7[%get3A_1167] {strides = array<i32>} : memref<2064xf32, #tpu.memory_space<vmem>>, vector<16xf32>,
        %add3A_1169 = arith.constant 32 : i32
        %add3A_1170 = arith.addi %mul3A_1128, %add3A_1169 : i32
        %add3A_1171 = arith.constant 1 : i32
        %add3A_1172 = arith.addi %add3A_1170, %add3A_1171 : i32
        %add3A_1173 = vector.broadcast %add3A_1172 : i32 to vector<16xi32>
        %add3A_1174 = arith.addi %iota3A, %add3A_1173 : vector<16xi32>
        %gather3A_1175 = tpu.vector_load_idx %arg7[%add3A_1174] : memref<2064xf32, #tpu.memory_space<vmem>>[vector<16xi32>], vector<16xf32>,
        %add3A_1176 = arith.addf %get3A_1168, %gather3A_1175 : vector<16xf32>
        %mul3A_1177 = arith.constant 5.000000e-01 : f32
        %mul3A_1178 = vector.broadcast %mul3A_1177 : f32 to vector<16xf32>
        %mul3A_1179 = arith.mulf %mul3A_1178, %add3A_1176 : vector<16xf32>
        %swap3A_1180 = arith.constant 32 : index
        %swap3A_1181 = tpu.vector_load %arg18[%swap3A_1180] {strides = array<i32>} : memref<80xf32, #tpu.memory_space<vmem>>, vector<16xf32>,
        tpu.vector_store %arg18[%swap3A_1180], %mul3A_1179 {strides = array<i32>} : memref<80xf32, #tpu.memory_space<vmem>>, vector<16xf32>,
        %add3A_1182 = arith.constant 48 : i32
        %add3A_1183 = arith.addi %mul3A_1128, %add3A_1182 : i32
        %get3A_1184 = arith.index_cast %add3A_1183 : i32 to index
        %get3A_1185 = tpu.vector_load %arg7[%get3A_1184] {strides = array<i32>} : memref<2064xf32, #tpu.memory_space<vmem>>, vector<16xf32>,
        %add3A_1186 = arith.constant 48 : i32
        %add3A_1187 = arith.addi %mul3A_1128, %add3A_1186 : i32
        %add3A_1188 = arith.constant 1 : i32
        %add3A_1189 = arith.addi %add3A_1187, %add3A_1188 : i32
        %add3A_1190 = vector.broadcast %add3A_1189 : i32 to vector<16xi32>
        %add3A_1191 = arith.addi %iota3A, %add3A_1190 : vector<16xi32>
        %gather3A_1192 = tpu.vector_load_idx %arg7[%add3A_1191] : memref<2064xf32, #tpu.memory_space<vmem>>[vector<16xi32>], vector<16xf32>,
        %add3A_1193 = arith.addf %get3A_1185, %gather3A_1192 : vector<16xf32>
        %mul3A_1194 = arith.constant 5.000000e-01 : f32
        %mul3A_1195 = vector.broadcast %mul3A_1194 : f32 to vector<16xf32>
        %mul3A_1196 = arith.mulf %mul3A_1195, %add3A_1193 : vector<16xf32>
        %swap3A_1197 = arith.constant 48 : index
        %swap3A_1198 = tpu.vector_load %arg18[%swap3A_1197] {strides = array<i32>} : memref<80xf32, #tpu.memory_space<vmem>>, vector<16xf32>,
        tpu.vector_store %arg18[%swap3A_1197], %mul3A_1196 {strides = array<i32>} : memref<80xf32, #tpu.memory_space<vmem>>, vector<16xf32>,
        %add3A_1199 = arith.constant 1 : i32
        %add3A_1200 = arith.addi %mul3A_1128, %add3A_1199 : i32
        %add3A_1201 = arith.constant 0 : i32
        %add3A_1202 = arith.addi %add3A_1200, %add3A_1201 : i32
        %add3A_1203 = vector.broadcast %add3A_1202 : i32 to vector<16xi32>
        %add3A_1204 = arith.addi %iota3A, %add3A_1203 : vector<16xi32>
        %gather3A_1205 = tpu.vector_load_idx %arg8[%add3A_1204] : memref<2064xf32, #tpu.memory_space<vmem>>[vector<16xi32>], vector<16xf32>,
        %add3A_1206 = arith.constant 9.99999974E-6 : f32
        %add3A_1207 = vector.broadcast %add3A_1206 : f32 to vector<16xf32>
        %add3A_1208 = arith.addf %gather3A_1205, %add3A_1207 : vector<16xf32>
        %broadcast_in_dim3A_1209 = arith.constant true
        %broadcast_in_dim3A_1210 = vector.broadcast %broadcast_in_dim3A_1209 : i1 to vector<16xi1>
        %masked_cumsum3A_1211 = tpu.scan <sum>, %add3A_1208 masked %broadcast_in_dim3A_1210 : vector<16xf32>, vector<16xi1> -> vector<16xf32>
        %add3A_1212 = arith.addf %masked_cumsum3A_1211, %mul3A_5 : vector<16xf32>
        %broadcast_in_dim3A_1213 = vector.shape_cast %add3A_14 : vector<16xi32> to vector<16x1xi32>
        %gather3A_1214 = vector.shape_cast %broadcast_in_dim3A_1213 : vector<16x1xi32> to vector<16xi32>
        %gather3A_1215 = tpu.dynamic_gather %add3A_1212[%gather3A_1214] in [0] : vector<16xf32>, vector<16xi32> -> vector<16xf32>
        %add3A_1216 = arith.constant 1 : i32
        %add3A_1217 = arith.addi %mul3A_1128, %add3A_1216 : i32
        %add3A_1218 = arith.constant 16 : i32
        %add3A_1219 = arith.addi %add3A_1217, %add3A_1218 : i32
        %add3A_1220 = vector.broadcast %add3A_1219 : i32 to vector<16xi32>
        %add3A_1221 = arith.addi %iota3A, %add3A_1220 : vector<16xi32>
        %gather3A_1222 = tpu.vector_load_idx %arg8[%add3A_1221] : memref<2064xf32, #tpu.memory_space<vmem>>[vector<16xi32>], vector<16xf32>,
        %add3A_1223 = arith.constant 9.99999974E-6 : f32
        %add3A_1224 = vector.broadcast %add3A_1223 : f32 to vector<16xf32>
        %add3A_1225 = arith.addf %gather3A_1222, %add3A_1224 : vector<16xf32>
        %broadcast_in_dim3A_1226 = arith.constant true
        %broadcast_in_dim3A_1227 = vector.broadcast %broadcast_in_dim3A_1226 : i1 to vector<16xi1>
        %masked_cumsum3A_1228 = tpu.scan <sum>, %add3A_1225 masked %broadcast_in_dim3A_1227 : vector<16xf32>, vector<16xi1> -> vector<16xf32>
        %add3A_1229 = arith.addf %masked_cumsum3A_1228, %gather3A_1215 : vector<16xf32>
        %broadcast_in_dim3A_1230 = vector.shape_cast %add3A_14 : vector<16xi32> to vector<16x1xi32>
        %gather3A_1231 = vector.shape_cast %broadcast_in_dim3A_1230 : vector<16x1xi32> to vector<16xi32>
        %gather3A_1232 = tpu.dynamic_gather %add3A_1229[%gather3A_1231] in [0] : vector<16xf32>, vector<16xi32> -> vector<16xf32>
        %add3A_1233 = arith.constant 1 : i32
        %add3A_1234 = arith.addi %mul3A_1128, %add3A_1233 : i32
        %add3A_1235 = arith.constant 32 : i32
        %add3A_1236 = arith.addi %add3A_1234, %add3A_1235 : i32
        %add3A_1237 = vector.broadcast %add3A_1236 : i32 to vector<16xi32>
        %add3A_1238 = arith.addi %iota3A, %add3A_1237 : vector<16xi32>
        %gather3A_1239 = tpu.vector_load_idx %arg8[%add3A_1238] : memref<2064xf32, #tpu.memory_space<vmem>>[vector<16xi32>], vector<16xf32>,
        %add3A_1240 = arith.constant 9.99999974E-6 : f32
        %add3A_1241 = vector.broadcast %add3A_1240 : f32 to vector<16xf32>
        %add3A_1242 = arith.addf %gather3A_1239, %add3A_1241 : vector<16xf32>
        %broadcast_in_dim3A_1243 = arith.constant true
        %broadcast_in_dim3A_1244 = vector.broadcast %broadcast_in_dim3A_1243 : i1 to vector<16xi1>
        %masked_cumsum3A_1245 = tpu.scan <sum>, %add3A_1242 masked %broadcast_in_dim3A_1244 : vector<16xf32>, vector<16xi1> -> vector<16xf32>
        %add3A_1246 = arith.addf %masked_cumsum3A_1245, %gather3A_1232 : vector<16xf32>
        %broadcast_in_dim3A_1247 = vector.shape_cast %add3A_14 : vector<16xi32> to vector<16x1xi32>
        %gather3A_1248 = vector.shape_cast %broadcast_in_dim3A_1247 : vector<16x1xi32> to vector<16xi32>
        %gather3A_1249 = tpu.dynamic_gather %add3A_1246[%gather3A_1248] in [0] : vector<16xf32>, vector<16xi32> -> vector<16xf32>
        %add3A_1250 = arith.constant 1 : i32
        %add3A_1251 = arith.addi %mul3A_1128, %add3A_1250 : i32
        %add3A_1252 = arith.constant 48 : i32
        %add3A_1253 = arith.addi %add3A_1251, %add3A_1252 : i32
        %add3A_1254 = vector.broadcast %add3A_1253 : i32 to vector<16xi32>
        %add3A_1255 = arith.addi %iota3A, %add3A_1254 : vector<16xi32>
        %gather3A_1256 = tpu.vector_load_idx %arg8[%add3A_1255] : memref<2064xf32, #tpu.memory_space<vmem>>[vector<16xi32>], vector<16xf32>,
        %add3A_1257 = arith.constant 9.99999974E-6 : f32
        %add3A_1258 = vector.broadcast %add3A_1257 : f32 to vector<16xf32>
        %add3A_1259 = arith.addf %gather3A_1256, %add3A_1258 : vector<16xf32>
        %jit3A_1260 = arith.constant 0.000000e+00 : f32
        %broadcast_in_dim3A_1261 = vector.broadcast %jit3A_1260 : f32 to vector<16xf32>
        %select_n3A_1262 = arith.select %lt3A_16, %add3A_1259, %broadcast_in_dim3A_1261 : vector<16xi1>, vector<16xf32>
        %broadcast_in_dim3A_1263 = arith.constant true
        %broadcast_in_dim3A_1264 = vector.broadcast %broadcast_in_dim3A_1263 : i1 to vector<16xi1>
        %masked_cumsum3A_1265 = tpu.scan <sum>, %select_n3A_1262 masked %broadcast_in_dim3A_1264 : vector<16xf32>, vector<16xi1> -> vector<16xf32>
        %add3A_1266 = arith.addf %masked_cumsum3A_1265, %gather3A_1249 : vector<16xf32>
        %broadcast_in_dim3A_1267 = vector.shape_cast %add3A_14 : vector<16xi32> to vector<16x1xi32>
        %gather3A_1268 = vector.shape_cast %broadcast_in_dim3A_1267 : vector<16x1xi32> to vector<16xi32>
        %gather3A_1269 = tpu.dynamic_gather %add3A_1266[%gather3A_1268] in [0] : vector<16xf32>, vector<16xi32> -> vector<16xf32>
        %div3A_1270 = arith.divf %add3A_8, %gather3A_1269 : vector<16xf32>
        %mul3A_1271 = arith.mulf %add3A_1212, %div3A_1270 : vector<16xf32>
        %add3A_1272 = arith.constant 1 : i32
        %add3A_1273 = vector.broadcast %add3A_1272 : i32 to vector<16xi32>
        %add3A_1274 = arith.addi %iota3A, %add3A_1273 : vector<16xi32>
        tpu.vector_store_idx %arg17[%add3A_1274], %mul3A_1271 : memref<80xf32, #tpu.memory_space<vmem>>[vector<16xi32>], vector<16xf32>,
        %mul3A_1275 = arith.constant 6.300000e+01 : f32
        %mul3A_1276 = vector.broadcast %mul3A_1275 : f32 to vector<16xf32>
        %mul3A_1277 = arith.mulf %mul3A_1271, %mul3A_1276 : vector<16xf32>
        %convert_element_type3A_1278 = arith.fptosi %mul3A_1277 : vector<16xf32> to vector<16xi32>
        %convert_element_type3A_1279 = arith.sitofp %convert_element_type3A_1278 : vector<16xi32> to vector<16xf32>
        %lt3A_1280 = arith.cmpf olt, %convert_element_type3A_1279, %mul3A_1277 : vector<16xf32>
        %jit3A_1281 = arith.constant 1 : i32
        %jit3A_1282 = arith.constant 0 : i32
        %broadcast_in_dim3A_1283 = vector.broadcast %jit3A_1281 : i32 to vector<16xi32>
        %broadcast_in_dim3A_1284 = vector.broadcast %jit3A_1282 : i32 to vector<16xi32>
        %select_n3A_1285 = arith.select %lt3A_1280, %broadcast_in_dim3A_1283, %broadcast_in_dim3A_1284 : vector<16xi1>, vector<16xi32>
        %add3A_1286 = arith.addi %convert_element_type3A_1278, %select_n3A_1285 : vector<16xi32>
        %min3A_1287 = arith.constant 63 : i32
        %min3A_1288 = vector.broadcast %min3A_1287 : i32 to vector<16xi32>
        %min3A_1289 = arith.minsi %add3A_1286, %min3A_1288 : vector<16xi32>
        %mul3A_1290 = arith.mulf %add3A_1229, %div3A_1270 : vector<16xf32>
        %add3A_1291 = arith.constant 17 : i32
        %add3A_1292 = vector.broadcast %add3A_1291 : i32 to vector<16xi32>
        %add3A_1293 = arith.addi %iota3A, %add3A_1292 : vector<16xi32>
        tpu.vector_store_idx %arg17[%add3A_1293], %mul3A_1290 : memref<80xf32, #tpu.memory_space<vmem>>[vector<16xi32>], vector<16xf32>,
        %mul3A_1294 = arith.constant 6.300000e+01 : f32
        %mul3A_1295 = vector.broadcast %mul3A_1294 : f32 to vector<16xf32>
        %mul3A_1296 = arith.mulf %mul3A_1290, %mul3A_1295 : vector<16xf32>
        %convert_element_type3A_1297 = arith.fptosi %mul3A_1296 : vector<16xf32> to vector<16xi32>
        %convert_element_type3A_1298 = arith.sitofp %convert_element_type3A_1297 : vector<16xi32> to vector<16xf32>
        %lt3A_1299 = arith.cmpf olt, %convert_element_type3A_1298, %mul3A_1296 : vector<16xf32>
        %jit3A_1300 = arith.constant 1 : i32
        %jit3A_1301 = arith.constant 0 : i32
        %broadcast_in_dim3A_1302 = vector.broadcast %jit3A_1300 : i32 to vector<16xi32>
        %broadcast_in_dim3A_1303 = vector.broadcast %jit3A_1301 : i32 to vector<16xi32>
        %select_n3A_1304 = arith.select %lt3A_1299, %broadcast_in_dim3A_1302, %broadcast_in_dim3A_1303 : vector<16xi1>, vector<16xi32>
        %add3A_1305 = arith.addi %convert_element_type3A_1297, %select_n3A_1304 : vector<16xi32>
        %min3A_1306 = arith.constant 63 : i32
        %min3A_1307 = vector.broadcast %min3A_1306 : i32 to vector<16xi32>
        %min3A_1308 = arith.minsi %add3A_1305, %min3A_1307 : vector<16xi32>
        %mul3A_1309 = arith.mulf %add3A_1246, %div3A_1270 : vector<16xf32>
        %add3A_1310 = arith.constant 33 : i32
        %add3A_1311 = vector.broadcast %add3A_1310 : i32 to vector<16xi32>
        %add3A_1312 = arith.addi %iota3A, %add3A_1311 : vector<16xi32>
        tpu.vector_store_idx %arg17[%add3A_1312], %mul3A_1309 : memref<80xf32, #tpu.memory_space<vmem>>[vector<16xi32>], vector<16xf32>,
        %mul3A_1313 = arith.constant 6.300000e+01 : f32
        %mul3A_1314 = vector.broadcast %mul3A_1313 : f32 to vector<16xf32>
        %mul3A_1315 = arith.mulf %mul3A_1309, %mul3A_1314 : vector<16xf32>
        %convert_element_type3A_1316 = arith.fptosi %mul3A_1315 : vector<16xf32> to vector<16xi32>
        %convert_element_type3A_1317 = arith.sitofp %convert_element_type3A_1316 : vector<16xi32> to vector<16xf32>
        %lt3A_1318 = arith.cmpf olt, %convert_element_type3A_1317, %mul3A_1315 : vector<16xf32>
        %jit3A_1319 = arith.constant 1 : i32
        %jit3A_1320 = arith.constant 0 : i32
        %broadcast_in_dim3A_1321 = vector.broadcast %jit3A_1319 : i32 to vector<16xi32>
        %broadcast_in_dim3A_1322 = vector.broadcast %jit3A_1320 : i32 to vector<16xi32>
        %select_n3A_1323 = arith.select %lt3A_1318, %broadcast_in_dim3A_1321, %broadcast_in_dim3A_1322 : vector<16xi1>, vector<16xi32>
        %add3A_1324 = arith.addi %convert_element_type3A_1316, %select_n3A_1323 : vector<16xi32>
        %min3A_1325 = arith.constant 63 : i32
        %min3A_1326 = vector.broadcast %min3A_1325 : i32 to vector<16xi32>
        %min3A_1327 = arith.minsi %add3A_1324, %min3A_1326 : vector<16xi32>
        %mul3A_1328 = arith.mulf %add3A_1266, %div3A_1270 : vector<16xf32>
        %add3A_1329 = arith.constant 49 : i32
        %add3A_1330 = vector.broadcast %add3A_1329 : i32 to vector<16xi32>
        %add3A_1331 = arith.addi %iota3A, %add3A_1330 : vector<16xi32>
        tpu.vector_store_idx %arg17[%add3A_1331], %mul3A_1328 : memref<80xf32, #tpu.memory_space<vmem>>[vector<16xi32>], vector<16xf32>,
        %mul3A_1332 = arith.constant 6.300000e+01 : f32
        %mul3A_1333 = vector.broadcast %mul3A_1332 : f32 to vector<16xf32>
        %mul3A_1334 = arith.mulf %mul3A_1328, %mul3A_1333 : vector<16xf32>
        %convert_element_type3A_1335 = arith.fptosi %mul3A_1334 : vector<16xf32> to vector<16xi32>
        %convert_element_type3A_1336 = arith.sitofp %convert_element_type3A_1335 : vector<16xi32> to vector<16xf32>
        %lt3A_1337 = arith.cmpf olt, %convert_element_type3A_1336, %mul3A_1334 : vector<16xf32>
        %jit3A_1338 = arith.constant 1 : i32
        %jit3A_1339 = arith.constant 0 : i32
        %broadcast_in_dim3A_1340 = vector.broadcast %jit3A_1338 : i32 to vector<16xi32>
        %broadcast_in_dim3A_1341 = vector.broadcast %jit3A_1339 : i32 to vector<16xi32>
        %select_n3A_1342 = arith.select %lt3A_1337, %broadcast_in_dim3A_1340, %broadcast_in_dim3A_1341 : vector<16xi1>, vector<16xi32>
        %add3A_1343 = arith.addi %convert_element_type3A_1335, %select_n3A_1342 : vector<16xi32>
        %min3A_1344 = arith.constant 63 : i32
        %min3A_1345 = vector.broadcast %min3A_1344 : i32 to vector<16xi32>
        %min3A_1346 = arith.minsi %add3A_1343, %min3A_1345 : vector<16xi32>
        tpu.vector_store_idx %arg19[%min3A_1289], %add3A_8 {add = true} : memref<80xf32, #tpu.memory_space<vmem>>[vector<16xi32>], vector<16xf32>,
        tpu.vector_store_idx %arg19[%min3A_1308], %add3A_8 {add = true} : memref<80xf32, #tpu.memory_space<vmem>>[vector<16xi32>], vector<16xf32>,
        tpu.vector_store_idx %arg19[%min3A_1327], %add3A_8 {add = true} : memref<80xf32, #tpu.memory_space<vmem>>[vector<16xi32>], vector<16xf32>,
        tpu.vector_store_idx %arg19[%min3A_1346], %add3A_8 masked %lt3A_16 {add = true} : memref<80xf32, #tpu.memory_space<vmem>>[vector<16xi32>], vector<16xf32>, vector<16xi1>
        %get3A_1347 = arith.constant 0 : index
        %get3A_1348 = tpu.vector_load %arg19[%get3A_1347] {strides = array<i32>} : memref<80xf32, #tpu.memory_space<vmem>>, vector<16xf32>,
        %swap3A_1349 = arith.constant 0 : index
        %swap3A_1350 = tpu.vector_load %arg19[%swap3A_1349] {strides = array<i32>} : memref<80xf32, #tpu.memory_space<vmem>>, vector<16xf32>,
        tpu.vector_store %arg19[%swap3A_1349], %mul3A_5 {strides = array<i32>} : memref<80xf32, #tpu.memory_space<vmem>>, vector<16xf32>,
        %broadcast_in_dim3A_1351 = arith.constant true
        %broadcast_in_dim3A_1352 = vector.broadcast %broadcast_in_dim3A_1351 : i1 to vector<16xi1>
        %masked_cumsum3A_1353 = tpu.scan <sum>, %get3A_1348 masked %broadcast_in_dim3A_1352 : vector<16xf32>, vector<16xi1> -> vector<16xf32>
        %add3A_1354 = arith.addf %masked_cumsum3A_1353, %add3A_8 : vector<16xf32>
        %broadcast_in_dim3A_1355 = vector.shape_cast %add3A_14 : vector<16xi32> to vector<16x1xi32>
        %gather3A_1356 = vector.shape_cast %broadcast_in_dim3A_1355 : vector<16x1xi32> to vector<16xi32>
        %gather3A_1357 = tpu.dynamic_gather %add3A_1354[%gather3A_1356] in [0] : vector<16xf32>, vector<16xi32> -> vector<16xf32>
        %convert_element_type3A_1358 = arith.fptosi %add3A_1354 : vector<16xf32> to vector<16xi32>
        %sub3A_1359 = arith.constant 1 : i32
        %sub3A_1360 = vector.broadcast %sub3A_1359 : i32 to vector<16xi32>
        %sub3A_1361 = arith.subi %convert_element_type3A_1358, %sub3A_1360 : vector<16xi32>
        %gather3A_1362 = tpu.vector_load_idx %arg17[%sub3A_1361] : memref<80xf32, #tpu.memory_space<vmem>>[vector<16xi32>], vector<16xf32>,
        %gather3A_1363 = tpu.vector_load_idx %arg17[%convert_element_type3A_1358] : memref<80xf32, #tpu.memory_space<vmem>>[vector<16xi32>], vector<16xf32>,
        %gather3A_1364 = tpu.vector_load_idx %arg18[%sub3A_1361] : memref<80xf32, #tpu.memory_space<vmem>>[vector<16xi32>], vector<16xf32>,
        %gather3A_1365 = tpu.vector_load_idx %arg18[%convert_element_type3A_1358] : memref<80xf32, #tpu.memory_space<vmem>>[vector<16xi32>], vector<16xf32>,
        %sub3A_1366 = arith.subf %gather3A_1363, %gather3A_1362 : vector<16xf32>
        %lt3A_1367 = arith.constant 9.99999974E-6 : f32
        %lt3A_1368 = vector.broadcast %lt3A_1367 : f32 to vector<16xf32>
        %lt3A_1369 = arith.cmpf olt, %sub3A_1366, %lt3A_1368 : vector<16xf32>
        %jit3A_1370 = arith.constant 1.000000e+00 : f32
        %broadcast_in_dim3A_1371 = vector.broadcast %jit3A_1370 : f32 to vector<16xf32>
        %select_n3A_1372 = arith.select %lt3A_1369, %broadcast_in_dim3A_1371, %sub3A_1366 : vector<16xi1>, vector<16xf32>
        %sub3A_1373 = arith.subf %mul3A_69, %gather3A_1362 : vector<16xf32>
        %div3A_1374 = arith.divf %sub3A_1373, %select_n3A_1372 : vector<16xf32>
        %sub3A_1375 = arith.subf %gather3A_1365, %gather3A_1364 : vector<16xf32>
        %mul3A_1376 = arith.mulf %div3A_1374, %sub3A_1375 : vector<16xf32>
        %add3A_1377 = arith.addf %gather3A_1364, %mul3A_1376 : vector<16xf32>
        %get3A_1378 = arith.constant 16 : index
        %get3A_1379 = tpu.vector_load %arg19[%get3A_1378] {strides = array<i32>} : memref<80xf32, #tpu.memory_space<vmem>>, vector<16xf32>,
        %swap3A_1380 = arith.constant 16 : index
        %swap3A_1381 = tpu.vector_load %arg19[%swap3A_1380] {strides = array<i32>} : memref<80xf32, #tpu.memory_space<vmem>>, vector<16xf32>,
        tpu.vector_store %arg19[%swap3A_1380], %mul3A_5 {strides = array<i32>} : memref<80xf32, #tpu.memory_space<vmem>>, vector<16xf32>,
        %broadcast_in_dim3A_1382 = arith.constant true
        %broadcast_in_dim3A_1383 = vector.broadcast %broadcast_in_dim3A_1382 : i1 to vector<16xi1>
        %masked_cumsum3A_1384 = tpu.scan <sum>, %get3A_1379 masked %broadcast_in_dim3A_1383 : vector<16xf32>, vector<16xi1> -> vector<16xf32>
        %add3A_1385 = arith.addf %masked_cumsum3A_1384, %gather3A_1357 : vector<16xf32>
        %broadcast_in_dim3A_1386 = vector.shape_cast %add3A_14 : vector<16xi32> to vector<16x1xi32>
        %gather3A_1387 = vector.shape_cast %broadcast_in_dim3A_1386 : vector<16x1xi32> to vector<16xi32>
        %gather3A_1388 = tpu.dynamic_gather %add3A_1385[%gather3A_1387] in [0] : vector<16xf32>, vector<16xi32> -> vector<16xf32>
        %convert_element_type3A_1389 = arith.fptosi %add3A_1385 : vector<16xf32> to vector<16xi32>
        %sub3A_1390 = arith.constant 1 : i32
        %sub3A_1391 = vector.broadcast %sub3A_1390 : i32 to vector<16xi32>
        %sub3A_1392 = arith.subi %convert_element_type3A_1389, %sub3A_1391 : vector<16xi32>
        %gather3A_1393 = tpu.vector_load_idx %arg17[%sub3A_1392] : memref<80xf32, #tpu.memory_space<vmem>>[vector<16xi32>], vector<16xf32>,
        %gather3A_1394 = tpu.vector_load_idx %arg17[%convert_element_type3A_1389] : memref<80xf32, #tpu.memory_space<vmem>>[vector<16xi32>], vector<16xf32>,
        %gather3A_1395 = tpu.vector_load_idx %arg18[%sub3A_1392] : memref<80xf32, #tpu.memory_space<vmem>>[vector<16xi32>], vector<16xf32>,
        %gather3A_1396 = tpu.vector_load_idx %arg18[%convert_element_type3A_1389] : memref<80xf32, #tpu.memory_space<vmem>>[vector<16xi32>], vector<16xf32>,
        %sub3A_1397 = arith.subf %gather3A_1394, %gather3A_1393 : vector<16xf32>
        %lt3A_1398 = arith.constant 9.99999974E-6 : f32
        %lt3A_1399 = vector.broadcast %lt3A_1398 : f32 to vector<16xf32>
        %lt3A_1400 = arith.cmpf olt, %sub3A_1397, %lt3A_1399 : vector<16xf32>
        %jit3A_1401 = arith.constant 1.000000e+00 : f32
        %broadcast_in_dim3A_1402 = vector.broadcast %jit3A_1401 : f32 to vector<16xf32>
        %select_n3A_1403 = arith.select %lt3A_1400, %broadcast_in_dim3A_1402, %sub3A_1397 : vector<16xi1>, vector<16xf32>
        %sub3A_1404 = arith.subf %mul3A_75, %gather3A_1393 : vector<16xf32>
        %div3A_1405 = arith.divf %sub3A_1404, %select_n3A_1403 : vector<16xf32>
        %sub3A_1406 = arith.subf %gather3A_1396, %gather3A_1395 : vector<16xf32>
        %mul3A_1407 = arith.mulf %div3A_1405, %sub3A_1406 : vector<16xf32>
        %add3A_1408 = arith.addf %gather3A_1395, %mul3A_1407 : vector<16xf32>
        %get3A_1409 = arith.constant 32 : index
        %get3A_1410 = tpu.vector_load %arg19[%get3A_1409] {strides = array<i32>} : memref<80xf32, #tpu.memory_space<vmem>>, vector<16xf32>,
        %swap3A_1411 = arith.constant 32 : index
        %swap3A_1412 = tpu.vector_load %arg19[%swap3A_1411] {strides = array<i32>} : memref<80xf32, #tpu.memory_space<vmem>>, vector<16xf32>,
        tpu.vector_store %arg19[%swap3A_1411], %mul3A_5 {strides = array<i32>} : memref<80xf32, #tpu.memory_space<vmem>>, vector<16xf32>,
        %broadcast_in_dim3A_1413 = arith.constant true
        %broadcast_in_dim3A_1414 = vector.broadcast %broadcast_in_dim3A_1413 : i1 to vector<16xi1>
        %masked_cumsum3A_1415 = tpu.scan <sum>, %get3A_1410 masked %broadcast_in_dim3A_1414 : vector<16xf32>, vector<16xi1> -> vector<16xf32>
        %add3A_1416 = arith.addf %masked_cumsum3A_1415, %gather3A_1388 : vector<16xf32>
        %broadcast_in_dim3A_1417 = vector.shape_cast %add3A_14 : vector<16xi32> to vector<16x1xi32>
        %gather3A_1418 = vector.shape_cast %broadcast_in_dim3A_1417 : vector<16x1xi32> to vector<16xi32>
        %gather3A_1419 = tpu.dynamic_gather %add3A_1416[%gather3A_1418] in [0] : vector<16xf32>, vector<16xi32> -> vector<16xf32>
        %convert_element_type3A_1420 = arith.fptosi %add3A_1416 : vector<16xf32> to vector<16xi32>
        %sub3A_1421 = arith.constant 1 : i32
        %sub3A_1422 = vector.broadcast %sub3A_1421 : i32 to vector<16xi32>
        %sub3A_1423 = arith.subi %convert_element_type3A_1420, %sub3A_1422 : vector<16xi32>
        %gather3A_1424 = tpu.vector_load_idx %arg17[%sub3A_1423] : memref<80xf32, #tpu.memory_space<vmem>>[vector<16xi32>], vector<16xf32>,
        %gather3A_1425 = tpu.vector_load_idx %arg17[%convert_element_type3A_1420] : memref<80xf32, #tpu.memory_space<vmem>>[vector<16xi32>], vector<16xf32>,
        %gather3A_1426 = tpu.vector_load_idx %arg18[%sub3A_1423] : memref<80xf32, #tpu.memory_space<vmem>>[vector<16xi32>], vector<16xf32>,
        %gather3A_1427 = tpu.vector_load_idx %arg18[%convert_element_type3A_1420] : memref<80xf32, #tpu.memory_space<vmem>>[vector<16xi32>], vector<16xf32>,
        %sub3A_1428 = arith.subf %gather3A_1425, %gather3A_1424 : vector<16xf32>
        %lt3A_1429 = arith.constant 9.99999974E-6 : f32
        %lt3A_1430 = vector.broadcast %lt3A_1429 : f32 to vector<16xf32>
        %lt3A_1431 = arith.cmpf olt, %sub3A_1428, %lt3A_1430 : vector<16xf32>
        %jit3A_1432 = arith.constant 1.000000e+00 : f32
        %broadcast_in_dim3A_1433 = vector.broadcast %jit3A_1432 : f32 to vector<16xf32>
        %select_n3A_1434 = arith.select %lt3A_1431, %broadcast_in_dim3A_1433, %sub3A_1428 : vector<16xi1>, vector<16xf32>
        %sub3A_1435 = arith.subf %mul3A_81, %gather3A_1424 : vector<16xf32>
        %div3A_1436 = arith.divf %sub3A_1435, %select_n3A_1434 : vector<16xf32>
        %sub3A_1437 = arith.subf %gather3A_1427, %gather3A_1426 : vector<16xf32>
        %mul3A_1438 = arith.mulf %div3A_1436, %sub3A_1437 : vector<16xf32>
        %add3A_1439 = arith.addf %gather3A_1426, %mul3A_1438 : vector<16xf32>
        %get3A_1440 = arith.constant 48 : index
        %get3A_1441 = tpu.vector_load %arg19[%get3A_1440] {strides = array<i32>} : memref<80xf32, #tpu.memory_space<vmem>>, vector<16xf32>,
        %swap3A_1442 = arith.constant 48 : index
        %swap3A_1443 = tpu.vector_load %arg19[%swap3A_1442] {strides = array<i32>} : memref<80xf32, #tpu.memory_space<vmem>>, vector<16xf32>,
        tpu.vector_store %arg19[%swap3A_1442], %mul3A_5 {strides = array<i32>} : memref<80xf32, #tpu.memory_space<vmem>>, vector<16xf32>,
        %broadcast_in_dim3A_1444 = arith.constant true
        %broadcast_in_dim3A_1445 = vector.broadcast %broadcast_in_dim3A_1444 : i1 to vector<16xi1>
        %masked_cumsum3A_1446 = tpu.scan <sum>, %get3A_1441 masked %broadcast_in_dim3A_1445 : vector<16xf32>, vector<16xi1> -> vector<16xf32>
        %add3A_1447 = arith.addf %masked_cumsum3A_1446, %gather3A_1419 : vector<16xf32>
        %broadcast_in_dim3A_1448 = vector.shape_cast %add3A_14 : vector<16xi32> to vector<16x1xi32>
        %gather3A_1449 = vector.shape_cast %broadcast_in_dim3A_1448 : vector<16x1xi32> to vector<16xi32>
        %gather3A_1450 = tpu.dynamic_gather %add3A_1447[%gather3A_1449] in [0] : vector<16xf32>, vector<16xi32> -> vector<16xf32>
        %convert_element_type3A_1451 = arith.fptosi %add3A_1447 : vector<16xf32> to vector<16xi32>
        %sub3A_1452 = arith.constant 1 : i32
        %sub3A_1453 = vector.broadcast %sub3A_1452 : i32 to vector<16xi32>
        %sub3A_1454 = arith.subi %convert_element_type3A_1451, %sub3A_1453 : vector<16xi32>
        %gather3A_1455 = tpu.vector_load_idx %arg17[%sub3A_1454] : memref<80xf32, #tpu.memory_space<vmem>>[vector<16xi32>], vector<16xf32>,
        %gather3A_1456 = tpu.vector_load_idx %arg17[%convert_element_type3A_1451] : memref<80xf32, #tpu.memory_space<vmem>>[vector<16xi32>], vector<16xf32>,
        %gather3A_1457 = tpu.vector_load_idx %arg18[%sub3A_1454] : memref<80xf32, #tpu.memory_space<vmem>>[vector<16xi32>], vector<16xf32>,
        %gather3A_1458 = tpu.vector_load_idx %arg18[%convert_element_type3A_1451] : memref<80xf32, #tpu.memory_space<vmem>>[vector<16xi32>], vector<16xf32>,
        %sub3A_1459 = arith.subf %gather3A_1456, %gather3A_1455 : vector<16xf32>
        %lt3A_1460 = arith.constant 9.99999974E-6 : f32
        %lt3A_1461 = vector.broadcast %lt3A_1460 : f32 to vector<16xf32>
        %lt3A_1462 = arith.cmpf olt, %sub3A_1459, %lt3A_1461 : vector<16xf32>
        %jit3A_1463 = arith.constant 1.000000e+00 : f32
        %broadcast_in_dim3A_1464 = vector.broadcast %jit3A_1463 : f32 to vector<16xf32>
        %select_n3A_1465 = arith.select %lt3A_1462, %broadcast_in_dim3A_1464, %sub3A_1459 : vector<16xi1>, vector<16xf32>
        %sub3A_1466 = arith.subf %mul3A_87, %gather3A_1455 : vector<16xf32>
        %div3A_1467 = arith.divf %sub3A_1466, %select_n3A_1465 : vector<16xf32>
        %sub3A_1468 = arith.subf %gather3A_1458, %gather3A_1457 : vector<16xf32>
        %mul3A_1469 = arith.mulf %div3A_1467, %sub3A_1468 : vector<16xf32>
        %add3A_1470 = arith.addf %gather3A_1457, %mul3A_1469 : vector<16xf32>
        %rev3A_1471 = arith.constant 15 : i32
        %rev3A_1472 = vector.broadcast %rev3A_1471 : i32 to vector<16xi32>
        %rev3A_1473 = tpu.iota {dimensions = array<i32: 0>} : vector<16xi32>
        %rev3A_1474 = arith.subi %rev3A_1472, %rev3A_1473 : vector<16xi32>
        %rev3A_1475 = tpu.dynamic_gather %add3A_1470[%rev3A_1474] in [0] : vector<16xf32>, vector<16xi32> -> vector<16xf32>
        %rev3A_1476 = arith.constant 15 : i32
        %rev3A_1477 = vector.broadcast %rev3A_1476 : i32 to vector<16xi32>
        %rev3A_1478 = tpu.iota {dimensions = array<i32: 0>} : vector<16xi32>
        %rev3A_1479 = arith.subi %rev3A_1477, %rev3A_1478 : vector<16xi32>
        %rev3A_1480 = tpu.dynamic_gather %add3A_1439[%rev3A_1479] in [0] : vector<16xf32>, vector<16xi32> -> vector<16xf32>
        %rev3A_1481 = arith.constant 15 : i32
        %rev3A_1482 = vector.broadcast %rev3A_1481 : i32 to vector<16xi32>
        %rev3A_1483 = tpu.iota {dimensions = array<i32: 0>} : vector<16xi32>
        %rev3A_1484 = arith.subi %rev3A_1482, %rev3A_1483 : vector<16xi32>
        %rev3A_1485 = tpu.dynamic_gather %add3A_1408[%rev3A_1484] in [0] : vector<16xf32>, vector<16xi32> -> vector<16xf32>
        %rev3A_1486 = arith.constant 15 : i32
        %rev3A_1487 = vector.broadcast %rev3A_1486 : i32 to vector<16xi32>
        %rev3A_1488 = tpu.iota {dimensions = array<i32: 0>} : vector<16xi32>
        %rev3A_1489 = arith.subi %rev3A_1487, %rev3A_1488 : vector<16xi32>
        %rev3A_1490 = tpu.dynamic_gather %add3A_1377[%rev3A_1489] in [0] : vector<16xf32>, vector<16xi32> -> vector<16xf32>
        %min3A_1491 = arith.minimumf %get3A_1134, %rev3A_1475 : vector<16xf32>
        %min3A_1492 = arith.minimumf %get3A_1151, %rev3A_1480 : vector<16xf32>
        %min3A_1493 = arith.minimumf %get3A_1168, %rev3A_1485 : vector<16xf32>
        %min3A_1494 = arith.minimumf %get3A_1185, %rev3A_1490 : vector<16xf32>
        %max3A_1495 = arith.maximumf %get3A_1134, %rev3A_1475 : vector<16xf32>
        %max3A_1496 = arith.maximumf %get3A_1151, %rev3A_1480 : vector<16xf32>
        %max3A_1497 = arith.maximumf %get3A_1168, %rev3A_1485 : vector<16xf32>
        %max3A_1498 = arith.maximumf %get3A_1185, %rev3A_1490 : vector<16xf32>
        %min3A_1499 = arith.minimumf %min3A_1491, %min3A_1493 : vector<16xf32>
        %max3A_1500 = arith.maximumf %min3A_1491, %min3A_1493 : vector<16xf32>
        %min3A_1501 = arith.minimumf %min3A_1492, %min3A_1494 : vector<16xf32>
        %max3A_1502 = arith.maximumf %min3A_1492, %min3A_1494 : vector<16xf32>
        %min3A_1503 = arith.minimumf %max3A_1495, %max3A_1497 : vector<16xf32>
        %max3A_1504 = arith.maximumf %max3A_1495, %max3A_1497 : vector<16xf32>
        %min3A_1505 = arith.minimumf %max3A_1496, %max3A_1498 : vector<16xf32>
        %max3A_1506 = arith.maximumf %max3A_1496, %max3A_1498 : vector<16xf32>
        %min3A_1507 = arith.minimumf %min3A_1499, %min3A_1501 : vector<16xf32>
        %max3A_1508 = arith.maximumf %min3A_1499, %min3A_1501 : vector<16xf32>
        %min3A_1509 = arith.minimumf %max3A_1500, %max3A_1502 : vector<16xf32>
        %max3A_1510 = arith.maximumf %max3A_1500, %max3A_1502 : vector<16xf32>
        %min3A_1511 = arith.minimumf %min3A_1503, %min3A_1505 : vector<16xf32>
        %max3A_1512 = arith.maximumf %min3A_1503, %min3A_1505 : vector<16xf32>
        %min3A_1513 = arith.minimumf %max3A_1504, %max3A_1506 : vector<16xf32>
        %max3A_1514 = arith.maximumf %max3A_1504, %max3A_1506 : vector<16xf32>
        %sort3A_1515 = arith.constant dense<true> : vector<16xi1>
        %sort3A_1516, %sort3A_1517, %sort3A_1518 = tpu.sort %min3A_1507, %min3A_1507 masked %sort3A_1515 : (vector<16xf32>, vector<16xf32>, vector<16xi1>) -> (vector<16xi1>, vector<16xf32>, vector<16xf32>)
        %add3A_1519 = arith.constant 0 : i32
        %add3A_1520 = arith.addi %mul3A_1130, %add3A_1519 : i32
        %swap3A_1521 = arith.index_cast %add3A_1520 : i32 to index
        %swap3A_1522 = tpu.vector_load %arg10[%swap3A_1521] {strides = array<i32>} : memref<4096xf32, #tpu.memory_space<vmem>>, vector<16xf32>,
        tpu.vector_store %arg10[%swap3A_1521], %sort3A_1517 {strides = array<i32>} : memref<4096xf32, #tpu.memory_space<vmem>>, vector<16xf32>,
        %sort3A_1523 = arith.constant dense<true> : vector<16xi1>
        %sort3A_1524, %sort3A_1525, %sort3A_1526 = tpu.sort %max3A_1508, %max3A_1508 masked %sort3A_1523 : (vector<16xf32>, vector<16xf32>, vector<16xi1>) -> (vector<16xi1>, vector<16xf32>, vector<16xf32>)
        %add3A_1527 = arith.constant 16 : i32
        %add3A_1528 = arith.addi %mul3A_1130, %add3A_1527 : i32
        %swap3A_1529 = arith.index_cast %add3A_1528 : i32 to index
        %swap3A_1530 = tpu.vector_load %arg10[%swap3A_1529] {strides = array<i32>} : memref<4096xf32, #tpu.memory_space<vmem>>, vector<16xf32>,
        tpu.vector_store %arg10[%swap3A_1529], %sort3A_1525 {strides = array<i32>} : memref<4096xf32, #tpu.memory_space<vmem>>, vector<16xf32>,
        %sort3A_1531 = arith.constant dense<true> : vector<16xi1>
        %sort3A_1532, %sort3A_1533, %sort3A_1534 = tpu.sort %min3A_1509, %min3A_1509 masked %sort3A_1531 : (vector<16xf32>, vector<16xf32>, vector<16xi1>) -> (vector<16xi1>, vector<16xf32>, vector<16xf32>)
        %add3A_1535 = arith.constant 32 : i32
        %add3A_1536 = arith.addi %mul3A_1130, %add3A_1535 : i32
        %swap3A_1537 = arith.index_cast %add3A_1536 : i32 to index
        %swap3A_1538 = tpu.vector_load %arg10[%swap3A_1537] {strides = array<i32>} : memref<4096xf32, #tpu.memory_space<vmem>>, vector<16xf32>,
        tpu.vector_store %arg10[%swap3A_1537], %sort3A_1533 {strides = array<i32>} : memref<4096xf32, #tpu.memory_space<vmem>>, vector<16xf32>,
        %sort3A_1539 = arith.constant dense<true> : vector<16xi1>
        %sort3A_1540, %sort3A_1541, %sort3A_1542 = tpu.sort %max3A_1510, %max3A_1510 masked %sort3A_1539 : (vector<16xf32>, vector<16xf32>, vector<16xi1>) -> (vector<16xi1>, vector<16xf32>, vector<16xf32>)
        %add3A_1543 = arith.constant 48 : i32
        %add3A_1544 = arith.addi %mul3A_1130, %add3A_1543 : i32
        %swap3A_1545 = arith.index_cast %add3A_1544 : i32 to index
        %swap3A_1546 = tpu.vector_load %arg10[%swap3A_1545] {strides = array<i32>} : memref<4096xf32, #tpu.memory_space<vmem>>, vector<16xf32>,
        tpu.vector_store %arg10[%swap3A_1545], %sort3A_1541 {strides = array<i32>} : memref<4096xf32, #tpu.memory_space<vmem>>, vector<16xf32>,
        %sort3A_1547 = arith.constant dense<true> : vector<16xi1>
        %sort3A_1548, %sort3A_1549, %sort3A_1550 = tpu.sort %min3A_1511, %min3A_1511 masked %sort3A_1547 : (vector<16xf32>, vector<16xf32>, vector<16xi1>) -> (vector<16xi1>, vector<16xf32>, vector<16xf32>)
        %add3A_1551 = arith.constant 64 : i32
        %add3A_1552 = arith.addi %mul3A_1130, %add3A_1551 : i32
        %swap3A_1553 = arith.index_cast %add3A_1552 : i32 to index
        %swap3A_1554 = tpu.vector_load %arg10[%swap3A_1553] {strides = array<i32>} : memref<4096xf32, #tpu.memory_space<vmem>>, vector<16xf32>,
        tpu.vector_store %arg10[%swap3A_1553], %sort3A_1549 {strides = array<i32>} : memref<4096xf32, #tpu.memory_space<vmem>>, vector<16xf32>,
        %sort3A_1555 = arith.constant dense<true> : vector<16xi1>
        %sort3A_1556, %sort3A_1557, %sort3A_1558 = tpu.sort %max3A_1512, %max3A_1512 masked %sort3A_1555 : (vector<16xf32>, vector<16xf32>, vector<16xi1>) -> (vector<16xi1>, vector<16xf32>, vector<16xf32>)
        %add3A_1559 = arith.constant 80 : i32
        %add3A_1560 = arith.addi %mul3A_1130, %add3A_1559 : i32
        %swap3A_1561 = arith.index_cast %add3A_1560 : i32 to index
        %swap3A_1562 = tpu.vector_load %arg10[%swap3A_1561] {strides = array<i32>} : memref<4096xf32, #tpu.memory_space<vmem>>, vector<16xf32>,
        tpu.vector_store %arg10[%swap3A_1561], %sort3A_1557 {strides = array<i32>} : memref<4096xf32, #tpu.memory_space<vmem>>, vector<16xf32>,
        %sort3A_1563 = arith.constant dense<true> : vector<16xi1>
        %sort3A_1564, %sort3A_1565, %sort3A_1566 = tpu.sort %min3A_1513, %min3A_1513 masked %sort3A_1563 : (vector<16xf32>, vector<16xf32>, vector<16xi1>) -> (vector<16xi1>, vector<16xf32>, vector<16xf32>)
        %add3A_1567 = arith.constant 96 : i32
        %add3A_1568 = arith.addi %mul3A_1130, %add3A_1567 : i32
        %swap3A_1569 = arith.index_cast %add3A_1568 : i32 to index
        %swap3A_1570 = tpu.vector_load %arg10[%swap3A_1569] {strides = array<i32>} : memref<4096xf32, #tpu.memory_space<vmem>>, vector<16xf32>,
        tpu.vector_store %arg10[%swap3A_1569], %sort3A_1565 {strides = array<i32>} : memref<4096xf32, #tpu.memory_space<vmem>>, vector<16xf32>,
        %sort3A_1571 = arith.constant dense<true> : vector<16xi1>
        %sort3A_1572, %sort3A_1573, %sort3A_1574 = tpu.sort %max3A_1514, %max3A_1514 masked %sort3A_1571 : (vector<16xf32>, vector<16xf32>, vector<16xi1>) -> (vector<16xi1>, vector<16xf32>, vector<16xf32>)
        %add3A_1575 = arith.constant 112 : i32
        %add3A_1576 = arith.addi %mul3A_1130, %add3A_1575 : i32
        %swap3A_1577 = arith.index_cast %add3A_1576 : i32 to index
        %swap3A_1578 = tpu.vector_load %arg10[%swap3A_1577] {strides = array<i32>} : memref<4096xf32, #tpu.memory_space<vmem>>, vector<16xf32>,
        tpu.vector_store %arg10[%swap3A_1577], %sort3A_1573 {strides = array<i32>} : memref<4096xf32, #tpu.memory_space<vmem>>, vector<16xf32>,
        %mul3A_1579 = arith.constant 4 : i32
        %mul3A_1580 = arith.muli %mul3A_1579, %scan3A_221 : i32
        %add3A_1581 = arith.constant 3 : i32
        %add3A_1582 = arith.addi %mul3A_1580, %add3A_1581 : i32
        %mul3A_1583 = arith.constant 64 : i32
        %mul3A_1584 = arith.muli %add3A_1582, %mul3A_1583 : i32
        %mul3A_1585 = arith.constant 128 : i32
        %mul3A_1586 = arith.muli %add3A_1582, %mul3A_1585 : i32
        %add3A_1587 = arith.constant 0 : i32
        %add3A_1588 = arith.addi %mul3A_1584, %add3A_1587 : i32
        %get3A_1589 = arith.index_cast %add3A_1588 : i32 to index
        %get3A_1590 = tpu.vector_load %arg7[%get3A_1589] {strides = array<i32>} : memref<2064xf32, #tpu.memory_space<vmem>>, vector<16xf32>,
        %add3A_1591 = arith.constant 0 : i32
        %add3A_1592 = arith.addi %mul3A_1584, %add3A_1591 : i32
        %add3A_1593 = arith.constant 1 : i32
        %add3A_1594 = arith.addi %add3A_1592, %add3A_1593 : i32
        %add3A_1595 = vector.broadcast %add3A_1594 : i32 to vector<16xi32>
        %add3A_1596 = arith.addi %iota3A, %add3A_1595 : vector<16xi32>
        %gather3A_1597 = tpu.vector_load_idx %arg7[%add3A_1596] : memref<2064xf32, #tpu.memory_space<vmem>>[vector<16xi32>], vector<16xf32>,
        %add3A_1598 = arith.addf %get3A_1590, %gather3A_1597 : vector<16xf32>
        %mul3A_1599 = arith.constant 5.000000e-01 : f32
        %mul3A_1600 = vector.broadcast %mul3A_1599 : f32 to vector<16xf32>
        %mul3A_1601 = arith.mulf %mul3A_1600, %add3A_1598 : vector<16xf32>
        %swap3A_1602 = arith.constant 0 : index
        %swap3A_1603 = tpu.vector_load %arg21[%swap3A_1602] {strides = array<i32>} : memref<80xf32, #tpu.memory_space<vmem>>, vector<16xf32>,
        tpu.vector_store %arg21[%swap3A_1602], %mul3A_1601 {strides = array<i32>} : memref<80xf32, #tpu.memory_space<vmem>>, vector<16xf32>,
        %add3A_1604 = arith.constant 16 : i32
        %add3A_1605 = arith.addi %mul3A_1584, %add3A_1604 : i32
        %get3A_1606 = arith.index_cast %add3A_1605 : i32 to index
        %get3A_1607 = tpu.vector_load %arg7[%get3A_1606] {strides = array<i32>} : memref<2064xf32, #tpu.memory_space<vmem>>, vector<16xf32>,
        %add3A_1608 = arith.constant 16 : i32
        %add3A_1609 = arith.addi %mul3A_1584, %add3A_1608 : i32
        %add3A_1610 = arith.constant 1 : i32
        %add3A_1611 = arith.addi %add3A_1609, %add3A_1610 : i32
        %add3A_1612 = vector.broadcast %add3A_1611 : i32 to vector<16xi32>
        %add3A_1613 = arith.addi %iota3A, %add3A_1612 : vector<16xi32>
        %gather3A_1614 = tpu.vector_load_idx %arg7[%add3A_1613] : memref<2064xf32, #tpu.memory_space<vmem>>[vector<16xi32>], vector<16xf32>,
        %add3A_1615 = arith.addf %get3A_1607, %gather3A_1614 : vector<16xf32>
        %mul3A_1616 = arith.constant 5.000000e-01 : f32
        %mul3A_1617 = vector.broadcast %mul3A_1616 : f32 to vector<16xf32>
        %mul3A_1618 = arith.mulf %mul3A_1617, %add3A_1615 : vector<16xf32>
        %swap3A_1619 = arith.constant 16 : index
        %swap3A_1620 = tpu.vector_load %arg21[%swap3A_1619] {strides = array<i32>} : memref<80xf32, #tpu.memory_space<vmem>>, vector<16xf32>,
        tpu.vector_store %arg21[%swap3A_1619], %mul3A_1618 {strides = array<i32>} : memref<80xf32, #tpu.memory_space<vmem>>, vector<16xf32>,
        %add3A_1621 = arith.constant 32 : i32
        %add3A_1622 = arith.addi %mul3A_1584, %add3A_1621 : i32
        %get3A_1623 = arith.index_cast %add3A_1622 : i32 to index
        %get3A_1624 = tpu.vector_load %arg7[%get3A_1623] {strides = array<i32>} : memref<2064xf32, #tpu.memory_space<vmem>>, vector<16xf32>,
        %add3A_1625 = arith.constant 32 : i32
        %add3A_1626 = arith.addi %mul3A_1584, %add3A_1625 : i32
        %add3A_1627 = arith.constant 1 : i32
        %add3A_1628 = arith.addi %add3A_1626, %add3A_1627 : i32
        %add3A_1629 = vector.broadcast %add3A_1628 : i32 to vector<16xi32>
        %add3A_1630 = arith.addi %iota3A, %add3A_1629 : vector<16xi32>
        %gather3A_1631 = tpu.vector_load_idx %arg7[%add3A_1630] : memref<2064xf32, #tpu.memory_space<vmem>>[vector<16xi32>], vector<16xf32>,
        %add3A_1632 = arith.addf %get3A_1624, %gather3A_1631 : vector<16xf32>
        %mul3A_1633 = arith.constant 5.000000e-01 : f32
        %mul3A_1634 = vector.broadcast %mul3A_1633 : f32 to vector<16xf32>
        %mul3A_1635 = arith.mulf %mul3A_1634, %add3A_1632 : vector<16xf32>
        %swap3A_1636 = arith.constant 32 : index
        %swap3A_1637 = tpu.vector_load %arg21[%swap3A_1636] {strides = array<i32>} : memref<80xf32, #tpu.memory_space<vmem>>, vector<16xf32>,
        tpu.vector_store %arg21[%swap3A_1636], %mul3A_1635 {strides = array<i32>} : memref<80xf32, #tpu.memory_space<vmem>>, vector<16xf32>,
        %add3A_1638 = arith.constant 48 : i32
        %add3A_1639 = arith.addi %mul3A_1584, %add3A_1638 : i32
        %get3A_1640 = arith.index_cast %add3A_1639 : i32 to index
        %get3A_1641 = tpu.vector_load %arg7[%get3A_1640] {strides = array<i32>} : memref<2064xf32, #tpu.memory_space<vmem>>, vector<16xf32>,
        %add3A_1642 = arith.constant 48 : i32
        %add3A_1643 = arith.addi %mul3A_1584, %add3A_1642 : i32
        %add3A_1644 = arith.constant 1 : i32
        %add3A_1645 = arith.addi %add3A_1643, %add3A_1644 : i32
        %add3A_1646 = vector.broadcast %add3A_1645 : i32 to vector<16xi32>
        %add3A_1647 = arith.addi %iota3A, %add3A_1646 : vector<16xi32>
        %gather3A_1648 = tpu.vector_load_idx %arg7[%add3A_1647] : memref<2064xf32, #tpu.memory_space<vmem>>[vector<16xi32>], vector<16xf32>,
        %add3A_1649 = arith.addf %get3A_1641, %gather3A_1648 : vector<16xf32>
        %mul3A_1650 = arith.constant 5.000000e-01 : f32
        %mul3A_1651 = vector.broadcast %mul3A_1650 : f32 to vector<16xf32>
        %mul3A_1652 = arith.mulf %mul3A_1651, %add3A_1649 : vector<16xf32>
        %swap3A_1653 = arith.constant 48 : index
        %swap3A_1654 = tpu.vector_load %arg21[%swap3A_1653] {strides = array<i32>} : memref<80xf32, #tpu.memory_space<vmem>>, vector<16xf32>,
        tpu.vector_store %arg21[%swap3A_1653], %mul3A_1652 {strides = array<i32>} : memref<80xf32, #tpu.memory_space<vmem>>, vector<16xf32>,
        %add3A_1655 = arith.constant 1 : i32
        %add3A_1656 = arith.addi %mul3A_1584, %add3A_1655 : i32
        %add3A_1657 = arith.constant 0 : i32
        %add3A_1658 = arith.addi %add3A_1656, %add3A_1657 : i32
        %add3A_1659 = vector.broadcast %add3A_1658 : i32 to vector<16xi32>
        %add3A_1660 = arith.addi %iota3A, %add3A_1659 : vector<16xi32>
        %gather3A_1661 = tpu.vector_load_idx %arg8[%add3A_1660] : memref<2064xf32, #tpu.memory_space<vmem>>[vector<16xi32>], vector<16xf32>,
        %add3A_1662 = arith.constant 9.99999974E-6 : f32
        %add3A_1663 = vector.broadcast %add3A_1662 : f32 to vector<16xf32>
        %add3A_1664 = arith.addf %gather3A_1661, %add3A_1663 : vector<16xf32>
        %broadcast_in_dim3A_1665 = arith.constant true
        %broadcast_in_dim3A_1666 = vector.broadcast %broadcast_in_dim3A_1665 : i1 to vector<16xi1>
        %masked_cumsum3A_1667 = tpu.scan <sum>, %add3A_1664 masked %broadcast_in_dim3A_1666 : vector<16xf32>, vector<16xi1> -> vector<16xf32>
        %add3A_1668 = arith.addf %masked_cumsum3A_1667, %mul3A_5 : vector<16xf32>
        %broadcast_in_dim3A_1669 = vector.shape_cast %add3A_14 : vector<16xi32> to vector<16x1xi32>
        %gather3A_1670 = vector.shape_cast %broadcast_in_dim3A_1669 : vector<16x1xi32> to vector<16xi32>
        %gather3A_1671 = tpu.dynamic_gather %add3A_1668[%gather3A_1670] in [0] : vector<16xf32>, vector<16xi32> -> vector<16xf32>
        %add3A_1672 = arith.constant 1 : i32
        %add3A_1673 = arith.addi %mul3A_1584, %add3A_1672 : i32
        %add3A_1674 = arith.constant 16 : i32
        %add3A_1675 = arith.addi %add3A_1673, %add3A_1674 : i32
        %add3A_1676 = vector.broadcast %add3A_1675 : i32 to vector<16xi32>
        %add3A_1677 = arith.addi %iota3A, %add3A_1676 : vector<16xi32>
        %gather3A_1678 = tpu.vector_load_idx %arg8[%add3A_1677] : memref<2064xf32, #tpu.memory_space<vmem>>[vector<16xi32>], vector<16xf32>,
        %add3A_1679 = arith.constant 9.99999974E-6 : f32
        %add3A_1680 = vector.broadcast %add3A_1679 : f32 to vector<16xf32>
        %add3A_1681 = arith.addf %gather3A_1678, %add3A_1680 : vector<16xf32>
        %broadcast_in_dim3A_1682 = arith.constant true
        %broadcast_in_dim3A_1683 = vector.broadcast %broadcast_in_dim3A_1682 : i1 to vector<16xi1>
        %masked_cumsum3A_1684 = tpu.scan <sum>, %add3A_1681 masked %broadcast_in_dim3A_1683 : vector<16xf32>, vector<16xi1> -> vector<16xf32>
        %add3A_1685 = arith.addf %masked_cumsum3A_1684, %gather3A_1671 : vector<16xf32>
        %broadcast_in_dim3A_1686 = vector.shape_cast %add3A_14 : vector<16xi32> to vector<16x1xi32>
        %gather3A_1687 = vector.shape_cast %broadcast_in_dim3A_1686 : vector<16x1xi32> to vector<16xi32>
        %gather3A_1688 = tpu.dynamic_gather %add3A_1685[%gather3A_1687] in [0] : vector<16xf32>, vector<16xi32> -> vector<16xf32>
        %add3A_1689 = arith.constant 1 : i32
        %add3A_1690 = arith.addi %mul3A_1584, %add3A_1689 : i32
        %add3A_1691 = arith.constant 32 : i32
        %add3A_1692 = arith.addi %add3A_1690, %add3A_1691 : i32
        %add3A_1693 = vector.broadcast %add3A_1692 : i32 to vector<16xi32>
        %add3A_1694 = arith.addi %iota3A, %add3A_1693 : vector<16xi32>
        %gather3A_1695 = tpu.vector_load_idx %arg8[%add3A_1694] : memref<2064xf32, #tpu.memory_space<vmem>>[vector<16xi32>], vector<16xf32>,
        %add3A_1696 = arith.constant 9.99999974E-6 : f32
        %add3A_1697 = vector.broadcast %add3A_1696 : f32 to vector<16xf32>
        %add3A_1698 = arith.addf %gather3A_1695, %add3A_1697 : vector<16xf32>
        %broadcast_in_dim3A_1699 = arith.constant true
        %broadcast_in_dim3A_1700 = vector.broadcast %broadcast_in_dim3A_1699 : i1 to vector<16xi1>
        %masked_cumsum3A_1701 = tpu.scan <sum>, %add3A_1698 masked %broadcast_in_dim3A_1700 : vector<16xf32>, vector<16xi1> -> vector<16xf32>
        %add3A_1702 = arith.addf %masked_cumsum3A_1701, %gather3A_1688 : vector<16xf32>
        %broadcast_in_dim3A_1703 = vector.shape_cast %add3A_14 : vector<16xi32> to vector<16x1xi32>
        %gather3A_1704 = vector.shape_cast %broadcast_in_dim3A_1703 : vector<16x1xi32> to vector<16xi32>
        %gather3A_1705 = tpu.dynamic_gather %add3A_1702[%gather3A_1704] in [0] : vector<16xf32>, vector<16xi32> -> vector<16xf32>
        %add3A_1706 = arith.constant 1 : i32
        %add3A_1707 = arith.addi %mul3A_1584, %add3A_1706 : i32
        %add3A_1708 = arith.constant 48 : i32
        %add3A_1709 = arith.addi %add3A_1707, %add3A_1708 : i32
        %add3A_1710 = vector.broadcast %add3A_1709 : i32 to vector<16xi32>
        %add3A_1711 = arith.addi %iota3A, %add3A_1710 : vector<16xi32>
        %gather3A_1712 = tpu.vector_load_idx %arg8[%add3A_1711] : memref<2064xf32, #tpu.memory_space<vmem>>[vector<16xi32>], vector<16xf32>,
        %add3A_1713 = arith.constant 9.99999974E-6 : f32
        %add3A_1714 = vector.broadcast %add3A_1713 : f32 to vector<16xf32>
        %add3A_1715 = arith.addf %gather3A_1712, %add3A_1714 : vector<16xf32>
        %jit3A_1716 = arith.constant 0.000000e+00 : f32
        %broadcast_in_dim3A_1717 = vector.broadcast %jit3A_1716 : f32 to vector<16xf32>
        %select_n3A_1718 = arith.select %lt3A_16, %add3A_1715, %broadcast_in_dim3A_1717 : vector<16xi1>, vector<16xf32>
        %broadcast_in_dim3A_1719 = arith.constant true
        %broadcast_in_dim3A_1720 = vector.broadcast %broadcast_in_dim3A_1719 : i1 to vector<16xi1>
        %masked_cumsum3A_1721 = tpu.scan <sum>, %select_n3A_1718 masked %broadcast_in_dim3A_1720 : vector<16xf32>, vector<16xi1> -> vector<16xf32>
        %add3A_1722 = arith.addf %masked_cumsum3A_1721, %gather3A_1705 : vector<16xf32>
        %broadcast_in_dim3A_1723 = vector.shape_cast %add3A_14 : vector<16xi32> to vector<16x1xi32>
        %gather3A_1724 = vector.shape_cast %broadcast_in_dim3A_1723 : vector<16x1xi32> to vector<16xi32>
        %gather3A_1725 = tpu.dynamic_gather %add3A_1722[%gather3A_1724] in [0] : vector<16xf32>, vector<16xi32> -> vector<16xf32>
        %div3A_1726 = arith.divf %add3A_8, %gather3A_1725 : vector<16xf32>
        %mul3A_1727 = arith.mulf %add3A_1668, %div3A_1726 : vector<16xf32>
        %add3A_1728 = arith.constant 1 : i32
        %add3A_1729 = vector.broadcast %add3A_1728 : i32 to vector<16xi32>
        %add3A_1730 = arith.addi %iota3A, %add3A_1729 : vector<16xi32>
        tpu.vector_store_idx %arg20[%add3A_1730], %mul3A_1727 : memref<80xf32, #tpu.memory_space<vmem>>[vector<16xi32>], vector<16xf32>,
        %mul3A_1731 = arith.constant 6.300000e+01 : f32
        %mul3A_1732 = vector.broadcast %mul3A_1731 : f32 to vector<16xf32>
        %mul3A_1733 = arith.mulf %mul3A_1727, %mul3A_1732 : vector<16xf32>
        %convert_element_type3A_1734 = arith.fptosi %mul3A_1733 : vector<16xf32> to vector<16xi32>
        %convert_element_type3A_1735 = arith.sitofp %convert_element_type3A_1734 : vector<16xi32> to vector<16xf32>
        %lt3A_1736 = arith.cmpf olt, %convert_element_type3A_1735, %mul3A_1733 : vector<16xf32>
        %jit3A_1737 = arith.constant 1 : i32
        %jit3A_1738 = arith.constant 0 : i32
        %broadcast_in_dim3A_1739 = vector.broadcast %jit3A_1737 : i32 to vector<16xi32>
        %broadcast_in_dim3A_1740 = vector.broadcast %jit3A_1738 : i32 to vector<16xi32>
        %select_n3A_1741 = arith.select %lt3A_1736, %broadcast_in_dim3A_1739, %broadcast_in_dim3A_1740 : vector<16xi1>, vector<16xi32>
        %add3A_1742 = arith.addi %convert_element_type3A_1734, %select_n3A_1741 : vector<16xi32>
        %min3A_1743 = arith.constant 63 : i32
        %min3A_1744 = vector.broadcast %min3A_1743 : i32 to vector<16xi32>
        %min3A_1745 = arith.minsi %add3A_1742, %min3A_1744 : vector<16xi32>
        %mul3A_1746 = arith.mulf %add3A_1685, %div3A_1726 : vector<16xf32>
        %add3A_1747 = arith.constant 17 : i32
        %add3A_1748 = vector.broadcast %add3A_1747 : i32 to vector<16xi32>
        %add3A_1749 = arith.addi %iota3A, %add3A_1748 : vector<16xi32>
        tpu.vector_store_idx %arg20[%add3A_1749], %mul3A_1746 : memref<80xf32, #tpu.memory_space<vmem>>[vector<16xi32>], vector<16xf32>,
        %mul3A_1750 = arith.constant 6.300000e+01 : f32
        %mul3A_1751 = vector.broadcast %mul3A_1750 : f32 to vector<16xf32>
        %mul3A_1752 = arith.mulf %mul3A_1746, %mul3A_1751 : vector<16xf32>
        %convert_element_type3A_1753 = arith.fptosi %mul3A_1752 : vector<16xf32> to vector<16xi32>
        %convert_element_type3A_1754 = arith.sitofp %convert_element_type3A_1753 : vector<16xi32> to vector<16xf32>
        %lt3A_1755 = arith.cmpf olt, %convert_element_type3A_1754, %mul3A_1752 : vector<16xf32>
        %jit3A_1756 = arith.constant 1 : i32
        %jit3A_1757 = arith.constant 0 : i32
        %broadcast_in_dim3A_1758 = vector.broadcast %jit3A_1756 : i32 to vector<16xi32>
        %broadcast_in_dim3A_1759 = vector.broadcast %jit3A_1757 : i32 to vector<16xi32>
        %select_n3A_1760 = arith.select %lt3A_1755, %broadcast_in_dim3A_1758, %broadcast_in_dim3A_1759 : vector<16xi1>, vector<16xi32>
        %add3A_1761 = arith.addi %convert_element_type3A_1753, %select_n3A_1760 : vector<16xi32>
        %min3A_1762 = arith.constant 63 : i32
        %min3A_1763 = vector.broadcast %min3A_1762 : i32 to vector<16xi32>
        %min3A_1764 = arith.minsi %add3A_1761, %min3A_1763 : vector<16xi32>
        %mul3A_1765 = arith.mulf %add3A_1702, %div3A_1726 : vector<16xf32>
        %add3A_1766 = arith.constant 33 : i32
        %add3A_1767 = vector.broadcast %add3A_1766 : i32 to vector<16xi32>
        %add3A_1768 = arith.addi %iota3A, %add3A_1767 : vector<16xi32>
        tpu.vector_store_idx %arg20[%add3A_1768], %mul3A_1765 : memref<80xf32, #tpu.memory_space<vmem>>[vector<16xi32>], vector<16xf32>,
        %mul3A_1769 = arith.constant 6.300000e+01 : f32
        %mul3A_1770 = vector.broadcast %mul3A_1769 : f32 to vector<16xf32>
        %mul3A_1771 = arith.mulf %mul3A_1765, %mul3A_1770 : vector<16xf32>
        %convert_element_type3A_1772 = arith.fptosi %mul3A_1771 : vector<16xf32> to vector<16xi32>
        %convert_element_type3A_1773 = arith.sitofp %convert_element_type3A_1772 : vector<16xi32> to vector<16xf32>
        %lt3A_1774 = arith.cmpf olt, %convert_element_type3A_1773, %mul3A_1771 : vector<16xf32>
        %jit3A_1775 = arith.constant 1 : i32
        %jit3A_1776 = arith.constant 0 : i32
        %broadcast_in_dim3A_1777 = vector.broadcast %jit3A_1775 : i32 to vector<16xi32>
        %broadcast_in_dim3A_1778 = vector.broadcast %jit3A_1776 : i32 to vector<16xi32>
        %select_n3A_1779 = arith.select %lt3A_1774, %broadcast_in_dim3A_1777, %broadcast_in_dim3A_1778 : vector<16xi1>, vector<16xi32>
        %add3A_1780 = arith.addi %convert_element_type3A_1772, %select_n3A_1779 : vector<16xi32>
        %min3A_1781 = arith.constant 63 : i32
        %min3A_1782 = vector.broadcast %min3A_1781 : i32 to vector<16xi32>
        %min3A_1783 = arith.minsi %add3A_1780, %min3A_1782 : vector<16xi32>
        %mul3A_1784 = arith.mulf %add3A_1722, %div3A_1726 : vector<16xf32>
        %add3A_1785 = arith.constant 49 : i32
        %add3A_1786 = vector.broadcast %add3A_1785 : i32 to vector<16xi32>
        %add3A_1787 = arith.addi %iota3A, %add3A_1786 : vector<16xi32>
        tpu.vector_store_idx %arg20[%add3A_1787], %mul3A_1784 : memref<80xf32, #tpu.memory_space<vmem>>[vector<16xi32>], vector<16xf32>,
        %mul3A_1788 = arith.constant 6.300000e+01 : f32
        %mul3A_1789 = vector.broadcast %mul3A_1788 : f32 to vector<16xf32>
        %mul3A_1790 = arith.mulf %mul3A_1784, %mul3A_1789 : vector<16xf32>
        %convert_element_type3A_1791 = arith.fptosi %mul3A_1790 : vector<16xf32> to vector<16xi32>
        %convert_element_type3A_1792 = arith.sitofp %convert_element_type3A_1791 : vector<16xi32> to vector<16xf32>
        %lt3A_1793 = arith.cmpf olt, %convert_element_type3A_1792, %mul3A_1790 : vector<16xf32>
        %jit3A_1794 = arith.constant 1 : i32
        %jit3A_1795 = arith.constant 0 : i32
        %broadcast_in_dim3A_1796 = vector.broadcast %jit3A_1794 : i32 to vector<16xi32>
        %broadcast_in_dim3A_1797 = vector.broadcast %jit3A_1795 : i32 to vector<16xi32>
        %select_n3A_1798 = arith.select %lt3A_1793, %broadcast_in_dim3A_1796, %broadcast_in_dim3A_1797 : vector<16xi1>, vector<16xi32>
        %add3A_1799 = arith.addi %convert_element_type3A_1791, %select_n3A_1798 : vector<16xi32>
        %min3A_1800 = arith.constant 63 : i32
        %min3A_1801 = vector.broadcast %min3A_1800 : i32 to vector<16xi32>
        %min3A_1802 = arith.minsi %add3A_1799, %min3A_1801 : vector<16xi32>
        tpu.vector_store_idx %arg22[%min3A_1745], %add3A_8 {add = true} : memref<80xf32, #tpu.memory_space<vmem>>[vector<16xi32>], vector<16xf32>,
        tpu.vector_store_idx %arg22[%min3A_1764], %add3A_8 {add = true} : memref<80xf32, #tpu.memory_space<vmem>>[vector<16xi32>], vector<16xf32>,
        tpu.vector_store_idx %arg22[%min3A_1783], %add3A_8 {add = true} : memref<80xf32, #tpu.memory_space<vmem>>[vector<16xi32>], vector<16xf32>,
        tpu.vector_store_idx %arg22[%min3A_1802], %add3A_8 masked %lt3A_16 {add = true} : memref<80xf32, #tpu.memory_space<vmem>>[vector<16xi32>], vector<16xf32>, vector<16xi1>
        %get3A_1803 = arith.constant 0 : index
        %get3A_1804 = tpu.vector_load %arg22[%get3A_1803] {strides = array<i32>} : memref<80xf32, #tpu.memory_space<vmem>>, vector<16xf32>,
        %swap3A_1805 = arith.constant 0 : index
        %swap3A_1806 = tpu.vector_load %arg22[%swap3A_1805] {strides = array<i32>} : memref<80xf32, #tpu.memory_space<vmem>>, vector<16xf32>,
        tpu.vector_store %arg22[%swap3A_1805], %mul3A_5 {strides = array<i32>} : memref<80xf32, #tpu.memory_space<vmem>>, vector<16xf32>,
        %broadcast_in_dim3A_1807 = arith.constant true
        %broadcast_in_dim3A_1808 = vector.broadcast %broadcast_in_dim3A_1807 : i1 to vector<16xi1>
        %masked_cumsum3A_1809 = tpu.scan <sum>, %get3A_1804 masked %broadcast_in_dim3A_1808 : vector<16xf32>, vector<16xi1> -> vector<16xf32>
        %add3A_1810 = arith.addf %masked_cumsum3A_1809, %add3A_8 : vector<16xf32>
        %broadcast_in_dim3A_1811 = vector.shape_cast %add3A_14 : vector<16xi32> to vector<16x1xi32>
        %gather3A_1812 = vector.shape_cast %broadcast_in_dim3A_1811 : vector<16x1xi32> to vector<16xi32>
        %gather3A_1813 = tpu.dynamic_gather %add3A_1810[%gather3A_1812] in [0] : vector<16xf32>, vector<16xi32> -> vector<16xf32>
        %convert_element_type3A_1814 = arith.fptosi %add3A_1810 : vector<16xf32> to vector<16xi32>
        %sub3A_1815 = arith.constant 1 : i32
        %sub3A_1816 = vector.broadcast %sub3A_1815 : i32 to vector<16xi32>
        %sub3A_1817 = arith.subi %convert_element_type3A_1814, %sub3A_1816 : vector<16xi32>
        %gather3A_1818 = tpu.vector_load_idx %arg20[%sub3A_1817] : memref<80xf32, #tpu.memory_space<vmem>>[vector<16xi32>], vector<16xf32>,
        %gather3A_1819 = tpu.vector_load_idx %arg20[%convert_element_type3A_1814] : memref<80xf32, #tpu.memory_space<vmem>>[vector<16xi32>], vector<16xf32>,
        %gather3A_1820 = tpu.vector_load_idx %arg21[%sub3A_1817] : memref<80xf32, #tpu.memory_space<vmem>>[vector<16xi32>], vector<16xf32>,
        %gather3A_1821 = tpu.vector_load_idx %arg21[%convert_element_type3A_1814] : memref<80xf32, #tpu.memory_space<vmem>>[vector<16xi32>], vector<16xf32>,
        %sub3A_1822 = arith.subf %gather3A_1819, %gather3A_1818 : vector<16xf32>
        %lt3A_1823 = arith.constant 9.99999974E-6 : f32
        %lt3A_1824 = vector.broadcast %lt3A_1823 : f32 to vector<16xf32>
        %lt3A_1825 = arith.cmpf olt, %sub3A_1822, %lt3A_1824 : vector<16xf32>
        %jit3A_1826 = arith.constant 1.000000e+00 : f32
        %broadcast_in_dim3A_1827 = vector.broadcast %jit3A_1826 : f32 to vector<16xf32>
        %select_n3A_1828 = arith.select %lt3A_1825, %broadcast_in_dim3A_1827, %sub3A_1822 : vector<16xi1>, vector<16xf32>
        %sub3A_1829 = arith.subf %mul3A_69, %gather3A_1818 : vector<16xf32>
        %div3A_1830 = arith.divf %sub3A_1829, %select_n3A_1828 : vector<16xf32>
        %sub3A_1831 = arith.subf %gather3A_1821, %gather3A_1820 : vector<16xf32>
        %mul3A_1832 = arith.mulf %div3A_1830, %sub3A_1831 : vector<16xf32>
        %add3A_1833 = arith.addf %gather3A_1820, %mul3A_1832 : vector<16xf32>
        %get3A_1834 = arith.constant 16 : index
        %get3A_1835 = tpu.vector_load %arg22[%get3A_1834] {strides = array<i32>} : memref<80xf32, #tpu.memory_space<vmem>>, vector<16xf32>,
        %swap3A_1836 = arith.constant 16 : index
        %swap3A_1837 = tpu.vector_load %arg22[%swap3A_1836] {strides = array<i32>} : memref<80xf32, #tpu.memory_space<vmem>>, vector<16xf32>,
        tpu.vector_store %arg22[%swap3A_1836], %mul3A_5 {strides = array<i32>} : memref<80xf32, #tpu.memory_space<vmem>>, vector<16xf32>,
        %broadcast_in_dim3A_1838 = arith.constant true
        %broadcast_in_dim3A_1839 = vector.broadcast %broadcast_in_dim3A_1838 : i1 to vector<16xi1>
        %masked_cumsum3A_1840 = tpu.scan <sum>, %get3A_1835 masked %broadcast_in_dim3A_1839 : vector<16xf32>, vector<16xi1> -> vector<16xf32>
        %add3A_1841 = arith.addf %masked_cumsum3A_1840, %gather3A_1813 : vector<16xf32>
        %broadcast_in_dim3A_1842 = vector.shape_cast %add3A_14 : vector<16xi32> to vector<16x1xi32>
        %gather3A_1843 = vector.shape_cast %broadcast_in_dim3A_1842 : vector<16x1xi32> to vector<16xi32>
        %gather3A_1844 = tpu.dynamic_gather %add3A_1841[%gather3A_1843] in [0] : vector<16xf32>, vector<16xi32> -> vector<16xf32>
        %convert_element_type3A_1845 = arith.fptosi %add3A_1841 : vector<16xf32> to vector<16xi32>
        %sub3A_1846 = arith.constant 1 : i32
        %sub3A_1847 = vector.broadcast %sub3A_1846 : i32 to vector<16xi32>
        %sub3A_1848 = arith.subi %convert_element_type3A_1845, %sub3A_1847 : vector<16xi32>
        %gather3A_1849 = tpu.vector_load_idx %arg20[%sub3A_1848] : memref<80xf32, #tpu.memory_space<vmem>>[vector<16xi32>], vector<16xf32>,
        %gather3A_1850 = tpu.vector_load_idx %arg20[%convert_element_type3A_1845] : memref<80xf32, #tpu.memory_space<vmem>>[vector<16xi32>], vector<16xf32>,
        %gather3A_1851 = tpu.vector_load_idx %arg21[%sub3A_1848] : memref<80xf32, #tpu.memory_space<vmem>>[vector<16xi32>], vector<16xf32>,
        %gather3A_1852 = tpu.vector_load_idx %arg21[%convert_element_type3A_1845] : memref<80xf32, #tpu.memory_space<vmem>>[vector<16xi32>], vector<16xf32>,
        %sub3A_1853 = arith.subf %gather3A_1850, %gather3A_1849 : vector<16xf32>
        %lt3A_1854 = arith.constant 9.99999974E-6 : f32
        %lt3A_1855 = vector.broadcast %lt3A_1854 : f32 to vector<16xf32>
        %lt3A_1856 = arith.cmpf olt, %sub3A_1853, %lt3A_1855 : vector<16xf32>
        %jit3A_1857 = arith.constant 1.000000e+00 : f32
        %broadcast_in_dim3A_1858 = vector.broadcast %jit3A_1857 : f32 to vector<16xf32>
        %select_n3A_1859 = arith.select %lt3A_1856, %broadcast_in_dim3A_1858, %sub3A_1853 : vector<16xi1>, vector<16xf32>
        %sub3A_1860 = arith.subf %mul3A_75, %gather3A_1849 : vector<16xf32>
        %div3A_1861 = arith.divf %sub3A_1860, %select_n3A_1859 : vector<16xf32>
        %sub3A_1862 = arith.subf %gather3A_1852, %gather3A_1851 : vector<16xf32>
        %mul3A_1863 = arith.mulf %div3A_1861, %sub3A_1862 : vector<16xf32>
        %add3A_1864 = arith.addf %gather3A_1851, %mul3A_1863 : vector<16xf32>
        %get3A_1865 = arith.constant 32 : index
        %get3A_1866 = tpu.vector_load %arg22[%get3A_1865] {strides = array<i32>} : memref<80xf32, #tpu.memory_space<vmem>>, vector<16xf32>,
        %swap3A_1867 = arith.constant 32 : index
        %swap3A_1868 = tpu.vector_load %arg22[%swap3A_1867] {strides = array<i32>} : memref<80xf32, #tpu.memory_space<vmem>>, vector<16xf32>,
        tpu.vector_store %arg22[%swap3A_1867], %mul3A_5 {strides = array<i32>} : memref<80xf32, #tpu.memory_space<vmem>>, vector<16xf32>,
        %broadcast_in_dim3A_1869 = arith.constant true
        %broadcast_in_dim3A_1870 = vector.broadcast %broadcast_in_dim3A_1869 : i1 to vector<16xi1>
        %masked_cumsum3A_1871 = tpu.scan <sum>, %get3A_1866 masked %broadcast_in_dim3A_1870 : vector<16xf32>, vector<16xi1> -> vector<16xf32>
        %add3A_1872 = arith.addf %masked_cumsum3A_1871, %gather3A_1844 : vector<16xf32>
        %broadcast_in_dim3A_1873 = vector.shape_cast %add3A_14 : vector<16xi32> to vector<16x1xi32>
        %gather3A_1874 = vector.shape_cast %broadcast_in_dim3A_1873 : vector<16x1xi32> to vector<16xi32>
        %gather3A_1875 = tpu.dynamic_gather %add3A_1872[%gather3A_1874] in [0] : vector<16xf32>, vector<16xi32> -> vector<16xf32>
        %convert_element_type3A_1876 = arith.fptosi %add3A_1872 : vector<16xf32> to vector<16xi32>
        %sub3A_1877 = arith.constant 1 : i32
        %sub3A_1878 = vector.broadcast %sub3A_1877 : i32 to vector<16xi32>
        %sub3A_1879 = arith.subi %convert_element_type3A_1876, %sub3A_1878 : vector<16xi32>
        %gather3A_1880 = tpu.vector_load_idx %arg20[%sub3A_1879] : memref<80xf32, #tpu.memory_space<vmem>>[vector<16xi32>], vector<16xf32>,
        %gather3A_1881 = tpu.vector_load_idx %arg20[%convert_element_type3A_1876] : memref<80xf32, #tpu.memory_space<vmem>>[vector<16xi32>], vector<16xf32>,
        %gather3A_1882 = tpu.vector_load_idx %arg21[%sub3A_1879] : memref<80xf32, #tpu.memory_space<vmem>>[vector<16xi32>], vector<16xf32>,
        %gather3A_1883 = tpu.vector_load_idx %arg21[%convert_element_type3A_1876] : memref<80xf32, #tpu.memory_space<vmem>>[vector<16xi32>], vector<16xf32>,
        %sub3A_1884 = arith.subf %gather3A_1881, %gather3A_1880 : vector<16xf32>
        %lt3A_1885 = arith.constant 9.99999974E-6 : f32
        %lt3A_1886 = vector.broadcast %lt3A_1885 : f32 to vector<16xf32>
        %lt3A_1887 = arith.cmpf olt, %sub3A_1884, %lt3A_1886 : vector<16xf32>
        %jit3A_1888 = arith.constant 1.000000e+00 : f32
        %broadcast_in_dim3A_1889 = vector.broadcast %jit3A_1888 : f32 to vector<16xf32>
        %select_n3A_1890 = arith.select %lt3A_1887, %broadcast_in_dim3A_1889, %sub3A_1884 : vector<16xi1>, vector<16xf32>
        %sub3A_1891 = arith.subf %mul3A_81, %gather3A_1880 : vector<16xf32>
        %div3A_1892 = arith.divf %sub3A_1891, %select_n3A_1890 : vector<16xf32>
        %sub3A_1893 = arith.subf %gather3A_1883, %gather3A_1882 : vector<16xf32>
        %mul3A_1894 = arith.mulf %div3A_1892, %sub3A_1893 : vector<16xf32>
        %add3A_1895 = arith.addf %gather3A_1882, %mul3A_1894 : vector<16xf32>
        %get3A_1896 = arith.constant 48 : index
        %get3A_1897 = tpu.vector_load %arg22[%get3A_1896] {strides = array<i32>} : memref<80xf32, #tpu.memory_space<vmem>>, vector<16xf32>,
        %swap3A_1898 = arith.constant 48 : index
        %swap3A_1899 = tpu.vector_load %arg22[%swap3A_1898] {strides = array<i32>} : memref<80xf32, #tpu.memory_space<vmem>>, vector<16xf32>,
        tpu.vector_store %arg22[%swap3A_1898], %mul3A_5 {strides = array<i32>} : memref<80xf32, #tpu.memory_space<vmem>>, vector<16xf32>,
        %broadcast_in_dim3A_1900 = arith.constant true
        %broadcast_in_dim3A_1901 = vector.broadcast %broadcast_in_dim3A_1900 : i1 to vector<16xi1>
        %masked_cumsum3A_1902 = tpu.scan <sum>, %get3A_1897 masked %broadcast_in_dim3A_1901 : vector<16xf32>, vector<16xi1> -> vector<16xf32>
        %add3A_1903 = arith.addf %masked_cumsum3A_1902, %gather3A_1875 : vector<16xf32>
        %broadcast_in_dim3A_1904 = vector.shape_cast %add3A_14 : vector<16xi32> to vector<16x1xi32>
        %gather3A_1905 = vector.shape_cast %broadcast_in_dim3A_1904 : vector<16x1xi32> to vector<16xi32>
        %gather3A_1906 = tpu.dynamic_gather %add3A_1903[%gather3A_1905] in [0] : vector<16xf32>, vector<16xi32> -> vector<16xf32>
        %convert_element_type3A_1907 = arith.fptosi %add3A_1903 : vector<16xf32> to vector<16xi32>
        %sub3A_1908 = arith.constant 1 : i32
        %sub3A_1909 = vector.broadcast %sub3A_1908 : i32 to vector<16xi32>
        %sub3A_1910 = arith.subi %convert_element_type3A_1907, %sub3A_1909 : vector<16xi32>
        %gather3A_1911 = tpu.vector_load_idx %arg20[%sub3A_1910] : memref<80xf32, #tpu.memory_space<vmem>>[vector<16xi32>], vector<16xf32>,
        %gather3A_1912 = tpu.vector_load_idx %arg20[%convert_element_type3A_1907] : memref<80xf32, #tpu.memory_space<vmem>>[vector<16xi32>], vector<16xf32>,
        %gather3A_1913 = tpu.vector_load_idx %arg21[%sub3A_1910] : memref<80xf32, #tpu.memory_space<vmem>>[vector<16xi32>], vector<16xf32>,
        %gather3A_1914 = tpu.vector_load_idx %arg21[%convert_element_type3A_1907] : memref<80xf32, #tpu.memory_space<vmem>>[vector<16xi32>], vector<16xf32>,
        %sub3A_1915 = arith.subf %gather3A_1912, %gather3A_1911 : vector<16xf32>
        %lt3A_1916 = arith.constant 9.99999974E-6 : f32
        %lt3A_1917 = vector.broadcast %lt3A_1916 : f32 to vector<16xf32>
        %lt3A_1918 = arith.cmpf olt, %sub3A_1915, %lt3A_1917 : vector<16xf32>
        %jit3A_1919 = arith.constant 1.000000e+00 : f32
        %broadcast_in_dim3A_1920 = vector.broadcast %jit3A_1919 : f32 to vector<16xf32>
        %select_n3A_1921 = arith.select %lt3A_1918, %broadcast_in_dim3A_1920, %sub3A_1915 : vector<16xi1>, vector<16xf32>
        %sub3A_1922 = arith.subf %mul3A_87, %gather3A_1911 : vector<16xf32>
        %div3A_1923 = arith.divf %sub3A_1922, %select_n3A_1921 : vector<16xf32>
        %sub3A_1924 = arith.subf %gather3A_1914, %gather3A_1913 : vector<16xf32>
        %mul3A_1925 = arith.mulf %div3A_1923, %sub3A_1924 : vector<16xf32>
        %add3A_1926 = arith.addf %gather3A_1913, %mul3A_1925 : vector<16xf32>
        %rev3A_1927 = arith.constant 15 : i32
        %rev3A_1928 = vector.broadcast %rev3A_1927 : i32 to vector<16xi32>
        %rev3A_1929 = tpu.iota {dimensions = array<i32: 0>} : vector<16xi32>
        %rev3A_1930 = arith.subi %rev3A_1928, %rev3A_1929 : vector<16xi32>
        %rev3A_1931 = tpu.dynamic_gather %add3A_1926[%rev3A_1930] in [0] : vector<16xf32>, vector<16xi32> -> vector<16xf32>
        %rev3A_1932 = arith.constant 15 : i32
        %rev3A_1933 = vector.broadcast %rev3A_1932 : i32 to vector<16xi32>
        %rev3A_1934 = tpu.iota {dimensions = array<i32: 0>} : vector<16xi32>
        %rev3A_1935 = arith.subi %rev3A_1933, %rev3A_1934 : vector<16xi32>
        %rev3A_1936 = tpu.dynamic_gather %add3A_1895[%rev3A_1935] in [0] : vector<16xf32>, vector<16xi32> -> vector<16xf32>
        %rev3A_1937 = arith.constant 15 : i32
        %rev3A_1938 = vector.broadcast %rev3A_1937 : i32 to vector<16xi32>
        %rev3A_1939 = tpu.iota {dimensions = array<i32: 0>} : vector<16xi32>
        %rev3A_1940 = arith.subi %rev3A_1938, %rev3A_1939 : vector<16xi32>
        %rev3A_1941 = tpu.dynamic_gather %add3A_1864[%rev3A_1940] in [0] : vector<16xf32>, vector<16xi32> -> vector<16xf32>
        %rev3A_1942 = arith.constant 15 : i32
        %rev3A_1943 = vector.broadcast %rev3A_1942 : i32 to vector<16xi32>
        %rev3A_1944 = tpu.iota {dimensions = array<i32: 0>} : vector<16xi32>
        %rev3A_1945 = arith.subi %rev3A_1943, %rev3A_1944 : vector<16xi32>
        %rev3A_1946 = tpu.dynamic_gather %add3A_1833[%rev3A_1945] in [0] : vector<16xf32>, vector<16xi32> -> vector<16xf32>
        %min3A_1947 = arith.minimumf %get3A_1590, %rev3A_1931 : vector<16xf32>
        %min3A_1948 = arith.minimumf %get3A_1607, %rev3A_1936 : vector<16xf32>
        %min3A_1949 = arith.minimumf %get3A_1624, %rev3A_1941 : vector<16xf32>
        %min3A_1950 = arith.minimumf %get3A_1641, %rev3A_1946 : vector<16xf32>
        %max3A_1951 = arith.maximumf %get3A_1590, %rev3A_1931 : vector<16xf32>
        %max3A_1952 = arith.maximumf %get3A_1607, %rev3A_1936 : vector<16xf32>
        %max3A_1953 = arith.maximumf %get3A_1624, %rev3A_1941 : vector<16xf32>
        %max3A_1954 = arith.maximumf %get3A_1641, %rev3A_1946 : vector<16xf32>
        %min3A_1955 = arith.minimumf %min3A_1947, %min3A_1949 : vector<16xf32>
        %max3A_1956 = arith.maximumf %min3A_1947, %min3A_1949 : vector<16xf32>
        %min3A_1957 = arith.minimumf %min3A_1948, %min3A_1950 : vector<16xf32>
        %max3A_1958 = arith.maximumf %min3A_1948, %min3A_1950 : vector<16xf32>
        %min3A_1959 = arith.minimumf %max3A_1951, %max3A_1953 : vector<16xf32>
        %max3A_1960 = arith.maximumf %max3A_1951, %max3A_1953 : vector<16xf32>
        %min3A_1961 = arith.minimumf %max3A_1952, %max3A_1954 : vector<16xf32>
        %max3A_1962 = arith.maximumf %max3A_1952, %max3A_1954 : vector<16xf32>
        %min3A_1963 = arith.minimumf %min3A_1955, %min3A_1957 : vector<16xf32>
        %max3A_1964 = arith.maximumf %min3A_1955, %min3A_1957 : vector<16xf32>
        %min3A_1965 = arith.minimumf %max3A_1956, %max3A_1958 : vector<16xf32>
        %max3A_1966 = arith.maximumf %max3A_1956, %max3A_1958 : vector<16xf32>
        %min3A_1967 = arith.minimumf %min3A_1959, %min3A_1961 : vector<16xf32>
        %max3A_1968 = arith.maximumf %min3A_1959, %min3A_1961 : vector<16xf32>
        %min3A_1969 = arith.minimumf %max3A_1960, %max3A_1962 : vector<16xf32>
        %max3A_1970 = arith.maximumf %max3A_1960, %max3A_1962 : vector<16xf32>
        %sort3A_1971 = arith.constant dense<true> : vector<16xi1>
        %sort3A_1972, %sort3A_1973, %sort3A_1974 = tpu.sort %min3A_1963, %min3A_1963 masked %sort3A_1971 : (vector<16xf32>, vector<16xf32>, vector<16xi1>) -> (vector<16xi1>, vector<16xf32>, vector<16xf32>)
        %add3A_1975 = arith.constant 0 : i32
        %add3A_1976 = arith.addi %mul3A_1586, %add3A_1975 : i32
        %swap3A_1977 = arith.index_cast %add3A_1976 : i32 to index
        %swap3A_1978 = tpu.vector_load %arg10[%swap3A_1977] {strides = array<i32>} : memref<4096xf32, #tpu.memory_space<vmem>>, vector<16xf32>,
        tpu.vector_store %arg10[%swap3A_1977], %sort3A_1973 {strides = array<i32>} : memref<4096xf32, #tpu.memory_space<vmem>>, vector<16xf32>,
        %sort3A_1979 = arith.constant dense<true> : vector<16xi1>
        %sort3A_1980, %sort3A_1981, %sort3A_1982 = tpu.sort %max3A_1964, %max3A_1964 masked %sort3A_1979 : (vector<16xf32>, vector<16xf32>, vector<16xi1>) -> (vector<16xi1>, vector<16xf32>, vector<16xf32>)
        %add3A_1983 = arith.constant 16 : i32
        %add3A_1984 = arith.addi %mul3A_1586, %add3A_1983 : i32
        %swap3A_1985 = arith.index_cast %add3A_1984 : i32 to index
        %swap3A_1986 = tpu.vector_load %arg10[%swap3A_1985] {strides = array<i32>} : memref<4096xf32, #tpu.memory_space<vmem>>, vector<16xf32>,
        tpu.vector_store %arg10[%swap3A_1985], %sort3A_1981 {strides = array<i32>} : memref<4096xf32, #tpu.memory_space<vmem>>, vector<16xf32>,
        %sort3A_1987 = arith.constant dense<true> : vector<16xi1>
        %sort3A_1988, %sort3A_1989, %sort3A_1990 = tpu.sort %min3A_1965, %min3A_1965 masked %sort3A_1987 : (vector<16xf32>, vector<16xf32>, vector<16xi1>) -> (vector<16xi1>, vector<16xf32>, vector<16xf32>)
        %add3A_1991 = arith.constant 32 : i32
        %add3A_1992 = arith.addi %mul3A_1586, %add3A_1991 : i32
        %swap3A_1993 = arith.index_cast %add3A_1992 : i32 to index
        %swap3A_1994 = tpu.vector_load %arg10[%swap3A_1993] {strides = array<i32>} : memref<4096xf32, #tpu.memory_space<vmem>>, vector<16xf32>,
        tpu.vector_store %arg10[%swap3A_1993], %sort3A_1989 {strides = array<i32>} : memref<4096xf32, #tpu.memory_space<vmem>>, vector<16xf32>,
        %sort3A_1995 = arith.constant dense<true> : vector<16xi1>
        %sort3A_1996, %sort3A_1997, %sort3A_1998 = tpu.sort %max3A_1966, %max3A_1966 masked %sort3A_1995 : (vector<16xf32>, vector<16xf32>, vector<16xi1>) -> (vector<16xi1>, vector<16xf32>, vector<16xf32>)
        %add3A_1999 = arith.constant 48 : i32
        %add3A_2000 = arith.addi %mul3A_1586, %add3A_1999 : i32
        %swap3A_2001 = arith.index_cast %add3A_2000 : i32 to index
        %swap3A_2002 = tpu.vector_load %arg10[%swap3A_2001] {strides = array<i32>} : memref<4096xf32, #tpu.memory_space<vmem>>, vector<16xf32>,
        tpu.vector_store %arg10[%swap3A_2001], %sort3A_1997 {strides = array<i32>} : memref<4096xf32, #tpu.memory_space<vmem>>, vector<16xf32>,
        %sort3A_2003 = arith.constant dense<true> : vector<16xi1>
        %sort3A_2004, %sort3A_2005, %sort3A_2006 = tpu.sort %min3A_1967, %min3A_1967 masked %sort3A_2003 : (vector<16xf32>, vector<16xf32>, vector<16xi1>) -> (vector<16xi1>, vector<16xf32>, vector<16xf32>)
        %add3A_2007 = arith.constant 64 : i32
        %add3A_2008 = arith.addi %mul3A_1586, %add3A_2007 : i32
        %swap3A_2009 = arith.index_cast %add3A_2008 : i32 to index
        %swap3A_2010 = tpu.vector_load %arg10[%swap3A_2009] {strides = array<i32>} : memref<4096xf32, #tpu.memory_space<vmem>>, vector<16xf32>,
        tpu.vector_store %arg10[%swap3A_2009], %sort3A_2005 {strides = array<i32>} : memref<4096xf32, #tpu.memory_space<vmem>>, vector<16xf32>,
        %sort3A_2011 = arith.constant dense<true> : vector<16xi1>
        %sort3A_2012, %sort3A_2013, %sort3A_2014 = tpu.sort %max3A_1968, %max3A_1968 masked %sort3A_2011 : (vector<16xf32>, vector<16xf32>, vector<16xi1>) -> (vector<16xi1>, vector<16xf32>, vector<16xf32>)
        %add3A_2015 = arith.constant 80 : i32
        %add3A_2016 = arith.addi %mul3A_1586, %add3A_2015 : i32
        %swap3A_2017 = arith.index_cast %add3A_2016 : i32 to index
        %swap3A_2018 = tpu.vector_load %arg10[%swap3A_2017] {strides = array<i32>} : memref<4096xf32, #tpu.memory_space<vmem>>, vector<16xf32>,
        tpu.vector_store %arg10[%swap3A_2017], %sort3A_2013 {strides = array<i32>} : memref<4096xf32, #tpu.memory_space<vmem>>, vector<16xf32>,
        %sort3A_2019 = arith.constant dense<true> : vector<16xi1>
        %sort3A_2020, %sort3A_2021, %sort3A_2022 = tpu.sort %min3A_1969, %min3A_1969 masked %sort3A_2019 : (vector<16xf32>, vector<16xf32>, vector<16xi1>) -> (vector<16xi1>, vector<16xf32>, vector<16xf32>)
        %add3A_2023 = arith.constant 96 : i32
        %add3A_2024 = arith.addi %mul3A_1586, %add3A_2023 : i32
        %swap3A_2025 = arith.index_cast %add3A_2024 : i32 to index
        %swap3A_2026 = tpu.vector_load %arg10[%swap3A_2025] {strides = array<i32>} : memref<4096xf32, #tpu.memory_space<vmem>>, vector<16xf32>,
        tpu.vector_store %arg10[%swap3A_2025], %sort3A_2021 {strides = array<i32>} : memref<4096xf32, #tpu.memory_space<vmem>>, vector<16xf32>,
        %sort3A_2027 = arith.constant dense<true> : vector<16xi1>
        %sort3A_2028, %sort3A_2029, %sort3A_2030 = tpu.sort %max3A_1970, %max3A_1970 masked %sort3A_2027 : (vector<16xf32>, vector<16xf32>, vector<16xi1>) -> (vector<16xi1>, vector<16xf32>, vector<16xf32>)
        %add3A_2031 = arith.constant 112 : i32
        %add3A_2032 = arith.addi %mul3A_1586, %add3A_2031 : i32
        %swap3A_2033 = arith.index_cast %add3A_2032 : i32 to index
        %swap3A_2034 = tpu.vector_load %arg10[%swap3A_2033] {strides = array<i32>} : memref<4096xf32, #tpu.memory_space<vmem>>, vector<16xf32>,
        tpu.vector_store %arg10[%swap3A_2033], %sort3A_2029 {strides = array<i32>} : memref<4096xf32, #tpu.memory_space<vmem>>, vector<16xf32>,
        %scan3A_2035 = arith.constant 0 : i32
        scf.yield %scan3A_2035 : i32
      }
      %scan3A_208 = arith.constant 8 : i32
      %mul3A_209 = arith.constant 2 : i32
      %mul3A_210 = arith.muli %mul3A_209, %scan3A_116 : i32
      %add3A_211 = arith.constant 1 : i32
      %add3A_212 = arith.addi %mul3A_210, %add3A_211 : i32
      %mul3A_213 = arith.constant 32 : i32
      %mul3A_214 = arith.muli %add3A_212, %mul3A_213 : i32
      %add3A_215 = arith.addi %mul3A_2, %mul3A_214 : i32
      %mul3A_216 = arith.constant 128 : i32
      %mul3A_217 = arith.muli %add3A_215, %mul3A_216 : i32
      %dma_start3A_218 = tpu.memref_slice %arg4[%mul3A_217] : memref<8388608xf32, #tpu.memory_space<hbm>> -> memref<4096xf32, #tpu.memory_space<hbm>>
      %dma_start3A_219 = tpu.memref_slice %arg4[%mul3A_217] : memref<8388608xf32, #tpu.memory_space<hbm>> -> memref<4096xf32, #tpu.memory_space<hbm>>
      tpu.enqueue_dma source(%arg10 : memref<4096xf32, #tpu.memory_space<vmem>>) target(%dma_start3A_219 : memref<4096xf32, #tpu.memory_space<hbm>>) target_semaphore(%arg28 : memref<!tpu.dma_semaphore, #tpu.memory_space<semaphore_mem>>)
      %scan3A_220 = arith.constant 0 : i32
      scf.yield %scan3A_220 : i32
    }
    %scan3A_108 = arith.constant 32 : i32
    %dma_wait3A = arith.constant 0 : i32
    %dma_wait3A_109 = tpu.memref_slice %arg4[%dma_wait3A] : memref<8388608xf32, #tpu.memory_space<hbm>> -> memref<4096xf32, #tpu.memory_space<hbm>>
    %dma_wait3A_110 = arith.constant 0 : i32
    %dma_wait3A_111 = tpu.memref_slice %arg4[%dma_wait3A_110] : memref<8388608xf32, #tpu.memory_space<hbm>> -> memref<4096xf32, #tpu.memory_space<hbm>>
    tpu.wait_dma2 semaphore(%arg27 : memref<!tpu.dma_semaphore, #tpu.memory_space<semaphore_mem>>) src(%arg9 : memref<4096xf32, #tpu.memory_space<vmem>>) dst(%dma_wait3A_111 : memref<4096xf32, #tpu.memory_space<hbm>>)
    %dma_wait3A_112 = arith.constant 0 : i32
    %dma_wait3A_113 = tpu.memref_slice %arg4[%dma_wait3A_112] : memref<8388608xf32, #tpu.memory_space<hbm>> -> memref<4096xf32, #tpu.memory_space<hbm>>
    %dma_wait3A_114 = arith.constant 0 : i32
    %dma_wait3A_115 = tpu.memref_slice %arg4[%dma_wait3A_114] : memref<8388608xf32, #tpu.memory_space<hbm>> -> memref<4096xf32, #tpu.memory_space<hbm>>
    tpu.wait_dma2 semaphore(%arg28 : memref<!tpu.dma_semaphore, #tpu.memory_space<semaphore_mem>>) src(%arg10 : memref<4096xf32, #tpu.memory_space<vmem>>) dst(%dma_wait3A_115 : memref<4096xf32, #tpu.memory_space<hbm>>)
    return
  }
}

</mosaic_0001>

<sc_bundles>
// kernel: kernel.3.cloned.1.call-start
scs
__scs_entry_jumppad:
0x0: {  	(pc) =	sbr.rel $0x88, $3  }
0x1: {  	(tag) =	ssettag $0x0;
	lr =	simm.s32 $0x1  }
0x2: {  	[smem:$0x3F9C] =	sst lr;
	_ =	strace $0xD0000000  }
0x3: {  	_ = 	snop  }
0x4: {  	_ = 	snop  }
0x5: {  	_ = 	snop  }
0x6: {  	_ = 	snop  }
0x7: {  	_ = 	snop  }
__scs_overlays_trampoline_lowered:
0x8: {  	[smem:$0x3FAB] =	sst s0  }
0x9: {  	[smem:$0x3FAC] =	sst s1  }
0xa: {  	[smem:$0x3FAD] =	sst s2  }
0xb: {  	[smem:$0x3FAE] =	sst s3  }
0xc: {  	[smem:$0x3FAF] =	sst s4  }
0xd: {  	[smem:$0x3FB0] =	sst s5  }
0xe: {  	[smem:$0x3FB1] =	sst s6  }
0xf: {  	[smem:$0x3FB2] =	sst s7  }
0x10: {  	[smem:$0x3FB3] =	sst s8  }
0x11: {  	[smem:$0x3FB4] =	sst s9;
	s0 =	simm.s32 @!p0 $0x0  }
0x12: {  	s1 =	sld [smem:$0x3F9A];
	s0 =	simm.s32 @p0 $0x1  }
0x13: {  	[smem:$0x3FB5] =	sst s0;
	s0 =	simm.s32 @!p1 $0x0  }
0x14: {  	s2 =	sld [smem:$0x3F99];
	s0 =	simm.s32 @p1 $0x1  }
0x15: {  	[smem:$0x3FB6] =	sst s0;
	s0 =	simm.s32 @!p2 $0x0  }
0x16: {  	s3 =	sld [smem:$0x3FDB];
	s0 =	simm.s32 @p2 $0x1  }
0x17: {  	s4 =	simm.s32 $0x1BF5;
	[smem:$0x3FB8] =	sst s0  }
0x18: {  	s0 =	sld [smem:$0x3F9B];
	_ =	swait.ge [sflag:s4], $0x0  }
0x19: {  	s7 =	sld [smem:$0x3F9C]  }
0x1a: {  	s8 =	sadd.s32 $0xFFFFE003, lr  }
0x1b: {  	s9 =	sadd.s32 $0xFFFFFEF7, lr;
	s5 =	simm.s32 $0xFFFFFFFF;
	p2 =	slt.u32 s8, $0xFFFFF086  }
0x1c: {  	p1 =	slt.u32 s9, $0xF7A;
	s5 =	simm.s32 @!p2 $0x0  }
0x1d: {  	s5 =	simm.s32 @p1 $0x1;
	p0 =	seq.s32 s7, s2  }
0x1e: {  	s7 =	smul.u32 @!p0 $0xF7A, s2;
	p2 =	seq.s32 @!p0 s5, $0x0  }
0x1f: {  	s9 =	smul.u32 $0xF7A, s1;
	s8 =	simm.s32 @!p0 $0x1BF5;
	p2 =	por !p2, p0  }
0x20: {  	[sflag:s8] =	ssyncset.s32 @!p0 $0xFFFFF086;
	s6 =	sadd.s32 @!p0 s3, s7;
	s7 =	simm.s32 @!p0 $0x108  }
0x21: {  	s3 =	sadd.s32 s3, s9;
	s6 =	sadd.s32 @!p0 $0x88, s6;
	s7 =	simm.s32 @p2 $0x1082  }
0x22: {  	[simem:s7], [sflag:s8] =	dma.local @!p0 [hbm:s6], $0xF7A  }
0x23: {  	s9 =	sor.u32 $0xD0000000, s2;
	s6 =	simm.s32 $0x108;
	_ =	swait.ge @!p0 [sflag:s8], $0x0  }
0x24: {  	s3 =	sadd.s32 $0x88, s3;
	s6 =	simm.s32 @!p1 $0x1082;
	[sflag:s4] =	ssyncset.s32 $0xFFFFF086  }
0x25: {  	[simem:s6], [sflag:s4] =	dma.local [hbm:s3], $0xF7A  }
0x26: {  	[smem:$0x3F9C] =	sst s1;
	(tag) =	ssettag s2;
	_ =	strace s9  }
0x27: {  	s1 =	sld [smem:$0x3FAC]  }
0x28: {  	s2 =	sld [smem:$0x3FAD]  }
0x29: {  	s4 =	sld [smem:$0x3FAF]  }
0x2a: {  	p0 =	seq.s32 s5, $0x0;
	s5 =	sld [smem:$0x3FB0]  }
0x2b: {  	s6 =	sld [smem:$0x3FB1]  }
0x2c: {  	s7 =	sld [smem:$0x3FB2]  }
0x2d: {  	s3 =	simm.s32 $0x108;
	s8 =	sld [smem:$0x3FB3]  }
0x2e: {  	s3 =	simm.s32 @!p0 $0x1082;
	s9 =	sld [smem:$0x3FB4]  }
0x2f: {  	lr =	sadd.s32 s0, s3;
	s0 =	sld [smem:$0x3FAB]  }
0x30: {  	s3 =	sld [smem:$0x3FAE]  }
0x31: {  	[smem:$0x3FB7] =	sst s10  }
0x32: {  	s10 =	sld [smem:$0x3FB5];
	_ =	sdelay $0x3  }
0x33: {  	p0 =	seq.s32 s10, $0x1;
	s10 =	sld [smem:$0x3FB7];
	_ =	sdelay $0x3  }
0x34: {  	[smem:$0x3FB7] =	sst s10  }
0x35: {  	s10 =	sld [smem:$0x3FB6];
	_ =	sdelay $0x3  }
0x36: {  	p1 =	seq.s32 s10, $0x1;
	s10 =	sld [smem:$0x3FB7];
	_ =	sdelay $0x3  }
0x37: {  	[smem:$0x3FB7] =	sst s10  }
0x38: {  	s10 =	sld [smem:$0x3FB8]  }
0x39: {  	_ = 	snop;
	(pc) =	sbr.ind lr, $3  }
0x3a: {  	_ = 	snop  }
0x3b: {  	_ = 	snop  }
0x3c: {  	p2 =	seq.s32 s10, $0x1;
	s10 =	sld [smem:$0x3FB7]  }
0x3d: {  	_ =	shalt  }
0x3e: {  	_ =	shalt  }
0x3f: {  	_ =	shalt  }
0x40: {  	_ =	shalt  }
0x41: {  	_ =	shalt  }
0x42: {  	_ =	shalt  }
0x43: {  	_ =	shalt  }
0x44: {  	_ =	shalt  }
0x45: {  	_ =	shalt  }
0x46: {  	_ =	shalt  }
0x47: {  	_ =	shalt  }
0x48: {  	_ =	shalt  }
0x49: {  	_ =	shalt  }
0x4a: {  	_ =	shalt  }
0x4b: {  	_ =	shalt  }
0x4c: {  	_ =	shalt  }
0x4d: {  	_ =	shalt  }
0x4e: {  	_ =	shalt  }
0x4f: {  	_ =	shalt  }
0x50: {  	_ =	shalt  }
0x51: {  	_ =	shalt  }
0x52: {  	_ =	shalt  }
0x53: {  	_ =	shalt  }
0x54: {  	_ =	shalt  }
0x55: {  	_ =	shalt  }
0x56: {  	_ =	shalt  }
0x57: {  	_ =	shalt  }
0x58: {  	_ =	shalt  }
0x59: {  	_ =	shalt  }
0x5a: {  	_ =	shalt  }
0x5b: {  	_ =	shalt  }
0x5c: {  	_ =	shalt  }
0x5d: {  	_ =	shalt  }
0x5e: {  	_ =	shalt  }
0x5f: {  	_ =	shalt  }
0x60: {  	_ =	shalt  }
0x61: {  	_ =	shalt  }
0x62: {  	_ =	shalt  }
0x63: {  	_ =	shalt  }
0x64: {  	_ =	shalt  }
0x65: {  	_ =	shalt  }
0x66: {  	_ =	shalt  }
0x67: {  	_ =	shalt  }
0x68: {  	_ =	shalt  }
0x69: {  	_ =	shalt  }
0x6a: {  	_ =	shalt  }
0x6b: {  	_ =	shalt  }
0x6c: {  	_ =	shalt  }
0x6d: {  	_ =	shalt  }
0x6e: {  	_ =	shalt  }
0x6f: {  	_ =	shalt  }
0x70: {  	_ =	shalt  }
0x71: {  	_ =	shalt  }
0x72: {  	_ =	shalt  }
0x73: {  	_ =	shalt  }
0x74: {  	_ =	shalt  }
0x75: {  	_ =	shalt  }
0x76: {  	_ =	shalt  }
0x77: {  	_ =	shalt  }
0x78: {  	_ =	shalt  }
0x79: {  	_ =	shalt  }
0x7a: {  	_ =	shalt  }
0x7b: {  	_ =	shalt  }
0x7c: {  	_ =	shalt  }
0x7d: {  	_ =	shalt  }
0x7e: {  	_ =	shalt  }
0x7f: {  	_ =	shalt  }
0x80: {  	_ =	shalt  }
0x81: {  	_ =	shalt  }
0x82: {  	_ =	shalt  }
0x83: {  	_ =	shalt  }
0x84: {  	_ =	shalt  }
0x85: {  	_ =	shalt  }
0x86: {  	_ =	shalt  }
0x87: {  	_ =	shalt  }
.Lfunc_end0:
.L_simem_size_0:
called_computation_lowered:
.L_overlay_start_0:
0x88: {  	s2 =	sld [smem:$0x3FD9]  }
0x89: {  	s3 =	sld [smem:$0x3FFE];
	_ =	sdelay $0x1  }
0x8a: {  	s1 =	srdreg.scid  }
0x8b: {  	s0 =	sand.u32 $0x1, s1  }
0x8c: {  	s14 =	sshll.u32 s0, $0xA;
	s2 =	sadd.s32 s3, s2  }
0x8d: {  	s2 =	sadd.s32 s2, s14  }
0x8e: {  	[smem:$0x3FC3] =	sst s2  }
0x8f: {  	_ = 	snop  }
0x90: {  	s2 =	sld [smem:$0x3FD0];
	_ =	sdelay $0x2  }
0x91: {  	s15 =	simm.s32 $0xA;
	s4 =	simm.s32 $0x10  }
0x92: {  	[smem:s4], [sflag:s15] =	dma.local [hbm:s2], $0x1  }
0x93: {  	_ =	swait.eq [sflag:s15], $0x1  }
0x94: {  	[sflag:s15] =	ssyncset.done $0x0  }
0x95: {  	[sflag:s15] =	ssyncadd.s32 $0xFFFFFFFF  }
0x96: {  	s16 =	sld [smem:$0x12];
	(tm) =	ssettm $0x1  }
0x97: {  	s17 =	sld [smem:$0x3FFB];
	_ =	sdelay $0x3  }
0x98: {  	_ =	strace s17  }
0x99: {  	s3 =	sld [smem:$0x3FFC];
	_ =	sdelay $0x3  }
0x9a: {  	_ =	strace s3  }
0x9b: {  	s3 =	sld [smem:$0x3FFD];
	_ =	sdelay $0x3  }
0x9c: {  	_ =	strace s3  }
0x9d: {  	_ =	strace $0x8FFFFFFF  }
0x9e: {  	s18 =	sld [smem:$0x3FDB];
	_ =	sdelay $0x1  }
0x9f: {  	s19 =	simm.s32 $_scs_section_size  }
0xa0: {  	s5 =	simm.s32 $_size__tile_overlayer_lowered;
	s6 =	simm.s32 $_tile_overlayer_lowered  }
0xa1: {  	s22 =	simm.s32 $0x1BFF;
	s21 =	sshll.u32 s6, $0x1;
	s3 =	sadd.s32 s19, s18  }
0xa2: {  	s7 =	simm.s32 $0x0;
	s20 =	sshll.u32 s5, $0x1;
	s5 =	sadd.s32 s21, s3  }
0xa3: {  	[timem:s7], [sflag:s22] =	dma.local [hbm:s5], s20  }
0xa4: {  	_ =	swait.ge [sflag:s22], s20  }
0xa5: {  	s4 =	ssub.s32 $0x0, s20;
	[sflag:s22] =	ssyncset.done $0x0  }
0xa6: {  	[sflag:s22] =	ssyncadd.s32 s4;
	_ =	sdelay $0x1  }
0xa7: {  	s23 =	simm.s32 $0x1B8B  }
0xa8: {  	_ =	swait.ge [sflag:s23], $0x1  }
0xa9: {  	[sflag:s23] =	ssyncset.done $0x0  }
0xaa: {  	s25 =	simm.s32 $0x1B8E;
	s24 =	sld [smem:$0x3FFE];
	[sflag:s23] =	ssyncadd.s32 $0xFFFFFFFF  }
0xab: {  	s26 =	simm.s32 $execute0_lowered;
	[smem:$0x3FD2] =	sst s25  }
0xac: {  	s5 =	sshll.u32 s26, $0x1;
	_ =	strace $0x80000046;
	[dreg:$0x1] =	wrdreg $0xFFFFFFFF  }
0xad: {  	s28 =	simm.s32 $_size_execute0_lowered;
	s3 =	sadd.s32 s3, s5;
	[dreg:$0x0] =	wrdreg $0x0  }
0xae: {  	s5 =	sshll.u32 s28, $0x1;
	[dreg:$0x2] =	wrdreg s3  }
0xaf: {  	[dreg:$0x3] =	wrdreg s5  }
0xb0: {  	[dreg:$0x4] =	wrdreg $0xC0  }
0xb1: {  	_ =	task [dreg:s7], $0x5FFFF  }
0xb2: {  	[dreg:$0x1] =	wrdreg $0xFFFFFFFF  }
0xb3: {  	[dreg:$0x0] =	wrdreg $0x60  }
0xb4: {  	[dreg:$0x2] =	wrdreg s24  }
0xb5: {  	[dreg:$0x3] =	wrdreg s16  }
0xb6: {  	[dreg:$0x4] =	wrdreg $0x9  }
0xb7: {  	_ =	task.clear_ibuf [dreg:s7], $0x5FFFF;
	_ =	strace $0x90000046  }
0xb8: {  	s29 =	simm.s32 $0x9;
	_ =	strace $0x80000048  }
0xb9: {  	_ =	swait.ge [sflag:s29], $0x1  }
0xba: {  	[sflag:s29] =	ssyncadd.s32 $0xFFFFFFFF  }
0xbb: {  	_ =	strace $0x90000048  }
0xbc: {  	_ =	sfence  }
0xbd: {  	s30 =	sld [smem:$0x0];
	_ =	sdelay $0x2  }
0xbe: {  	s31 =	sshll.u32 s1, $0xD;
	s1 =	sshrl.u32 s1, $0x2  }
0xbf: {  	s3 =	sand.u32 $0x4000, s31;
	s1 =	sadd.s32 s1, s30  }
0xc0: {  	s0 =	sor.u32 s3, s0;
	s1 =	sshll.u32 s1, $0x11  }
0xc1: {  	s0 =	sor.u32 s1, s0  }
0xc2: {  	s0 =	sadd.s32 $0x8F2B, s0  }
0xc3: {  	[sflag:s0] =	ssyncadd.remote.s32 $0x1  }
0xc4: {  	_ =	sfence.sel $0xFFFF  }
0xc5: {  	[dreg:$0x0] =	wrdreg $0xFFFFFFFF;
	(pc) =	sbr.abs _section_cstart, $3  }
0xc6: {  	[dreg:$0x1] =	wrdreg $0xFFFFFFFF  }
0xc7: {  	_ =	task.clear_ibuf [dreg:s7], $0x2FFFF;
	_ =	strace $0x9FFFFFFF  }
0xc8: {  	(tm) =	ssettm $0x7FFFFFFF  }
0xc9: {  	_ =	shalt  }
tec
execute0_lowered:
.L_overlay_start_1:
0x0: {  	(tag) =	ssettag $0x1  }
0x1: {  	v0 =	vimm.f32 $2.380952540e-01  }
0x2: {  	vm14 =	vcmask $0x300;
	vm13 =	vcmask $0x704;
	vm11 =	vcmask $0xB08  }
0x3: {  	vm12 =	vcmask $0xF0C;
	vm9 =	vcmask $0x1310;
	vm10 =	vcmask $0x1714  }
0x4: {  	vm8 =	vcmask $0x1B18;
	vm4 =	vcmask $0x1F1C;
	v0 =	vsel vm14, $0x0, v0  }
0x5: {  	vm0 =	vcmask $0x2320;
	vm5 =	vcmask $0x2724;
	v0 =	vsel vm13, $0x3C820821, v0  }
0x6: {  	vm7 =	vcmask $0x2B28;
	v3 =	vimm.f32 $4.920635220e-01;
	v0 =	vsel vm11, $0x3D020821, v0  }
0x7: {  	vm2 =	vcmask $0x2F2C;
	s6 =	simm.s32 $0x810;
	vm1 =	vcmask $0x3330;
	s7 =	simm.s32 $0x1020;
	v0 =	vsel vm12, $0x3D430C32, v0  }
0x8: {  	s8 =	simm.s32 $0x1830;
	s9 =	simm.s32 $0x4040;
	v5 =	vimm.f32 $7.460317610e-01;
	v0 =	vsel vm9, $0x3D820821, v0  }
0x9: {  	vm3 =	vcmask $0x3734;
	s10 =	simm.s32 $0x40E0;
	vm6 =	vcmask $0x3B38;
	s19 =	simm.s32 $0x4090;
	v0 =	vsel vm10, $0x3DA28A29, v0  }
0xa: {  	s20 =	simm.s32 $0x4130;
	s21 =	simm.s32 $0x41D0;
	v5 =	vsel vm14, $0x3F020821, v5;
	v0 =	vsel vm8, $0x3DC30C32, v0  }
0xb: {  	s22 =	simm.s32 $0x4180;
	s23 =	simm.s32 $0x4220;
	v5 =	vsel vm13, $0x3F061862, v5;
	v1 =	vsel vm4, $0x3DE38E3A, v0  }
0xc: {  	v3 =	vsel vm14, $0x3E820821, v3;
	v5 =	vsel vm11, $0x3F0A28A3, v5;
	v2 =	vsel vm0, $0x3E020821, v1  }
0xd: {  	v3 =	vsel vm13, $0x3E8A28A3, v3;
	v5 =	vsel vm12, $0x3F0E38E4, v5;
	v2 =	vsel vm5, $0x3E124925, v2  }
0xe: {  	v3 =	vsel vm11, $0x3E924925, v3;
	v5 =	vsel vm9, $0x3F124925, v5;
	v2 =	vsel vm7, $0x3E228A29, v2  }
0xf: {  	v3 =	vsel vm12, $0x3E9A69A7, v3;
	v5 =	vsel vm10, $0x3F165966, v5;
	v4 =	vsel vm2, $0x3E32CB2D, v2  }
0x10: {  	v6 =	vsel vm9, $0x3EA28A29, v3;
	v5 =	vsel vm8, $0x3F1A69A7, v5;
	v4 =	vsel vm1, $0x3E430C32, v4  }
0x11: {  	s24 =	simm.s32 $0x42C0;
	s25 =	simm.s32 $0x4270;
	v5 =	vsel vm4, $0x3F1E79E8, v5;
	v2 =	vimm.f32 $1.000000000e+00;
	v4 =	vsel vm3, $0x3E534D36, v4  }
0x12: {  	s0 =	rddreg [dreg:$0x0];
	v3 =	vsel vm6, $0x3E638E3A, v4;
	v4 =	vsel vm10, $0x3EAAAAAB, v6;
	v6 =	vsel vm14, $0x3F430C32, v2  }
0x13: {  	s2 =	simm.s32 $0x0;
	s28 =	simm.s32 $0x43B0;
	s29 =	simm.s32 $0x4360;
	v5 =	vsel vm0, $0x3F228A29, v5;
	v6 =	vsel vm13, $0x3F471C73, v6  }
0x14: {  	[smem:$0x7FF] =	sst s2;
	s4 =	sadd.s32 $0x81A00, s0;
	v0 =	vimm.f32 $0.0e+00;
	v5 =	vsel vm5, $0x3F269A6A, v5;
	v6 =	vsel vm11, $0x3F4B2CB4, v6  }
0x15: {  	s13 =	rddreg [dreg:$0x1];
	s5 =	sadd.s32 $0x1A00, s0;
	v1 =	vimm.s32 $0xF;
	v5 =	vsel vm7, $0x3F2AAAAB, v5;
	v6 =	vsel vm12, $0x3F4F3CF5, v6  }
0x16: {  	s1 =	srdreg.scid;
	s3 =	stileid.u32;
	v7 =	vsel vm2, $0x3F2EBAEC, v5;
	v4 =	vsel vm8, $0x3EB2CB2D, v4;
	v6 =	vsel vm9, $0x3F534D36, v6  }
0x17: {  	s1 =	sand.u32 $0x1, s1;
	s3 =	sshll.u32 s3, $0x1;
	_ =	strace $0x80000047;
	v5 =	vlaneseq.u32;
	v4 =	vsel vm4, $0x3EBAEBAF, v4;
	v6 =	vsel vm10, $0x3F575D77, v6  }
0x18: {  	s3 =	sor.u32 s1, s3;
	v11 =	vsel vm1, $0x3F32CB2D, v7;
	v4 =	vsel vm0, $0x3EC30C32, v4;
	v6 =	vsel vm8, $0x3F5B6DB8, v6  }
0x19: {  	s26 =	sshll.u32 s3, $0xB;
	v8 =	vadd.s32 $0x11, v5;
	v4 =	vsel vm5, $0x3ECB2CB4, v4;
	v6 =	vsel vm4, $0x3F5F7DF9, v6  }
0x1a: {  	s17 =	simm.s32 $0x1;
	s11 =	sshll.u32 s3, $0xE;
	s3 =	sshll.u32 s3, $0xF;
	v13 =	vmul.u32 $0xFFFFFFFF, v5;
	v4 =	vsel vm7, $0x3ED34D36, v4;
	v6 =	vsel vm0, $0x3F638E3A, v6  }
0x1b: {  	s18 =	simm.s32 $0x2;
	s31 =	simm.s32 $0x3;
	s1 =	ssub.s32 $0x2, s1;
	v11 =	vsel vm3, $0x3F36DB6E, v11;
	v4 =	vsel vm2, $0x3EDB6DB8, v4;
	v7 =	vsel vm5, $0x3F679E7B, v6  }
0x1c: {  	s0 =	simm.s32 $0x4;
	s12 =	sshrl.u32 s1, $0x1;
	s30 =	sadd.s32 s4, s11;
	v11 =	vsel vm6, $0x3F3AEBAF, v11;
	v4 =	vsel vm1, $0x3EE38E3A, v4;
	v9 =	vsel vm7, $0x3F6BAEBC, v7  }
0x1d: {  	s1 =	ssub.s32 s1, s12;
	s11 =	sadd.s32 s5, s11;
	[dreg:$0x3] =	wrdreg s30;
	v13 =	vadd.s32 $0xF, v13;
	v4 =	vsel vm3, $0x3EEBAEBC, v4;
	v10 =	vsel vm2, $0x3F6FBEFD, v9  }
0x1e: {  	s3 =	sadd.s32 s13, s3;
	s14 =	sor.u32 $0x40, s26;
	[dreg:$0x4] =	wrdreg s11;
	vm0 =	vmmov $0x3fff;
	v4 =	vsel vm6, $0x3EF3CF3E, v4;
	v12 =	vsel vm1, $0x3F73CF3E, v10  }
0x1f: {  	s16 =	sor.u32 $0x20, s26;
	[dreg:$0x5] =	wrdreg s3;
	s1 =	smax.u32 s1, $0x1;
	v6 =	vadd.s32 $0x1, v5;
	v7 =	vimm.s32 $0x0;
	v12 =	vsel vm3, $0x3F77DF7F, v12  }
0x20: {  	s26 =	simm.s32 $0x4310;
	s11 =	simm.s32 $0x0;
	[dreg:$0x6] =	wrdreg s1;
	v9 =	vadd.s32 $0x21, v5;
	v10 =	vadd.s32 $0x31, v5;
	v12 =	vsel vm6, $0x3F7BEFC0, v12  }
.LBB2_1:
0x21: {  	[tilespmem:$0x4040] =	vst v0  }
0x22: {  	[tilespmem:$0x40E0] =	vst v0  }
0x23: {  	[tilespmem:$0x40F0] =	vst v0  }
0x24: {  	[tilespmem:$0x4100] =	vst v0  }
0x25: {  	[tilespmem:$0x4110] =	vst v0  }
0x26: {  	[tilespmem:$0x4130] =	vst v0  }
0x27: {  	[tilespmem:$0x41D0] =	vst v0  }
0x28: {  	[tilespmem:$0x41E0] =	vst v0  }
0x29: {  	[tilespmem:$0x41F0] =	vst v0  }
0x2a: {  	[tilespmem:$0x4200] =	vst v0  }
0x2b: {  	[tilespmem:$0x4220] =	vst v0  }
0x2c: {  	[tilespmem:$0x42C0] =	vst v0  }
0x2d: {  	[tilespmem:$0x42D0] =	vst v0  }
0x2e: {  	[tilespmem:$0x42E0] =	vst v0  }
0x2f: {  	[tilespmem:$0x42F0] =	vst v0  }
0x30: {  	[tilespmem:$0x4310] =	vst v0  }
0x31: {  	[tilespmem:$0x43B0] =	vst v0  }
0x32: {  	[tilespmem:$0x43C0] =	vst v0  }
0x33: {  	[tilespmem:$0x43D0] =	vst v0  }
0x34: {  	[tilespmem:$0x43E0] =	vst v0  }
0x35: {  	[tilespmem:$0x800] =	vst v0  }
0x36: {  	[tilespmem:$0x1820] =	vst v0  }
0x37: {  	[dreg:$0x7] =	wrdreg s11;
	[tilespmem:$0x1010] =	vst v0  }
0x38: {  	[tilespmem:$0x2030] =	vst v0;
	s1 =	rddreg [dreg:$0x3]  }
0x39: {  	[tilespmem:s2], [sflag:$0x1] =	stream.linear.gather [hbm4b:s1+s2], $0x800, $0x38;
	[tilespmem:$0x4400] =	vst v63  }
0x3a: {  	s30 =	rddreg [dreg:$0x4];
	s12 =	simm.s32 $0x0  }
0x3b: {  	[tilespmem:s6], [sflag:$0x2] =	stream.linear.gather [hbm4b:s30+s2], $0x800, $0x38;
	[tilespmem:$0x4400] =	vst v63  }
.LBB2_2:
0x3c: {  	s15 =	sshll.u32 s12, $0x6  }
0x3d: {  	s11 =	sor.u32 s16, s15  }
0x3e: {  	s1 =	sshll.u32 s11, $0x3  }
0x3f: {  	s1 =	sand.u32 $0x1FFFFF00, s1  }
0x40: {  	s3 =	sadd.s32 s4, s1  }
0x41: {  	[tilespmem:s7], [sflag:$0x3] =	stream.linear.gather [hbm4b:s3+s2], $0x800, $0x38;
	[tilespmem:$0x4400] =	vst v63  }
0x42: {  	s1 =	sadd.s32 s5, s1  }
0x43: {  	[tilespmem:s8], [sflag:$0x4] =	stream.linear.gather [hbm4b:s1+s2], $0x800, $0x38;
	[tilespmem:$0x4400] =	vst v63  }
0x44: {  	_ =	swait.ge [sflag:s17], $0x800  }
0x45: {  	[sflag:s17] =	ssyncset.done $0x0  }
0x46: {  	[sflag:s17] =	ssyncadd.s32 $0xFFFFF800  }
0x47: {  	_ =	swait.ge [sflag:s18], $0x800  }
0x48: {  	p0 =	seq.s32 s12, $0x0;
	[sflag:s18] =	ssyncset.done $0x0  }
0x49: {  	s1 =	simm.s32 @!p0 $0x5;
	[sflag:s18] =	ssyncadd.s32 $0xFFFFF800  }
0x4a: {  	_ =	swait.ge @!p0 [sflag:s1], $0x1000  }
0x4b: {  	s30 =	simm.s32 $0x80;
	[sflag:s1] =	ssyncset.done @!p0 $0x0  }
0x4c: {  	s3 =	simm.s32 $0x2140;
	[sflag:s1] =	ssyncadd.s32 @!p0 $0xFFFFF000;
	s1 =	simm.s32 $0xF1  }
.LBB2_3:
0x4d: {  	s13 =	sadd.s32 $0xFFFFFF10, s1  }
0x4e: {  	v18 =	vadd.s32 s13, v5;
	_ =	sdelay $0x3  }
0x4f: {  	v14 =	vld [tilespmem:s30+$0xFFFFFF80]  }
0x50: {  	v15 =	vld.idx.msk [tilespmem:v18+s2+$0x0], $0xffff;
	_ =	sdelay $0x4  }
0x51: {  	s13 =	sadd.s32 $0xFFFFFF20, s1;
	v15 =	vadd.f32 v15, v14  }
0x52: {  	v19 =	vadd.s32 s13, v5  }
0x53: {  	v15 =	vmul.f32 $5.000000000e-01, v15;
	_ =	sdelay $0x1  }
0x54: {  	[tilespmem:$0x4090] =	vst v15  }
0x55: {  	v15 =	vld [tilespmem:s30+$0xFFFFFF90]  }
0x56: {  	v16 =	vld.idx.msk [tilespmem:v19+s2+$0x0], $0xffff;
	_ =	sdelay $0x4  }
0x57: {  	s13 =	sadd.s32 $0xFFFFFF30, s1;
	v16 =	vadd.f32 v16, v15  }
0x58: {  	v20 =	vadd.s32 s13, v5  }
0x59: {  	v16 =	vmul.f32 $5.000000000e-01, v16;
	_ =	sdelay $0x1  }
0x5a: {  	[tilespmem:$0x40A0] =	vst v16  }
0x5b: {  	v16 =	vld [tilespmem:s30+$0xFFFFFFA0]  }
0x5c: {  	v17 =	vld.idx.msk [tilespmem:v20+s2+$0x0], $0xffff;
	_ =	sdelay $0x4  }
0x5d: {  	s13 =	sadd.s32 $0xFFFFFF40, s1;
	v17 =	vadd.f32 v17, v16  }
0x5e: {  	v21 =	vadd.s32 s13, v5  }
0x5f: {  	v17 =	vmul.f32 $5.000000000e-01, v17;
	_ =	sdelay $0x1  }
0x60: {  	[tilespmem:$0x40B0] =	vst v17  }
0x61: {  	v17 =	vld [tilespmem:s30+$0xFFFFFFB0]  }
0x62: {  	v22 =	vld.idx.msk [tilespmem:v21+s2+$0x0], $0xffff;
	_ =	sdelay $0x4  }
0x63: {  	v22 =	vadd.f32 v22, v17;
	_ =	sdelay $0x1  }
0x64: {  	v22 =	vmul.f32 $5.000000000e-01, v22;
	_ =	sdelay $0x1  }
0x65: {  	[tilespmem:$0x40C0] =	vst v22  }
0x66: {  	v18 =	vld.idx.msk [tilespmem:v18+s6+$0x0], $0xffff;
	_ =	sdelay $0x3  }
0x67: {  	v19 =	vld.idx.msk [tilespmem:v19+s6+$0x0], $0xffff  }
0x68: {  	v18 =	vadd.f32 $9.999999740e-06, v18;
	_ =	sdelay $0x1  }
0x69: {  	(xrf2) =	vadd.scan.msk.f32 $0xffff, v18  }
0x6a: {  	v50 =	vld.idx.msk [tilespmem:v20+s6+$0x0], $0xffff  }
0x6b: {  	v19 =	vadd.f32 $9.999999740e-06, v19;
	_ =	sdelay $0x1  }
0x6c: {  	v51 =	vld.idx.msk [tilespmem:v21+s6+$0x0], $0xffff;
	(xrf2) =	vadd.scan.msk.f32 $0xffff, v19;
	_ =	sdelay $0x1  }
0x6d: {  	v18 =	vadd.f32 $9.999999740e-06, v50;
	_ =	sdelay $0x1  }
0x6e: {  	(xrf2) =	vadd.scan.msk.f32 $0xffff, v18  }
0x6f: {  	v52 =	vadd.f32 $9.999999740e-06, v51  }
0x70: {  	v53, _, _ =	vpop (xrf2)  }
0x71: {  	v18 =	vnsel vm0, $0x0, v52;
	v19 =	vadd.f32 $0.0e+00, v53  }
0x72: {  	(xrf2) =	vadd.scan.msk.f32 $0xffff, v18  }
0x73: {  	v54 =	vperm.xlane v19, v1  }
0x74: {  	v55, _, _ =	vpop (xrf2)  }
0x75: {  	v18 =	vadd.f32 v55, v54;
	_ =	sdelay $0x1  }
0x76: {  	v20 =	vperm.xlane v18, v1  }
0x77: {  	v56, _, _ =	vpop (xrf2)  }
0x78: {  	v20 =	vadd.f32 v56, v20;
	_ =	sdelay $0x1  }
0x79: {  	v21 =	vperm.xlane v20, v1  }
0x7a: {  	v57, _, _ =	vpop (xrf2)  }
0x7b: {  	v21 =	vadd.f32 v57, v21;
	_ =	sdelay $0x1  }
0x7c: {  	v22 =	vperm.xlane v21, v1;
	_ =	sdelay $0x1  }
0x7d: {  	(erf) = vrcp.f32 v22;
	_ =	sdelay $0x8  }
0x7e: {  	v22 =	vpop (erf)  }
0x7f: {  	v19 =	vmul.f32 v22, v19  }
0x80: {  	v18 =	vmul.f32 v22, v18;
	v20 =	vmul.f32 v22, v20  }
0x81: {  	v21 =	vmul.f32 v21, v22;
	v23 =	vmul.f32 $6.300000000e+01, v19  }
0x82: {  	v58 =	vmul.f32 $6.300000000e+01, v18;
	v61 =	vmul.f32 $6.300000000e+01, v20  }
0x83: {  	v26 =	vmul.f32 $6.300000000e+01, v21;
	v24 =	vtrunc.f32 v23  }
0x84: {  	v59 =	vtrunc.f32 v58;
	v25 =	vcvt.f32.s32 v24;
	vm1 =	vgt.f32 v23, v24  }
0x85: {  	v62 =	vtrunc.f32 v61;
	v63 =	vtrunc.f32 v26;
	v24 =	vsel vm1, $0x1, v7  }
0x86: {  	v60 =	vcvt.f32.s32 v59;
	vm1 =	vgt.f32 v58, v59;
	v24 =	vadd.s32 v25, v24  }
0x87: {  	v27 =	vcvt.f32.s32 v62;
	v25 =	vsel vm1, $0x1, v7;
	vm1 =	vlt.s32 v24, $0x3F  }
0x88: {  	v28 =	vcvt.f32.s32 v63;
	v24 =	vnsel vm1, $0x3F, v24;
	vm1 =	vgt.f32 v61, v62  }
0x89: {  	v22 =	vadd.s32 v60, v25;
	v25 =	vsel vm1, $0x1, v7;
	vm1 =	vgt.f32 v26, v63  }
0x8a: {  	v23 =	vsel vm1, $0x1, v7;
	vm1 =	vlt.s32 v22, $0x3F;
	v25 =	vadd.s32 v27, v25  }
0x8b: {  	[tilespmem:v6+s9+$0x0] =	vst.idx.msk $0xffff, v19;
	v27 =	vnsel vm1, $0x3F, v22;
	vm1 =	vlt.s32 v25, $0x3F;
	v28 =	vadd.s32 v28, v23  }
0x8c: {  	[tilespmem:v8+s9+$0x0] =	vst.idx.msk $0xffff, v18;
	v29 =	vnsel vm1, $0x3F, v25;
	vm1 =	vlt.s32 v28, $0x3F  }
0x8d: {  	[tilespmem:v9+s9+$0x0] =	vst.idx.msk $0xffff, v20;
	v30 =	vnsel vm1, $0x3F, v28  }
0x8e: {  	[tilespmem:v10+s9+$0x0] =	vst.idx.msk $0xffff, v21  }
0x8f: {  	[tilespmem:v24+s10+$0x0] =	vst.idx.add.f32.msk $0xffff, v2  }
0x90: {  	[tilespmem:v27+s10+$0x0] =	vst.idx.add.f32.msk $0xffff, v2  }
0x91: {  	[tilespmem:v29+s10+$0x0] =	vst.idx.add.f32.msk $0xffff, v2  }
0x92: {  	[tilespmem:v30+s10+$0x0] =	vst.idx.add.f32.msk $0x3fff, v2  }
0x93: {  	v18 =	vld [tilespmem:$0x40E0];
	_ =	sdelay $0x1  }
0x94: {  	v31 =	vld [tilespmem:$0x40F0];
	_ =	sdelay $0x2  }
0x95: {  	(xrf2) =	vadd.scan.msk.f32 $0xffff, v18;
	_ =	sdelay $0x1  }
0x96: {  	(xrf2) =	vadd.scan.msk.f32 $0xffff, v31  }
0x97: {  	v32 =	vld [tilespmem:$0x4100];
	_ =	sdelay $0x3  }
0x98: {  	v34 =	vld [tilespmem:$0x4110]  }
0x99: {  	(xrf2) =	vadd.scan.msk.f32 $0xffff, v32;
	_ =	sdelay $0x1  }
0x9a: {  	v33, _, _ =	vpop (xrf2)  }
0x9b: {  	v19 =	vadd.f32 $1.000000000e+00, v33  }
0x9c: {  	v36, _, _ =	vpop (xrf2);
	(xrf2) =	vadd.scan.msk.f32 $0xffff, v34  }
0x9d: {  	v35 =	vtrunc.f32 v19;
	v19 =	vperm.xlane v19, v1  }
0x9e: {  	v20 =	vcvt.f32.s32 v35  }
0x9f: {  	v19 =	vadd.f32 v36, v19;
	_ =	sdelay $0x1  }
0xa0: {  	v37 =	vadd.s32 $0xFFFFFFFF, v20;
	v21 =	vtrunc.f32 v19;
	v19 =	vperm.xlane v19, v1  }
0xa1: {  	v38, _, _ =	vpop (xrf2);
	v21 =	vcvt.f32.s32 v21  }
0xa2: {  	[tilespmem:$0x40E0] =	vst v0;
	v19 =	vadd.f32 v38, v19  }
0xa3: {  	v41 =	vld.idx.msk [tilespmem:v20+s9+$0x0], $0xffff  }
0xa4: {  	v40 =	vadd.s32 $0xFFFFFFFF, v21;
	v20 =	vld.idx.msk [tilespmem:v20+s19+$0x0], $0xffff;
	v42 =	vtrunc.f32 v19;
	v19 =	vperm.xlane v19, v1  }
0xa5: {  	v39 =	vld.idx.msk [tilespmem:v37+s9+$0x0], $0xffff;
	v43, _, _ =	vpop (xrf2);
	v25 =	vcvt.f32.s32 v42  }
0xa6: {  	v18 =	vld.idx.msk [tilespmem:v37+s19+$0x0], $0xffff;
	[tilespmem:$0x40F0] =	vst v0;
	v19 =	vadd.f32 v43, v19  }
0xa7: {  	v46 =	vld.idx.msk [tilespmem:v21+s9+$0x0], $0xffff  }
0xa8: {  	v45 =	vadd.s32 $0xFFFFFFFF, v25;
	v21 =	vld.idx.msk [tilespmem:v21+s19+$0x0], $0xffff;
	v19 =	vtrunc.f32 v19  }
0xa9: {  	v44 =	vld.idx.msk [tilespmem:v40+s9+$0x0], $0xffff;
	v19 =	vcvt.f32.s32 v19  }
0xaa: {  	v24 =	vld.idx.msk [tilespmem:v40+s19+$0x0], $0xffff;
	[tilespmem:$0x4100] =	vst v0  }
0xab: {  	v30 =	vadd.s32 $0xFFFFFFFF, v19;
	v31 =	vld.idx.msk [tilespmem:v25+s9+$0x0], $0xffff  }
0xac: {  	v25 =	vld.idx.msk [tilespmem:v25+s19+$0x0], $0xffff  }
0xad: {  	v29 =	vld.idx.msk [tilespmem:v45+s9+$0x0], $0xffff  }
0xae: {  	v28 =	vld.idx.msk [tilespmem:v45+s19+$0x0], $0xffff;
	[tilespmem:$0x4110] =	vst v0  }
0xaf: {  	v33 =	vld.idx.msk [tilespmem:v19+s9+$0x0], $0xffff  }
0xb0: {  	v32 =	vld.idx.msk [tilespmem:v30+s9+$0x0], $0xffff;
	_ =	sdelay $0x1  }
0xb1: {  	v22 =	vsub.f32 v41, v39  }
0xb2: {  	v26 =	vsub.f32 v46, v44  }
0xb3: {  	vm1 =	vlt.f32 v22, $9.999999740e-06;
	v31 =	vsub.f32 v31, v29  }
0xb4: {  	v22 =	vsel vm1, $0x3F800000, v22;
	vm1 =	vlt.f32 v26, $9.999999740e-06;
	v33 =	vsub.f32 v33, v32  }
0xb5: {  	(erf) = vrcp.f32 v22;
	v47 =	vsel vm1, $0x3F800000, v26;
	vm1 =	vlt.f32 v31, $9.999999740e-06  }
0xb6: {  	(erf) = vrcp.f32 v47;
	v48 =	vsel vm1, $0x3F800000, v31;
	vm1 =	vlt.f32 v33, $9.999999740e-06  }
0xb7: {  	(erf) = vrcp.f32 v48;
	v49 =	vsel vm1, $0x3F800000, v33  }
0xb8: {  	(erf) = vrcp.f32 v49;
	_ =	sdelay $0x3  }
0xb9: {  	v19 =	vld.idx.msk [tilespmem:v19+s19+$0x0], $0xffff  }
0xba: {  	v50 =	vld.idx.msk [tilespmem:v30+s19+$0x0], $0xffff  }
0xbb: {  	v23 =	vsub.f32 v3, v39;
	v20 =	vsub.f32 v20, v18;
	v51 =	vpop (erf)  }
0xbc: {  	v27 =	vsub.f32 v4, v44;
	v21 =	vsub.f32 v21, v24;
	v52 =	vpop (erf)  }
0xbd: {  	v29 =	vsub.f32 v11, v29;
	v32 =	vsub.f32 v12, v32;
	v53 =	vpop (erf)  }
0xbe: {  	v25 =	vsub.f32 v25, v28;
	v23 =	vmul.f32 v51, v23;
	v27 =	vmul.f32 v52, v27;
	v54 =	vpop (erf)  }
0xbf: {  	v19 =	vsub.f32 v19, v50;
	v29 =	vmul.f32 v53, v29;
	v55 =	vmul.f32 v54, v32  }
0xc0: {  	v20 =	vmul.f32 v23, v20;
	v21 =	vmul.f32 v27, v21  }
0xc1: {  	v25 =	vmul.f32 v29, v25;
	v19 =	vmul.f32 v55, v19  }
0xc2: {  	v18 =	vadd.f32 v20, v18;
	v21 =	vadd.f32 v21, v24  }
0xc3: {  	v56 =	vadd.f32 v25, v28;
	v19 =	vadd.f32 v19, v50  }
0xc4: {  	v18 =	vperm.xlane v18, v13;
	v21 =	vperm.xlane v21, v13  }
0xc5: {  	v57 =	vperm.xlane v56, v13;
	v19 =	vperm.xlane v19, v13  }
0xc6: {  	v61 =	vmin.f32 v17, v18;
	v17 =	vmax.f32 v17, v18;
	v60 =	vmin.f32 v16, v21  }
0xc7: {  	v16 =	vmax.f32 v16, v21;
	v59 =	vmin.f32 v15, v57;
	v58 =	vmin.f32 v14, v19  }
0xc8: {  	v15 =	vmax.f32 v15, v57;
	v63 =	vmin.f32 v59, v61;
	v62 =	vmin.f32 v58, v60  }
0xc9: {  	v28 =	vmax.f32 v59, v61;
	v14 =	vmax.f32 v14, v19;
	v27 =	vmin.f32 v62, v63  }
0xca: {  	v26 =	vmax.f32 v58, v60;
	v19 =	vmax.f32 v62, v63;
	(xrf1) =	vsort.ascd.msk.f32 $0xffff, v27, v27  }
0xcb: {  	v31 =	vmin.f32 v15, v17;
	v30 =	vmin.f32 v26, v28;
	(xrf1) =	vsort.ascd.msk.f32 $0xffff, v19, v19  }
0xcc: {  	v29 =	vmin.f32 v14, v16;
	v18 =	vmax.f32 v26, v28;
	(xrf1) =	vsort.ascd.msk.f32 $0xffff, v30, v30  }
0xcd: {  	v15 =	vmax.f32 v15, v17;
	v32 =	vmin.f32 v29, v31;
	(xrf1) =	vsort.ascd.msk.f32 $0xffff, v18, v18  }
0xce: {  	v14 =	vmax.f32 v14, v16;
	v33 =	vmax.f32 v29, v31;
	(xrf1) =	vsort.ascd.msk.f32 $0xffff, v32, v32  }
0xcf: {  	v34 =	vmin.f32 v14, v15;
	(xrf1) =	vsort.ascd.msk.f32 $0xffff, v33, v33  }
0xd0: {  	v14 =	vmax.f32 v14, v15;
	(xrf1) =	vsort.ascd.msk.f32 $0xffff, v34, v34  }
0xd1: {  	(xrf1) =	vsort.ascd.msk.f32 $0xffff, v14, v14;
	_ =	sdelay $0x6  }
0xd2: {  	v14, _, _ =	vpop (xrf1)  }
0xd3: {  	[tilespmem:s3+$0xFFFFFF00] =	vst v14;
	v14, _, _ =	vpop (xrf1)  }
0xd4: {  	[tilespmem:s3+$0xFFFFFF10] =	vst v14;
	v14, _, _ =	vpop (xrf1)  }
0xd5: {  	[tilespmem:s3+$0xFFFFFF20] =	vst v14;
	v14, _, _ =	vpop (xrf1)  }
0xd6: {  	s13 =	sadd.s32 $0xFFFFFF50, s1;
	[tilespmem:s3+$0xFFFFFF30] =	vst v14;
	v14, _, _ =	vpop (xrf1)  }
0xd7: {  	v35 =	vadd.s32 s13, v5;
	[tilespmem:s3+$0xFFFFFF40] =	vst v14;
	v14, _, _ =	vpop (xrf1)  }
0xd8: {  	[tilespmem:s3+$0xFFFFFF50] =	vst v14;
	v14, _, _ =	vpop (xrf1)  }
0xd9: {  	[tilespmem:s3+$0xFFFFFF60] =	vst v14;
	v14, _, _ =	vpop (xrf1)  }
0xda: {  	[tilespmem:s3+$0xFFFFFF70] =	vst v14  }
0xdb: {  	v14 =	vld [tilespmem:s30+$0xFFFFFFC0]  }
0xdc: {  	v15 =	vld.idx.msk [tilespmem:v35+s2+$0x0], $0xffff;
	_ =	sdelay $0x4  }
0xdd: {  	s13 =	sadd.s32 $0xFFFFFF60, s1;
	v15 =	vadd.f32 v15, v14  }
0xde: {  	v36 =	vadd.s32 s13, v5  }
0xdf: {  	v15 =	vmul.f32 $5.000000000e-01, v15;
	_ =	sdelay $0x1  }
0xe0: {  	[tilespmem:$0x4180] =	vst v15  }
0xe1: {  	v15 =	vld [tilespmem:s30+$0xFFFFFFD0]  }
0xe2: {  	v37 =	vld.idx.msk [tilespmem:v36+s2+$0x0], $0xffff;
	_ =	sdelay $0x4  }
0xe3: {  	s13 =	sadd.s32 $0xFFFFFF70, s1;
	v16 =	vadd.f32 v37, v15  }
0xe4: {  	v38 =	vadd.s32 s13, v5  }
0xe5: {  	v16 =	vmul.f32 $5.000000000e-01, v16;
	_ =	sdelay $0x1  }
0xe6: {  	[tilespmem:$0x4190] =	vst v16  }
0xe7: {  	v16 =	vld [tilespmem:s30+$0xFFFFFFE0]  }
0xe8: {  	v39 =	vld.idx.msk [tilespmem:v38+s2+$0x0], $0xffff;
	_ =	sdelay $0x4  }
0xe9: {  	s13 =	sadd.s32 $0xFFFFFF80, s1;
	v17 =	vadd.f32 v39, v16  }
0xea: {  	v40 =	vadd.s32 s13, v5  }
0xeb: {  	v17 =	vmul.f32 $5.000000000e-01, v17;
	_ =	sdelay $0x1  }
0xec: {  	[tilespmem:$0x41A0] =	vst v17  }
0xed: {  	v17 =	vld [tilespmem:s30+$0xFFFFFFF0]  }
0xee: {  	v41 =	vld.idx.msk [tilespmem:v40+s2+$0x0], $0xffff;
	_ =	sdelay $0x4  }
0xef: {  	v22 =	vadd.f32 v41, v17;
	_ =	sdelay $0x1  }
0xf0: {  	v22 =	vmul.f32 $5.000000000e-01, v22;
	_ =	sdelay $0x1  }
0xf1: {  	[tilespmem:$0x41B0] =	vst v22  }
0xf2: {  	v18 =	vld.idx.msk [tilespmem:v35+s6+$0x0], $0xffff;
	_ =	sdelay $0x3  }
0xf3: {  	v19 =	vld.idx.msk [tilespmem:v36+s6+$0x0], $0xffff  }
0xf4: {  	v18 =	vadd.f32 $9.999999740e-06, v18;
	_ =	sdelay $0x1  }
0xf5: {  	(xrf2) =	vadd.scan.msk.f32 $0xffff, v18  }
0xf6: {  	v42 =	vld.idx.msk [tilespmem:v38+s6+$0x0], $0xffff  }
0xf7: {  	v19 =	vadd.f32 $9.999999740e-06, v19;
	_ =	sdelay $0x1  }
0xf8: {  	v43 =	vld.idx.msk [tilespmem:v40+s6+$0x0], $0xffff;
	(xrf2) =	vadd.scan.msk.f32 $0xffff, v19;
	_ =	sdelay $0x1  }
0xf9: {  	v18 =	vadd.f32 $9.999999740e-06, v42;
	_ =	sdelay $0x1  }
0xfa: {  	(xrf2) =	vadd.scan.msk.f32 $0xffff, v18  }
0xfb: {  	v44 =	vadd.f32 $9.999999740e-06, v43  }
0xfc: {  	v45, _, _ =	vpop (xrf2)  }
0xfd: {  	v18 =	vnsel vm0, $0x0, v44;
	v19 =	vadd.f32 $0.0e+00, v45  }
0xfe: {  	(xrf2) =	vadd.scan.msk.f32 $0xffff, v18  }
0xff: {  	v46 =	vperm.xlane v19, v1  }
0x100: {  	v47, _, _ =	vpop (xrf2)  }
0x101: {  	v18 =	vadd.f32 v47, v46;
	_ =	sdelay $0x1  }
0x102: {  	v20 =	vperm.xlane v18, v1  }
0x103: {  	v48, _, _ =	vpop (xrf2)  }
0x104: {  	v20 =	vadd.f32 v48, v20;
	_ =	sdelay $0x1  }
0x105: {  	v21 =	vperm.xlane v20, v1  }
0x106: {  	v49, _, _ =	vpop (xrf2)  }
0x107: {  	v21 =	vadd.f32 v49, v21;
	_ =	sdelay $0x1  }
0x108: {  	v22 =	vperm.xlane v21, v1;
	_ =	sdelay $0x1  }
0x109: {  	(erf) = vrcp.f32 v22;
	_ =	sdelay $0x8  }
0x10a: {  	v22 =	vpop (erf)  }
0x10b: {  	v19 =	vmul.f32 v22, v19  }
0x10c: {  	v18 =	vmul.f32 v22, v18;
	v20 =	vmul.f32 v22, v20  }
0x10d: {  	v21 =	vmul.f32 v21, v22;
	v50 =	vmul.f32 $6.300000000e+01, v19  }
0x10e: {  	v53 =	vmul.f32 $6.300000000e+01, v18;
	v56 =	vmul.f32 $6.300000000e+01, v20  }
0x10f: {  	v57 =	vmul.f32 $6.300000000e+01, v21;
	v51 =	vtrunc.f32 v50  }
0x110: {  	v54 =	vtrunc.f32 v53;
	v52 =	vcvt.f32.s32 v51;
	vm1 =	vgt.f32 v50, v51  }
0x111: {  	v58 =	vtrunc.f32 v56;
	v60 =	vtrunc.f32 v57;
	v24 =	vsel vm1, $0x1, v7  }
0x112: {  	v55 =	vcvt.f32.s32 v54;
	vm1 =	vgt.f32 v53, v54;
	v24 =	vadd.s32 v52, v24  }
0x113: {  	v59 =	vcvt.f32.s32 v58;
	v25 =	vsel vm1, $0x1, v7;
	vm1 =	vlt.s32 v24, $0x3F  }
0x114: {  	v61 =	vcvt.f32.s32 v60;
	v24 =	vnsel vm1, $0x3F, v24;
	vm1 =	vgt.f32 v56, v58  }
0x115: {  	v22 =	vadd.s32 v55, v25;
	v25 =	vsel vm1, $0x1, v7;
	vm1 =	vgt.f32 v57, v60  }
0x116: {  	v23 =	vsel vm1, $0x1, v7;
	vm1 =	vlt.s32 v22, $0x3F;
	v25 =	vadd.s32 v59, v25  }
0x117: {  	[tilespmem:v6+s20+$0x0] =	vst.idx.msk $0xffff, v19;
	v62 =	vnsel vm1, $0x3F, v22;
	vm1 =	vlt.s32 v25, $0x3F;
	v63 =	vadd.s32 v61, v23  }
0x118: {  	[tilespmem:v8+s20+$0x0] =	vst.idx.msk $0xffff, v18;
	v26 =	vnsel vm1, $0x3F, v25;
	vm1 =	vlt.s32 v63, $0x3F  }
0x119: {  	[tilespmem:v9+s20+$0x0] =	vst.idx.msk $0xffff, v20;
	v27 =	vnsel vm1, $0x3F, v63  }
0x11a: {  	[tilespmem:v10+s20+$0x0] =	vst.idx.msk $0xffff, v21  }
0x11b: {  	[tilespmem:v24+s21+$0x0] =	vst.idx.add.f32.msk $0xffff, v2  }
0x11c: {  	[tilespmem:v62+s21+$0x0] =	vst.idx.add.f32.msk $0xffff, v2  }
0x11d: {  	[tilespmem:v26+s21+$0x0] =	vst.idx.add.f32.msk $0xffff, v2  }
0x11e: {  	[tilespmem:v27+s21+$0x0] =	vst.idx.add.f32.msk $0x3fff, v2  }
0x11f: {  	v18 =	vld [tilespmem:$0x41D0];
	_ =	sdelay $0x1  }
0x120: {  	v28 =	vld [tilespmem:$0x41E0];
	_ =	sdelay $0x2  }
0x121: {  	(xrf2) =	vadd.scan.msk.f32 $0xffff, v18;
	_ =	sdelay $0x1  }
0x122: {  	(xrf2) =	vadd.scan.msk.f32 $0xffff, v28  }
0x123: {  	v29 =	vld [tilespmem:$0x41F0];
	_ =	sdelay $0x3  }
0x124: {  	v31 =	vld [tilespmem:$0x4200]  }
0x125: {  	(xrf2) =	vadd.scan.msk.f32 $0xffff, v29;
	_ =	sdelay $0x1  }
0x126: {  	v30, _, _ =	vpop (xrf2)  }
0x127: {  	v19 =	vadd.f32 $1.000000000e+00, v30  }
0x128: {  	v33, _, _ =	vpop (xrf2);
	(xrf2) =	vadd.scan.msk.f32 $0xffff, v31  }
0x129: {  	v32 =	vtrunc.f32 v19;
	v19 =	vperm.xlane v19, v1  }
0x12a: {  	v20 =	vcvt.f32.s32 v32  }
0x12b: {  	v19 =	vadd.f32 v33, v19;
	_ =	sdelay $0x1  }
0x12c: {  	v34 =	vadd.s32 $0xFFFFFFFF, v20;
	v21 =	vtrunc.f32 v19;
	v19 =	vperm.xlane v19, v1  }
0x12d: {  	v35, _, _ =	vpop (xrf2);
	v21 =	vcvt.f32.s32 v21  }
0x12e: {  	[tilespmem:$0x41D0] =	vst v0;
	v19 =	vadd.f32 v35, v19  }
0x12f: {  	v38 =	vld.idx.msk [tilespmem:v20+s20+$0x0], $0xffff  }
0x130: {  	v37 =	vadd.s32 $0xFFFFFFFF, v21;
	v20 =	vld.idx.msk [tilespmem:v20+s22+$0x0], $0xffff;
	v39 =	vtrunc.f32 v19;
	v19 =	vperm.xlane v19, v1  }
0x131: {  	v36 =	vld.idx.msk [tilespmem:v34+s20+$0x0], $0xffff;
	v40, _, _ =	vpop (xrf2);
	v25 =	vcvt.f32.s32 v39  }
0x132: {  	v18 =	vld.idx.msk [tilespmem:v34+s22+$0x0], $0xffff;
	[tilespmem:$0x41E0] =	vst v0;
	v19 =	vadd.f32 v40, v19  }
0x133: {  	v43 =	vld.idx.msk [tilespmem:v21+s20+$0x0], $0xffff  }
0x134: {  	v42 =	vadd.s32 $0xFFFFFFFF, v25;
	v21 =	vld.idx.msk [tilespmem:v21+s22+$0x0], $0xffff;
	v19 =	vtrunc.f32 v19  }
0x135: {  	v41 =	vld.idx.msk [tilespmem:v37+s20+$0x0], $0xffff;
	v19 =	vcvt.f32.s32 v19  }
0x136: {  	v24 =	vld.idx.msk [tilespmem:v37+s22+$0x0], $0xffff;
	[tilespmem:$0x41F0] =	vst v0  }
0x137: {  	v45 =	vadd.s32 $0xFFFFFFFF, v19;
	v46 =	vld.idx.msk [tilespmem:v25+s20+$0x0], $0xffff  }
0x138: {  	v25 =	vld.idx.msk [tilespmem:v25+s22+$0x0], $0xffff  }
0x139: {  	v44 =	vld.idx.msk [tilespmem:v42+s20+$0x0], $0xffff  }
0x13a: {  	v28 =	vld.idx.msk [tilespmem:v42+s22+$0x0], $0xffff;
	[tilespmem:$0x4200] =	vst v0  }
0x13b: {  	v48 =	vld.idx.msk [tilespmem:v19+s20+$0x0], $0xffff  }
0x13c: {  	v47 =	vld.idx.msk [tilespmem:v45+s20+$0x0], $0xffff;
	_ =	sdelay $0x1  }
0x13d: {  	v22 =	vsub.f32 v38, v36  }
0x13e: {  	v26 =	vsub.f32 v43, v41  }
0x13f: {  	vm1 =	vlt.f32 v22, $9.999999740e-06;
	v31 =	vsub.f32 v46, v44  }
0x140: {  	v22 =	vsel vm1, $0x3F800000, v22;
	vm1 =	vlt.f32 v26, $9.999999740e-06;
	v33 =	vsub.f32 v48, v47  }
0x141: {  	(erf) = vrcp.f32 v22;
	v49 =	vsel vm1, $0x3F800000, v26;
	vm1 =	vlt.f32 v31, $9.999999740e-06  }
0x142: {  	(erf) = vrcp.f32 v49;
	v50 =	vsel vm1, $0x3F800000, v31;
	vm1 =	vlt.f32 v33, $9.999999740e-06  }
0x143: {  	(erf) = vrcp.f32 v50;
	v51 =	vsel vm1, $0x3F800000, v33  }
0x144: {  	(erf) = vrcp.f32 v51;
	_ =	sdelay $0x3  }
0x145: {  	v19 =	vld.idx.msk [tilespmem:v19+s22+$0x0], $0xffff  }
0x146: {  	v52 =	vld.idx.msk [tilespmem:v45+s22+$0x0], $0xffff  }
0x147: {  	v23 =	vsub.f32 v3, v36;
	v20 =	vsub.f32 v20, v18;
	v53 =	vpop (erf)  }
0x148: {  	v27 =	vsub.f32 v4, v41;
	v21 =	vsub.f32 v21, v24;
	v54 =	vpop (erf)  }
0x149: {  	v29 =	vsub.f32 v11, v44;
	v32 =	vsub.f32 v12, v47;
	v55 =	vpop (erf)  }
0x14a: {  	v25 =	vsub.f32 v25, v28;
	v23 =	vmul.f32 v53, v23;
	v27 =	vmul.f32 v54, v27;
	v56 =	vpop (erf)  }
0x14b: {  	v19 =	vsub.f32 v19, v52;
	v29 =	vmul.f32 v55, v29;
	v57 =	vmul.f32 v56, v32  }
0x14c: {  	v20 =	vmul.f32 v23, v20;
	v21 =	vmul.f32 v27, v21  }
0x14d: {  	v25 =	vmul.f32 v29, v25;
	v19 =	vmul.f32 v57, v19  }
0x14e: {  	v18 =	vadd.f32 v20, v18;
	v21 =	vadd.f32 v21, v24  }
0x14f: {  	v58 =	vadd.f32 v25, v28;
	v19 =	vadd.f32 v19, v52  }
0x150: {  	v18 =	vperm.xlane v18, v13;
	v21 =	vperm.xlane v21, v13  }
0x151: {  	v59 =	vperm.xlane v58, v13;
	v19 =	vperm.xlane v19, v13  }
0x152: {  	v63 =	vmin.f32 v17, v18;
	v17 =	vmax.f32 v17, v18;
	v62 =	vmin.f32 v16, v21  }
0x153: {  	v16 =	vmax.f32 v16, v21;
	v61 =	vmin.f32 v15, v59;
	v60 =	vmin.f32 v14, v19  }
0x154: {  	v15 =	vmax.f32 v15, v59;
	v29 =	vmin.f32 v61, v63;
	v28 =	vmin.f32 v60, v62  }
0x155: {  	v32 =	vmax.f32 v61, v63;
	v14 =	vmax.f32 v14, v19;
	v31 =	vmin.f32 v28, v29  }
0x156: {  	v30 =	vmax.f32 v60, v62;
	v19 =	vmax.f32 v28, v29;
	(xrf1) =	vsort.ascd.msk.f32 $0xffff, v31, v31  }
0x157: {  	v35 =	vmin.f32 v15, v17;
	v34 =	vmin.f32 v30, v32;
	(xrf1) =	vsort.ascd.msk.f32 $0xffff, v19, v19  }
0x158: {  	v33 =	vmin.f32 v14, v16;
	v18 =	vmax.f32 v30, v32;
	(xrf1) =	vsort.ascd.msk.f32 $0xffff, v34, v34  }
0x159: {  	v15 =	vmax.f32 v15, v17;
	v36 =	vmin.f32 v33, v35;
	(xrf1) =	vsort.ascd.msk.f32 $0xffff, v18, v18  }
0x15a: {  	v14 =	vmax.f32 v14, v16;
	v37 =	vmax.f32 v33, v35;
	(xrf1) =	vsort.ascd.msk.f32 $0xffff, v36, v36  }
0x15b: {  	v38 =	vmin.f32 v14, v15;
	(xrf1) =	vsort.ascd.msk.f32 $0xffff, v37, v37  }
0x15c: {  	v14 =	vmax.f32 v14, v15;
	(xrf1) =	vsort.ascd.msk.f32 $0xffff, v38, v38  }
0x15d: {  	(xrf1) =	vsort.ascd.msk.f32 $0xffff, v14, v14;
	_ =	sdelay $0x6  }
0x15e: {  	v14, _, _ =	vpop (xrf1)  }
0x15f: {  	[tilespmem:s3+$0xFFFFFF80] =	vst v14;
	v14, _, _ =	vpop (xrf1)  }
0x160: {  	[tilespmem:s3+$0xFFFFFF90] =	vst v14;
	v14, _, _ =	vpop (xrf1)  }
0x161: {  	[tilespmem:s3+$0xFFFFFFA0] =	vst v14;
	v14, _, _ =	vpop (xrf1)  }
0x162: {  	s13 =	sadd.s32 $0xFFFFFF90, s1;
	[tilespmem:s3+$0xFFFFFFB0] =	vst v14;
	v14, _, _ =	vpop (xrf1)  }
0x163: {  	v39 =	vadd.s32 s13, v5;
	[tilespmem:s3+$0xFFFFFFC0] =	vst v14;
	v14, _, _ =	vpop (xrf1)  }
0x164: {  	[tilespmem:s3+$0xFFFFFFD0] =	vst v14;
	v14, _, _ =	vpop (xrf1)  }
0x165: {  	[tilespmem:s3+$0xFFFFFFE0] =	vst v14;
	v14, _, _ =	vpop (xrf1)  }
0x166: {  	[tilespmem:s3+$0xFFFFFFF0] =	vst v14  }
0x167: {  	v14 =	vld [tilespmem:s30+$0x0]  }
0x168: {  	v15 =	vld.idx.msk [tilespmem:v39+s2+$0x0], $0xffff;
	_ =	sdelay $0x4  }
0x169: {  	s13 =	sadd.s32 $0xFFFFFFA0, s1;
	v15 =	vadd.f32 v15, v14  }
0x16a: {  	v40 =	vadd.s32 s13, v5  }
0x16b: {  	v15 =	vmul.f32 $5.000000000e-01, v15;
	_ =	sdelay $0x1  }
0x16c: {  	[tilespmem:$0x4270] =	vst v15  }
0x16d: {  	v15 =	vld [tilespmem:s30+$0x10]  }
0x16e: {  	v41 =	vld.idx.msk [tilespmem:v40+s2+$0x0], $0xffff;
	_ =	sdelay $0x4  }
0x16f: {  	s13 =	sadd.s32 $0xFFFFFFB0, s1;
	v16 =	vadd.f32 v41, v15  }
0x170: {  	v42 =	vadd.s32 s13, v5  }
0x171: {  	v16 =	vmul.f32 $5.000000000e-01, v16;
	_ =	sdelay $0x1  }
0x172: {  	[tilespmem:$0x4280] =	vst v16  }
0x173: {  	v16 =	vld [tilespmem:s30+$0x20]  }
0x174: {  	v43 =	vld.idx.msk [tilespmem:v42+s2+$0x0], $0xffff;
	_ =	sdelay $0x4  }
0x175: {  	s13 =	sadd.s32 $0xFFFFFFC0, s1;
	v17 =	vadd.f32 v43, v16  }
0x176: {  	v44 =	vadd.s32 s13, v5  }
0x177: {  	v17 =	vmul.f32 $5.000000000e-01, v17;
	_ =	sdelay $0x1  }
0x178: {  	[tilespmem:$0x4290] =	vst v17  }
0x179: {  	v17 =	vld [tilespmem:s30+$0x30]  }
0x17a: {  	v45 =	vld.idx.msk [tilespmem:v44+s2+$0x0], $0xffff;
	_ =	sdelay $0x4  }
0x17b: {  	v22 =	vadd.f32 v45, v17;
	_ =	sdelay $0x1  }
0x17c: {  	v22 =	vmul.f32 $5.000000000e-01, v22;
	_ =	sdelay $0x1  }
0x17d: {  	[tilespmem:$0x42A0] =	vst v22  }
0x17e: {  	v18 =	vld.idx.msk [tilespmem:v39+s6+$0x0], $0xffff;
	_ =	sdelay $0x3  }
0x17f: {  	v19 =	vld.idx.msk [tilespmem:v40+s6+$0x0], $0xffff  }
0x180: {  	v18 =	vadd.f32 $9.999999740e-06, v18;
	_ =	sdelay $0x1  }
0x181: {  	(xrf2) =	vadd.scan.msk.f32 $0xffff, v18  }
0x182: {  	v46 =	vld.idx.msk [tilespmem:v42+s6+$0x0], $0xffff  }
0x183: {  	v19 =	vadd.f32 $9.999999740e-06, v19;
	_ =	sdelay $0x1  }
0x184: {  	v47 =	vld.idx.msk [tilespmem:v44+s6+$0x0], $0xffff;
	(xrf2) =	vadd.scan.msk.f32 $0xffff, v19;
	_ =	sdelay $0x1  }
0x185: {  	v18 =	vadd.f32 $9.999999740e-06, v46;
	_ =	sdelay $0x1  }
0x186: {  	(xrf2) =	vadd.scan.msk.f32 $0xffff, v18  }
0x187: {  	v48 =	vadd.f32 $9.999999740e-06, v47  }
0x188: {  	v49, _, _ =	vpop (xrf2)  }
0x189: {  	v18 =	vnsel vm0, $0x0, v48;
	v19 =	vadd.f32 $0.0e+00, v49  }
0x18a: {  	(xrf2) =	vadd.scan.msk.f32 $0xffff, v18  }
0x18b: {  	v50 =	vperm.xlane v19, v1  }
0x18c: {  	v51, _, _ =	vpop (xrf2)  }
0x18d: {  	v18 =	vadd.f32 v51, v50;
	_ =	sdelay $0x1  }
0x18e: {  	v20 =	vperm.xlane v18, v1  }
0x18f: {  	v52, _, _ =	vpop (xrf2)  }
0x190: {  	v20 =	vadd.f32 v52, v20;
	_ =	sdelay $0x1  }
0x191: {  	v21 =	vperm.xlane v20, v1  }
0x192: {  	v53, _, _ =	vpop (xrf2)  }
0x193: {  	v21 =	vadd.f32 v53, v21;
	_ =	sdelay $0x1  }
0x194: {  	v22 =	vperm.xlane v21, v1;
	_ =	sdelay $0x1  }
0x195: {  	(erf) = vrcp.f32 v22;
	_ =	sdelay $0x8  }
0x196: {  	v22 =	vpop (erf)  }
0x197: {  	v19 =	vmul.f32 v22, v19  }
0x198: {  	v18 =	vmul.f32 v22, v18;
	v20 =	vmul.f32 v22, v20  }
0x199: {  	v21 =	vmul.f32 v21, v22;
	v54 =	vmul.f32 $6.300000000e+01, v19  }
0x19a: {  	v57 =	vmul.f32 $6.300000000e+01, v18;
	v60 =	vmul.f32 $6.300000000e+01, v20  }
0x19b: {  	v61 =	vmul.f32 $6.300000000e+01, v21;
	v55 =	vtrunc.f32 v54  }
0x19c: {  	v58 =	vtrunc.f32 v57;
	v56 =	vcvt.f32.s32 v55;
	vm1 =	vgt.f32 v54, v55  }
0x19d: {  	v62 =	vtrunc.f32 v60;
	v32 =	vtrunc.f32 v61;
	v24 =	vsel vm1, $0x1, v7  }
0x19e: {  	v59 =	vcvt.f32.s32 v58;
	vm1 =	vgt.f32 v57, v58;
	v24 =	vadd.s32 v56, v24  }
0x19f: {  	v63 =	vcvt.f32.s32 v62;
	v25 =	vsel vm1, $0x1, v7;
	vm1 =	vlt.s32 v24, $0x3F  }
0x1a0: {  	v33 =	vcvt.f32.s32 v32;
	v24 =	vnsel vm1, $0x3F, v24;
	vm1 =	vgt.f32 v60, v62  }
0x1a1: {  	v22 =	vadd.s32 v59, v25;
	v25 =	vsel vm1, $0x1, v7;
	vm1 =	vgt.f32 v61, v32  }
0x1a2: {  	v23 =	vsel vm1, $0x1, v7;
	vm1 =	vlt.s32 v22, $0x3F;
	v25 =	vadd.s32 v63, v25  }
0x1a3: {  	[tilespmem:v6+s23+$0x0] =	vst.idx.msk $0xffff, v19;
	v34 =	vnsel vm1, $0x3F, v22;
	vm1 =	vlt.s32 v25, $0x3F;
	v35 =	vadd.s32 v33, v23  }
0x1a4: {  	[tilespmem:v8+s23+$0x0] =	vst.idx.msk $0xffff, v18;
	v36 =	vnsel vm1, $0x3F, v25;
	vm1 =	vlt.s32 v35, $0x3F  }
0x1a5: {  	[tilespmem:v9+s23+$0x0] =	vst.idx.msk $0xffff, v20;
	v37 =	vnsel vm1, $0x3F, v35  }
0x1a6: {  	[tilespmem:v10+s23+$0x0] =	vst.idx.msk $0xffff, v21  }
0x1a7: {  	[tilespmem:v24+s24+$0x0] =	vst.idx.add.f32.msk $0xffff, v2  }
0x1a8: {  	[tilespmem:v34+s24+$0x0] =	vst.idx.add.f32.msk $0xffff, v2  }
0x1a9: {  	[tilespmem:v36+s24+$0x0] =	vst.idx.add.f32.msk $0xffff, v2  }
0x1aa: {  	[tilespmem:v37+s24+$0x0] =	vst.idx.add.f32.msk $0x3fff, v2  }
0x1ab: {  	v18 =	vld [tilespmem:$0x42C0];
	_ =	sdelay $0x1  }
0x1ac: {  	v38 =	vld [tilespmem:$0x42D0];
	_ =	sdelay $0x2  }
0x1ad: {  	(xrf2) =	vadd.scan.msk.f32 $0xffff, v18;
	_ =	sdelay $0x1  }
0x1ae: {  	(xrf2) =	vadd.scan.msk.f32 $0xffff, v38  }
0x1af: {  	v39 =	vld [tilespmem:$0x42E0];
	_ =	sdelay $0x3  }
0x1b0: {  	v41 =	vld [tilespmem:$0x42F0]  }
0x1b1: {  	(xrf2) =	vadd.scan.msk.f32 $0xffff, v39;
	_ =	sdelay $0x1  }
0x1b2: {  	v40, _, _ =	vpop (xrf2)  }
0x1b3: {  	v19 =	vadd.f32 $1.000000000e+00, v40  }
0x1b4: {  	v43, _, _ =	vpop (xrf2);
	(xrf2) =	vadd.scan.msk.f32 $0xffff, v41  }
0x1b5: {  	v42 =	vtrunc.f32 v19;
	v19 =	vperm.xlane v19, v1  }
0x1b6: {  	v20 =	vcvt.f32.s32 v42  }
0x1b7: {  	v19 =	vadd.f32 v43, v19;
	_ =	sdelay $0x1  }
0x1b8: {  	v44 =	vadd.s32 $0xFFFFFFFF, v20;
	v21 =	vtrunc.f32 v19;
	v19 =	vperm.xlane v19, v1  }
0x1b9: {  	v45, _, _ =	vpop (xrf2);
	v21 =	vcvt.f32.s32 v21  }
0x1ba: {  	[tilespmem:$0x42C0] =	vst v0;
	v19 =	vadd.f32 v45, v19  }
0x1bb: {  	v48 =	vld.idx.msk [tilespmem:v20+s23+$0x0], $0xffff  }
0x1bc: {  	v47 =	vadd.s32 $0xFFFFFFFF, v21;
	v20 =	vld.idx.msk [tilespmem:v20+s25+$0x0], $0xffff;
	v49 =	vtrunc.f32 v19;
	v19 =	vperm.xlane v19, v1  }
0x1bd: {  	v46 =	vld.idx.msk [tilespmem:v44+s23+$0x0], $0xffff;
	v50, _, _ =	vpop (xrf2);
	v25 =	vcvt.f32.s32 v49  }
0x1be: {  	v18 =	vld.idx.msk [tilespmem:v44+s25+$0x0], $0xffff;
	[tilespmem:$0x42D0] =	vst v0;
	v19 =	vadd.f32 v50, v19  }
0x1bf: {  	v53 =	vld.idx.msk [tilespmem:v21+s23+$0x0], $0xffff  }
0x1c0: {  	v52 =	vadd.s32 $0xFFFFFFFF, v25;
	v21 =	vld.idx.msk [tilespmem:v21+s25+$0x0], $0xffff;
	v19 =	vtrunc.f32 v19  }
0x1c1: {  	v51 =	vld.idx.msk [tilespmem:v47+s23+$0x0], $0xffff;
	v19 =	vcvt.f32.s32 v19  }
0x1c2: {  	v24 =	vld.idx.msk [tilespmem:v47+s25+$0x0], $0xffff;
	[tilespmem:$0x42E0] =	vst v0  }
0x1c3: {  	v55 =	vadd.s32 $0xFFFFFFFF, v19;
	v56 =	vld.idx.msk [tilespmem:v25+s23+$0x0], $0xffff  }
0x1c4: {  	v25 =	vld.idx.msk [tilespmem:v25+s25+$0x0], $0xffff  }
0x1c5: {  	v54 =	vld.idx.msk [tilespmem:v52+s23+$0x0], $0xffff  }
0x1c6: {  	v28 =	vld.idx.msk [tilespmem:v52+s25+$0x0], $0xffff;
	[tilespmem:$0x42F0] =	vst v0  }
0x1c7: {  	v58 =	vld.idx.msk [tilespmem:v19+s23+$0x0], $0xffff  }
0x1c8: {  	v57 =	vld.idx.msk [tilespmem:v55+s23+$0x0], $0xffff;
	_ =	sdelay $0x1  }
0x1c9: {  	v22 =	vsub.f32 v48, v46  }
0x1ca: {  	v26 =	vsub.f32 v53, v51  }
0x1cb: {  	vm1 =	vlt.f32 v22, $9.999999740e-06;
	v31 =	vsub.f32 v56, v54  }
0x1cc: {  	v22 =	vsel vm1, $0x3F800000, v22;
	vm1 =	vlt.f32 v26, $9.999999740e-06;
	v33 =	vsub.f32 v58, v57  }
0x1cd: {  	(erf) = vrcp.f32 v22;
	v59 =	vsel vm1, $0x3F800000, v26;
	vm1 =	vlt.f32 v31, $9.999999740e-06  }
0x1ce: {  	(erf) = vrcp.f32 v59;
	v60 =	vsel vm1, $0x3F800000, v31;
	vm1 =	vlt.f32 v33, $9.999999740e-06  }
0x1cf: {  	(erf) = vrcp.f32 v60;
	v61 =	vsel vm1, $0x3F800000, v33  }
0x1d0: {  	(erf) = vrcp.f32 v61;
	_ =	sdelay $0x3  }
0x1d1: {  	v19 =	vld.idx.msk [tilespmem:v19+s25+$0x0], $0xffff  }
0x1d2: {  	v62 =	vld.idx.msk [tilespmem:v55+s25+$0x0], $0xffff  }
0x1d3: {  	v23 =	vsub.f32 v3, v46;
	v20 =	vsub.f32 v20, v18;
	v63 =	vpop (erf)  }
0x1d4: {  	v27 =	vsub.f32 v4, v51;
	v21 =	vsub.f32 v21, v24;
	v36 =	vpop (erf)  }
0x1d5: {  	v29 =	vsub.f32 v11, v54;
	v32 =	vsub.f32 v12, v57;
	v37 =	vpop (erf)  }
0x1d6: {  	v25 =	vsub.f32 v25, v28;
	v23 =	vmul.f32 v63, v23;
	v27 =	vmul.f32 v36, v27;
	v38 =	vpop (erf)  }
0x1d7: {  	v19 =	vsub.f32 v19, v62;
	v29 =	vmul.f32 v37, v29;
	v39 =	vmul.f32 v38, v32  }
0x1d8: {  	v20 =	vmul.f32 v23, v20;
	v21 =	vmul.f32 v27, v21  }
0x1d9: {  	v25 =	vmul.f32 v29, v25;
	v19 =	vmul.f32 v39, v19  }
0x1da: {  	v18 =	vadd.f32 v20, v18;
	v21 =	vadd.f32 v21, v24  }
0x1db: {  	v40 =	vadd.f32 v25, v28;
	v19 =	vadd.f32 v19, v62  }
0x1dc: {  	v18 =	vperm.xlane v18, v13;
	v21 =	vperm.xlane v21, v13  }
0x1dd: {  	v41 =	vperm.xlane v40, v13;
	v19 =	vperm.xlane v19, v13  }
0x1de: {  	v45 =	vmin.f32 v17, v18;
	v17 =	vmax.f32 v17, v18;
	v44 =	vmin.f32 v16, v21  }
0x1df: {  	v16 =	vmax.f32 v16, v21;
	v43 =	vmin.f32 v15, v41;
	v42 =	vmin.f32 v14, v19  }
0x1e0: {  	v15 =	vmax.f32 v15, v41;
	v47 =	vmin.f32 v43, v45;
	v46 =	vmin.f32 v42, v44  }
0x1e1: {  	v50 =	vmax.f32 v43, v45;
	v14 =	vmax.f32 v14, v19;
	v49 =	vmin.f32 v46, v47  }
0x1e2: {  	v48 =	vmax.f32 v42, v44;
	v19 =	vmax.f32 v46, v47;
	(xrf1) =	vsort.ascd.msk.f32 $0xffff, v49, v49  }
0x1e3: {  	v53 =	vmin.f32 v15, v17;
	v52 =	vmin.f32 v48, v50;
	(xrf1) =	vsort.ascd.msk.f32 $0xffff, v19, v19  }
0x1e4: {  	v51 =	vmin.f32 v14, v16;
	v18 =	vmax.f32 v48, v50;
	(xrf1) =	vsort.ascd.msk.f32 $0xffff, v52, v52  }
0x1e5: {  	v15 =	vmax.f32 v15, v17;
	v54 =	vmin.f32 v51, v53;
	(xrf1) =	vsort.ascd.msk.f32 $0xffff, v18, v18  }
0x1e6: {  	v14 =	vmax.f32 v14, v16;
	v55 =	vmax.f32 v51, v53;
	(xrf1) =	vsort.ascd.msk.f32 $0xffff, v54, v54  }
0x1e7: {  	v56 =	vmin.f32 v14, v15;
	(xrf1) =	vsort.ascd.msk.f32 $0xffff, v55, v55  }
0x1e8: {  	v14 =	vmax.f32 v14, v15;
	(xrf1) =	vsort.ascd.msk.f32 $0xffff, v56, v56  }
0x1e9: {  	(xrf1) =	vsort.ascd.msk.f32 $0xffff, v14, v14;
	_ =	sdelay $0x6  }
0x1ea: {  	v14, _, _ =	vpop (xrf1)  }
0x1eb: {  	[tilespmem:s3+$0x0] =	vst v14;
	v14, _, _ =	vpop (xrf1)  }
0x1ec: {  	[tilespmem:s3+$0x10] =	vst v14;
	v14, _, _ =	vpop (xrf1)  }
0x1ed: {  	[tilespmem:s3+$0x20] =	vst v14;
	v14, _, _ =	vpop (xrf1)  }
0x1ee: {  	s13 =	sadd.s32 $0xFFFFFFD0, s1;
	[tilespmem:s3+$0x30] =	vst v14;
	v14, _, _ =	vpop (xrf1)  }
0x1ef: {  	v57 =	vadd.s32 s13, v5;
	[tilespmem:s3+$0x40] =	vst v14;
	v14, _, _ =	vpop (xrf1)  }
0x1f0: {  	[tilespmem:s3+$0x50] =	vst v14;
	v14, _, _ =	vpop (xrf1)  }
0x1f1: {  	[tilespmem:s3+$0x60] =	vst v14;
	v14, _, _ =	vpop (xrf1)  }
0x1f2: {  	[tilespmem:s3+$0x70] =	vst v14  }
0x1f3: {  	v14 =	vld [tilespmem:s30+$0x40]  }
0x1f4: {  	v15 =	vld.idx.msk [tilespmem:v57+s2+$0x0], $0xffff;
	_ =	sdelay $0x4  }
0x1f5: {  	s13 =	sadd.s32 $0xFFFFFFE0, s1;
	v15 =	vadd.f32 v15, v14  }
0x1f6: {  	v58 =	vadd.s32 s13, v5  }
0x1f7: {  	v15 =	vmul.f32 $5.000000000e-01, v15;
	_ =	sdelay $0x1  }
0x1f8: {  	[tilespmem:$0x4360] =	vst v15  }
0x1f9: {  	v15 =	vld [tilespmem:s30+$0x50]  }
0x1fa: {  	v59 =	vld.idx.msk [tilespmem:v58+s2+$0x0], $0xffff;
	_ =	sdelay $0x4  }
0x1fb: {  	s13 =	sadd.s32 $0xFFFFFFF0, s1;
	v16 =	vadd.f32 v59, v15  }
0x1fc: {  	v60 =	vadd.s32 s13, v5  }
0x1fd: {  	v16 =	vmul.f32 $5.000000000e-01, v16;
	_ =	sdelay $0x1  }
0x1fe: {  	[tilespmem:$0x4370] =	vst v16  }
0x1ff: {  	v16 =	vld [tilespmem:s30+$0x60]  }
0x200: {  	v61 =	vld.idx.msk [tilespmem:v60+s2+$0x0], $0xffff;
	_ =	sdelay $0x4  }
0x201: {  	v17 =	vadd.f32 v61, v16  }
0x202: {  	v62 =	vadd.s32 s1, v5  }
0x203: {  	v17 =	vmul.f32 $5.000000000e-01, v17;
	_ =	sdelay $0x1  }
0x204: {  	[tilespmem:$0x4380] =	vst v17  }
0x205: {  	v17 =	vld [tilespmem:s30+$0x70]  }
0x206: {  	v63 =	vld.idx.msk [tilespmem:v62+s2+$0x0], $0xffff;
	_ =	sdelay $0x4  }
0x207: {  	v22 =	vadd.f32 v63, v17;
	_ =	sdelay $0x1  }
0x208: {  	v22 =	vmul.f32 $5.000000000e-01, v22;
	_ =	sdelay $0x1  }
0x209: {  	[tilespmem:$0x4390] =	vst v22  }
0x20a: {  	v18 =	vld.idx.msk [tilespmem:v57+s6+$0x0], $0xffff;
	_ =	sdelay $0x3  }
0x20b: {  	v19 =	vld.idx.msk [tilespmem:v58+s6+$0x0], $0xffff  }
0x20c: {  	v18 =	vadd.f32 $9.999999740e-06, v18;
	_ =	sdelay $0x1  }
0x20d: {  	(xrf2) =	vadd.scan.msk.f32 $0xffff, v18  }
0x20e: {  	v22 =	vld.idx.msk [tilespmem:v60+s6+$0x0], $0xffff  }
0x20f: {  	v19 =	vadd.f32 $9.999999740e-06, v19;
	_ =	sdelay $0x1  }
0x210: {  	v23 =	vld.idx.msk [tilespmem:v62+s6+$0x0], $0xffff;
	(xrf2) =	vadd.scan.msk.f32 $0xffff, v19;
	_ =	sdelay $0x1  }
0x211: {  	v18 =	vadd.f32 $9.999999740e-06, v22;
	_ =	sdelay $0x1  }
0x212: {  	(xrf2) =	vadd.scan.msk.f32 $0xffff, v18  }
0x213: {  	v24 =	vadd.f32 $9.999999740e-06, v23  }
0x214: {  	v25, _, _ =	vpop (xrf2)  }
0x215: {  	v18 =	vnsel vm0, $0x0, v24;
	v19 =	vadd.f32 $0.0e+00, v25  }
0x216: {  	(xrf2) =	vadd.scan.msk.f32 $0xffff, v18  }
0x217: {  	v26 =	vperm.xlane v19, v1  }
0x218: {  	v27, _, _ =	vpop (xrf2)  }
0x219: {  	v18 =	vadd.f32 v27, v26;
	_ =	sdelay $0x1  }
0x21a: {  	v20 =	vperm.xlane v18, v1  }
0x21b: {  	v28, _, _ =	vpop (xrf2)  }
0x21c: {  	v20 =	vadd.f32 v28, v20;
	_ =	sdelay $0x1  }
0x21d: {  	v21 =	vperm.xlane v20, v1  }
0x21e: {  	v29, _, _ =	vpop (xrf2)  }
0x21f: {  	v21 =	vadd.f32 v29, v21;
	_ =	sdelay $0x1  }
0x220: {  	v22 =	vperm.xlane v21, v1;
	_ =	sdelay $0x1  }
0x221: {  	(erf) = vrcp.f32 v22;
	_ =	sdelay $0x8  }
0x222: {  	v22 =	vpop (erf)  }
0x223: {  	v19 =	vmul.f32 v22, v19  }
0x224: {  	v18 =	vmul.f32 v22, v18;
	v20 =	vmul.f32 v22, v20  }
0x225: {  	v21 =	vmul.f32 v21, v22;
	v30 =	vmul.f32 $6.300000000e+01, v19  }
0x226: {  	v33 =	vmul.f32 $6.300000000e+01, v18;
	v36 =	vmul.f32 $6.300000000e+01, v20  }
0x227: {  	v37 =	vmul.f32 $6.300000000e+01, v21;
	v31 =	vtrunc.f32 v30  }
0x228: {  	v34 =	vtrunc.f32 v33;
	v32 =	vcvt.f32.s32 v31;
	vm1 =	vgt.f32 v30, v31  }
0x229: {  	v38 =	vtrunc.f32 v36;
	v40 =	vtrunc.f32 v37;
	v24 =	vsel vm1, $0x1, v7  }
0x22a: {  	v35 =	vcvt.f32.s32 v34;
	vm1 =	vgt.f32 v33, v34;
	v24 =	vadd.s32 v32, v24  }
0x22b: {  	v39 =	vcvt.f32.s32 v38;
	v25 =	vsel vm1, $0x1, v7;
	vm1 =	vlt.s32 v24, $0x3F  }
0x22c: {  	v41 =	vcvt.f32.s32 v40;
	v24 =	vnsel vm1, $0x3F, v24;
	vm1 =	vgt.f32 v36, v38  }
0x22d: {  	v22 =	vadd.s32 v35, v25;
	v25 =	vsel vm1, $0x1, v7;
	vm1 =	vgt.f32 v37, v40  }
0x22e: {  	v23 =	vsel vm1, $0x1, v7;
	vm1 =	vlt.s32 v22, $0x3F;
	v25 =	vadd.s32 v39, v25  }
0x22f: {  	[tilespmem:v6+s26+$0x0] =	vst.idx.msk $0xffff, v19;
	v42 =	vnsel vm1, $0x3F, v22;
	vm1 =	vlt.s32 v25, $0x3F;
	v43 =	vadd.s32 v41, v23  }
0x230: {  	[tilespmem:v8+s26+$0x0] =	vst.idx.msk $0xffff, v18;
	v44 =	vnsel vm1, $0x3F, v25;
	vm1 =	vlt.s32 v43, $0x3F  }
0x231: {  	[tilespmem:v9+s26+$0x0] =	vst.idx.msk $0xffff, v20;
	v45 =	vnsel vm1, $0x3F, v43  }
0x232: {  	[tilespmem:v10+s26+$0x0] =	vst.idx.msk $0xffff, v21  }
0x233: {  	[tilespmem:v24+s28+$0x0] =	vst.idx.add.f32.msk $0xffff, v2  }
0x234: {  	[tilespmem:v42+s28+$0x0] =	vst.idx.add.f32.msk $0xffff, v2  }
0x235: {  	[tilespmem:v44+s28+$0x0] =	vst.idx.add.f32.msk $0xffff, v2  }
0x236: {  	[tilespmem:v45+s28+$0x0] =	vst.idx.add.f32.msk $0x3fff, v2  }
0x237: {  	v18 =	vld [tilespmem:$0x43B0];
	_ =	sdelay $0x3  }
0x238: {  	v46 =	vld [tilespmem:$0x43C0]  }
0x239: {  	(xrf2) =	vadd.scan.msk.f32 $0xffff, v18;
	_ =	sdelay $0x3  }
0x23a: {  	(xrf2) =	vadd.scan.msk.f32 $0xffff, v46  }
0x23b: {  	v47 =	vld [tilespmem:$0x43D0];
	_ =	sdelay $0x3  }
0x23c: {  	v49 =	vld [tilespmem:$0x43E0]  }
0x23d: {  	v48, _, _ =	vpop (xrf2);
	(xrf2) =	vadd.scan.msk.f32 $0xffff, v47;
	_ =	sdelay $0x2  }
0x23e: {  	v19 =	vadd.f32 $1.000000000e+00, v48  }
0x23f: {  	v51, _, _ =	vpop (xrf2);
	(xrf2) =	vadd.scan.msk.f32 $0xffff, v49  }
0x240: {  	v50 =	vtrunc.f32 v19;
	v19 =	vperm.xlane v19, v1  }
0x241: {  	v20 =	vcvt.f32.s32 v50  }
0x242: {  	v19 =	vadd.f32 v51, v19;
	_ =	sdelay $0x1  }
0x243: {  	v52 =	vadd.s32 $0xFFFFFFFF, v20;
	v21 =	vtrunc.f32 v19;
	v19 =	vperm.xlane v19, v1  }
0x244: {  	v21 =	vcvt.f32.s32 v21;
	v53, _, _ =	vpop (xrf2)  }
0x245: {  	[tilespmem:$0x43B0] =	vst v0;
	v19 =	vadd.f32 v53, v19  }
0x246: {  	v56 =	vld.idx.msk [tilespmem:v20+s26+$0x0], $0xffff  }
0x247: {  	v55 =	vadd.s32 $0xFFFFFFFF, v21;
	v20 =	vld.idx.msk [tilespmem:v20+s29+$0x0], $0xffff;
	v57 =	vtrunc.f32 v19;
	v19 =	vperm.xlane v19, v1  }
0x248: {  	v54 =	vld.idx.msk [tilespmem:v52+s26+$0x0], $0xffff;
	v58, _, _ =	vpop (xrf2);
	v25 =	vcvt.f32.s32 v57  }
0x249: {  	v18 =	vld.idx.msk [tilespmem:v52+s29+$0x0], $0xffff;
	[tilespmem:$0x43C0] =	vst v0;
	v19 =	vadd.f32 v58, v19  }
0x24a: {  	v61 =	vld.idx.msk [tilespmem:v21+s26+$0x0], $0xffff  }
0x24b: {  	v21 =	vld.idx.msk [tilespmem:v21+s29+$0x0], $0xffff;
	v60 =	vadd.s32 $0xFFFFFFFF, v25;
	v19 =	vtrunc.f32 v19  }
0x24c: {  	v59 =	vld.idx.msk [tilespmem:v55+s26+$0x0], $0xffff;
	v19 =	vcvt.f32.s32 v19  }
0x24d: {  	v24 =	vld.idx.msk [tilespmem:v55+s29+$0x0], $0xffff;
	[tilespmem:$0x43D0] =	vst v0  }
0x24e: {  	v63 =	vadd.s32 $0xFFFFFFFF, v19;
	v36 =	vld.idx.msk [tilespmem:v25+s26+$0x0], $0xffff  }
0x24f: {  	v25 =	vld.idx.msk [tilespmem:v25+s29+$0x0], $0xffff  }
0x250: {  	v62 =	vld.idx.msk [tilespmem:v60+s26+$0x0], $0xffff  }
0x251: {  	v28 =	vld.idx.msk [tilespmem:v60+s29+$0x0], $0xffff;
	[tilespmem:$0x43E0] =	vst v0  }
0x252: {  	v38 =	vld.idx.msk [tilespmem:v19+s26+$0x0], $0xffff  }
0x253: {  	v37 =	vld.idx.msk [tilespmem:v63+s26+$0x0], $0xffff;
	_ =	sdelay $0x1  }
0x254: {  	v22 =	vsub.f32 v56, v54  }
0x255: {  	v26 =	vsub.f32 v61, v59  }
0x256: {  	vm1 =	vlt.f32 v22, $9.999999740e-06;
	v31 =	vsub.f32 v36, v62  }
0x257: {  	v22 =	vsel vm1, $0x3F800000, v22;
	vm1 =	vlt.f32 v26, $9.999999740e-06;
	v33 =	vsub.f32 v38, v37  }
0x258: {  	(erf) = vrcp.f32 v22;
	v39 =	vsel vm1, $0x3F800000, v26;
	vm1 =	vlt.f32 v31, $9.999999740e-06  }
0x259: {  	(erf) = vrcp.f32 v39;
	v40 =	vsel vm1, $0x3F800000, v31;
	vm1 =	vlt.f32 v33, $9.999999740e-06  }
0x25a: {  	(erf) = vrcp.f32 v40;
	v41 =	vsel vm1, $0x3F800000, v33  }
0x25b: {  	(erf) = vrcp.f32 v41;
	_ =	sdelay $0x3  }
0x25c: {  	v19 =	vld.idx.msk [tilespmem:v19+s29+$0x0], $0xffff  }
0x25d: {  	v42 =	vld.idx.msk [tilespmem:v63+s29+$0x0], $0xffff  }
0x25e: {  	v23 =	vsub.f32 v3, v54;
	v20 =	vsub.f32 v20, v18;
	v43 =	vpop (erf)  }
0x25f: {  	v27 =	vsub.f32 v4, v59;
	v21 =	vsub.f32 v21, v24;
	v44 =	vpop (erf)  }
0x260: {  	v29 =	vsub.f32 v11, v62;
	v32 =	vsub.f32 v12, v37;
	v45 =	vpop (erf)  }
0x261: {  	v25 =	vsub.f32 v25, v28;
	v23 =	vmul.f32 v43, v23;
	v27 =	vmul.f32 v44, v27;
	v46 =	vpop (erf)  }
0x262: {  	v19 =	vsub.f32 v19, v42;
	v29 =	vmul.f32 v45, v29;
	v30 =	vmul.f32 v46, v32  }
0x263: {  	v20 =	vmul.f32 v23, v20;
	v21 =	vmul.f32 v27, v21  }
0x264: {  	v25 =	vmul.f32 v29, v25;
	v19 =	vmul.f32 v30, v19  }
0x265: {  	v18 =	vadd.f32 v20, v18;
	v21 =	vadd.f32 v21, v24  }
0x266: {  	v47 =	vadd.f32 v25, v28;
	v19 =	vadd.f32 v19, v42  }
0x267: {  	v18 =	vperm.xlane v18, v13;
	v21 =	vperm.xlane v21, v13  }
0x268: {  	v48 =	vperm.xlane v47, v13;
	v19 =	vperm.xlane v19, v13  }
0x269: {  	v52 =	vmin.f32 v17, v18;
	v17 =	vmax.f32 v17, v18;
	v51 =	vmin.f32 v16, v21  }
0x26a: {  	v16 =	vmax.f32 v16, v21;
	v50 =	vmin.f32 v15, v48;
	v49 =	vmin.f32 v14, v19  }
0x26b: {  	v15 =	vmax.f32 v15, v48;
	v54 =	vmin.f32 v50, v52;
	v53 =	vmin.f32 v49, v51  }
0x26c: {  	v57 =	vmax.f32 v50, v52;
	v14 =	vmax.f32 v14, v19;
	v56 =	vmin.f32 v53, v54  }
0x26d: {  	v55 =	vmax.f32 v49, v51;
	v19 =	vmax.f32 v53, v54;
	(xrf1) =	vsort.ascd.msk.f32 $0xffff, v56, v56  }
0x26e: {  	v60 =	vmin.f32 v15, v17;
	v59 =	vmin.f32 v55, v57;
	(xrf1) =	vsort.ascd.msk.f32 $0xffff, v19, v19  }
0x26f: {  	v58 =	vmin.f32 v14, v16;
	v18 =	vmax.f32 v55, v57;
	(xrf1) =	vsort.ascd.msk.f32 $0xffff, v59, v59  }
0x270: {  	v15 =	vmax.f32 v15, v17;
	v61 =	vmin.f32 v58, v60;
	(xrf1) =	vsort.ascd.msk.f32 $0xffff, v18, v18  }
0x271: {  	v14 =	vmax.f32 v14, v16;
	v62 =	vmax.f32 v58, v60;
	(xrf1) =	vsort.ascd.msk.f32 $0xffff, v61, v61  }
0x272: {  	v63 =	vmin.f32 v14, v15;
	(xrf1) =	vsort.ascd.msk.f32 $0xffff, v62, v62  }
0x273: {  	v14 =	vmax.f32 v14, v15;
	(xrf1) =	vsort.ascd.msk.f32 $0xffff, v63, v63  }
0x274: {  	(xrf1) =	vsort.ascd.msk.f32 $0xffff, v14, v14;
	_ =	sdelay $0x6  }
0x275: {  	v14, _, _ =	vpop (xrf1)  }
0x276: {  	v15, _, _ =	vpop (xrf1);
	[tilespmem:s3+$0x80] =	vst v14  }
0x277: {  	v14, _, _ =	vpop (xrf1);
	[tilespmem:s3+$0x90] =	vst v15  }
0x278: {  	p1 =	sne.s32 s1, $0x7F1;
	v15, _, _ =	vpop (xrf1);
	[tilespmem:s3+$0xA0] =	vst v14  }
.Ltmp0:
0x279: {  	v14, _, _ =	vpop (xrf1);
	[tilespmem:s3+$0xB0] =	vst v15;
	(pc) =	sbr.rel @p1 .LBB2_3-.Ltmp0, $4  }
0x27a: {  	v15, _, _ =	vpop (xrf1);
	[tilespmem:s3+$0xC0] =	vst v14  }
0x27b: {  	v14, _, _ =	vpop (xrf1);
	[tilespmem:s3+$0xD0] =	vst v15  }
0x27c: {  	[tilespmem:s3+$0xE0] =	vst v14;
	v14, _, _ =	vpop (xrf1)  }
0x27d: {  	s1 =	sadd.s32 $0x100, s1;
	s30 =	sadd.s32 $0x100, s30;
	[tilespmem:s3+$0xF0] =	vst v14;
	s3 =	sadd.s32 $0x200, s3  }
0x27e: {  	s1 =	sshll.u32 s12, $0xA;
	s3 =	rddreg [dreg:$0x5]  }
0x27f: {  	s30 =	simm.s32 $0x2040;
	p1 =	seq.s32 s12, $0x1F;
	s1 =	sadd.s32 s1, s3  }
0x280: {  	[hbm4b:s1+s2] =	stream.linear.scatter [tilespmem:s30], [sflag:$0x5], $0x1000, $0x38;
	[tilespmem:$0x4400] =	vst v63  }
0x281: {  	s1 =	sadd.s32 @!p1 s15, s14  }
0x282: {  	s1 =	sshll.u32 @!p1 s1, $0x3  }
0x283: {  	s1 =	sand.u32 @!p1 $0x1FFFFE00, s1  }
0x284: {  	s13 =	simm.s32 @!p1 $0x0;
	s3 =	sadd.s32 @!p1 s4, s1  }
0x285: {  	[tilespmem:s13], [sflag:$0x1] =	stream.linear.gather @!p1 [hbm4b:s3+s13], $0x800, $0x38;
	[tilespmem:$0x4400] =	vst v63  }
0x286: {  	s1 =	sadd.s32 @!p1 s5, s1;
	s3 =	simm.s32 @!p1 $0x810  }
0x287: {  	[tilespmem:s3], [sflag:$0x2] =	stream.linear.gather @!p1 [hbm4b:s1+s13], $0x800, $0x38;
	[tilespmem:$0x4400] =	vst v63  }
0x288: {  	_ =	swait.ge [sflag:s31], $0x800  }
0x289: {  	[sflag:s31] =	ssyncset.done $0x0  }
0x28a: {  	[sflag:s31] =	ssyncadd.s32 $0xFFFFF800  }
0x28b: {  	_ =	swait.ge [sflag:s0], $0x800  }
0x28c: {  	[sflag:s0] =	ssyncset.done $0x0  }
0x28d: {  	s1 =	simm.s32 @!p0 $0x6;
	[sflag:s0] =	ssyncadd.s32 $0xFFFFF800  }
0x28e: {  	_ =	swait.ge @!p0 [sflag:s1], $0x1000  }
0x28f: {  	s12 =	sadd.s32 $0x1, s12;
	s15 =	simm.s32 $0x10A0;
	[sflag:s1] =	ssyncset.done @!p0 $0x0  }
0x290: {  	s3 =	simm.s32 $0x3140;
	[sflag:s1] =	ssyncadd.s32 @!p0 $0xFFFFF000;
	s1 =	simm.s32 $0xF1  }
.LBB2_5:
0x291: {  	s13 =	sadd.s32 $0xFFFFFF10, s1  }
0x292: {  	v18 =	vadd.s32 s13, v5;
	_ =	sdelay $0x3  }
0x293: {  	v14 =	vld [tilespmem:s15+$0xFFFFFF80]  }
0x294: {  	v15 =	vld.idx.msk [tilespmem:v18+s7+$0x0], $0xffff;
	_ =	sdelay $0x4  }
0x295: {  	s30 =	sadd.s32 $0xFFFFFF20, s1;
	v15 =	vadd.f32 v15, v14  }
0x296: {  	v19 =	vadd.s32 s30, v5  }
0x297: {  	v15 =	vmul.f32 $5.000000000e-01, v15;
	_ =	sdelay $0x1  }
0x298: {  	[tilespmem:$0x4090] =	vst v15  }
0x299: {  	v15 =	vld [tilespmem:s15+$0xFFFFFF90]  }
0x29a: {  	v16 =	vld.idx.msk [tilespmem:v19+s7+$0x0], $0xffff;
	_ =	sdelay $0x4  }
0x29b: {  	s30 =	sadd.s32 $0xFFFFFF30, s1;
	v16 =	vadd.f32 v16, v15  }
0x29c: {  	v20 =	vadd.s32 s30, v5  }
0x29d: {  	v16 =	vmul.f32 $5.000000000e-01, v16;
	_ =	sdelay $0x1  }
0x29e: {  	[tilespmem:$0x40A0] =	vst v16  }
0x29f: {  	v16 =	vld [tilespmem:s15+$0xFFFFFFA0]  }
0x2a0: {  	v17 =	vld.idx.msk [tilespmem:v20+s7+$0x0], $0xffff;
	_ =	sdelay $0x4  }
0x2a1: {  	s30 =	sadd.s32 $0xFFFFFF40, s1;
	v17 =	vadd.f32 v17, v16  }
0x2a2: {  	v21 =	vadd.s32 s30, v5  }
0x2a3: {  	v17 =	vmul.f32 $5.000000000e-01, v17;
	_ =	sdelay $0x1  }
0x2a4: {  	[tilespmem:$0x40B0] =	vst v17  }
0x2a5: {  	v17 =	vld [tilespmem:s15+$0xFFFFFFB0]  }
0x2a6: {  	v22 =	vld.idx.msk [tilespmem:v21+s7+$0x0], $0xffff;
	_ =	sdelay $0x4  }
0x2a7: {  	v22 =	vadd.f32 v22, v17;
	_ =	sdelay $0x1  }
0x2a8: {  	v22 =	vmul.f32 $5.000000000e-01, v22;
	_ =	sdelay $0x1  }
0x2a9: {  	[tilespmem:$0x40C0] =	vst v22  }
0x2aa: {  	v18 =	vld.idx.msk [tilespmem:v18+s8+$0x0], $0xffff;
	_ =	sdelay $0x3  }
0x2ab: {  	v19 =	vld.idx.msk [tilespmem:v19+s8+$0x0], $0xffff  }
0x2ac: {  	v18 =	vadd.f32 $9.999999740e-06, v18;
	_ =	sdelay $0x1  }
0x2ad: {  	(xrf2) =	vadd.scan.msk.f32 $0xffff, v18  }
0x2ae: {  	v50 =	vld.idx.msk [tilespmem:v20+s8+$0x0], $0xffff  }
0x2af: {  	v19 =	vadd.f32 $9.999999740e-06, v19;
	_ =	sdelay $0x1  }
0x2b0: {  	v51 =	vld.idx.msk [tilespmem:v21+s8+$0x0], $0xffff;
	(xrf2) =	vadd.scan.msk.f32 $0xffff, v19;
	_ =	sdelay $0x1  }
0x2b1: {  	v18 =	vadd.f32 $9.999999740e-06, v50;
	_ =	sdelay $0x1  }
0x2b2: {  	(xrf2) =	vadd.scan.msk.f32 $0xffff, v18  }
0x2b3: {  	v52 =	vadd.f32 $9.999999740e-06, v51  }
0x2b4: {  	v53, _, _ =	vpop (xrf2)  }
0x2b5: {  	v18 =	vnsel vm0, $0x0, v52;
	v19 =	vadd.f32 $0.0e+00, v53  }
0x2b6: {  	(xrf2) =	vadd.scan.msk.f32 $0xffff, v18  }
0x2b7: {  	v54 =	vperm.xlane v19, v1  }
0x2b8: {  	v55, _, _ =	vpop (xrf2)  }
0x2b9: {  	v18 =	vadd.f32 v55, v54;
	_ =	sdelay $0x1  }
0x2ba: {  	v20 =	vperm.xlane v18, v1  }
0x2bb: {  	v56, _, _ =	vpop (xrf2)  }
0x2bc: {  	v20 =	vadd.f32 v56, v20;
	_ =	sdelay $0x1  }
0x2bd: {  	v21 =	vperm.xlane v20, v1  }
0x2be: {  	v57, _, _ =	vpop (xrf2)  }
0x2bf: {  	v21 =	vadd.f32 v57, v21;
	_ =	sdelay $0x1  }
0x2c0: {  	v22 =	vperm.xlane v21, v1;
	_ =	sdelay $0x1  }
0x2c1: {  	(erf) = vrcp.f32 v22;
	_ =	sdelay $0x8  }
0x2c2: {  	v22 =	vpop (erf)  }
0x2c3: {  	v19 =	vmul.f32 v22, v19  }
0x2c4: {  	v18 =	vmul.f32 v22, v18;
	v20 =	vmul.f32 v22, v20  }
0x2c5: {  	v21 =	vmul.f32 v21, v22;
	v23 =	vmul.f32 $6.300000000e+01, v19  }
0x2c6: {  	v58 =	vmul.f32 $6.300000000e+01, v18;
	v61 =	vmul.f32 $6.300000000e+01, v20  }
0x2c7: {  	v26 =	vmul.f32 $6.300000000e+01, v21;
	v24 =	vtrunc.f32 v23  }
0x2c8: {  	v59 =	vtrunc.f32 v58;
	v25 =	vcvt.f32.s32 v24;
	vm1 =	vgt.f32 v23, v24  }
0x2c9: {  	v62 =	vtrunc.f32 v61;
	v63 =	vtrunc.f32 v26;
	v24 =	vsel vm1, $0x1, v7  }
0x2ca: {  	v60 =	vcvt.f32.s32 v59;
	vm1 =	vgt.f32 v58, v59;
	v24 =	vadd.s32 v25, v24  }
0x2cb: {  	v27 =	vcvt.f32.s32 v62;
	v25 =	vsel vm1, $0x1, v7;
	vm1 =	vlt.s32 v24, $0x3F  }
0x2cc: {  	v28 =	vcvt.f32.s32 v63;
	v24 =	vnsel vm1, $0x3F, v24;
	vm1 =	vgt.f32 v61, v62  }
0x2cd: {  	v22 =	vadd.s32 v60, v25;
	v25 =	vsel vm1, $0x1, v7;
	vm1 =	vgt.f32 v26, v63  }
0x2ce: {  	v23 =	vsel vm1, $0x1, v7;
	vm1 =	vlt.s32 v22, $0x3F;
	v25 =	vadd.s32 v27, v25  }
0x2cf: {  	[tilespmem:v6+s9+$0x0] =	vst.idx.msk $0xffff, v19;
	v27 =	vnsel vm1, $0x3F, v22;
	vm1 =	vlt.s32 v25, $0x3F;
	v28 =	vadd.s32 v28, v23  }
0x2d0: {  	[tilespmem:v8+s9+$0x0] =	vst.idx.msk $0xffff, v18;
	v29 =	vnsel vm1, $0x3F, v25;
	vm1 =	vlt.s32 v28, $0x3F  }
0x2d1: {  	[tilespmem:v9+s9+$0x0] =	vst.idx.msk $0xffff, v20;
	v30 =	vnsel vm1, $0x3F, v28  }
0x2d2: {  	[tilespmem:v10+s9+$0x0] =	vst.idx.msk $0xffff, v21  }
0x2d3: {  	[tilespmem:v24+s10+$0x0] =	vst.idx.add.f32.msk $0xffff, v2  }
0x2d4: {  	[tilespmem:v27+s10+$0x0] =	vst.idx.add.f32.msk $0xffff, v2  }
0x2d5: {  	[tilespmem:v29+s10+$0x0] =	vst.idx.add.f32.msk $0xffff, v2  }
0x2d6: {  	[tilespmem:v30+s10+$0x0] =	vst.idx.add.f32.msk $0x3fff, v2  }
0x2d7: {  	v18 =	vld [tilespmem:$0x40E0];
	_ =	sdelay $0x1  }
0x2d8: {  	v31 =	vld [tilespmem:$0x40F0];
	_ =	sdelay $0x2  }
0x2d9: {  	(xrf2) =	vadd.scan.msk.f32 $0xffff, v18;
	_ =	sdelay $0x1  }
0x2da: {  	(xrf2) =	vadd.scan.msk.f32 $0xffff, v31  }
0x2db: {  	v32 =	vld [tilespmem:$0x4100];
	_ =	sdelay $0x3  }
0x2dc: {  	v34 =	vld [tilespmem:$0x4110]  }
0x2dd: {  	(xrf2) =	vadd.scan.msk.f32 $0xffff, v32;
	_ =	sdelay $0x1  }
0x2de: {  	v33, _, _ =	vpop (xrf2)  }
0x2df: {  	v19 =	vadd.f32 $1.000000000e+00, v33  }
0x2e0: {  	v36, _, _ =	vpop (xrf2);
	(xrf2) =	vadd.scan.msk.f32 $0xffff, v34  }
0x2e1: {  	v35 =	vtrunc.f32 v19;
	v19 =	vperm.xlane v19, v1  }
0x2e2: {  	v20 =	vcvt.f32.s32 v35  }
0x2e3: {  	v19 =	vadd.f32 v36, v19;
	_ =	sdelay $0x1  }
0x2e4: {  	v37 =	vadd.s32 $0xFFFFFFFF, v20;
	v21 =	vtrunc.f32 v19;
	v19 =	vperm.xlane v19, v1  }
0x2e5: {  	v38, _, _ =	vpop (xrf2);
	v21 =	vcvt.f32.s32 v21  }
0x2e6: {  	[tilespmem:$0x40E0] =	vst v0;
	v19 =	vadd.f32 v38, v19  }
0x2e7: {  	v41 =	vld.idx.msk [tilespmem:v20+s9+$0x0], $0xffff  }
0x2e8: {  	v40 =	vadd.s32 $0xFFFFFFFF, v21;
	v20 =	vld.idx.msk [tilespmem:v20+s19+$0x0], $0xffff;
	v42 =	vtrunc.f32 v19;
	v19 =	vperm.xlane v19, v1  }
0x2e9: {  	v39 =	vld.idx.msk [tilespmem:v37+s9+$0x0], $0xffff;
	v43, _, _ =	vpop (xrf2);
	v25 =	vcvt.f32.s32 v42  }
0x2ea: {  	v18 =	vld.idx.msk [tilespmem:v37+s19+$0x0], $0xffff;
	[tilespmem:$0x40F0] =	vst v0;
	v19 =	vadd.f32 v43, v19  }
0x2eb: {  	v46 =	vld.idx.msk [tilespmem:v21+s9+$0x0], $0xffff  }
0x2ec: {  	v45 =	vadd.s32 $0xFFFFFFFF, v25;
	v21 =	vld.idx.msk [tilespmem:v21+s19+$0x0], $0xffff;
	v19 =	vtrunc.f32 v19  }
0x2ed: {  	v44 =	vld.idx.msk [tilespmem:v40+s9+$0x0], $0xffff;
	v19 =	vcvt.f32.s32 v19  }
0x2ee: {  	v24 =	vld.idx.msk [tilespmem:v40+s19+$0x0], $0xffff;
	[tilespmem:$0x4100] =	vst v0  }
0x2ef: {  	v30 =	vadd.s32 $0xFFFFFFFF, v19;
	v31 =	vld.idx.msk [tilespmem:v25+s9+$0x0], $0xffff  }
0x2f0: {  	v25 =	vld.idx.msk [tilespmem:v25+s19+$0x0], $0xffff  }
0x2f1: {  	v29 =	vld.idx.msk [tilespmem:v45+s9+$0x0], $0xffff  }
0x2f2: {  	v28 =	vld.idx.msk [tilespmem:v45+s19+$0x0], $0xffff;
	[tilespmem:$0x4110] =	vst v0  }
0x2f3: {  	v33 =	vld.idx.msk [tilespmem:v19+s9+$0x0], $0xffff  }
0x2f4: {  	v32 =	vld.idx.msk [tilespmem:v30+s9+$0x0], $0xffff;
	_ =	sdelay $0x1  }
0x2f5: {  	v22 =	vsub.f32 v41, v39  }
0x2f6: {  	v26 =	vsub.f32 v46, v44  }
0x2f7: {  	vm1 =	vlt.f32 v22, $9.999999740e-06;
	v31 =	vsub.f32 v31, v29  }
0x2f8: {  	v22 =	vsel vm1, $0x3F800000, v22;
	vm1 =	vlt.f32 v26, $9.999999740e-06;
	v33 =	vsub.f32 v33, v32  }
0x2f9: {  	(erf) = vrcp.f32 v22;
	v47 =	vsel vm1, $0x3F800000, v26;
	vm1 =	vlt.f32 v31, $9.999999740e-06  }
0x2fa: {  	(erf) = vrcp.f32 v47;
	v48 =	vsel vm1, $0x3F800000, v31;
	vm1 =	vlt.f32 v33, $9.999999740e-06  }
0x2fb: {  	(erf) = vrcp.f32 v48;
	v49 =	vsel vm1, $0x3F800000, v33  }
0x2fc: {  	(erf) = vrcp.f32 v49;
	_ =	sdelay $0x3  }
0x2fd: {  	v19 =	vld.idx.msk [tilespmem:v19+s19+$0x0], $0xffff  }
0x2fe: {  	v50 =	vld.idx.msk [tilespmem:v30+s19+$0x0], $0xffff  }
0x2ff: {  	v23 =	vsub.f32 v3, v39;
	v20 =	vsub.f32 v20, v18;
	v51 =	vpop (erf)  }
0x300: {  	v27 =	vsub.f32 v4, v44;
	v21 =	vsub.f32 v21, v24;
	v52 =	vpop (erf)  }
0x301: {  	v29 =	vsub.f32 v11, v29;
	v32 =	vsub.f32 v12, v32;
	v53 =	vpop (erf)  }
0x302: {  	v25 =	vsub.f32 v25, v28;
	v23 =	vmul.f32 v51, v23;
	v27 =	vmul.f32 v52, v27;
	v54 =	vpop (erf)  }
0x303: {  	v19 =	vsub.f32 v19, v50;
	v29 =	vmul.f32 v53, v29;
	v55 =	vmul.f32 v54, v32  }
0x304: {  	v20 =	vmul.f32 v23, v20;
	v21 =	vmul.f32 v27, v21  }
0x305: {  	v25 =	vmul.f32 v29, v25;
	v19 =	vmul.f32 v55, v19  }
0x306: {  	v18 =	vadd.f32 v20, v18;
	v21 =	vadd.f32 v21, v24  }
0x307: {  	v56 =	vadd.f32 v25, v28;
	v19 =	vadd.f32 v19, v50  }
0x308: {  	v18 =	vperm.xlane v18, v13;
	v21 =	vperm.xlane v21, v13  }
0x309: {  	v57 =	vperm.xlane v56, v13;
	v19 =	vperm.xlane v19, v13  }
0x30a: {  	v61 =	vmin.f32 v17, v18;
	v17 =	vmax.f32 v17, v18;
	v60 =	vmin.f32 v16, v21  }
0x30b: {  	v16 =	vmax.f32 v16, v21;
	v59 =	vmin.f32 v15, v57;
	v58 =	vmin.f32 v14, v19  }
0x30c: {  	v15 =	vmax.f32 v15, v57;
	v63 =	vmin.f32 v59, v61;
	v62 =	vmin.f32 v58, v60  }
0x30d: {  	v28 =	vmax.f32 v59, v61;
	v14 =	vmax.f32 v14, v19;
	v27 =	vmin.f32 v62, v63  }
0x30e: {  	v26 =	vmax.f32 v58, v60;
	v19 =	vmax.f32 v62, v63;
	(xrf1) =	vsort.ascd.msk.f32 $0xffff, v27, v27  }
0x30f: {  	v31 =	vmin.f32 v15, v17;
	v30 =	vmin.f32 v26, v28;
	(xrf1) =	vsort.ascd.msk.f32 $0xffff, v19, v19  }
0x310: {  	v29 =	vmin.f32 v14, v16;
	v18 =	vmax.f32 v26, v28;
	(xrf1) =	vsort.ascd.msk.f32 $0xffff, v30, v30  }
0x311: {  	v15 =	vmax.f32 v15, v17;
	v32 =	vmin.f32 v29, v31;
	(xrf1) =	vsort.ascd.msk.f32 $0xffff, v18, v18  }
0x312: {  	v14 =	vmax.f32 v14, v16;
	v33 =	vmax.f32 v29, v31;
	(xrf1) =	vsort.ascd.msk.f32 $0xffff, v32, v32  }
0x313: {  	v34 =	vmin.f32 v14, v15;
	(xrf1) =	vsort.ascd.msk.f32 $0xffff, v33, v33  }
0x314: {  	v14 =	vmax.f32 v14, v15;
	(xrf1) =	vsort.ascd.msk.f32 $0xffff, v34, v34  }
0x315: {  	(xrf1) =	vsort.ascd.msk.f32 $0xffff, v14, v14;
	_ =	sdelay $0x6  }
0x316: {  	v14, _, _ =	vpop (xrf1)  }
0x317: {  	[tilespmem:s3+$0xFFFFFF00] =	vst v14;
	v14, _, _ =	vpop (xrf1)  }
0x318: {  	[tilespmem:s3+$0xFFFFFF10] =	vst v14;
	v14, _, _ =	vpop (xrf1)  }
0x319: {  	[tilespmem:s3+$0xFFFFFF20] =	vst v14;
	v14, _, _ =	vpop (xrf1)  }
0x31a: {  	s30 =	sadd.s32 $0xFFFFFF50, s1;
	[tilespmem:s3+$0xFFFFFF30] =	vst v14;
	v14, _, _ =	vpop (xrf1)  }
0x31b: {  	v35 =	vadd.s32 s30, v5;
	[tilespmem:s3+$0xFFFFFF40] =	vst v14;
	v14, _, _ =	vpop (xrf1)  }
0x31c: {  	[tilespmem:s3+$0xFFFFFF50] =	vst v14;
	v14, _, _ =	vpop (xrf1)  }
0x31d: {  	[tilespmem:s3+$0xFFFFFF60] =	vst v14;
	v14, _, _ =	vpop (xrf1)  }
0x31e: {  	[tilespmem:s3+$0xFFFFFF70] =	vst v14  }
0x31f: {  	v14 =	vld [tilespmem:s15+$0xFFFFFFC0]  }
0x320: {  	v15 =	vld.idx.msk [tilespmem:v35+s7+$0x0], $0xffff;
	_ =	sdelay $0x4  }
0x321: {  	s30 =	sadd.s32 $0xFFFFFF60, s1;
	v15 =	vadd.f32 v15, v14  }
0x322: {  	v36 =	vadd.s32 s30, v5  }
0x323: {  	v15 =	vmul.f32 $5.000000000e-01, v15;
	_ =	sdelay $0x1  }
0x324: {  	[tilespmem:$0x4180] =	vst v15  }
0x325: {  	v15 =	vld [tilespmem:s15+$0xFFFFFFD0]  }
0x326: {  	v37 =	vld.idx.msk [tilespmem:v36+s7+$0x0], $0xffff;
	_ =	sdelay $0x4  }
0x327: {  	s30 =	sadd.s32 $0xFFFFFF70, s1;
	v16 =	vadd.f32 v37, v15  }
0x328: {  	v38 =	vadd.s32 s30, v5  }
0x329: {  	v16 =	vmul.f32 $5.000000000e-01, v16;
	_ =	sdelay $0x1  }
0x32a: {  	[tilespmem:$0x4190] =	vst v16  }
0x32b: {  	v16 =	vld [tilespmem:s15+$0xFFFFFFE0]  }
0x32c: {  	v39 =	vld.idx.msk [tilespmem:v38+s7+$0x0], $0xffff;
	_ =	sdelay $0x4  }
0x32d: {  	s30 =	sadd.s32 $0xFFFFFF80, s1;
	v17 =	vadd.f32 v39, v16  }
0x32e: {  	v40 =	vadd.s32 s30, v5  }
0x32f: {  	v17 =	vmul.f32 $5.000000000e-01, v17;
	_ =	sdelay $0x1  }
0x330: {  	[tilespmem:$0x41A0] =	vst v17  }
0x331: {  	v17 =	vld [tilespmem:s15+$0xFFFFFFF0]  }
0x332: {  	v41 =	vld.idx.msk [tilespmem:v40+s7+$0x0], $0xffff;
	_ =	sdelay $0x4  }
0x333: {  	v22 =	vadd.f32 v41, v17;
	_ =	sdelay $0x1  }
0x334: {  	v22 =	vmul.f32 $5.000000000e-01, v22;
	_ =	sdelay $0x1  }
0x335: {  	[tilespmem:$0x41B0] =	vst v22  }
0x336: {  	v18 =	vld.idx.msk [tilespmem:v35+s8+$0x0], $0xffff;
	_ =	sdelay $0x3  }
0x337: {  	v19 =	vld.idx.msk [tilespmem:v36+s8+$0x0], $0xffff  }
0x338: {  	v18 =	vadd.f32 $9.999999740e-06, v18;
	_ =	sdelay $0x1  }
0x339: {  	(xrf2) =	vadd.scan.msk.f32 $0xffff, v18  }
0x33a: {  	v42 =	vld.idx.msk [tilespmem:v38+s8+$0x0], $0xffff  }
0x33b: {  	v19 =	vadd.f32 $9.999999740e-06, v19;
	_ =	sdelay $0x1  }
0x33c: {  	v43 =	vld.idx.msk [tilespmem:v40+s8+$0x0], $0xffff;
	(xrf2) =	vadd.scan.msk.f32 $0xffff, v19;
	_ =	sdelay $0x1  }
0x33d: {  	v18 =	vadd.f32 $9.999999740e-06, v42;
	_ =	sdelay $0x1  }
0x33e: {  	(xrf2) =	vadd.scan.msk.f32 $0xffff, v18  }
0x33f: {  	v44 =	vadd.f32 $9.999999740e-06, v43  }
0x340: {  	v45, _, _ =	vpop (xrf2)  }
0x341: {  	v18 =	vnsel vm0, $0x0, v44;
	v19 =	vadd.f32 $0.0e+00, v45  }
0x342: {  	(xrf2) =	vadd.scan.msk.f32 $0xffff, v18  }
0x343: {  	v46 =	vperm.xlane v19, v1  }
0x344: {  	v47, _, _ =	vpop (xrf2)  }
0x345: {  	v18 =	vadd.f32 v47, v46;
	_ =	sdelay $0x1  }
0x346: {  	v20 =	vperm.xlane v18, v1  }
0x347: {  	v48, _, _ =	vpop (xrf2)  }
0x348: {  	v20 =	vadd.f32 v48, v20;
	_ =	sdelay $0x1  }
0x349: {  	v21 =	vperm.xlane v20, v1  }
0x34a: {  	v49, _, _ =	vpop (xrf2)  }
0x34b: {  	v21 =	vadd.f32 v49, v21;
	_ =	sdelay $0x1  }
0x34c: {  	v22 =	vperm.xlane v21, v1;
	_ =	sdelay $0x1  }
0x34d: {  	(erf) = vrcp.f32 v22;
	_ =	sdelay $0x8  }
0x34e: {  	v22 =	vpop (erf)  }
0x34f: {  	v19 =	vmul.f32 v22, v19  }
0x350: {  	v18 =	vmul.f32 v22, v18;
	v20 =	vmul.f32 v22, v20  }
0x351: {  	v21 =	vmul.f32 v21, v22;
	v50 =	vmul.f32 $6.300000000e+01, v19  }
0x352: {  	v53 =	vmul.f32 $6.300000000e+01, v18;
	v56 =	vmul.f32 $6.300000000e+01, v20  }
0x353: {  	v57 =	vmul.f32 $6.300000000e+01, v21;
	v51 =	vtrunc.f32 v50  }
0x354: {  	v54 =	vtrunc.f32 v53;
	v52 =	vcvt.f32.s32 v51;
	vm1 =	vgt.f32 v50, v51  }
0x355: {  	v58 =	vtrunc.f32 v56;
	v60 =	vtrunc.f32 v57;
	v24 =	vsel vm1, $0x1, v7  }
0x356: {  	v55 =	vcvt.f32.s32 v54;
	vm1 =	vgt.f32 v53, v54;
	v24 =	vadd.s32 v52, v24  }
0x357: {  	v59 =	vcvt.f32.s32 v58;
	v25 =	vsel vm1, $0x1, v7;
	vm1 =	vlt.s32 v24, $0x3F  }
0x358: {  	v61 =	vcvt.f32.s32 v60;
	v24 =	vnsel vm1, $0x3F, v24;
	vm1 =	vgt.f32 v56, v58  }
0x359: {  	v22 =	vadd.s32 v55, v25;
	v25 =	vsel vm1, $0x1, v7;
	vm1 =	vgt.f32 v57, v60  }
0x35a: {  	v23 =	vsel vm1, $0x1, v7;
	vm1 =	vlt.s32 v22, $0x3F;
	v25 =	vadd.s32 v59, v25  }
0x35b: {  	[tilespmem:v6+s20+$0x0] =	vst.idx.msk $0xffff, v19;
	v62 =	vnsel vm1, $0x3F, v22;
	vm1 =	vlt.s32 v25, $0x3F;
	v63 =	vadd.s32 v61, v23  }
0x35c: {  	[tilespmem:v8+s20+$0x0] =	vst.idx.msk $0xffff, v18;
	v26 =	vnsel vm1, $0x3F, v25;
	vm1 =	vlt.s32 v63, $0x3F  }
0x35d: {  	[tilespmem:v9+s20+$0x0] =	vst.idx.msk $0xffff, v20;
	v27 =	vnsel vm1, $0x3F, v63  }
0x35e: {  	[tilespmem:v10+s20+$0x0] =	vst.idx.msk $0xffff, v21  }
0x35f: {  	[tilespmem:v24+s21+$0x0] =	vst.idx.add.f32.msk $0xffff, v2  }
0x360: {  	[tilespmem:v62+s21+$0x0] =	vst.idx.add.f32.msk $0xffff, v2  }
0x361: {  	[tilespmem:v26+s21+$0x0] =	vst.idx.add.f32.msk $0xffff, v2  }
0x362: {  	[tilespmem:v27+s21+$0x0] =	vst.idx.add.f32.msk $0x3fff, v2  }
0x363: {  	v18 =	vld [tilespmem:$0x41D0];
	_ =	sdelay $0x1  }
0x364: {  	v28 =	vld [tilespmem:$0x41E0];
	_ =	sdelay $0x2  }
0x365: {  	(xrf2) =	vadd.scan.msk.f32 $0xffff, v18;
	_ =	sdelay $0x1  }
0x366: {  	(xrf2) =	vadd.scan.msk.f32 $0xffff, v28  }
0x367: {  	v29 =	vld [tilespmem:$0x41F0];
	_ =	sdelay $0x3  }
0x368: {  	v31 =	vld [tilespmem:$0x4200]  }
0x369: {  	(xrf2) =	vadd.scan.msk.f32 $0xffff, v29;
	_ =	sdelay $0x1  }
0x36a: {  	v30, _, _ =	vpop (xrf2)  }
0x36b: {  	v19 =	vadd.f32 $1.000000000e+00, v30  }
0x36c: {  	v33, _, _ =	vpop (xrf2);
	(xrf2) =	vadd.scan.msk.f32 $0xffff, v31  }
0x36d: {  	v32 =	vtrunc.f32 v19;
	v19 =	vperm.xlane v19, v1  }
0x36e: {  	v20 =	vcvt.f32.s32 v32  }
0x36f: {  	v19 =	vadd.f32 v33, v19;
	_ =	sdelay $0x1  }
0x370: {  	v34 =	vadd.s32 $0xFFFFFFFF, v20;
	v21 =	vtrunc.f32 v19;
	v19 =	vperm.xlane v19, v1  }
0x371: {  	v35, _, _ =	vpop (xrf2);
	v21 =	vcvt.f32.s32 v21  }
0x372: {  	[tilespmem:$0x41D0] =	vst v0;
	v19 =	vadd.f32 v35, v19  }
0x373: {  	v38 =	vld.idx.msk [tilespmem:v20+s20+$0x0], $0xffff  }
0x374: {  	v37 =	vadd.s32 $0xFFFFFFFF, v21;
	v20 =	vld.idx.msk [tilespmem:v20+s22+$0x0], $0xffff;
	v39 =	vtrunc.f32 v19;
	v19 =	vperm.xlane v19, v1  }
0x375: {  	v36 =	vld.idx.msk [tilespmem:v34+s20+$0x0], $0xffff;
	v40, _, _ =	vpop (xrf2);
	v25 =	vcvt.f32.s32 v39  }
0x376: {  	v18 =	vld.idx.msk [tilespmem:v34+s22+$0x0], $0xffff;
	[tilespmem:$0x41E0] =	vst v0;
	v19 =	vadd.f32 v40, v19  }
0x377: {  	v43 =	vld.idx.msk [tilespmem:v21+s20+$0x0], $0xffff  }
0x378: {  	v42 =	vadd.s32 $0xFFFFFFFF, v25;
	v21 =	vld.idx.msk [tilespmem:v21+s22+$0x0], $0xffff;
	v19 =	vtrunc.f32 v19  }
0x379: {  	v41 =	vld.idx.msk [tilespmem:v37+s20+$0x0], $0xffff;
	v19 =	vcvt.f32.s32 v19  }
0x37a: {  	v24 =	vld.idx.msk [tilespmem:v37+s22+$0x0], $0xffff;
	[tilespmem:$0x41F0] =	vst v0  }
0x37b: {  	v45 =	vadd.s32 $0xFFFFFFFF, v19;
	v46 =	vld.idx.msk [tilespmem:v25+s20+$0x0], $0xffff  }
0x37c: {  	v25 =	vld.idx.msk [tilespmem:v25+s22+$0x0], $0xffff  }
0x37d: {  	v44 =	vld.idx.msk [tilespmem:v42+s20+$0x0], $0xffff  }
0x37e: {  	v28 =	vld.idx.msk [tilespmem:v42+s22+$0x0], $0xffff;
	[tilespmem:$0x4200] =	vst v0  }
0x37f: {  	v48 =	vld.idx.msk [tilespmem:v19+s20+$0x0], $0xffff  }
0x380: {  	v47 =	vld.idx.msk [tilespmem:v45+s20+$0x0], $0xffff;
	_ =	sdelay $0x1  }
0x381: {  	v22 =	vsub.f32 v38, v36  }
0x382: {  	v26 =	vsub.f32 v43, v41  }
0x383: {  	vm1 =	vlt.f32 v22, $9.999999740e-06;
	v31 =	vsub.f32 v46, v44  }
0x384: {  	v22 =	vsel vm1, $0x3F800000, v22;
	vm1 =	vlt.f32 v26, $9.999999740e-06;
	v33 =	vsub.f32 v48, v47  }
0x385: {  	(erf) = vrcp.f32 v22;
	v49 =	vsel vm1, $0x3F800000, v26;
	vm1 =	vlt.f32 v31, $9.999999740e-06  }
0x386: {  	(erf) = vrcp.f32 v49;
	v50 =	vsel vm1, $0x3F800000, v31;
	vm1 =	vlt.f32 v33, $9.999999740e-06  }
0x387: {  	(erf) = vrcp.f32 v50;
	v51 =	vsel vm1, $0x3F800000, v33  }
0x388: {  	(erf) = vrcp.f32 v51;
	_ =	sdelay $0x3  }
0x389: {  	v19 =	vld.idx.msk [tilespmem:v19+s22+$0x0], $0xffff  }
0x38a: {  	v52 =	vld.idx.msk [tilespmem:v45+s22+$0x0], $0xffff  }
0x38b: {  	v23 =	vsub.f32 v3, v36;
	v20 =	vsub.f32 v20, v18;
	v53 =	vpop (erf)  }
0x38c: {  	v27 =	vsub.f32 v4, v41;
	v21 =	vsub.f32 v21, v24;
	v54 =	vpop (erf)  }
0x38d: {  	v29 =	vsub.f32 v11, v44;
	v32 =	vsub.f32 v12, v47;
	v55 =	vpop (erf)  }
0x38e: {  	v25 =	vsub.f32 v25, v28;
	v23 =	vmul.f32 v53, v23;
	v27 =	vmul.f32 v54, v27;
	v56 =	vpop (erf)  }
0x38f: {  	v19 =	vsub.f32 v19, v52;
	v29 =	vmul.f32 v55, v29;
	v57 =	vmul.f32 v56, v32  }
0x390: {  	v20 =	vmul.f32 v23, v20;
	v21 =	vmul.f32 v27, v21  }
0x391: {  	v25 =	vmul.f32 v29, v25;
	v19 =	vmul.f32 v57, v19  }
0x392: {  	v18 =	vadd.f32 v20, v18;
	v21 =	vadd.f32 v21, v24  }
0x393: {  	v58 =	vadd.f32 v25, v28;
	v19 =	vadd.f32 v19, v52  }
0x394: {  	v18 =	vperm.xlane v18, v13;
	v21 =	vperm.xlane v21, v13  }
0x395: {  	v59 =	vperm.xlane v58, v13;
	v19 =	vperm.xlane v19, v13  }
0x396: {  	v63 =	vmin.f32 v17, v18;
	v17 =	vmax.f32 v17, v18;
	v62 =	vmin.f32 v16, v21  }
0x397: {  	v16 =	vmax.f32 v16, v21;
	v61 =	vmin.f32 v15, v59;
	v60 =	vmin.f32 v14, v19  }
0x398: {  	v15 =	vmax.f32 v15, v59;
	v29 =	vmin.f32 v61, v63;
	v28 =	vmin.f32 v60, v62  }
0x399: {  	v32 =	vmax.f32 v61, v63;
	v14 =	vmax.f32 v14, v19;
	v31 =	vmin.f32 v28, v29  }
0x39a: {  	v30 =	vmax.f32 v60, v62;
	v19 =	vmax.f32 v28, v29;
	(xrf1) =	vsort.ascd.msk.f32 $0xffff, v31, v31  }
0x39b: {  	v35 =	vmin.f32 v15, v17;
	v34 =	vmin.f32 v30, v32;
	(xrf1) =	vsort.ascd.msk.f32 $0xffff, v19, v19  }
0x39c: {  	v33 =	vmin.f32 v14, v16;
	v18 =	vmax.f32 v30, v32;
	(xrf1) =	vsort.ascd.msk.f32 $0xffff, v34, v34  }
0x39d: {  	v15 =	vmax.f32 v15, v17;
	v36 =	vmin.f32 v33, v35;
	(xrf1) =	vsort.ascd.msk.f32 $0xffff, v18, v18  }
0x39e: {  	v14 =	vmax.f32 v14, v16;
	v37 =	vmax.f32 v33, v35;
	(xrf1) =	vsort.ascd.msk.f32 $0xffff, v36, v36  }
0x39f: {  	v38 =	vmin.f32 v14, v15;
	(xrf1) =	vsort.ascd.msk.f32 $0xffff, v37, v37  }
0x3a0: {  	v14 =	vmax.f32 v14, v15;
	(xrf1) =	vsort.ascd.msk.f32 $0xffff, v38, v38  }
0x3a1: {  	(xrf1) =	vsort.ascd.msk.f32 $0xffff, v14, v14;
	_ =	sdelay $0x6  }
0x3a2: {  	v14, _, _ =	vpop (xrf1)  }
0x3a3: {  	[tilespmem:s3+$0xFFFFFF80] =	vst v14;
	v14, _, _ =	vpop (xrf1)  }
0x3a4: {  	[tilespmem:s3+$0xFFFFFF90] =	vst v14;
	v14, _, _ =	vpop (xrf1)  }
0x3a5: {  	[tilespmem:s3+$0xFFFFFFA0] =	vst v14;
	v14, _, _ =	vpop (xrf1)  }
0x3a6: {  	s30 =	sadd.s32 $0xFFFFFF90, s1;
	[tilespmem:s3+$0xFFFFFFB0] =	vst v14;
	v14, _, _ =	vpop (xrf1)  }
0x3a7: {  	v39 =	vadd.s32 s30, v5;
	[tilespmem:s3+$0xFFFFFFC0] =	vst v14;
	v14, _, _ =	vpop (xrf1)  }
0x3a8: {  	[tilespmem:s3+$0xFFFFFFD0] =	vst v14;
	v14, _, _ =	vpop (xrf1)  }
0x3a9: {  	[tilespmem:s3+$0xFFFFFFE0] =	vst v14;
	v14, _, _ =	vpop (xrf1)  }
0x3aa: {  	[tilespmem:s3+$0xFFFFFFF0] =	vst v14  }
0x3ab: {  	v14 =	vld [tilespmem:s15+$0x0]  }
0x3ac: {  	v15 =	vld.idx.msk [tilespmem:v39+s7+$0x0], $0xffff;
	_ =	sdelay $0x4  }
0x3ad: {  	s30 =	sadd.s32 $0xFFFFFFA0, s1;
	v15 =	vadd.f32 v15, v14  }
0x3ae: {  	v40 =	vadd.s32 s30, v5  }
0x3af: {  	v15 =	vmul.f32 $5.000000000e-01, v15;
	_ =	sdelay $0x1  }
0x3b0: {  	[tilespmem:$0x4270] =	vst v15  }
0x3b1: {  	v15 =	vld [tilespmem:s15+$0x10]  }
0x3b2: {  	v41 =	vld.idx.msk [tilespmem:v40+s7+$0x0], $0xffff;
	_ =	sdelay $0x4  }
0x3b3: {  	s30 =	sadd.s32 $0xFFFFFFB0, s1;
	v16 =	vadd.f32 v41, v15  }
0x3b4: {  	v42 =	vadd.s32 s30, v5  }
0x3b5: {  	v16 =	vmul.f32 $5.000000000e-01, v16;
	_ =	sdelay $0x1  }
0x3b6: {  	[tilespmem:$0x4280] =	vst v16  }
0x3b7: {  	v16 =	vld [tilespmem:s15+$0x20]  }
0x3b8: {  	v43 =	vld.idx.msk [tilespmem:v42+s7+$0x0], $0xffff;
	_ =	sdelay $0x4  }
0x3b9: {  	s30 =	sadd.s32 $0xFFFFFFC0, s1;
	v17 =	vadd.f32 v43, v16  }
0x3ba: {  	v44 =	vadd.s32 s30, v5  }
0x3bb: {  	v17 =	vmul.f32 $5.000000000e-01, v17;
	_ =	sdelay $0x1  }
0x3bc: {  	[tilespmem:$0x4290] =	vst v17  }
0x3bd: {  	v17 =	vld [tilespmem:s15+$0x30]  }
0x3be: {  	v45 =	vld.idx.msk [tilespmem:v44+s7+$0x0], $0xffff;
	_ =	sdelay $0x4  }
0x3bf: {  	v22 =	vadd.f32 v45, v17;
	_ =	sdelay $0x1  }
0x3c0: {  	v22 =	vmul.f32 $5.000000000e-01, v22;
	_ =	sdelay $0x1  }
0x3c1: {  	[tilespmem:$0x42A0] =	vst v22  }
0x3c2: {  	v18 =	vld.idx.msk [tilespmem:v39+s8+$0x0], $0xffff;
	_ =	sdelay $0x3  }
0x3c3: {  	v19 =	vld.idx.msk [tilespmem:v40+s8+$0x0], $0xffff  }
0x3c4: {  	v18 =	vadd.f32 $9.999999740e-06, v18;
	_ =	sdelay $0x1  }
0x3c5: {  	(xrf2) =	vadd.scan.msk.f32 $0xffff, v18  }
0x3c6: {  	v46 =	vld.idx.msk [tilespmem:v42+s8+$0x0], $0xffff  }
0x3c7: {  	v19 =	vadd.f32 $9.999999740e-06, v19;
	_ =	sdelay $0x1  }
0x3c8: {  	v47 =	vld.idx.msk [tilespmem:v44+s8+$0x0], $0xffff;
	(xrf2) =	vadd.scan.msk.f32 $0xffff, v19;
	_ =	sdelay $0x1  }
0x3c9: {  	v18 =	vadd.f32 $9.999999740e-06, v46;
	_ =	sdelay $0x1  }
0x3ca: {  	(xrf2) =	vadd.scan.msk.f32 $0xffff, v18  }
0x3cb: {  	v48 =	vadd.f32 $9.999999740e-06, v47  }
0x3cc: {  	v49, _, _ =	vpop (xrf2)  }
0x3cd: {  	v18 =	vnsel vm0, $0x0, v48;
	v19 =	vadd.f32 $0.0e+00, v49  }
0x3ce: {  	(xrf2) =	vadd.scan.msk.f32 $0xffff, v18  }
0x3cf: {  	v50 =	vperm.xlane v19, v1  }
0x3d0: {  	v51, _, _ =	vpop (xrf2)  }
0x3d1: {  	v18 =	vadd.f32 v51, v50;
	_ =	sdelay $0x1  }
0x3d2: {  	v20 =	vperm.xlane v18, v1  }
0x3d3: {  	v52, _, _ =	vpop (xrf2)  }
0x3d4: {  	v20 =	vadd.f32 v52, v20;
	_ =	sdelay $0x1  }
0x3d5: {  	v21 =	vperm.xlane v20, v1  }
0x3d6: {  	v53, _, _ =	vpop (xrf2)  }
0x3d7: {  	v21 =	vadd.f32 v53, v21;
	_ =	sdelay $0x1  }
0x3d8: {  	v22 =	vperm.xlane v21, v1;
	_ =	sdelay $0x1  }
0x3d9: {  	(erf) = vrcp.f32 v22;
	_ =	sdelay $0x8  }
0x3da: {  	v22 =	vpop (erf)  }
0x3db: {  	v19 =	vmul.f32 v22, v19  }
0x3dc: {  	v18 =	vmul.f32 v22, v18;
	v20 =	vmul.f32 v22, v20  }
0x3dd: {  	v21 =	vmul.f32 v21, v22;
	v54 =	vmul.f32 $6.300000000e+01, v19  }
0x3de: {  	v57 =	vmul.f32 $6.300000000e+01, v18;
	v60 =	vmul.f32 $6.300000000e+01, v20  }
0x3df: {  	v61 =	vmul.f32 $6.300000000e+01, v21;
	v55 =	vtrunc.f32 v54  }
0x3e0: {  	v58 =	vtrunc.f32 v57;
	v56 =	vcvt.f32.s32 v55;
	vm1 =	vgt.f32 v54, v55  }
0x3e1: {  	v62 =	vtrunc.f32 v60;
	v32 =	vtrunc.f32 v61;
	v24 =	vsel vm1, $0x1, v7  }
0x3e2: {  	v59 =	vcvt.f32.s32 v58;
	vm1 =	vgt.f32 v57, v58;
	v24 =	vadd.s32 v56, v24  }
0x3e3: {  	v63 =	vcvt.f32.s32 v62;
	v25 =	vsel vm1, $0x1, v7;
	vm1 =	vlt.s32 v24, $0x3F  }
0x3e4: {  	v33 =	vcvt.f32.s32 v32;
	v24 =	vnsel vm1, $0x3F, v24;
	vm1 =	vgt.f32 v60, v62  }
0x3e5: {  	v22 =	vadd.s32 v59, v25;
	v25 =	vsel vm1, $0x1, v7;
	vm1 =	vgt.f32 v61, v32  }
0x3e6: {  	v23 =	vsel vm1, $0x1, v7;
	vm1 =	vlt.s32 v22, $0x3F;
	v25 =	vadd.s32 v63, v25  }
0x3e7: {  	[tilespmem:v6+s23+$0x0] =	vst.idx.msk $0xffff, v19;
	v34 =	vnsel vm1, $0x3F, v22;
	vm1 =	vlt.s32 v25, $0x3F;
	v35 =	vadd.s32 v33, v23  }
0x3e8: {  	[tilespmem:v8+s23+$0x0] =	vst.idx.msk $0xffff, v18;
	v36 =	vnsel vm1, $0x3F, v25;
	vm1 =	vlt.s32 v35, $0x3F  }
0x3e9: {  	[tilespmem:v9+s23+$0x0] =	vst.idx.msk $0xffff, v20;
	v37 =	vnsel vm1, $0x3F, v35  }
0x3ea: {  	[tilespmem:v10+s23+$0x0] =	vst.idx.msk $0xffff, v21  }
0x3eb: {  	[tilespmem:v24+s24+$0x0] =	vst.idx.add.f32.msk $0xffff, v2  }
0x3ec: {  	[tilespmem:v34+s24+$0x0] =	vst.idx.add.f32.msk $0xffff, v2  }
0x3ed: {  	[tilespmem:v36+s24+$0x0] =	vst.idx.add.f32.msk $0xffff, v2  }
0x3ee: {  	[tilespmem:v37+s24+$0x0] =	vst.idx.add.f32.msk $0x3fff, v2  }
0x3ef: {  	v18 =	vld [tilespmem:$0x42C0];
	_ =	sdelay $0x1  }
0x3f0: {  	v38 =	vld [tilespmem:$0x42D0];
	_ =	sdelay $0x2  }
0x3f1: {  	(xrf2) =	vadd.scan.msk.f32 $0xffff, v18;
	_ =	sdelay $0x1  }
0x3f2: {  	(xrf2) =	vadd.scan.msk.f32 $0xffff, v38  }
0x3f3: {  	v39 =	vld [tilespmem:$0x42E0];
	_ =	sdelay $0x3  }
0x3f4: {  	v41 =	vld [tilespmem:$0x42F0]  }
0x3f5: {  	(xrf2) =	vadd.scan.msk.f32 $0xffff, v39;
	_ =	sdelay $0x1  }
0x3f6: {  	v40, _, _ =	vpop (xrf2)  }
0x3f7: {  	v19 =	vadd.f32 $1.000000000e+00, v40  }
0x3f8: {  	v43, _, _ =	vpop (xrf2);
	(xrf2) =	vadd.scan.msk.f32 $0xffff, v41  }
0x3f9: {  	v42 =	vtrunc.f32 v19;
	v19 =	vperm.xlane v19, v1  }
0x3fa: {  	v20 =	vcvt.f32.s32 v42  }
0x3fb: {  	v19 =	vadd.f32 v43, v19;
	_ =	sdelay $0x1  }
0x3fc: {  	v44 =	vadd.s32 $0xFFFFFFFF, v20;
	v21 =	vtrunc.f32 v19;
	v19 =	vperm.xlane v19, v1  }
0x3fd: {  	v45, _, _ =	vpop (xrf2);
	v21 =	vcvt.f32.s32 v21  }
0x3fe: {  	[tilespmem:$0x42C0] =	vst v0;
	v19 =	vadd.f32 v45, v19  }
0x3ff: {  	v48 =	vld.idx.msk [tilespmem:v20+s23+$0x0], $0xffff  }
0x400: {  	v47 =	vadd.s32 $0xFFFFFFFF, v21;
	v20 =	vld.idx.msk [tilespmem:v20+s25+$0x0], $0xffff;
	v49 =	vtrunc.f32 v19;
	v19 =	vperm.xlane v19, v1  }
0x401: {  	v46 =	vld.idx.msk [tilespmem:v44+s23+$0x0], $0xffff;
	v50, _, _ =	vpop (xrf2);
	v25 =	vcvt.f32.s32 v49  }
0x402: {  	v18 =	vld.idx.msk [tilespmem:v44+s25+$0x0], $0xffff;
	[tilespmem:$0x42D0] =	vst v0;
	v19 =	vadd.f32 v50, v19  }
0x403: {  	v53 =	vld.idx.msk [tilespmem:v21+s23+$0x0], $0xffff  }
0x404: {  	v52 =	vadd.s32 $0xFFFFFFFF, v25;
	v21 =	vld.idx.msk [tilespmem:v21+s25+$0x0], $0xffff;
	v19 =	vtrunc.f32 v19  }
0x405: {  	v51 =	vld.idx.msk [tilespmem:v47+s23+$0x0], $0xffff;
	v19 =	vcvt.f32.s32 v19  }
0x406: {  	v24 =	vld.idx.msk [tilespmem:v47+s25+$0x0], $0xffff;
	[tilespmem:$0x42E0] =	vst v0  }
0x407: {  	v55 =	vadd.s32 $0xFFFFFFFF, v19;
	v56 =	vld.idx.msk [tilespmem:v25+s23+$0x0], $0xffff  }
0x408: {  	v25 =	vld.idx.msk [tilespmem:v25+s25+$0x0], $0xffff  }
0x409: {  	v54 =	vld.idx.msk [tilespmem:v52+s23+$0x0], $0xffff  }
0x40a: {  	v28 =	vld.idx.msk [tilespmem:v52+s25+$0x0], $0xffff;
	[tilespmem:$0x42F0] =	vst v0  }
0x40b: {  	v58 =	vld.idx.msk [tilespmem:v19+s23+$0x0], $0xffff  }
0x40c: {  	v57 =	vld.idx.msk [tilespmem:v55+s23+$0x0], $0xffff;
	_ =	sdelay $0x1  }
0x40d: {  	v22 =	vsub.f32 v48, v46  }
0x40e: {  	v26 =	vsub.f32 v53, v51  }
0x40f: {  	vm1 =	vlt.f32 v22, $9.999999740e-06;
	v31 =	vsub.f32 v56, v54  }
0x410: {  	v22 =	vsel vm1, $0x3F800000, v22;
	vm1 =	vlt.f32 v26, $9.999999740e-06;
	v33 =	vsub.f32 v58, v57  }
0x411: {  	(erf) = vrcp.f32 v22;
	v59 =	vsel vm1, $0x3F800000, v26;
	vm1 =	vlt.f32 v31, $9.999999740e-06  }
0x412: {  	(erf) = vrcp.f32 v59;
	v60 =	vsel vm1, $0x3F800000, v31;
	vm1 =	vlt.f32 v33, $9.999999740e-06  }
0x413: {  	(erf) = vrcp.f32 v60;
	v61 =	vsel vm1, $0x3F800000, v33  }
0x414: {  	(erf) = vrcp.f32 v61;
	_ =	sdelay $0x3  }
0x415: {  	v19 =	vld.idx.msk [tilespmem:v19+s25+$0x0], $0xffff  }
0x416: {  	v62 =	vld.idx.msk [tilespmem:v55+s25+$0x0], $0xffff  }
0x417: {  	v23 =	vsub.f32 v3, v46;
	v20 =	vsub.f32 v20, v18;
	v63 =	vpop (erf)  }
0x418: {  	v27 =	vsub.f32 v4, v51;
	v21 =	vsub.f32 v21, v24;
	v36 =	vpop (erf)  }
0x419: {  	v29 =	vsub.f32 v11, v54;
	v32 =	vsub.f32 v12, v57;
	v37 =	vpop (erf)  }
0x41a: {  	v25 =	vsub.f32 v25, v28;
	v23 =	vmul.f32 v63, v23;
	v27 =	vmul.f32 v36, v27;
	v38 =	vpop (erf)  }
0x41b: {  	v19 =	vsub.f32 v19, v62;
	v29 =	vmul.f32 v37, v29;
	v39 =	vmul.f32 v38, v32  }
0x41c: {  	v20 =	vmul.f32 v23, v20;
	v21 =	vmul.f32 v27, v21  }
0x41d: {  	v25 =	vmul.f32 v29, v25;
	v19 =	vmul.f32 v39, v19  }
0x41e: {  	v18 =	vadd.f32 v20, v18;
	v21 =	vadd.f32 v21, v24  }
0x41f: {  	v40 =	vadd.f32 v25, v28;
	v19 =	vadd.f32 v19, v62  }
0x420: {  	v18 =	vperm.xlane v18, v13;
	v21 =	vperm.xlane v21, v13  }
0x421: {  	v41 =	vperm.xlane v40, v13;
	v19 =	vperm.xlane v19, v13  }
0x422: {  	v45 =	vmin.f32 v17, v18;
	v17 =	vmax.f32 v17, v18;
	v44 =	vmin.f32 v16, v21  }
0x423: {  	v16 =	vmax.f32 v16, v21;
	v43 =	vmin.f32 v15, v41;
	v42 =	vmin.f32 v14, v19  }
0x424: {  	v15 =	vmax.f32 v15, v41;
	v47 =	vmin.f32 v43, v45;
	v46 =	vmin.f32 v42, v44  }
0x425: {  	v50 =	vmax.f32 v43, v45;
	v14 =	vmax.f32 v14, v19;
	v49 =	vmin.f32 v46, v47  }
0x426: {  	v48 =	vmax.f32 v42, v44;
	v19 =	vmax.f32 v46, v47;
	(xrf1) =	vsort.ascd.msk.f32 $0xffff, v49, v49  }
0x427: {  	v53 =	vmin.f32 v15, v17;
	v52 =	vmin.f32 v48, v50;
	(xrf1) =	vsort.ascd.msk.f32 $0xffff, v19, v19  }
0x428: {  	v51 =	vmin.f32 v14, v16;
	v18 =	vmax.f32 v48, v50;
	(xrf1) =	vsort.ascd.msk.f32 $0xffff, v52, v52  }
0x429: {  	v15 =	vmax.f32 v15, v17;
	v54 =	vmin.f32 v51, v53;
	(xrf1) =	vsort.ascd.msk.f32 $0xffff, v18, v18  }
0x42a: {  	v14 =	vmax.f32 v14, v16;
	v55 =	vmax.f32 v51, v53;
	(xrf1) =	vsort.ascd.msk.f32 $0xffff, v54, v54  }
0x42b: {  	v56 =	vmin.f32 v14, v15;
	(xrf1) =	vsort.ascd.msk.f32 $0xffff, v55, v55  }
0x42c: {  	v14 =	vmax.f32 v14, v15;
	(xrf1) =	vsort.ascd.msk.f32 $0xffff, v56, v56  }
0x42d: {  	(xrf1) =	vsort.ascd.msk.f32 $0xffff, v14, v14;
	_ =	sdelay $0x6  }
0x42e: {  	v14, _, _ =	vpop (xrf1)  }
0x42f: {  	[tilespmem:s3+$0x0] =	vst v14;
	v14, _, _ =	vpop (xrf1)  }
0x430: {  	[tilespmem:s3+$0x10] =	vst v14;
	v14, _, _ =	vpop (xrf1)  }
0x431: {  	[tilespmem:s3+$0x20] =	vst v14;
	v14, _, _ =	vpop (xrf1)  }
0x432: {  	s30 =	sadd.s32 $0xFFFFFFD0, s1;
	[tilespmem:s3+$0x30] =	vst v14;
	v14, _, _ =	vpop (xrf1)  }
0x433: {  	v57 =	vadd.s32 s30, v5;
	[tilespmem:s3+$0x40] =	vst v14;
	v14, _, _ =	vpop (xrf1)  }
0x434: {  	[tilespmem:s3+$0x50] =	vst v14;
	v14, _, _ =	vpop (xrf1)  }
0x435: {  	[tilespmem:s3+$0x60] =	vst v14;
	v14, _, _ =	vpop (xrf1)  }
0x436: {  	[tilespmem:s3+$0x70] =	vst v14  }
0x437: {  	v14 =	vld [tilespmem:s15+$0x40]  }
0x438: {  	v15 =	vld.idx.msk [tilespmem:v57+s7+$0x0], $0xffff;
	_ =	sdelay $0x4  }
0x439: {  	s30 =	sadd.s32 $0xFFFFFFE0, s1;
	v15 =	vadd.f32 v15, v14  }
0x43a: {  	v58 =	vadd.s32 s30, v5  }
0x43b: {  	v15 =	vmul.f32 $5.000000000e-01, v15;
	_ =	sdelay $0x1  }
0x43c: {  	[tilespmem:$0x4360] =	vst v15  }
0x43d: {  	v15 =	vld [tilespmem:s15+$0x50]  }
0x43e: {  	v59 =	vld.idx.msk [tilespmem:v58+s7+$0x0], $0xffff;
	_ =	sdelay $0x4  }
0x43f: {  	s30 =	sadd.s32 $0xFFFFFFF0, s1;
	v16 =	vadd.f32 v59, v15  }
0x440: {  	v60 =	vadd.s32 s30, v5  }
0x441: {  	v16 =	vmul.f32 $5.000000000e-01, v16;
	_ =	sdelay $0x1  }
0x442: {  	[tilespmem:$0x4370] =	vst v16  }
0x443: {  	v16 =	vld [tilespmem:s15+$0x60]  }
0x444: {  	v61 =	vld.idx.msk [tilespmem:v60+s7+$0x0], $0xffff;
	_ =	sdelay $0x4  }
0x445: {  	v17 =	vadd.f32 v61, v16  }
0x446: {  	v62 =	vadd.s32 s1, v5  }
0x447: {  	v17 =	vmul.f32 $5.000000000e-01, v17;
	_ =	sdelay $0x1  }
0x448: {  	[tilespmem:$0x4380] =	vst v17  }
0x449: {  	v17 =	vld [tilespmem:s15+$0x70]  }
0x44a: {  	v63 =	vld.idx.msk [tilespmem:v62+s7+$0x0], $0xffff;
	_ =	sdelay $0x4  }
0x44b: {  	v22 =	vadd.f32 v63, v17;
	_ =	sdelay $0x1  }
0x44c: {  	v22 =	vmul.f32 $5.000000000e-01, v22;
	_ =	sdelay $0x1  }
0x44d: {  	[tilespmem:$0x4390] =	vst v22  }
0x44e: {  	v18 =	vld.idx.msk [tilespmem:v57+s8+$0x0], $0xffff;
	_ =	sdelay $0x3  }
0x44f: {  	v19 =	vld.idx.msk [tilespmem:v58+s8+$0x0], $0xffff  }
0x450: {  	v18 =	vadd.f32 $9.999999740e-06, v18;
	_ =	sdelay $0x1  }
0x451: {  	(xrf2) =	vadd.scan.msk.f32 $0xffff, v18  }
0x452: {  	v22 =	vld.idx.msk [tilespmem:v60+s8+$0x0], $0xffff  }
0x453: {  	v19 =	vadd.f32 $9.999999740e-06, v19;
	_ =	sdelay $0x1  }
0x454: {  	v23 =	vld.idx.msk [tilespmem:v62+s8+$0x0], $0xffff;
	(xrf2) =	vadd.scan.msk.f32 $0xffff, v19;
	_ =	sdelay $0x1  }
0x455: {  	v18 =	vadd.f32 $9.999999740e-06, v22;
	_ =	sdelay $0x1  }
0x456: {  	(xrf2) =	vadd.scan.msk.f32 $0xffff, v18  }
0x457: {  	v24 =	vadd.f32 $9.999999740e-06, v23  }
0x458: {  	v25, _, _ =	vpop (xrf2)  }
0x459: {  	v18 =	vnsel vm0, $0x0, v24;
	v19 =	vadd.f32 $0.0e+00, v25  }
0x45a: {  	(xrf2) =	vadd.scan.msk.f32 $0xffff, v18  }
0x45b: {  	v26 =	vperm.xlane v19, v1  }
0x45c: {  	v27, _, _ =	vpop (xrf2)  }
0x45d: {  	v18 =	vadd.f32 v27, v26;
	_ =	sdelay $0x1  }
0x45e: {  	v20 =	vperm.xlane v18, v1  }
0x45f: {  	v28, _, _ =	vpop (xrf2)  }
0x460: {  	v20 =	vadd.f32 v28, v20;
	_ =	sdelay $0x1  }
0x461: {  	v21 =	vperm.xlane v20, v1  }
0x462: {  	v29, _, _ =	vpop (xrf2)  }
0x463: {  	v21 =	vadd.f32 v29, v21;
	_ =	sdelay $0x1  }
0x464: {  	v22 =	vperm.xlane v21, v1;
	_ =	sdelay $0x1  }
0x465: {  	(erf) = vrcp.f32 v22;
	_ =	sdelay $0x8  }
0x466: {  	v22 =	vpop (erf)  }
0x467: {  	v19 =	vmul.f32 v22, v19  }
0x468: {  	v18 =	vmul.f32 v22, v18;
	v20 =	vmul.f32 v22, v20  }
0x469: {  	v21 =	vmul.f32 v21, v22;
	v30 =	vmul.f32 $6.300000000e+01, v19  }
0x46a: {  	v33 =	vmul.f32 $6.300000000e+01, v18;
	v36 =	vmul.f32 $6.300000000e+01, v20  }
0x46b: {  	v37 =	vmul.f32 $6.300000000e+01, v21;
	v31 =	vtrunc.f32 v30  }
0x46c: {  	v34 =	vtrunc.f32 v33;
	v32 =	vcvt.f32.s32 v31;
	vm1 =	vgt.f32 v30, v31  }
0x46d: {  	v38 =	vtrunc.f32 v36;
	v40 =	vtrunc.f32 v37;
	v24 =	vsel vm1, $0x1, v7  }
0x46e: {  	v35 =	vcvt.f32.s32 v34;
	vm1 =	vgt.f32 v33, v34;
	v24 =	vadd.s32 v32, v24  }
0x46f: {  	v39 =	vcvt.f32.s32 v38;
	v25 =	vsel vm1, $0x1, v7;
	vm1 =	vlt.s32 v24, $0x3F  }
0x470: {  	v41 =	vcvt.f32.s32 v40;
	v24 =	vnsel vm1, $0x3F, v24;
	vm1 =	vgt.f32 v36, v38  }
0x471: {  	v22 =	vadd.s32 v35, v25;
	v25 =	vsel vm1, $0x1, v7;
	vm1 =	vgt.f32 v37, v40  }
0x472: {  	v23 =	vsel vm1, $0x1, v7;
	vm1 =	vlt.s32 v22, $0x3F;
	v25 =	vadd.s32 v39, v25  }
0x473: {  	[tilespmem:v6+s26+$0x0] =	vst.idx.msk $0xffff, v19;
	v42 =	vnsel vm1, $0x3F, v22;
	vm1 =	vlt.s32 v25, $0x3F;
	v43 =	vadd.s32 v41, v23  }
0x474: {  	[tilespmem:v8+s26+$0x0] =	vst.idx.msk $0xffff, v18;
	v44 =	vnsel vm1, $0x3F, v25;
	vm1 =	vlt.s32 v43, $0x3F  }
0x475: {  	[tilespmem:v9+s26+$0x0] =	vst.idx.msk $0xffff, v20;
	v45 =	vnsel vm1, $0x3F, v43  }
0x476: {  	[tilespmem:v10+s26+$0x0] =	vst.idx.msk $0xffff, v21  }
0x477: {  	[tilespmem:v24+s28+$0x0] =	vst.idx.add.f32.msk $0xffff, v2  }
0x478: {  	[tilespmem:v42+s28+$0x0] =	vst.idx.add.f32.msk $0xffff, v2  }
0x479: {  	[tilespmem:v44+s28+$0x0] =	vst.idx.add.f32.msk $0xffff, v2  }
0x47a: {  	[tilespmem:v45+s28+$0x0] =	vst.idx.add.f32.msk $0x3fff, v2  }
0x47b: {  	v18 =	vld [tilespmem:$0x43B0];
	_ =	sdelay $0x3  }
0x47c: {  	v46 =	vld [tilespmem:$0x43C0]  }
0x47d: {  	(xrf2) =	vadd.scan.msk.f32 $0xffff, v18;
	_ =	sdelay $0x3  }
0x47e: {  	(xrf2) =	vadd.scan.msk.f32 $0xffff, v46  }
0x47f: {  	v47 =	vld [tilespmem:$0x43D0];
	_ =	sdelay $0x3  }
0x480: {  	v49 =	vld [tilespmem:$0x43E0]  }
0x481: {  	v48, _, _ =	vpop (xrf2);
	(xrf2) =	vadd.scan.msk.f32 $0xffff, v47;
	_ =	sdelay $0x2  }
0x482: {  	v19 =	vadd.f32 $1.000000000e+00, v48  }
0x483: {  	v51, _, _ =	vpop (xrf2);
	(xrf2) =	vadd.scan.msk.f32 $0xffff, v49  }
0x484: {  	v50 =	vtrunc.f32 v19;
	v19 =	vperm.xlane v19, v1  }
0x485: {  	v20 =	vcvt.f32.s32 v50  }
0x486: {  	v19 =	vadd.f32 v51, v19;
	_ =	sdelay $0x1  }
0x487: {  	v52 =	vadd.s32 $0xFFFFFFFF, v20;
	v21 =	vtrunc.f32 v19;
	v19 =	vperm.xlane v19, v1  }
0x488: {  	v21 =	vcvt.f32.s32 v21;
	v53, _, _ =	vpop (xrf2)  }
0x489: {  	[tilespmem:$0x43B0] =	vst v0;
	v19 =	vadd.f32 v53, v19  }
0x48a: {  	v56 =	vld.idx.msk [tilespmem:v20+s26+$0x0], $0xffff  }
0x48b: {  	v55 =	vadd.s32 $0xFFFFFFFF, v21;
	v20 =	vld.idx.msk [tilespmem:v20+s29+$0x0], $0xffff;
	v57 =	vtrunc.f32 v19;
	v19 =	vperm.xlane v19, v1  }
0x48c: {  	v54 =	vld.idx.msk [tilespmem:v52+s26+$0x0], $0xffff;
	v58, _, _ =	vpop (xrf2);
	v25 =	vcvt.f32.s32 v57  }
0x48d: {  	v18 =	vld.idx.msk [tilespmem:v52+s29+$0x0], $0xffff;
	[tilespmem:$0x43C0] =	vst v0;
	v19 =	vadd.f32 v58, v19  }
0x48e: {  	v61 =	vld.idx.msk [tilespmem:v21+s26+$0x0], $0xffff  }
0x48f: {  	v21 =	vld.idx.msk [tilespmem:v21+s29+$0x0], $0xffff;
	v60 =	vadd.s32 $0xFFFFFFFF, v25;
	v19 =	vtrunc.f32 v19  }
0x490: {  	v59 =	vld.idx.msk [tilespmem:v55+s26+$0x0], $0xffff;
	v19 =	vcvt.f32.s32 v19  }
0x491: {  	v24 =	vld.idx.msk [tilespmem:v55+s29+$0x0], $0xffff;
	[tilespmem:$0x43D0] =	vst v0  }
0x492: {  	v63 =	vadd.s32 $0xFFFFFFFF, v19;
	v36 =	vld.idx.msk [tilespmem:v25+s26+$0x0], $0xffff  }
0x493: {  	v25 =	vld.idx.msk [tilespmem:v25+s29+$0x0], $0xffff  }
0x494: {  	v62 =	vld.idx.msk [tilespmem:v60+s26+$0x0], $0xffff  }
0x495: {  	v28 =	vld.idx.msk [tilespmem:v60+s29+$0x0], $0xffff;
	[tilespmem:$0x43E0] =	vst v0  }
0x496: {  	v38 =	vld.idx.msk [tilespmem:v19+s26+$0x0], $0xffff  }
0x497: {  	v37 =	vld.idx.msk [tilespmem:v63+s26+$0x0], $0xffff;
	_ =	sdelay $0x1  }
0x498: {  	v22 =	vsub.f32 v56, v54  }
0x499: {  	v26 =	vsub.f32 v61, v59  }
0x49a: {  	vm1 =	vlt.f32 v22, $9.999999740e-06;
	v31 =	vsub.f32 v36, v62  }
0x49b: {  	v22 =	vsel vm1, $0x3F800000, v22;
	vm1 =	vlt.f32 v26, $9.999999740e-06;
	v33 =	vsub.f32 v38, v37  }
0x49c: {  	(erf) = vrcp.f32 v22;
	v39 =	vsel vm1, $0x3F800000, v26;
	vm1 =	vlt.f32 v31, $9.999999740e-06  }
0x49d: {  	(erf) = vrcp.f32 v39;
	v40 =	vsel vm1, $0x3F800000, v31;
	vm1 =	vlt.f32 v33, $9.999999740e-06  }
0x49e: {  	(erf) = vrcp.f32 v40;
	v41 =	vsel vm1, $0x3F800000, v33  }
0x49f: {  	(erf) = vrcp.f32 v41;
	_ =	sdelay $0x3  }
0x4a0: {  	v19 =	vld.idx.msk [tilespmem:v19+s29+$0x0], $0xffff  }
0x4a1: {  	v42 =	vld.idx.msk [tilespmem:v63+s29+$0x0], $0xffff  }
0x4a2: {  	v23 =	vsub.f32 v3, v54;
	v20 =	vsub.f32 v20, v18;
	v43 =	vpop (erf)  }
0x4a3: {  	v27 =	vsub.f32 v4, v59;
	v21 =	vsub.f32 v21, v24;
	v44 =	vpop (erf)  }
0x4a4: {  	v29 =	vsub.f32 v11, v62;
	v32 =	vsub.f32 v12, v37;
	v45 =	vpop (erf)  }
0x4a5: {  	v25 =	vsub.f32 v25, v28;
	v23 =	vmul.f32 v43, v23;
	v27 =	vmul.f32 v44, v27;
	v46 =	vpop (erf)  }
0x4a6: {  	v19 =	vsub.f32 v19, v42;
	v29 =	vmul.f32 v45, v29;
	v30 =	vmul.f32 v46, v32  }
0x4a7: {  	v20 =	vmul.f32 v23, v20;
	v21 =	vmul.f32 v27, v21  }
0x4a8: {  	v25 =	vmul.f32 v29, v25;
	v19 =	vmul.f32 v30, v19  }
0x4a9: {  	v18 =	vadd.f32 v20, v18;
	v21 =	vadd.f32 v21, v24  }
0x4aa: {  	v47 =	vadd.f32 v25, v28;
	v19 =	vadd.f32 v19, v42  }
0x4ab: {  	v18 =	vperm.xlane v18, v13;
	v21 =	vperm.xlane v21, v13  }
0x4ac: {  	v48 =	vperm.xlane v47, v13;
	v19 =	vperm.xlane v19, v13  }
0x4ad: {  	v52 =	vmin.f32 v17, v18;
	v17 =	vmax.f32 v17, v18;
	v51 =	vmin.f32 v16, v21  }
0x4ae: {  	v16 =	vmax.f32 v16, v21;
	v50 =	vmin.f32 v15, v48;
	v49 =	vmin.f32 v14, v19  }
0x4af: {  	v15 =	vmax.f32 v15, v48;
	v54 =	vmin.f32 v50, v52;
	v53 =	vmin.f32 v49, v51  }
0x4b0: {  	v57 =	vmax.f32 v50, v52;
	v14 =	vmax.f32 v14, v19;
	v56 =	vmin.f32 v53, v54  }
0x4b1: {  	v55 =	vmax.f32 v49, v51;
	v19 =	vmax.f32 v53, v54;
	(xrf1) =	vsort.ascd.msk.f32 $0xffff, v56, v56  }
0x4b2: {  	v60 =	vmin.f32 v15, v17;
	v59 =	vmin.f32 v55, v57;
	(xrf1) =	vsort.ascd.msk.f32 $0xffff, v19, v19  }
0x4b3: {  	v58 =	vmin.f32 v14, v16;
	v18 =	vmax.f32 v55, v57;
	(xrf1) =	vsort.ascd.msk.f32 $0xffff, v59, v59  }
0x4b4: {  	v15 =	vmax.f32 v15, v17;
	v61 =	vmin.f32 v58, v60;
	(xrf1) =	vsort.ascd.msk.f32 $0xffff, v18, v18  }
0x4b5: {  	v14 =	vmax.f32 v14, v16;
	v62 =	vmax.f32 v58, v60;
	(xrf1) =	vsort.ascd.msk.f32 $0xffff, v61, v61  }
0x4b6: {  	v63 =	vmin.f32 v14, v15;
	(xrf1) =	vsort.ascd.msk.f32 $0xffff, v62, v62  }
0x4b7: {  	v14 =	vmax.f32 v14, v15;
	(xrf1) =	vsort.ascd.msk.f32 $0xffff, v63, v63  }
0x4b8: {  	(xrf1) =	vsort.ascd.msk.f32 $0xffff, v14, v14;
	_ =	sdelay $0x6  }
0x4b9: {  	v14, _, _ =	vpop (xrf1)  }
0x4ba: {  	v15, _, _ =	vpop (xrf1);
	[tilespmem:s3+$0x80] =	vst v14  }
0x4bb: {  	v14, _, _ =	vpop (xrf1);
	[tilespmem:s3+$0x90] =	vst v15  }
0x4bc: {  	p0 =	sne.s32 s1, $0x7F1;
	v15, _, _ =	vpop (xrf1);
	[tilespmem:s3+$0xA0] =	vst v14  }
.Ltmp1:
0x4bd: {  	v14, _, _ =	vpop (xrf1);
	[tilespmem:s3+$0xB0] =	vst v15;
	(pc) =	sbr.rel @p0 .LBB2_5-.Ltmp1, $4  }
0x4be: {  	v15, _, _ =	vpop (xrf1);
	[tilespmem:s3+$0xC0] =	vst v14  }
0x4bf: {  	v14, _, _ =	vpop (xrf1);
	[tilespmem:s3+$0xD0] =	vst v15  }
0x4c0: {  	[tilespmem:s3+$0xE0] =	vst v14;
	v14, _, _ =	vpop (xrf1)  }
0x4c1: {  	s1 =	sadd.s32 $0x100, s1;
	s15 =	sadd.s32 $0x100, s15;
	[tilespmem:s3+$0xF0] =	vst v14;
	s3 =	sadd.s32 $0x200, s3  }
0x4c2: {  	p0 =	sne.s32 s12, $0x20  }
.Ltmp2:
0x4c3: {  	_ = 	snop;
	(pc) =	sbr.rel @p0 .LBB2_2-.Ltmp2, $4  }
0x4c4: {  	s1 =	sshll.u32 s11, $0x4  }
0x4c5: {  	s3 =	rddreg [dreg:$0x1];
	s1 =	sand.u32 $0x1FFFFE00, s1  }
0x4c6: {  	s30 =	simm.s32 $0x3040;
	s1 =	sadd.s32 s3, s1  }
0x4c7: {  	[hbm4b:s1+s2] =	stream.linear.scatter [tilespmem:s30], [sflag:$0x6], $0x1000, $0x38;
	[tilespmem:$0x4400] =	vst v63  }
0x4c8: {  	s1 =	simm.s32 $0x5  }
0x4c9: {  	_ =	swait.ge [sflag:s1], $0x1000  }
0x4ca: {  	[sflag:s1] =	ssyncset.done $0x0  }
0x4cb: {  	s3 =	simm.s32 $0x6;
	[sflag:s1] =	ssyncadd.s32 $0xFFFFF000  }
0x4cc: {  	_ =	swait.ge [sflag:s3], $0x1000  }
0x4cd: {  	s11 =	rddreg [dreg:$0x7]  }
0x4ce: {  	s30 =	rddreg [dreg:$0x6];
	s11 =	sadd.s32 $0x1, s11  }
0x4cf: {  	p0 =	sne.s32 s11, s30  }
.Ltmp3:
0x4d0: {  	_ = 	snop;
	(pc) =	sbr.rel @p0 .LBB2_1-.Ltmp3, $3  }
0x4d1: {  	_ =	sdelay $0x1  }
0x4d2: {  	[sflag:s3] =	ssyncset.done $0x0  }
0x4d3: {  	[sflag:s3] =	ssyncadd.s32 $0xFFFFF000  }
0x4d4: {  	_ =	sfence.sel $0x180000  }
0x4d5: {  	[bflag:$0x0] =	sbarrier.arrive $0xFFFF  }
0x4d6: {  	_ =	strace $0x90000047  }
0x4d7: {  	s0 =	stileid.u32;
	[bflag:$0x2] =	sbarrier.arrive $0xFFFF  }
0x4d8: {  	p0 =	sne.s32 s0, $0x0;
	s0 =	rddreg [dreg:$0x2]  }
0x4d9: {  	s0 =	sadd.s32 @!p0 $0x100000, s0  }
0x4da: {  	[sflag:s0] =	ssyncadd.tile.s32 @!p0 $0x1;
	_ =	shalt  }
.Lfunc_end2:
_tile_overlayer_lowered:
.L_overlay_start_2:
0x4db: {  	(tag) =	ssettag $0x2  }
0x4dc: {  	s0 =	rddreg [dreg:$0x0];
	s2 =	stileid.u32  }
0x4dd: {  	s1 =	rddreg [dreg:$0x1];
	p0 =	sne.s32 s2, $0x0  }
0x4de: {  	s3 =	rddreg [dreg:$0x2];
	[bflag:$0x3] =	sbarrier.arrive $0xFFFF;
	s2 =	simm.s32 @!p0 $0x1C07  }
0x4df: {  	[timem:s3], [sflag:s2] =	dma.local @!p0 [hbm:s0], s1  }
0x4e0: {  	s0 =	simm.s32 @!p0 $0x7  }
0x4e1: {  	_ =	swait.ge @!p0 [sflag:s0], s1  }
0x4e2: {  	s1 =	ssub.s32 @!p0 $0x0, s1;
	[sflag:s0] =	ssyncset.done @!p0 $0x0  }
0x4e3: {  	[sflag:s0] =	ssyncadd.s32 @!p0 s1  }
0x4e4: {  	[bflag:$0x3] =	sbarrier.arrive $0xFFFF  }
0x4e5: {  	_ =	shalt  }

</sc_bundles>
